<compile_context>
chip_gen: v7x
topology: tpu7x:2x2x1
jax: 0.10.2.dev20260603
libtpu: 0.0.44.dev20260713+nightly
codegen_flags: <defaults>
</compile_context>

<pallas_src>
import functools

import jax
import jax.numpy as jnp
from jax import lax
from jax.experimental import pallas as pl
from jax.experimental.pallas import tpu as pltpu
from jax.experimental.pallas import tpu_sc as plsc

N_ATOMS = 50000
N_CONF = 128
N_PAD = 50176
CHUNK = N_PAD // 32
NVREG = CHUNK // 16
LANE = 16
ROW_F = N_CONF * 3
SB = 112
NB = CHUNK // SB
LAST_FULL = (N_ATOMS - 31 * CHUNK) // SB
LAST_REM = N_ATOMS - 31 * CHUNK - LAST_FULL * SB


def _body(sp_hbm, ct_hbm, ss_hbm, out_hbm,
          mine_v, other_v, posbuf, postail, ssbuf, cnt_stage, hist_v,
          data_a, data_b, hist_sh, sem_a, sem_b):
    cid = lax.axis_index("c")
    tid = lax.axis_index("s")
    lane = lax.iota(jnp.int32, LANE)
    full15 = jnp.full((LANE,), 15, jnp.int32)
    w = cid * 16 + tid
    w_other = (1 - cid) * 16 + tid
    base = w * CHUNK
    pltpu.sync_copy(sp_hbm.at[pl.ds(base, CHUNK)], mine_v)
    pltpu.sync_copy(sp_hbm.at[pl.ds(w_other * CHUNK, CHUNK)], other_v)

    def hist(chunk_ref, slot):
        def step(i, accs):
            a01, a34 = accs
            x = chunk_ref[pl.ds(i * LANE, LANE)]
            sa = jnp.minimum(10 * x, 31)
            sb = jnp.clip(10 * (x - 3), 0, 31)
            a01 = a01 + jnp.where(x <= 2, jnp.left_shift(1, sa), 0)
            a34 = a34 + jnp.where(x >= 3, jnp.left_shift(1, sb), 0)
            return a01, a34

        a01, a34 = lax.fori_loop(0, NVREG, step,
                                 (jnp.zeros((LANE,), jnp.int32),
                                  jnp.zeros((LANE,), jnp.int32)))
        counts = jnp.zeros((LANE,), jnp.int32)
        for v in range(3):
            counts = counts + jnp.where(
                lane == v, jnp.sum((a01 >> (10 * v)) & 1023), 0)
        for v in range(3, 5):
            counts = counts + jnp.where(
                lane == v, jnp.sum((a34 >> (10 * (v - 3))) & 1023), 0)
        cnt_stage[...] = counts
        pltpu.sync_copy(cnt_stage, hist_sh.at[pl.ds(slot * LANE, LANE)])

    hist(mine_v, w)
    hist(other_v, w_other)
    plsc.subcore_barrier()
    pltpu.sync_copy(hist_sh, hist_v)

    def acc_step(t2, carry):
        totals, prefix = carry
        row = hist_v[pl.ds(t2 * LANE, LANE)]
        totals = totals + row
        prefix = prefix + jnp.where(t2 < w, row, 0)
        return totals, prefix

    totals, prefix = lax.fori_loop(
        0, 32, acc_step,
        (jnp.zeros((LANE,), jnp.int32), jnp.zeros((LANE,), jnp.int32)))
    starts = plsc.cumsum(totals) - totals
    offs0 = starts + prefix
    s_cls = [jnp.sum(jnp.where(lane == v, starts, 0)) for v in range(1, 5)]
    sh_lane = jnp.minimum(6 * lane, 31)

    def rank_step(i, offs):
        x = mine_v[pl.ds(i * LANE, LANE)]
        packed = plsc.cumsum(jnp.left_shift(1, 6 * x))
        myrank = (packed >> (6 * x)) & 63
        pos = offs.at[x].get(mode="promise_in_bounds") + myrank - 1
        last = packed.at[full15].get(mode="promise_in_bounds")
        offs = offs + jnp.where(lane < 5, (last >> sh_lane) & 63, 0)
        row = i // 7
        col = (i % 7) * LANE
        posbuf[row, pl.ds(col, LANE)] = pos

        @pl.when(jnp.logical_and(i >= 84, i <= 86))
        def _():
            postail[0, pl.ds((i - 84) * LANE, LANE)] = pos

        g = base + i * LANE + lane
        val = jnp.zeros((LANE,), jnp.int32)
        for sv in s_cls:
            val = val + jnp.where(g >= sv, 1, 0)
        ssbuf[pl.ds(i * LANE, LANE)] = val
        return offs

    lax.fori_loop(0, NVREG, rank_step, offs0)
    pltpu.sync_copy(ssbuf, ss_hbm.at[pl.ds(base, CHUNK)])

    def load(k, buf, sem):
        return pltpu.async_copy(ct_hbm.at[pl.ds(base + k * SB, SB)],
                                buf, sem)

    bufs = (data_a, data_b)
    sems = (sem_a, sem_b)

    def pipeline(nb):
        ld = load(0, bufs[0], sems[0])
        for k in range(nb):
            nxt = None
            if k + 1 < nb:
                nxt = load(k + 1, bufs[(k + 1) % 2], sems[(k + 1) % 2])
            ld.wait()
            pltpu.async_copy(bufs[k % 2], out_hbm.at[posbuf.at[k]],
                             sems[k % 2]).wait()
            ld = nxt

    @pl.when(w < 31)
    def _():
        pipeline(NB)

    @pl.when(w == 31)
    def _():
        pipeline(LAST_FULL)
        pltpu.sync_copy(ct_hbm.at[pl.ds(base + LAST_FULL * SB, LAST_REM)],
                        data_a.at[pl.ds(0, LAST_REM)])
        pltpu.async_copy(data_a.at[pl.ds(0, LAST_REM)],
                         out_hbm.at[postail.at[0]], sem_a).wait()


def kernel(species, coordinates):
    mesh = plsc.VectorSubcoreMesh(core_axis_name="c", subcore_axis_name="s")
    sp_pad = jnp.concatenate(
        [species, jnp.full((N_PAD - N_ATOMS,), 4, jnp.int32)])
    ct = jnp.transpose(coordinates, (1, 2, 0)).reshape(N_ATOMS, ROW_F)

    sc_k = functools.partial(
        pl.kernel,
        out_type=(jax.ShapeDtypeStruct((N_PAD,), jnp.int32),
                  jax.ShapeDtypeStruct((N_ATOMS, ROW_F), jnp.float32)),
        mesh=mesh,
        compiler_params=pltpu.CompilerParams(needs_layout_passes=False),
        scratch_types=[
            pltpu.VMEM((CHUNK,), jnp.int32),
            pltpu.VMEM((CHUNK,), jnp.int32),
            pltpu.VMEM((NB, SB), jnp.int32),
            pltpu.VMEM((1, LAST_REM), jnp.int32),
            pltpu.VMEM((CHUNK,), jnp.int32),
            pltpu.VMEM((LANE,), jnp.int32),
            pltpu.VMEM((32 * LANE,), jnp.int32),
            pltpu.VMEM((SB, ROW_F), jnp.float32),
            pltpu.VMEM((SB, ROW_F), jnp.float32),
            pltpu.VMEM_SHARED((32 * LANE,), jnp.int32),
            pltpu.SemaphoreType.DMA,
            pltpu.SemaphoreType.DMA,
        ],
    )(_body)
    ss, out_t = sc_k(sp_pad, ct)
    new_coords = jnp.transpose(out_t.reshape(N_ATOMS, 3, N_CONF), (2, 0, 1))
    return ss[:N_ATOMS], new_coords

# --- scband reference (transcript-rebuilt; emitter-appended) ---
"""Pipeline reference for scband-prepare-input-87917980549572 (READ-ONLY COPY).

The authoritative reference and input builder live on the scoring server;
editing this copy changes nothing except your own understanding.
"""

import jax, jax.numpy as jnp
import numpy as np

SPECIES = ["H", "C", "N", "O"]

def setup_inputs(seed: int = 0) -> dict:
    key = jax.random.key(seed)
    k1, k2 = jax.random.split(key)
    # species_to_tensor in the torch module maps string species to indices in
    # self.species; we materialize the indices directly as an int tensor.
    species = jax.random.randint(k1, (50000,), 0, 4, dtype=jnp.int32)
    coordinates = jax.random.normal(k2, (128, 50000, 3), dtype=jnp.float32)
    return {"species": species, "coordinates": coordinates}

def reference(species, coordinates):
    # torch.sort(species) -> (sorted_values, argsort_indices)
    reverse = jnp.argsort(species)
    sorted_species = jnp.take(species, reverse, axis=0)
    # t.index_select(1, reverse): gather atoms (dim 1) by the sort permutation
    new_coordinates = jnp.take(coordinates, reverse, axis=1)
    return (sorted_species, new_coordinates)

if __name__ == "__main__":
    import jax
    _d = setup_inputs()
    print(jax.jit(kernel)(*tuple(_d.values())))

</pallas_src>

<mosaic_0001>
#map = affine_map<(d0, d1) -> (0)>
#map1 = affine_map<(d0, d1) -> (0, 0)>
module attributes {stable_mosaic.version = 14 : i64} {
  func.func @_body(%arg0: i32, %arg1: i32, %arg2: memref<50176xi32, #tpu.memory_space<hbm>>, %arg3: memref<50000x384xf32, #tpu.memory_space<hbm>>, %arg4: memref<50176xi32, #tpu.memory_space<hbm>>, %arg5: memref<50000x384xf32, #tpu.memory_space<hbm>>, %arg6: memref<1568xi32, #tpu.memory_space<vmem>>, %arg7: memref<1568xi32, #tpu.memory_space<vmem>>, %arg8: memref<14x112xi32, #tpu.memory_space<vmem>>, %arg9: memref<1x48xi32, #tpu.memory_space<vmem>>, %arg10: memref<1568xi32, #tpu.memory_space<vmem>>, %arg11: memref<16xi32, #tpu.memory_space<vmem>>, %arg12: memref<512xi32, #tpu.memory_space<vmem>>, %arg13: memref<112x384xf32, #tpu.memory_space<vmem>>, %arg14: memref<112x384xf32, #tpu.memory_space<vmem>>, %arg15: memref<512xi32, #tpu.memory_space<vmem_shared>>, %arg16: memref<!tpu.dma_semaphore, #tpu.memory_space<semaphore_mem>>, %arg17: memref<!tpu.dma_semaphore, #tpu.memory_space<semaphore_mem>>) attributes {dimension_semantics = [#tpu.dimension_semantics<core_parallel>, #tpu.dimension_semantics<subcore_parallel>], iteration_bounds = array<i64: 2, 16>, scalar_prefetch = 0 : i64, scratch_operands = 12 : i64, tpu.core_type = #tpu.core_type<sc_vector_subcore>, window_params = [{transform_indices = #map}, {transform_indices = #map1}, {transform_indices = #map}, {transform_indices = #map1}]} {
    %iota3A = tpu.iota {dimensions = array<i32: 0>} : vector<16xi32>
    %broadcast_in_dim3A = arith.constant 15 : i32
    %broadcast_in_dim3A_0 = vector.broadcast %broadcast_in_dim3A : i32 to vector<16xi32>
    %mul3A = arith.constant 16 : i32
    %mul3A_1 = arith.muli %arg0, %mul3A : i32
    %add3A = arith.addi %mul3A_1, %arg1 : i32
    %sub3A = arith.constant 1 : i32
    %sub3A_2 = arith.subi %sub3A, %arg0 : i32
    %mul3A_3 = arith.constant 16 : i32
    %mul3A_4 = arith.muli %sub3A_2, %mul3A_3 : i32
    %add3A_5 = arith.addi %mul3A_4, %arg1 : i32
    %mul3A_6 = arith.constant 1568 : i32
    %mul3A_7 = arith.muli %add3A, %mul3A_6 : i32
    "tpu.region"() ({
      %run_scoped3A = tpu.sem_alloc : memref<!tpu.dma_semaphore, #tpu.memory_space<semaphore_mem>>
      %dma_start3A = tpu.memref_slice %arg2[%mul3A_7] : memref<50176xi32, #tpu.memory_space<hbm>> -> memref<1568xi32, #tpu.memory_space<hbm>>
      %dma_start3A_286 = tpu.memref_slice %arg2[%mul3A_7] : memref<50176xi32, #tpu.memory_space<hbm>> -> memref<1568xi32, #tpu.memory_space<hbm>>
      tpu.enqueue_dma source(%dma_start3A_286 : memref<1568xi32, #tpu.memory_space<hbm>>) target(%arg6 : memref<1568xi32, #tpu.memory_space<vmem>>) target_semaphore(%run_scoped3A : memref<!tpu.dma_semaphore, #tpu.memory_space<semaphore_mem>>)
      %dma_wait3A = tpu.memref_slice %arg2[%mul3A_7] : memref<50176xi32, #tpu.memory_space<hbm>> -> memref<1568xi32, #tpu.memory_space<hbm>>
      %dma_wait3A_287 = tpu.memref_slice %arg2[%mul3A_7] : memref<50176xi32, #tpu.memory_space<hbm>> -> memref<1568xi32, #tpu.memory_space<hbm>>
      tpu.wait_dma2 semaphore(%run_scoped3A : memref<!tpu.dma_semaphore, #tpu.memory_space<semaphore_mem>>) src(%dma_wait3A_287 : memref<1568xi32, #tpu.memory_space<hbm>>) dst(%arg6 : memref<1568xi32, #tpu.memory_space<vmem>>)
      tpu.yield
    }) : () -> ()
    %mul3A_8 = arith.constant 1568 : i32
    %mul3A_9 = arith.muli %add3A_5, %mul3A_8 : i32
    "tpu.region"() ({
      %run_scoped3A = tpu.sem_alloc : memref<!tpu.dma_semaphore, #tpu.memory_space<semaphore_mem>>
      %dma_start3A = tpu.memref_slice %arg2[%mul3A_9] : memref<50176xi32, #tpu.memory_space<hbm>> -> memref<1568xi32, #tpu.memory_space<hbm>>
      %dma_start3A_286 = tpu.memref_slice %arg2[%mul3A_9] : memref<50176xi32, #tpu.memory_space<hbm>> -> memref<1568xi32, #tpu.memory_space<hbm>>
      tpu.enqueue_dma source(%dma_start3A_286 : memref<1568xi32, #tpu.memory_space<hbm>>) target(%arg7 : memref<1568xi32, #tpu.memory_space<vmem>>) target_semaphore(%run_scoped3A : memref<!tpu.dma_semaphore, #tpu.memory_space<semaphore_mem>>)
      %dma_wait3A = tpu.memref_slice %arg2[%mul3A_9] : memref<50176xi32, #tpu.memory_space<hbm>> -> memref<1568xi32, #tpu.memory_space<hbm>>
      %dma_wait3A_287 = tpu.memref_slice %arg2[%mul3A_9] : memref<50176xi32, #tpu.memory_space<hbm>> -> memref<1568xi32, #tpu.memory_space<hbm>>
      tpu.wait_dma2 semaphore(%run_scoped3A : memref<!tpu.dma_semaphore, #tpu.memory_space<semaphore_mem>>) src(%dma_wait3A_287 : memref<1568xi32, #tpu.memory_space<hbm>>) dst(%arg7 : memref<1568xi32, #tpu.memory_space<vmem>>)
      tpu.yield
    }) : () -> ()
    %broadcast_in_dim3A_10 = arith.constant 0 : i32
    %broadcast_in_dim3A_11 = vector.broadcast %broadcast_in_dim3A_10 : i32 to vector<16xi32>
    %broadcast_in_dim3A_12 = arith.constant 0 : i32
    %broadcast_in_dim3A_13 = vector.broadcast %broadcast_in_dim3A_12 : i32 to vector<16xi32>
    %scan3A = arith.constant 0 : i32
    %scan3A_14 = arith.constant 98 : i32
    %scan3A_15 = arith.addi %scan3A, %scan3A_14 : i32
    %scan3A_16 = arith.constant 1 : i32
    %scan3A_17:2 = scf.for %scan3A_286 = %scan3A to %scan3A_15 step %scan3A_16 iter_args(%scan3A_287 = %broadcast_in_dim3A_11, %scan3A_288 = %broadcast_in_dim3A_13) -> (vector<16xi32>, vector<16xi32>)  : i32 {
      %mul3A_289 = arith.constant 16 : i32
      %mul3A_290 = arith.muli %scan3A_286, %mul3A_289 : i32
      %get3A = arith.index_cast %mul3A_290 : i32 to index
      %get3A_291 = tpu.vector_load %arg6[%get3A] {strides = array<i32>} : memref<1568xi32, #tpu.memory_space<vmem>>, vector<16xi32>,
      %mul3A_292 = arith.constant 10 : i32
      %mul3A_293 = vector.broadcast %mul3A_292 : i32 to vector<16xi32>
      %mul3A_294 = arith.muli %mul3A_293, %get3A_291 : vector<16xi32>
      %min3A_295 = arith.constant 31 : i32
      %min3A_296 = vector.broadcast %min3A_295 : i32 to vector<16xi32>
      %min3A_297 = arith.minsi %mul3A_294, %min3A_296 : vector<16xi32>
      %sub3A_298 = arith.constant 3 : i32
      %sub3A_299 = vector.broadcast %sub3A_298 : i32 to vector<16xi32>
      %sub3A_300 = arith.subi %get3A_291, %sub3A_299 : vector<16xi32>
      %mul3A_301 = arith.constant 10 : i32
      %mul3A_302 = vector.broadcast %mul3A_301 : i32 to vector<16xi32>
      %mul3A_303 = arith.muli %mul3A_302, %sub3A_300 : vector<16xi32>
      %jit3A_304 = arith.constant 0 : i32
      %jit3A_305 = arith.constant 31 : i32
      %max3A = vector.broadcast %jit3A_304 : i32 to vector<16xi32>
      %max3A_306 = arith.maxsi %max3A, %mul3A_303 : vector<16xi32>
      %min3A_307 = vector.broadcast %jit3A_305 : i32 to vector<16xi32>
      %min3A_308 = arith.minsi %min3A_307, %max3A_306 : vector<16xi32>
      %le3A = arith.constant 2 : i32
      %le3A_309 = vector.broadcast %le3A : i32 to vector<16xi32>
      %le3A_310 = arith.cmpi sle, %get3A_291, %le3A_309 : vector<16xi32>
      %shift_left3A = arith.constant 1 : i32
      %shift_left3A_311 = vector.broadcast %shift_left3A : i32 to vector<16xi32>
      %shift_left3A_312 = arith.shli %shift_left3A_311, %min3A_297 : vector<16xi32>
      %jit3A_313 = arith.constant 0 : i32
      %broadcast_in_dim3A_314 = vector.broadcast %jit3A_313 : i32 to vector<16xi32>
      %select_n3A_315 = arith.select %le3A_310, %shift_left3A_312, %broadcast_in_dim3A_314 : vector<16xi1>, vector<16xi32>
      %add3A_316 = arith.addi %scan3A_287, %select_n3A_315 : vector<16xi32>
      %ge3A = arith.constant 3 : i32
      %ge3A_317 = vector.broadcast %ge3A : i32 to vector<16xi32>
      %ge3A_318 = arith.cmpi sge, %get3A_291, %ge3A_317 : vector<16xi32>
      %shift_left3A_319 = arith.constant 1 : i32
      %shift_left3A_320 = vector.broadcast %shift_left3A_319 : i32 to vector<16xi32>
      %shift_left3A_321 = arith.shli %shift_left3A_320, %min3A_308 : vector<16xi32>
      %jit3A_322 = arith.constant 0 : i32
      %broadcast_in_dim3A_323 = vector.broadcast %jit3A_322 : i32 to vector<16xi32>
      %select_n3A_324 = arith.select %ge3A_318, %shift_left3A_321, %broadcast_in_dim3A_323 : vector<16xi1>, vector<16xi32>
      %add3A_325 = arith.addi %scan3A_288, %select_n3A_324 : vector<16xi32>
      scf.yield %add3A_316, %add3A_325 : vector<16xi32>, vector<16xi32>
    }
    %scan3A_18 = arith.constant 98 : i32
    %broadcast_in_dim3A_19 = arith.constant 0 : i32
    %broadcast_in_dim3A_20 = vector.broadcast %broadcast_in_dim3A_19 : i32 to vector<16xi32>
    %eq3A = arith.constant 0 : i32
    %eq3A_21 = vector.broadcast %eq3A : i32 to vector<16xi32>
    %eq3A_22 = arith.cmpi eq, %iota3A, %eq3A_21 : vector<16xi32>
    %shift_right_arithmetic3A = arith.constant 0 : i32
    %shift_right_arithmetic3A_23 = vector.broadcast %shift_right_arithmetic3A : i32 to vector<16xi32>
    %shift_right_arithmetic3A_24 = arith.shrsi %scan3A_17#0, %shift_right_arithmetic3A_23 : vector<16xi32>
    %and3A = arith.constant 1023 : i32
    %and3A_25 = vector.broadcast %and3A : i32 to vector<16xi32>
    %and3A_26 = arith.andi %shift_right_arithmetic3A_24, %and3A_25 : vector<16xi32>
    %reduce_sum3A = arith.constant true
    %reduce_sum3A_27 = vector.broadcast %reduce_sum3A : i1 to vector<16xi1>
    %reduce_sum3A_28 = tpu.scan <sum>, %and3A_26 masked %reduce_sum3A_27 : vector<16xi32>, vector<16xi1> -> vector<16xi32>
    %reduce_sum3A_29 = vector.extract %reduce_sum3A_28[15] : i32 from vector<16xi32>
    %jit3A = arith.constant 0 : i32
    %broadcast_in_dim3A_30 = vector.broadcast %reduce_sum3A_29 : i32 to vector<16xi32>
    %broadcast_in_dim3A_31 = vector.broadcast %jit3A : i32 to vector<16xi32>
    %select_n3A = arith.select %eq3A_22, %broadcast_in_dim3A_30, %broadcast_in_dim3A_31 : vector<16xi1>, vector<16xi32>
    %add3A_32 = arith.addi %broadcast_in_dim3A_20, %select_n3A : vector<16xi32>
    %eq3A_33 = arith.constant 1 : i32
    %eq3A_34 = vector.broadcast %eq3A_33 : i32 to vector<16xi32>
    %eq3A_35 = arith.cmpi eq, %iota3A, %eq3A_34 : vector<16xi32>
    %shift_right_arithmetic3A_36 = arith.constant 10 : i32
    %shift_right_arithmetic3A_37 = vector.broadcast %shift_right_arithmetic3A_36 : i32 to vector<16xi32>
    %shift_right_arithmetic3A_38 = arith.shrsi %scan3A_17#0, %shift_right_arithmetic3A_37 : vector<16xi32>
    %and3A_39 = arith.constant 1023 : i32
    %and3A_40 = vector.broadcast %and3A_39 : i32 to vector<16xi32>
    %and3A_41 = arith.andi %shift_right_arithmetic3A_38, %and3A_40 : vector<16xi32>
    %reduce_sum3A_42 = arith.constant true
    %reduce_sum3A_43 = vector.broadcast %reduce_sum3A_42 : i1 to vector<16xi1>
    %reduce_sum3A_44 = tpu.scan <sum>, %and3A_41 masked %reduce_sum3A_43 : vector<16xi32>, vector<16xi1> -> vector<16xi32>
    %reduce_sum3A_45 = vector.extract %reduce_sum3A_44[15] : i32 from vector<16xi32>
    %jit3A_46 = arith.constant 0 : i32
    %broadcast_in_dim3A_47 = vector.broadcast %reduce_sum3A_45 : i32 to vector<16xi32>
    %broadcast_in_dim3A_48 = vector.broadcast %jit3A_46 : i32 to vector<16xi32>
    %select_n3A_49 = arith.select %eq3A_35, %broadcast_in_dim3A_47, %broadcast_in_dim3A_48 : vector<16xi1>, vector<16xi32>
    %add3A_50 = arith.addi %add3A_32, %select_n3A_49 : vector<16xi32>
    %eq3A_51 = arith.constant 2 : i32
    %eq3A_52 = vector.broadcast %eq3A_51 : i32 to vector<16xi32>
    %eq3A_53 = arith.cmpi eq, %iota3A, %eq3A_52 : vector<16xi32>
    %shift_right_arithmetic3A_54 = arith.constant 20 : i32
    %shift_right_arithmetic3A_55 = vector.broadcast %shift_right_arithmetic3A_54 : i32 to vector<16xi32>
    %shift_right_arithmetic3A_56 = arith.shrsi %scan3A_17#0, %shift_right_arithmetic3A_55 : vector<16xi32>
    %and3A_57 = arith.constant 1023 : i32
    %and3A_58 = vector.broadcast %and3A_57 : i32 to vector<16xi32>
    %and3A_59 = arith.andi %shift_right_arithmetic3A_56, %and3A_58 : vector<16xi32>
    %reduce_sum3A_60 = arith.constant true
    %reduce_sum3A_61 = vector.broadcast %reduce_sum3A_60 : i1 to vector<16xi1>
    %reduce_sum3A_62 = tpu.scan <sum>, %and3A_59 masked %reduce_sum3A_61 : vector<16xi32>, vector<16xi1> -> vector<16xi32>
    %reduce_sum3A_63 = vector.extract %reduce_sum3A_62[15] : i32 from vector<16xi32>
    %jit3A_64 = arith.constant 0 : i32
    %broadcast_in_dim3A_65 = vector.broadcast %reduce_sum3A_63 : i32 to vector<16xi32>
    %broadcast_in_dim3A_66 = vector.broadcast %jit3A_64 : i32 to vector<16xi32>
    %select_n3A_67 = arith.select %eq3A_53, %broadcast_in_dim3A_65, %broadcast_in_dim3A_66 : vector<16xi1>, vector<16xi32>
    %add3A_68 = arith.addi %add3A_50, %select_n3A_67 : vector<16xi32>
    %eq3A_69 = arith.constant 3 : i32
    %eq3A_70 = vector.broadcast %eq3A_69 : i32 to vector<16xi32>
    %eq3A_71 = arith.cmpi eq, %iota3A, %eq3A_70 : vector<16xi32>
    %shift_right_arithmetic3A_72 = arith.constant 0 : i32
    %shift_right_arithmetic3A_73 = vector.broadcast %shift_right_arithmetic3A_72 : i32 to vector<16xi32>
    %shift_right_arithmetic3A_74 = arith.shrsi %scan3A_17#1, %shift_right_arithmetic3A_73 : vector<16xi32>
    %and3A_75 = arith.constant 1023 : i32
    %and3A_76 = vector.broadcast %and3A_75 : i32 to vector<16xi32>
    %and3A_77 = arith.andi %shift_right_arithmetic3A_74, %and3A_76 : vector<16xi32>
    %reduce_sum3A_78 = arith.constant true
    %reduce_sum3A_79 = vector.broadcast %reduce_sum3A_78 : i1 to vector<16xi1>
    %reduce_sum3A_80 = tpu.scan <sum>, %and3A_77 masked %reduce_sum3A_79 : vector<16xi32>, vector<16xi1> -> vector<16xi32>
    %reduce_sum3A_81 = vector.extract %reduce_sum3A_80[15] : i32 from vector<16xi32>
    %jit3A_82 = arith.constant 0 : i32
    %broadcast_in_dim3A_83 = vector.broadcast %reduce_sum3A_81 : i32 to vector<16xi32>
    %broadcast_in_dim3A_84 = vector.broadcast %jit3A_82 : i32 to vector<16xi32>
    %select_n3A_85 = arith.select %eq3A_71, %broadcast_in_dim3A_83, %broadcast_in_dim3A_84 : vector<16xi1>, vector<16xi32>
    %add3A_86 = arith.addi %add3A_68, %select_n3A_85 : vector<16xi32>
    %eq3A_87 = arith.constant 4 : i32
    %eq3A_88 = vector.broadcast %eq3A_87 : i32 to vector<16xi32>
    %eq3A_89 = arith.cmpi eq, %iota3A, %eq3A_88 : vector<16xi32>
    %shift_right_arithmetic3A_90 = arith.constant 10 : i32
    %shift_right_arithmetic3A_91 = vector.broadcast %shift_right_arithmetic3A_90 : i32 to vector<16xi32>
    %shift_right_arithmetic3A_92 = arith.shrsi %scan3A_17#1, %shift_right_arithmetic3A_91 : vector<16xi32>
    %and3A_93 = arith.constant 1023 : i32
    %and3A_94 = vector.broadcast %and3A_93 : i32 to vector<16xi32>
    %and3A_95 = arith.andi %shift_right_arithmetic3A_92, %and3A_94 : vector<16xi32>
    %reduce_sum3A_96 = arith.constant true
    %reduce_sum3A_97 = vector.broadcast %reduce_sum3A_96 : i1 to vector<16xi1>
    %reduce_sum3A_98 = tpu.scan <sum>, %and3A_95 masked %reduce_sum3A_97 : vector<16xi32>, vector<16xi1> -> vector<16xi32>
    %reduce_sum3A_99 = vector.extract %reduce_sum3A_98[15] : i32 from vector<16xi32>
    %jit3A_100 = arith.constant 0 : i32
    %broadcast_in_dim3A_101 = vector.broadcast %reduce_sum3A_99 : i32 to vector<16xi32>
    %broadcast_in_dim3A_102 = vector.broadcast %jit3A_100 : i32 to vector<16xi32>
    %select_n3A_103 = arith.select %eq3A_89, %broadcast_in_dim3A_101, %broadcast_in_dim3A_102 : vector<16xi1>, vector<16xi32>
    %add3A_104 = arith.addi %add3A_86, %select_n3A_103 : vector<16xi32>
    %swap3A = arith.constant 0 : index
    %swap3A_105 = tpu.vector_load %arg11[%swap3A] {strides = array<i32>} : memref<16xi32, #tpu.memory_space<vmem>>, vector<16xi32>,
    tpu.vector_store %arg11[%swap3A], %add3A_104 {strides = array<i32>} : memref<16xi32, #tpu.memory_space<vmem>>, vector<16xi32>,
    %mul3A_106 = arith.constant 16 : i32
    %mul3A_107 = arith.muli %add3A, %mul3A_106 : i32
    "tpu.region"() ({
      %run_scoped3A = tpu.sem_alloc : memref<!tpu.dma_semaphore, #tpu.memory_space<semaphore_mem>>
      %dma_start3A = tpu.memref_slice %arg15[%mul3A_107] : memref<512xi32, #tpu.memory_space<vmem_shared>> -> memref<16xi32, #tpu.memory_space<vmem_shared>>
      %dma_start3A_286 = tpu.memref_slice %arg15[%mul3A_107] : memref<512xi32, #tpu.memory_space<vmem_shared>> -> memref<16xi32, #tpu.memory_space<vmem_shared>>
      tpu.enqueue_dma source(%arg11 : memref<16xi32, #tpu.memory_space<vmem>>) target(%dma_start3A_286 : memref<16xi32, #tpu.memory_space<vmem_shared>>) target_semaphore(%run_scoped3A : memref<!tpu.dma_semaphore, #tpu.memory_space<semaphore_mem>>)
      %dma_wait3A = tpu.memref_slice %arg15[%mul3A_107] : memref<512xi32, #tpu.memory_space<vmem_shared>> -> memref<16xi32, #tpu.memory_space<vmem_shared>>
      %dma_wait3A_287 = tpu.memref_slice %arg15[%mul3A_107] : memref<512xi32, #tpu.memory_space<vmem_shared>> -> memref<16xi32, #tpu.memory_space<vmem_shared>>
      tpu.wait_dma2 semaphore(%run_scoped3A : memref<!tpu.dma_semaphore, #tpu.memory_space<semaphore_mem>>) src(%arg11 : memref<16xi32, #tpu.memory_space<vmem>>) dst(%dma_wait3A_287 : memref<16xi32, #tpu.memory_space<vmem_shared>>)
      tpu.yield
    }) : () -> ()
    %broadcast_in_dim3A_108 = arith.constant 0 : i32
    %broadcast_in_dim3A_109 = vector.broadcast %broadcast_in_dim3A_108 : i32 to vector<16xi32>
    %broadcast_in_dim3A_110 = arith.constant 0 : i32
    %broadcast_in_dim3A_111 = vector.broadcast %broadcast_in_dim3A_110 : i32 to vector<16xi32>
    %scan3A_112 = arith.constant 0 : i32
    %scan3A_113 = arith.constant 98 : i32
    %scan3A_114 = arith.addi %scan3A_112, %scan3A_113 : i32
    %scan3A_115 = arith.constant 1 : i32
    %scan3A_116:2 = scf.for %scan3A_286 = %scan3A_112 to %scan3A_114 step %scan3A_115 iter_args(%scan3A_287 = %broadcast_in_dim3A_109, %scan3A_288 = %broadcast_in_dim3A_111) -> (vector<16xi32>, vector<16xi32>)  : i32 {
      %mul3A_289 = arith.constant 16 : i32
      %mul3A_290 = arith.muli %scan3A_286, %mul3A_289 : i32
      %get3A = arith.index_cast %mul3A_290 : i32 to index
      %get3A_291 = tpu.vector_load %arg7[%get3A] {strides = array<i32>} : memref<1568xi32, #tpu.memory_space<vmem>>, vector<16xi32>,
      %mul3A_292 = arith.constant 10 : i32
      %mul3A_293 = vector.broadcast %mul3A_292 : i32 to vector<16xi32>
      %mul3A_294 = arith.muli %mul3A_293, %get3A_291 : vector<16xi32>
      %min3A_295 = arith.constant 31 : i32
      %min3A_296 = vector.broadcast %min3A_295 : i32 to vector<16xi32>
      %min3A_297 = arith.minsi %mul3A_294, %min3A_296 : vector<16xi32>
      %sub3A_298 = arith.constant 3 : i32
      %sub3A_299 = vector.broadcast %sub3A_298 : i32 to vector<16xi32>
      %sub3A_300 = arith.subi %get3A_291, %sub3A_299 : vector<16xi32>
      %mul3A_301 = arith.constant 10 : i32
      %mul3A_302 = vector.broadcast %mul3A_301 : i32 to vector<16xi32>
      %mul3A_303 = arith.muli %mul3A_302, %sub3A_300 : vector<16xi32>
      %jit3A_304 = arith.constant 0 : i32
      %jit3A_305 = arith.constant 31 : i32
      %max3A = vector.broadcast %jit3A_304 : i32 to vector<16xi32>
      %max3A_306 = arith.maxsi %max3A, %mul3A_303 : vector<16xi32>
      %min3A_307 = vector.broadcast %jit3A_305 : i32 to vector<16xi32>
      %min3A_308 = arith.minsi %min3A_307, %max3A_306 : vector<16xi32>
      %le3A = arith.constant 2 : i32
      %le3A_309 = vector.broadcast %le3A : i32 to vector<16xi32>
      %le3A_310 = arith.cmpi sle, %get3A_291, %le3A_309 : vector<16xi32>
      %shift_left3A = arith.constant 1 : i32
      %shift_left3A_311 = vector.broadcast %shift_left3A : i32 to vector<16xi32>
      %shift_left3A_312 = arith.shli %shift_left3A_311, %min3A_297 : vector<16xi32>
      %jit3A_313 = arith.constant 0 : i32
      %broadcast_in_dim3A_314 = vector.broadcast %jit3A_313 : i32 to vector<16xi32>
      %select_n3A_315 = arith.select %le3A_310, %shift_left3A_312, %broadcast_in_dim3A_314 : vector<16xi1>, vector<16xi32>
      %add3A_316 = arith.addi %scan3A_287, %select_n3A_315 : vector<16xi32>
      %ge3A = arith.constant 3 : i32
      %ge3A_317 = vector.broadcast %ge3A : i32 to vector<16xi32>
      %ge3A_318 = arith.cmpi sge, %get3A_291, %ge3A_317 : vector<16xi32>
      %shift_left3A_319 = arith.constant 1 : i32
      %shift_left3A_320 = vector.broadcast %shift_left3A_319 : i32 to vector<16xi32>
      %shift_left3A_321 = arith.shli %shift_left3A_320, %min3A_308 : vector<16xi32>
      %jit3A_322 = arith.constant 0 : i32
      %broadcast_in_dim3A_323 = vector.broadcast %jit3A_322 : i32 to vector<16xi32>
      %select_n3A_324 = arith.select %ge3A_318, %shift_left3A_321, %broadcast_in_dim3A_323 : vector<16xi1>, vector<16xi32>
      %add3A_325 = arith.addi %scan3A_288, %select_n3A_324 : vector<16xi32>
      scf.yield %add3A_316, %add3A_325 : vector<16xi32>, vector<16xi32>
    }
    %scan3A_117 = arith.constant 98 : i32
    %broadcast_in_dim3A_118 = arith.constant 0 : i32
    %broadcast_in_dim3A_119 = vector.broadcast %broadcast_in_dim3A_118 : i32 to vector<16xi32>
    %eq3A_120 = arith.constant 0 : i32
    %eq3A_121 = vector.broadcast %eq3A_120 : i32 to vector<16xi32>
    %eq3A_122 = arith.cmpi eq, %iota3A, %eq3A_121 : vector<16xi32>
    %shift_right_arithmetic3A_123 = arith.constant 0 : i32
    %shift_right_arithmetic3A_124 = vector.broadcast %shift_right_arithmetic3A_123 : i32 to vector<16xi32>
    %shift_right_arithmetic3A_125 = arith.shrsi %scan3A_116#0, %shift_right_arithmetic3A_124 : vector<16xi32>
    %and3A_126 = arith.constant 1023 : i32
    %and3A_127 = vector.broadcast %and3A_126 : i32 to vector<16xi32>
    %and3A_128 = arith.andi %shift_right_arithmetic3A_125, %and3A_127 : vector<16xi32>
    %reduce_sum3A_129 = arith.constant true
    %reduce_sum3A_130 = vector.broadcast %reduce_sum3A_129 : i1 to vector<16xi1>
    %reduce_sum3A_131 = tpu.scan <sum>, %and3A_128 masked %reduce_sum3A_130 : vector<16xi32>, vector<16xi1> -> vector<16xi32>
    %reduce_sum3A_132 = vector.extract %reduce_sum3A_131[15] : i32 from vector<16xi32>
    %jit3A_133 = arith.constant 0 : i32
    %broadcast_in_dim3A_134 = vector.broadcast %reduce_sum3A_132 : i32 to vector<16xi32>
    %broadcast_in_dim3A_135 = vector.broadcast %jit3A_133 : i32 to vector<16xi32>
    %select_n3A_136 = arith.select %eq3A_122, %broadcast_in_dim3A_134, %broadcast_in_dim3A_135 : vector<16xi1>, vector<16xi32>
    %add3A_137 = arith.addi %broadcast_in_dim3A_119, %select_n3A_136 : vector<16xi32>
    %eq3A_138 = arith.constant 1 : i32
    %eq3A_139 = vector.broadcast %eq3A_138 : i32 to vector<16xi32>
    %eq3A_140 = arith.cmpi eq, %iota3A, %eq3A_139 : vector<16xi32>
    %shift_right_arithmetic3A_141 = arith.constant 10 : i32
    %shift_right_arithmetic3A_142 = vector.broadcast %shift_right_arithmetic3A_141 : i32 to vector<16xi32>
    %shift_right_arithmetic3A_143 = arith.shrsi %scan3A_116#0, %shift_right_arithmetic3A_142 : vector<16xi32>
    %and3A_144 = arith.constant 1023 : i32
    %and3A_145 = vector.broadcast %and3A_144 : i32 to vector<16xi32>
    %and3A_146 = arith.andi %shift_right_arithmetic3A_143, %and3A_145 : vector<16xi32>
    %reduce_sum3A_147 = arith.constant true
    %reduce_sum3A_148 = vector.broadcast %reduce_sum3A_147 : i1 to vector<16xi1>
    %reduce_sum3A_149 = tpu.scan <sum>, %and3A_146 masked %reduce_sum3A_148 : vector<16xi32>, vector<16xi1> -> vector<16xi32>
    %reduce_sum3A_150 = vector.extract %reduce_sum3A_149[15] : i32 from vector<16xi32>
    %jit3A_151 = arith.constant 0 : i32
    %broadcast_in_dim3A_152 = vector.broadcast %reduce_sum3A_150 : i32 to vector<16xi32>
    %broadcast_in_dim3A_153 = vector.broadcast %jit3A_151 : i32 to vector<16xi32>
    %select_n3A_154 = arith.select %eq3A_140, %broadcast_in_dim3A_152, %broadcast_in_dim3A_153 : vector<16xi1>, vector<16xi32>
    %add3A_155 = arith.addi %add3A_137, %select_n3A_154 : vector<16xi32>
    %eq3A_156 = arith.constant 2 : i32
    %eq3A_157 = vector.broadcast %eq3A_156 : i32 to vector<16xi32>
    %eq3A_158 = arith.cmpi eq, %iota3A, %eq3A_157 : vector<16xi32>
    %shift_right_arithmetic3A_159 = arith.constant 20 : i32
    %shift_right_arithmetic3A_160 = vector.broadcast %shift_right_arithmetic3A_159 : i32 to vector<16xi32>
    %shift_right_arithmetic3A_161 = arith.shrsi %scan3A_116#0, %shift_right_arithmetic3A_160 : vector<16xi32>
    %and3A_162 = arith.constant 1023 : i32
    %and3A_163 = vector.broadcast %and3A_162 : i32 to vector<16xi32>
    %and3A_164 = arith.andi %shift_right_arithmetic3A_161, %and3A_163 : vector<16xi32>
    %reduce_sum3A_165 = arith.constant true
    %reduce_sum3A_166 = vector.broadcast %reduce_sum3A_165 : i1 to vector<16xi1>
    %reduce_sum3A_167 = tpu.scan <sum>, %and3A_164 masked %reduce_sum3A_166 : vector<16xi32>, vector<16xi1> -> vector<16xi32>
    %reduce_sum3A_168 = vector.extract %reduce_sum3A_167[15] : i32 from vector<16xi32>
    %jit3A_169 = arith.constant 0 : i32
    %broadcast_in_dim3A_170 = vector.broadcast %reduce_sum3A_168 : i32 to vector<16xi32>
    %broadcast_in_dim3A_171 = vector.broadcast %jit3A_169 : i32 to vector<16xi32>
    %select_n3A_172 = arith.select %eq3A_158, %broadcast_in_dim3A_170, %broadcast_in_dim3A_171 : vector<16xi1>, vector<16xi32>
    %add3A_173 = arith.addi %add3A_155, %select_n3A_172 : vector<16xi32>
    %eq3A_174 = arith.constant 3 : i32
    %eq3A_175 = vector.broadcast %eq3A_174 : i32 to vector<16xi32>
    %eq3A_176 = arith.cmpi eq, %iota3A, %eq3A_175 : vector<16xi32>
    %shift_right_arithmetic3A_177 = arith.constant 0 : i32
    %shift_right_arithmetic3A_178 = vector.broadcast %shift_right_arithmetic3A_177 : i32 to vector<16xi32>
    %shift_right_arithmetic3A_179 = arith.shrsi %scan3A_116#1, %shift_right_arithmetic3A_178 : vector<16xi32>
    %and3A_180 = arith.constant 1023 : i32
    %and3A_181 = vector.broadcast %and3A_180 : i32 to vector<16xi32>
    %and3A_182 = arith.andi %shift_right_arithmetic3A_179, %and3A_181 : vector<16xi32>
    %reduce_sum3A_183 = arith.constant true
    %reduce_sum3A_184 = vector.broadcast %reduce_sum3A_183 : i1 to vector<16xi1>
    %reduce_sum3A_185 = tpu.scan <sum>, %and3A_182 masked %reduce_sum3A_184 : vector<16xi32>, vector<16xi1> -> vector<16xi32>
    %reduce_sum3A_186 = vector.extract %reduce_sum3A_185[15] : i32 from vector<16xi32>
    %jit3A_187 = arith.constant 0 : i32
    %broadcast_in_dim3A_188 = vector.broadcast %reduce_sum3A_186 : i32 to vector<16xi32>
    %broadcast_in_dim3A_189 = vector.broadcast %jit3A_187 : i32 to vector<16xi32>
    %select_n3A_190 = arith.select %eq3A_176, %broadcast_in_dim3A_188, %broadcast_in_dim3A_189 : vector<16xi1>, vector<16xi32>
    %add3A_191 = arith.addi %add3A_173, %select_n3A_190 : vector<16xi32>
    %eq3A_192 = arith.constant 4 : i32
    %eq3A_193 = vector.broadcast %eq3A_192 : i32 to vector<16xi32>
    %eq3A_194 = arith.cmpi eq, %iota3A, %eq3A_193 : vector<16xi32>
    %shift_right_arithmetic3A_195 = arith.constant 10 : i32
    %shift_right_arithmetic3A_196 = vector.broadcast %shift_right_arithmetic3A_195 : i32 to vector<16xi32>
    %shift_right_arithmetic3A_197 = arith.shrsi %scan3A_116#1, %shift_right_arithmetic3A_196 : vector<16xi32>
    %and3A_198 = arith.constant 1023 : i32
    %and3A_199 = vector.broadcast %and3A_198 : i32 to vector<16xi32>
    %and3A_200 = arith.andi %shift_right_arithmetic3A_197, %and3A_199 : vector<16xi32>
    %reduce_sum3A_201 = arith.constant true
    %reduce_sum3A_202 = vector.broadcast %reduce_sum3A_201 : i1 to vector<16xi1>
    %reduce_sum3A_203 = tpu.scan <sum>, %and3A_200 masked %reduce_sum3A_202 : vector<16xi32>, vector<16xi1> -> vector<16xi32>
    %reduce_sum3A_204 = vector.extract %reduce_sum3A_203[15] : i32 from vector<16xi32>
    %jit3A_205 = arith.constant 0 : i32
    %broadcast_in_dim3A_206 = vector.broadcast %reduce_sum3A_204 : i32 to vector<16xi32>
    %broadcast_in_dim3A_207 = vector.broadcast %jit3A_205 : i32 to vector<16xi32>
    %select_n3A_208 = arith.select %eq3A_194, %broadcast_in_dim3A_206, %broadcast_in_dim3A_207 : vector<16xi1>, vector<16xi32>
    %add3A_209 = arith.addi %add3A_191, %select_n3A_208 : vector<16xi32>
    %swap3A_210 = arith.constant 0 : index
    %swap3A_211 = tpu.vector_load %arg11[%swap3A_210] {strides = array<i32>} : memref<16xi32, #tpu.memory_space<vmem>>, vector<16xi32>,
    tpu.vector_store %arg11[%swap3A_210], %add3A_209 {strides = array<i32>} : memref<16xi32, #tpu.memory_space<vmem>>, vector<16xi32>,
    %mul3A_212 = arith.constant 16 : i32
    %mul3A_213 = arith.muli %add3A_5, %mul3A_212 : i32
    "tpu.region"() ({
      %run_scoped3A = tpu.sem_alloc : memref<!tpu.dma_semaphore, #tpu.memory_space<semaphore_mem>>
      %dma_start3A = tpu.memref_slice %arg15[%mul3A_213] : memref<512xi32, #tpu.memory_space<vmem_shared>> -> memref<16xi32, #tpu.memory_space<vmem_shared>>
      %dma_start3A_286 = tpu.memref_slice %arg15[%mul3A_213] : memref<512xi32, #tpu.memory_space<vmem_shared>> -> memref<16xi32, #tpu.memory_space<vmem_shared>>
      tpu.enqueue_dma source(%arg11 : memref<16xi32, #tpu.memory_space<vmem>>) target(%dma_start3A_286 : memref<16xi32, #tpu.memory_space<vmem_shared>>) target_semaphore(%run_scoped3A : memref<!tpu.dma_semaphore, #tpu.memory_space<semaphore_mem>>)
      %dma_wait3A = tpu.memref_slice %arg15[%mul3A_213] : memref<512xi32, #tpu.memory_space<vmem_shared>> -> memref<16xi32, #tpu.memory_space<vmem_shared>>
      %dma_wait3A_287 = tpu.memref_slice %arg15[%mul3A_213] : memref<512xi32, #tpu.memory_space<vmem_shared>> -> memref<16xi32, #tpu.memory_space<vmem_shared>>
      tpu.wait_dma2 semaphore(%run_scoped3A : memref<!tpu.dma_semaphore, #tpu.memory_space<semaphore_mem>>) src(%arg11 : memref<16xi32, #tpu.memory_space<vmem>>) dst(%dma_wait3A_287 : memref<16xi32, #tpu.memory_space<vmem_shared>>)
      tpu.yield
    }) : () -> ()
    %barrier3A = arith.constant 0 : index
    tpu.barrier barrier_id(%barrier3A)
    "tpu.region"() ({
      %run_scoped3A = tpu.sem_alloc : memref<!tpu.dma_semaphore, #tpu.memory_space<semaphore_mem>>
      tpu.enqueue_dma source(%arg15 : memref<512xi32, #tpu.memory_space<vmem_shared>>) target(%arg12 : memref<512xi32, #tpu.memory_space<vmem>>) target_semaphore(%run_scoped3A : memref<!tpu.dma_semaphore, #tpu.memory_space<semaphore_mem>>)
      tpu.wait_dma2 semaphore(%run_scoped3A : memref<!tpu.dma_semaphore, #tpu.memory_space<semaphore_mem>>) src(%arg15 : memref<512xi32, #tpu.memory_space<vmem_shared>>) dst(%arg12 : memref<512xi32, #tpu.memory_space<vmem>>)
      tpu.yield
    }) : () -> ()
    %broadcast_in_dim3A_214 = arith.constant 0 : i32
    %broadcast_in_dim3A_215 = vector.broadcast %broadcast_in_dim3A_214 : i32 to vector<16xi32>
    %broadcast_in_dim3A_216 = arith.constant 0 : i32
    %broadcast_in_dim3A_217 = vector.broadcast %broadcast_in_dim3A_216 : i32 to vector<16xi32>
    %scan3A_218 = arith.constant 0 : i32
    %scan3A_219 = arith.constant 32 : i32
    %scan3A_220 = arith.addi %scan3A_218, %scan3A_219 : i32
    %scan3A_221 = arith.constant 1 : i32
    %scan3A_222:2 = scf.for %scan3A_286 = %scan3A_218 to %scan3A_220 step %scan3A_221 iter_args(%scan3A_287 = %broadcast_in_dim3A_215, %scan3A_288 = %broadcast_in_dim3A_217) -> (vector<16xi32>, vector<16xi32>)  : i32 {
      %mul3A_289 = arith.constant 16 : i32
      %mul3A_290 = arith.muli %scan3A_286, %mul3A_289 : i32
      %get3A = arith.index_cast %mul3A_290 : i32 to index
      %get3A_291 = tpu.vector_load %arg12[%get3A] {strides = array<i32>} : memref<512xi32, #tpu.memory_space<vmem>>, vector<16xi32>,
      %add3A_292 = arith.addi %scan3A_287, %get3A_291 : vector<16xi32>
      %lt3A_293 = arith.cmpi slt, %scan3A_286, %add3A : i32
      %jit3A_294 = arith.constant 0 : i32
      %broadcast_in_dim3A_295 = vector.broadcast %jit3A_294 : i32 to vector<16xi32>
      %select_n3A_296 = arith.select %lt3A_293, %get3A_291, %broadcast_in_dim3A_295 : vector<16xi32>
      %add3A_297 = arith.addi %scan3A_288, %select_n3A_296 : vector<16xi32>
      scf.yield %add3A_292, %add3A_297 : vector<16xi32>, vector<16xi32>
    }
    %scan3A_223 = arith.constant 32 : i32
    %broadcast_in_dim3A_224 = arith.constant true
    %broadcast_in_dim3A_225 = vector.broadcast %broadcast_in_dim3A_224 : i1 to vector<16xi1>
    %masked_cumsum3A = tpu.scan <sum>, %scan3A_222#0 masked %broadcast_in_dim3A_225 : vector<16xi32>, vector<16xi1> -> vector<16xi32>
    %sub3A_226 = arith.subi %masked_cumsum3A, %scan3A_222#0 : vector<16xi32>
    %add3A_227 = arith.addi %sub3A_226, %scan3A_222#1 : vector<16xi32>
    %eq3A_228 = arith.constant 1 : i32
    %eq3A_229 = vector.broadcast %eq3A_228 : i32 to vector<16xi32>
    %eq3A_230 = arith.cmpi eq, %iota3A, %eq3A_229 : vector<16xi32>
    %jit3A_231 = arith.constant 0 : i32
    %broadcast_in_dim3A_232 = vector.broadcast %jit3A_231 : i32 to vector<16xi32>
    %select_n3A_233 = arith.select %eq3A_230, %sub3A_226, %broadcast_in_dim3A_232 : vector<16xi1>, vector<16xi32>
    %reduce_sum3A_234 = arith.constant true
    %reduce_sum3A_235 = vector.broadcast %reduce_sum3A_234 : i1 to vector<16xi1>
    %reduce_sum3A_236 = tpu.scan <sum>, %select_n3A_233 masked %reduce_sum3A_235 : vector<16xi32>, vector<16xi1> -> vector<16xi32>
    %reduce_sum3A_237 = vector.extract %reduce_sum3A_236[15] : i32 from vector<16xi32>
    %eq3A_238 = arith.constant 2 : i32
    %eq3A_239 = vector.broadcast %eq3A_238 : i32 to vector<16xi32>
    %eq3A_240 = arith.cmpi eq, %iota3A, %eq3A_239 : vector<16xi32>
    %jit3A_241 = arith.constant 0 : i32
    %broadcast_in_dim3A_242 = vector.broadcast %jit3A_241 : i32 to vector<16xi32>
    %select_n3A_243 = arith.select %eq3A_240, %sub3A_226, %broadcast_in_dim3A_242 : vector<16xi1>, vector<16xi32>
    %reduce_sum3A_244 = arith.constant true
    %reduce_sum3A_245 = vector.broadcast %reduce_sum3A_244 : i1 to vector<16xi1>
    %reduce_sum3A_246 = tpu.scan <sum>, %select_n3A_243 masked %reduce_sum3A_245 : vector<16xi32>, vector<16xi1> -> vector<16xi32>
    %reduce_sum3A_247 = vector.extract %reduce_sum3A_246[15] : i32 from vector<16xi32>
    %eq3A_248 = arith.constant 3 : i32
    %eq3A_249 = vector.broadcast %eq3A_248 : i32 to vector<16xi32>
    %eq3A_250 = arith.cmpi eq, %iota3A, %eq3A_249 : vector<16xi32>
    %jit3A_251 = arith.constant 0 : i32
    %broadcast_in_dim3A_252 = vector.broadcast %jit3A_251 : i32 to vector<16xi32>
    %select_n3A_253 = arith.select %eq3A_250, %sub3A_226, %broadcast_in_dim3A_252 : vector<16xi1>, vector<16xi32>
    %reduce_sum3A_254 = arith.constant true
    %reduce_sum3A_255 = vector.broadcast %reduce_sum3A_254 : i1 to vector<16xi1>
    %reduce_sum3A_256 = tpu.scan <sum>, %select_n3A_253 masked %reduce_sum3A_255 : vector<16xi32>, vector<16xi1> -> vector<16xi32>
    %reduce_sum3A_257 = vector.extract %reduce_sum3A_256[15] : i32 from vector<16xi32>
    %eq3A_258 = arith.constant 4 : i32
    %eq3A_259 = vector.broadcast %eq3A_258 : i32 to vector<16xi32>
    %eq3A_260 = arith.cmpi eq, %iota3A, %eq3A_259 : vector<16xi32>
    %jit3A_261 = arith.constant 0 : i32
    %broadcast_in_dim3A_262 = vector.broadcast %jit3A_261 : i32 to vector<16xi32>
    %select_n3A_263 = arith.select %eq3A_260, %sub3A_226, %broadcast_in_dim3A_262 : vector<16xi1>, vector<16xi32>
    %reduce_sum3A_264 = arith.constant true
    %reduce_sum3A_265 = vector.broadcast %reduce_sum3A_264 : i1 to vector<16xi1>
    %reduce_sum3A_266 = tpu.scan <sum>, %select_n3A_263 masked %reduce_sum3A_265 : vector<16xi32>, vector<16xi1> -> vector<16xi32>
    %reduce_sum3A_267 = vector.extract %reduce_sum3A_266[15] : i32 from vector<16xi32>
    %mul3A_268 = arith.constant 6 : i32
    %mul3A_269 = vector.broadcast %mul3A_268 : i32 to vector<16xi32>
    %mul3A_270 = arith.muli %mul3A_269, %iota3A : vector<16xi32>
    %min3A = arith.constant 31 : i32
    %min3A_271 = vector.broadcast %min3A : i32 to vector<16xi32>
    %min3A_272 = arith.minsi %mul3A_270, %min3A_271 : vector<16xi32>
    %scan3A_273 = arith.constant 0 : i32
    %scan3A_274 = arith.constant 98 : i32
    %scan3A_275 = arith.addi %scan3A_273, %scan3A_274 : i32
    %scan3A_276 = arith.constant 1 : i32
    %scan3A_277 = scf.for %scan3A_286 = %scan3A_273 to %scan3A_275 step %scan3A_276 iter_args(%scan3A_287 = %add3A_227) -> (vector<16xi32>)  : i32 {
      %mul3A_288 = arith.constant 16 : i32
      %mul3A_289 = arith.muli %scan3A_286, %mul3A_288 : i32
      %get3A = arith.index_cast %mul3A_289 : i32 to index
      %get3A_290 = tpu.vector_load %arg6[%get3A] {strides = array<i32>} : memref<1568xi32, #tpu.memory_space<vmem>>, vector<16xi32>,
      %mul3A_291 = arith.constant 6 : i32
      %mul3A_292 = vector.broadcast %mul3A_291 : i32 to vector<16xi32>
      %mul3A_293 = arith.muli %mul3A_292, %get3A_290 : vector<16xi32>
      %shift_left3A = arith.constant 1 : i32
      %shift_left3A_294 = vector.broadcast %shift_left3A : i32 to vector<16xi32>
      %shift_left3A_295 = arith.shli %shift_left3A_294, %mul3A_293 : vector<16xi32>
      %broadcast_in_dim3A_296 = arith.constant true
      %broadcast_in_dim3A_297 = vector.broadcast %broadcast_in_dim3A_296 : i1 to vector<16xi1>
      %masked_cumsum3A_298 = tpu.scan <sum>, %shift_left3A_295 masked %broadcast_in_dim3A_297 : vector<16xi32>, vector<16xi1> -> vector<16xi32>
      %mul3A_299 = arith.constant 6 : i32
      %mul3A_300 = vector.broadcast %mul3A_299 : i32 to vector<16xi32>
      %mul3A_301 = arith.muli %mul3A_300, %get3A_290 : vector<16xi32>
      %shift_right_arithmetic3A_302 = arith.shrsi %masked_cumsum3A_298, %mul3A_301 : vector<16xi32>
      %and3A_303 = arith.constant 63 : i32
      %and3A_304 = vector.broadcast %and3A_303 : i32 to vector<16xi32>
      %and3A_305 = arith.andi %shift_right_arithmetic3A_302, %and3A_304 : vector<16xi32>
      %lt3A_306 = arith.constant 0 : i32
      %lt3A_307 = vector.broadcast %lt3A_306 : i32 to vector<16xi32>
      %lt3A_308 = arith.cmpi slt, %get3A_290, %lt3A_307 : vector<16xi32>
      %add3A_309 = arith.constant 16 : i32
      %add3A_310 = vector.broadcast %add3A_309 : i32 to vector<16xi32>
      %add3A_311 = arith.addi %get3A_290, %add3A_310 : vector<16xi32>
      %select_n3A_312 = arith.select %lt3A_308, %add3A_311, %get3A_290 : vector<16xi1>, vector<16xi32>
      %broadcast_in_dim3A_313 = vector.shape_cast %select_n3A_312 : vector<16xi32> to vector<16x1xi32>
      %gather3A = vector.shape_cast %broadcast_in_dim3A_313 : vector<16x1xi32> to vector<16xi32>
      %gather3A_314 = tpu.dynamic_gather %scan3A_287[%gather3A] in [0] : vector<16xi32>, vector<16xi32> -> vector<16xi32>
      %add3A_315 = arith.addi %gather3A_314, %and3A_305 : vector<16xi32>
      %sub3A_316 = arith.constant 1 : i32
      %sub3A_317 = vector.broadcast %sub3A_316 : i32 to vector<16xi32>
      %sub3A_318 = arith.subi %add3A_315, %sub3A_317 : vector<16xi32>
      %lt3A_319 = arith.constant 0 : i32
      %lt3A_320 = vector.broadcast %lt3A_319 : i32 to vector<16xi32>
      %lt3A_321 = arith.cmpi slt, %broadcast_in_dim3A_0, %lt3A_320 : vector<16xi32>
      %add3A_322 = arith.constant 16 : i32
      %add3A_323 = vector.broadcast %add3A_322 : i32 to vector<16xi32>
      %add3A_324 = arith.addi %broadcast_in_dim3A_0, %add3A_323 : vector<16xi32>
      %select_n3A_325 = arith.select %lt3A_321, %add3A_324, %broadcast_in_dim3A_0 : vector<16xi1>, vector<16xi32>
      %broadcast_in_dim3A_326 = vector.shape_cast %select_n3A_325 : vector<16xi32> to vector<16x1xi32>
      %gather3A_327 = vector.shape_cast %broadcast_in_dim3A_326 : vector<16x1xi32> to vector<16xi32>
      %gather3A_328 = tpu.dynamic_gather %masked_cumsum3A_298[%gather3A_327] in [0] : vector<16xi32>, vector<16xi32> -> vector<16xi32>
      %lt3A_329 = arith.constant 5 : i32
      %lt3A_330 = vector.broadcast %lt3A_329 : i32 to vector<16xi32>
      %lt3A_331 = arith.cmpi slt, %iota3A, %lt3A_330 : vector<16xi32>
      %shift_right_arithmetic3A_332 = arith.shrsi %gather3A_328, %min3A_272 : vector<16xi32>
      %and3A_333 = arith.constant 63 : i32
      %and3A_334 = vector.broadcast %and3A_333 : i32 to vector<16xi32>
      %and3A_335 = arith.andi %shift_right_arithmetic3A_332, %and3A_334 : vector<16xi32>
      %jit3A_336 = arith.constant 0 : i32
      %broadcast_in_dim3A_337 = vector.broadcast %jit3A_336 : i32 to vector<16xi32>
      %select_n3A_338 = arith.select %lt3A_331, %and3A_335, %broadcast_in_dim3A_337 : vector<16xi1>, vector<16xi32>
      %add3A_339 = arith.addi %scan3A_287, %select_n3A_338 : vector<16xi32>
      %jit3A_340 = arith.constant 7 : i32
      %div3A = arith.divsi %scan3A_286, %jit3A_340 : i32
      %sign3A = arith.constant 0 : i32
      %sign3A_341 = arith.cmpi sgt, %scan3A_286, %sign3A : i32
      %sign3A_342 = arith.extui %sign3A_341 : i1 to i32
      %sign3A_343 = arith.constant 0 : i32
      %sign3A_344 = arith.cmpi slt, %scan3A_286, %sign3A_343 : i32
      %sign3A_345 = arith.extui %sign3A_344 : i1 to i32
      %sign3A_346 = arith.subi %sign3A_342, %sign3A_345 : i32
      %sign3A_347 = arith.constant 0 : i32
      %sign3A_348 = arith.cmpi sgt, %jit3A_340, %sign3A_347 : i32
      %sign3A_349 = arith.extui %sign3A_348 : i1 to i32
      %sign3A_350 = arith.constant 0 : i32
      %sign3A_351 = arith.cmpi slt, %jit3A_340, %sign3A_350 : i32
      %sign3A_352 = arith.extui %sign3A_351 : i1 to i32
      %sign3A_353 = arith.subi %sign3A_349, %sign3A_352 : i32
      %ne3A = arith.cmpi ne, %sign3A_346, %sign3A_353 : i32
      %rem3A = arith.remsi %scan3A_286, %jit3A_340 : i32
      %ne3A_354 = arith.constant 0 : i32
      %ne3A_355 = arith.cmpi ne, %rem3A, %ne3A_354 : i32
      %and3A_356 = arith.andi %ne3A, %ne3A_355 : i1
      %sub3A_357 = arith.constant 1 : i32
      %sub3A_358 = arith.subi %div3A, %sub3A_357 : i32
      %select_n3A_359 = arith.select %and3A_356, %sub3A_358, %div3A : i32
      %jit3A_360 = arith.constant 7 : i32
      %eq3A_361 = arith.constant 0 : i32
      %eq3A_362 = arith.cmpi eq, %jit3A_360, %eq3A_361 : i32
      %jit3A_363 = arith.constant 1 : i32
      %select_n3A_364 = arith.select %eq3A_362, %jit3A_363, %jit3A_360 : i32
      %rem3A_365 = arith.remsi %scan3A_286, %select_n3A_364 : i32
      %ne3A_366 = arith.constant 0 : i32
      %ne3A_367 = arith.cmpi ne, %rem3A_365, %ne3A_366 : i32
      %lt3A_368 = arith.constant 0 : i32
      %lt3A_369 = arith.cmpi slt, %rem3A_365, %lt3A_368 : i32
      %lt3A_370 = arith.constant 0 : i32
      %lt3A_371 = arith.cmpi slt, %select_n3A_364, %lt3A_370 : i32
      %ne3A_372 = arith.xori %lt3A_369, %lt3A_371 : i1
      %and3A_373 = arith.andi %ne3A_372, %ne3A_367 : i1
      %add3A_374 = arith.addi %rem3A_365, %select_n3A_364 : i32
      %select_n3A_375 = arith.select %and3A_373, %add3A_374, %rem3A_365 : i32
      %mul3A_376 = arith.constant 16 : i32
      %mul3A_377 = arith.muli %select_n3A_375, %mul3A_376 : i32
      %swap3A_378 = arith.index_cast %select_n3A_359 : i32 to index
      %swap3A_379 = arith.index_cast %mul3A_377 : i32 to index
      %swap3A_380 = tpu.vector_load %arg8[%swap3A_378, %swap3A_379] {strides = array<i32>} : memref<14x112xi32, #tpu.memory_space<vmem>>, vector<16xi32>,
      tpu.vector_store %arg8[%swap3A_378, %swap3A_379], %sub3A_318 {strides = array<i32>} : memref<14x112xi32, #tpu.memory_space<vmem>>, vector<16xi32>,
      %ge3A = arith.constant 84 : i32
      %ge3A_381 = arith.cmpi sge, %scan3A_286, %ge3A : i32
      %le3A = arith.constant 86 : i32
      %le3A_382 = arith.cmpi sle, %scan3A_286, %le3A : i32
      %and3A_383 = arith.andi %ge3A_381, %le3A_382 : i1
      %convert_element_type3A_384 = arith.extui %and3A_383 : i1 to i32
      %cond3A_385 = arith.constant 0 : i32
      %cond3A_386 = arith.cmpi ne, %convert_element_type3A_384, %cond3A_385 : i32
      scf.if %cond3A_386 {
        %sub3A_430 = arith.constant 84 : i32
        %sub3A_431 = arith.subi %scan3A_286, %sub3A_430 : i32
        %mul3A_432 = arith.constant 16 : i32
        %mul3A_433 = arith.muli %sub3A_431, %mul3A_432 : i32
        %swap3A_434 = arith.constant 0 : i32
        %swap3A_435 = arith.index_cast %swap3A_434 : i32 to index
        %swap3A_436 = arith.index_cast %mul3A_433 : i32 to index
        %swap3A_437 = tpu.vector_load %arg9[%swap3A_435, %swap3A_436] {strides = array<i32>} : memref<1x48xi32, #tpu.memory_space<vmem>>, vector<16xi32>,
        tpu.vector_store %arg9[%swap3A_435, %swap3A_436], %sub3A_318 {strides = array<i32>} : memref<1x48xi32, #tpu.memory_space<vmem>>, vector<16xi32>,
      } else {
      }
      %mul3A_387 = arith.constant 16 : i32
      %mul3A_388 = arith.muli %scan3A_286, %mul3A_387 : i32
      %add3A_389 = arith.addi %mul3A_7, %mul3A_388 : i32
      %add3A_390 = vector.broadcast %add3A_389 : i32 to vector<16xi32>
      %add3A_391 = arith.addi %add3A_390, %iota3A : vector<16xi32>
      %broadcast_in_dim3A_392 = arith.constant 0 : i32
      %broadcast_in_dim3A_393 = vector.broadcast %broadcast_in_dim3A_392 : i32 to vector<16xi32>
      %ge3A_394 = vector.broadcast %reduce_sum3A_237 : i32 to vector<16xi32>
      %ge3A_395 = arith.cmpi sge, %add3A_391, %ge3A_394 : vector<16xi32>
      %jit3A_396 = arith.constant 1 : i32
      %jit3A_397 = arith.constant 0 : i32
      %broadcast_in_dim3A_398 = vector.broadcast %jit3A_396 : i32 to vector<16xi32>
      %broadcast_in_dim3A_399 = vector.broadcast %jit3A_397 : i32 to vector<16xi32>
      %select_n3A_400 = arith.select %ge3A_395, %broadcast_in_dim3A_398, %broadcast_in_dim3A_399 : vector<16xi1>, vector<16xi32>
      %add3A_401 = arith.addi %broadcast_in_dim3A_393, %select_n3A_400 : vector<16xi32>
      %ge3A_402 = vector.broadcast %reduce_sum3A_247 : i32 to vector<16xi32>
      %ge3A_403 = arith.cmpi sge, %add3A_391, %ge3A_402 : vector<16xi32>
      %jit3A_404 = arith.constant 1 : i32
      %jit3A_405 = arith.constant 0 : i32
      %broadcast_in_dim3A_406 = vector.broadcast %jit3A_404 : i32 to vector<16xi32>
      %broadcast_in_dim3A_407 = vector.broadcast %jit3A_405 : i32 to vector<16xi32>
      %select_n3A_408 = arith.select %ge3A_403, %broadcast_in_dim3A_406, %broadcast_in_dim3A_407 : vector<16xi1>, vector<16xi32>
      %add3A_409 = arith.addi %add3A_401, %select_n3A_408 : vector<16xi32>
      %ge3A_410 = vector.broadcast %reduce_sum3A_257 : i32 to vector<16xi32>
      %ge3A_411 = arith.cmpi sge, %add3A_391, %ge3A_410 : vector<16xi32>
      %jit3A_412 = arith.constant 1 : i32
      %jit3A_413 = arith.constant 0 : i32
      %broadcast_in_dim3A_414 = vector.broadcast %jit3A_412 : i32 to vector<16xi32>
      %broadcast_in_dim3A_415 = vector.broadcast %jit3A_413 : i32 to vector<16xi32>
      %select_n3A_416 = arith.select %ge3A_411, %broadcast_in_dim3A_414, %broadcast_in_dim3A_415 : vector<16xi1>, vector<16xi32>
      %add3A_417 = arith.addi %add3A_409, %select_n3A_416 : vector<16xi32>
      %ge3A_418 = vector.broadcast %reduce_sum3A_267 : i32 to vector<16xi32>
      %ge3A_419 = arith.cmpi sge, %add3A_391, %ge3A_418 : vector<16xi32>
      %jit3A_420 = arith.constant 1 : i32
      %jit3A_421 = arith.constant 0 : i32
      %broadcast_in_dim3A_422 = vector.broadcast %jit3A_420 : i32 to vector<16xi32>
      %broadcast_in_dim3A_423 = vector.broadcast %jit3A_421 : i32 to vector<16xi32>
      %select_n3A_424 = arith.select %ge3A_419, %broadcast_in_dim3A_422, %broadcast_in_dim3A_423 : vector<16xi1>, vector<16xi32>
      %add3A_425 = arith.addi %add3A_417, %select_n3A_424 : vector<16xi32>
      %mul3A_426 = arith.constant 16 : i32
      %mul3A_427 = arith.muli %scan3A_286, %mul3A_426 : i32
      %swap3A_428 = arith.index_cast %mul3A_427 : i32 to index
      %swap3A_429 = tpu.vector_load %arg10[%swap3A_428] {strides = array<i32>} : memref<1568xi32, #tpu.memory_space<vmem>>, vector<16xi32>,
      tpu.vector_store %arg10[%swap3A_428], %add3A_425 {strides = array<i32>} : memref<1568xi32, #tpu.memory_space<vmem>>, vector<16xi32>,
      scf.yield %add3A_339 : vector<16xi32>
    }
    %scan3A_278 = arith.constant 98 : i32
    "tpu.region"() ({
      %run_scoped3A = tpu.sem_alloc : memref<!tpu.dma_semaphore, #tpu.memory_space<semaphore_mem>>
      %dma_start3A = tpu.memref_slice %arg4[%mul3A_7] : memref<50176xi32, #tpu.memory_space<hbm>> -> memref<1568xi32, #tpu.memory_space<hbm>>
      %dma_start3A_286 = tpu.memref_slice %arg4[%mul3A_7] : memref<50176xi32, #tpu.memory_space<hbm>> -> memref<1568xi32, #tpu.memory_space<hbm>>
      tpu.enqueue_dma source(%arg10 : memref<1568xi32, #tpu.memory_space<vmem>>) target(%dma_start3A_286 : memref<1568xi32, #tpu.memory_space<hbm>>) target_semaphore(%run_scoped3A : memref<!tpu.dma_semaphore, #tpu.memory_space<semaphore_mem>>)
      %dma_wait3A = tpu.memref_slice %arg4[%mul3A_7] : memref<50176xi32, #tpu.memory_space<hbm>> -> memref<1568xi32, #tpu.memory_space<hbm>>
      %dma_wait3A_287 = tpu.memref_slice %arg4[%mul3A_7] : memref<50176xi32, #tpu.memory_space<hbm>> -> memref<1568xi32, #tpu.memory_space<hbm>>
      tpu.wait_dma2 semaphore(%run_scoped3A : memref<!tpu.dma_semaphore, #tpu.memory_space<semaphore_mem>>) src(%arg10 : memref<1568xi32, #tpu.memory_space<vmem>>) dst(%dma_wait3A_287 : memref<1568xi32, #tpu.memory_space<hbm>>)
      tpu.yield
    }) : () -> ()
    %lt3A = arith.constant 31 : i32
    %lt3A_279 = arith.cmpi slt, %add3A, %lt3A : i32
    %convert_element_type3A = arith.extui %lt3A_279 : i1 to i32
    %cond3A = arith.constant 0 : i32
    %cond3A_280 = arith.cmpi ne, %convert_element_type3A, %cond3A : i32
    scf.if %cond3A_280 {
      %add3A_286 = arith.constant 0 : i32
      %add3A_287 = arith.addi %mul3A_7, %add3A_286 : i32
      %dma_start3A = arith.constant 0 : i32
      %dma_start3A_288 = tpu.memref_slice %arg3[%add3A_287, %dma_start3A] : memref<50000x384xf32, #tpu.memory_space<hbm>> -> memref<112x384xf32, #tpu.memory_space<hbm>>
      %dma_start3A_289 = arith.constant 0 : i32
      %dma_start3A_290 = tpu.memref_slice %arg3[%add3A_287, %dma_start3A_289] : memref<50000x384xf32, #tpu.memory_space<hbm>> -> memref<112x384xf32, #tpu.memory_space<hbm>>
      tpu.enqueue_dma source(%dma_start3A_290 : memref<112x384xf32, #tpu.memory_space<hbm>>) target(%arg13 : memref<112x384xf32, #tpu.memory_space<vmem>>) target_semaphore(%arg16 : memref<!tpu.dma_semaphore, #tpu.memory_space<semaphore_mem>>)
      %add3A_291 = arith.constant 112 : i32
      %add3A_292 = arith.addi %mul3A_7, %add3A_291 : i32
      %dma_start3A_293 = arith.constant 0 : i32
      %dma_start3A_294 = tpu.memref_slice %arg3[%add3A_292, %dma_start3A_293] : memref<50000x384xf32, #tpu.memory_space<hbm>> -> memref<112x384xf32, #tpu.memory_space<hbm>>
      %dma_start3A_295 = arith.constant 0 : i32
      %dma_start3A_296 = tpu.memref_slice %arg3[%add3A_292, %dma_start3A_295] : memref<50000x384xf32, #tpu.memory_space<hbm>> -> memref<112x384xf32, #tpu.memory_space<hbm>>
      tpu.enqueue_dma source(%dma_start3A_296 : memref<112x384xf32, #tpu.memory_space<hbm>>) target(%arg14 : memref<112x384xf32, #tpu.memory_space<vmem>>) target_semaphore(%arg17 : memref<!tpu.dma_semaphore, #tpu.memory_space<semaphore_mem>>)
      %dma_wait3A = arith.constant 0 : i32
      %dma_wait3A_297 = tpu.memref_slice %arg3[%add3A_287, %dma_wait3A] : memref<50000x384xf32, #tpu.memory_space<hbm>> -> memref<112x384xf32, #tpu.memory_space<hbm>>
      %dma_wait3A_298 = arith.constant 0 : i32
      %dma_wait3A_299 = tpu.memref_slice %arg3[%add3A_287, %dma_wait3A_298] : memref<50000x384xf32, #tpu.memory_space<hbm>> -> memref<112x384xf32, #tpu.memory_space<hbm>>
      tpu.wait_dma2 semaphore(%arg16 : memref<!tpu.dma_semaphore, #tpu.memory_space<semaphore_mem>>) src(%dma_wait3A_299 : memref<112x384xf32, #tpu.memory_space<hbm>>) dst(%arg13 : memref<112x384xf32, #tpu.memory_space<vmem>>)
      %dma_start3A_300 = arith.constant 0 : i32
      %dma_start3A_301 = arith.constant 0 : i32
      %dma_start3A_302 = tpu.memref_slice %arg8[%dma_start3A_300, %dma_start3A_301] : memref<14x112xi32, #tpu.memory_space<vmem>> -> memref<1x112xi32, #tpu.memory_space<vmem>>
      %dma_start3A_303 = tpu.memref_squeeze %dma_start3A_302 : memref<1x112xi32, #tpu.memory_space<vmem>> -> memref<112xi32, #tpu.memory_space<vmem>>
      %dma_start3A_304 = arith.constant 0 : i32
      %dma_start3A_305 = arith.constant 0 : i32
      %dma_start3A_306 = tpu.memref_slice %arg5[%dma_start3A_304, %dma_start3A_305] : memref<50000x384xf32, #tpu.memory_space<hbm>> -> memref<50000x384xf32, #tpu.memory_space<hbm>>
      tpu.enqueue_indirect_dma source(%arg13 : memref<112x384xf32, #tpu.memory_space<vmem>>) target(%dma_start3A_306 : memref<50000x384xf32, #tpu.memory_space<hbm>>) offsets(%dma_start3A_303 : memref<112xi32, #tpu.memory_space<vmem>>) semaphore(%arg16 : memref<!tpu.dma_semaphore, #tpu.memory_space<semaphore_mem>>)
      %dma_wait3A_307 = arith.constant 0 : i32
      %dma_wait3A_308 = arith.constant 0 : i32
      %dma_wait3A_309 = tpu.memref_slice %arg8[%dma_wait3A_307, %dma_wait3A_308] : memref<14x112xi32, #tpu.memory_space<vmem>> -> memref<1x112xi32, #tpu.memory_space<vmem>>
      %dma_wait3A_310 = tpu.memref_squeeze %dma_wait3A_309 : memref<1x112xi32, #tpu.memory_space<vmem>> -> memref<112xi32, #tpu.memory_space<vmem>>
      %dma_wait3A_311 = arith.constant 0 : i32
      %dma_wait3A_312 = arith.constant 0 : i32
      %dma_wait3A_313 = tpu.memref_slice %arg5[%dma_wait3A_311, %dma_wait3A_312] : memref<50000x384xf32, #tpu.memory_space<hbm>> -> memref<50000x384xf32, #tpu.memory_space<hbm>>
      tpu.wait_indirect_dma semaphore(%arg16 : memref<!tpu.dma_semaphore, #tpu.memory_space<semaphore_mem>>) src(%arg13 : memref<112x384xf32, #tpu.memory_space<vmem>>) dst(%dma_wait3A_313 : memref<50000x384xf32, #tpu.memory_space<hbm>>)
      %add3A_314 = arith.constant 224 : i32
      %add3A_315 = arith.addi %mul3A_7, %add3A_314 : i32
      %dma_start3A_316 = arith.constant 0 : i32
      %dma_start3A_317 = tpu.memref_slice %arg3[%add3A_315, %dma_start3A_316] : memref<50000x384xf32, #tpu.memory_space<hbm>> -> memref<112x384xf32, #tpu.memory_space<hbm>>
      %dma_start3A_318 = arith.constant 0 : i32
      %dma_start3A_319 = tpu.memref_slice %arg3[%add3A_315, %dma_start3A_318] : memref<50000x384xf32, #tpu.memory_space<hbm>> -> memref<112x384xf32, #tpu.memory_space<hbm>>
      tpu.enqueue_dma source(%dma_start3A_319 : memref<112x384xf32, #tpu.memory_space<hbm>>) target(%arg13 : memref<112x384xf32, #tpu.memory_space<vmem>>) target_semaphore(%arg16 : memref<!tpu.dma_semaphore, #tpu.memory_space<semaphore_mem>>)
      %dma_wait3A_320 = arith.constant 0 : i32
      %dma_wait3A_321 = tpu.memref_slice %arg3[%add3A_292, %dma_wait3A_320] : memref<50000x384xf32, #tpu.memory_space<hbm>> -> memref<112x384xf32, #tpu.memory_space<hbm>>
      %dma_wait3A_322 = arith.constant 0 : i32
      %dma_wait3A_323 = tpu.memref_slice %arg3[%add3A_292, %dma_wait3A_322] : memref<50000x384xf32, #tpu.memory_space<hbm>> -> memref<112x384xf32, #tpu.memory_space<hbm>>
      tpu.wait_dma2 semaphore(%arg17 : memref<!tpu.dma_semaphore, #tpu.memory_space<semaphore_mem>>) src(%dma_wait3A_323 : memref<112x384xf32, #tpu.memory_space<hbm>>) dst(%arg14 : memref<112x384xf32, #tpu.memory_space<vmem>>)
      %dma_start3A_324 = arith.constant 1 : i32
      %dma_start3A_325 = arith.constant 0 : i32
      %dma_start3A_326 = tpu.memref_slice %arg8[%dma_start3A_324, %dma_start3A_325] : memref<14x112xi32, #tpu.memory_space<vmem>> -> memref<1x112xi32, #tpu.memory_space<vmem>>
      %dma_start3A_327 = tpu.memref_squeeze %dma_start3A_326 : memref<1x112xi32, #tpu.memory_space<vmem>> -> memref<112xi32, #tpu.memory_space<vmem>>
      %dma_start3A_328 = arith.constant 0 : i32
      %dma_start3A_329 = arith.constant 0 : i32
      %dma_start3A_330 = tpu.memref_slice %arg5[%dma_start3A_328, %dma_start3A_329] : memref<50000x384xf32, #tpu.memory_space<hbm>> -> memref<50000x384xf32, #tpu.memory_space<hbm>>
      tpu.enqueue_indirect_dma source(%arg14 : memref<112x384xf32, #tpu.memory_space<vmem>>) target(%dma_start3A_330 : memref<50000x384xf32, #tpu.memory_space<hbm>>) offsets(%dma_start3A_327 : memref<112xi32, #tpu.memory_space<vmem>>) semaphore(%arg17 : memref<!tpu.dma_semaphore, #tpu.memory_space<semaphore_mem>>)
      %dma_wait3A_331 = arith.constant 1 : i32
      %dma_wait3A_332 = arith.constant 0 : i32
      %dma_wait3A_333 = tpu.memref_slice %arg8[%dma_wait3A_331, %dma_wait3A_332] : memref<14x112xi32, #tpu.memory_space<vmem>> -> memref<1x112xi32, #tpu.memory_space<vmem>>
      %dma_wait3A_334 = tpu.memref_squeeze %dma_wait3A_333 : memref<1x112xi32, #tpu.memory_space<vmem>> -> memref<112xi32, #tpu.memory_space<vmem>>
      %dma_wait3A_335 = arith.constant 0 : i32
      %dma_wait3A_336 = arith.constant 0 : i32
      %dma_wait3A_337 = tpu.memref_slice %arg5[%dma_wait3A_335, %dma_wait3A_336] : memref<50000x384xf32, #tpu.memory_space<hbm>> -> memref<50000x384xf32, #tpu.memory_space<hbm>>
      tpu.wait_indirect_dma semaphore(%arg17 : memref<!tpu.dma_semaphore, #tpu.memory_space<semaphore_mem>>) src(%arg14 : memref<112x384xf32, #tpu.memory_space<vmem>>) dst(%dma_wait3A_337 : memref<50000x384xf32, #tpu.memory_space<hbm>>)
      %add3A_338 = arith.constant 336 : i32
      %add3A_339 = arith.addi %mul3A_7, %add3A_338 : i32
      %dma_start3A_340 = arith.constant 0 : i32
      %dma_start3A_341 = tpu.memref_slice %arg3[%add3A_339, %dma_start3A_340] : memref<50000x384xf32, #tpu.memory_space<hbm>> -> memref<112x384xf32, #tpu.memory_space<hbm>>
      %dma_start3A_342 = arith.constant 0 : i32
      %dma_start3A_343 = tpu.memref_slice %arg3[%add3A_339, %dma_start3A_342] : memref<50000x384xf32, #tpu.memory_space<hbm>> -> memref<112x384xf32, #tpu.memory_space<hbm>>
      tpu.enqueue_dma source(%dma_start3A_343 : memref<112x384xf32, #tpu.memory_space<hbm>>) target(%arg14 : memref<112x384xf32, #tpu.memory_space<vmem>>) target_semaphore(%arg17 : memref<!tpu.dma_semaphore, #tpu.memory_space<semaphore_mem>>)
      %dma_wait3A_344 = arith.constant 0 : i32
      %dma_wait3A_345 = tpu.memref_slice %arg3[%add3A_315, %dma_wait3A_344] : memref<50000x384xf32, #tpu.memory_space<hbm>> -> memref<112x384xf32, #tpu.memory_space<hbm>>
      %dma_wait3A_346 = arith.constant 0 : i32
      %dma_wait3A_347 = tpu.memref_slice %arg3[%add3A_315, %dma_wait3A_346] : memref<50000x384xf32, #tpu.memory_space<hbm>> -> memref<112x384xf32, #tpu.memory_space<hbm>>
      tpu.wait_dma2 semaphore(%arg16 : memref<!tpu.dma_semaphore, #tpu.memory_space<semaphore_mem>>) src(%dma_wait3A_347 : memref<112x384xf32, #tpu.memory_space<hbm>>) dst(%arg13 : memref<112x384xf32, #tpu.memory_space<vmem>>)
      %dma_start3A_348 = arith.constant 2 : i32
      %dma_start3A_349 = arith.constant 0 : i32
      %dma_start3A_350 = tpu.memref_slice %arg8[%dma_start3A_348, %dma_start3A_349] : memref<14x112xi32, #tpu.memory_space<vmem>> -> memref<1x112xi32, #tpu.memory_space<vmem>>
      %dma_start3A_351 = tpu.memref_squeeze %dma_start3A_350 : memref<1x112xi32, #tpu.memory_space<vmem>> -> memref<112xi32, #tpu.memory_space<vmem>>
      %dma_start3A_352 = arith.constant 0 : i32
      %dma_start3A_353 = arith.constant 0 : i32
      %dma_start3A_354 = tpu.memref_slice %arg5[%dma_start3A_352, %dma_start3A_353] : memref<50000x384xf32, #tpu.memory_space<hbm>> -> memref<50000x384xf32, #tpu.memory_space<hbm>>
      tpu.enqueue_indirect_dma source(%arg13 : memref<112x384xf32, #tpu.memory_space<vmem>>) target(%dma_start3A_354 : memref<50000x384xf32, #tpu.memory_space<hbm>>) offsets(%dma_start3A_351 : memref<112xi32, #tpu.memory_space<vmem>>) semaphore(%arg16 : memref<!tpu.dma_semaphore, #tpu.memory_space<semaphore_mem>>)
      %dma_wait3A_355 = arith.constant 2 : i32
      %dma_wait3A_356 = arith.constant 0 : i32
      %dma_wait3A_357 = tpu.memref_slice %arg8[%dma_wait3A_355, %dma_wait3A_356] : memref<14x112xi32, #tpu.memory_space<vmem>> -> memref<1x112xi32, #tpu.memory_space<vmem>>
      %dma_wait3A_358 = tpu.memref_squeeze %dma_wait3A_357 : memref<1x112xi32, #tpu.memory_space<vmem>> -> memref<112xi32, #tpu.memory_space<vmem>>
      %dma_wait3A_359 = arith.constant 0 : i32
      %dma_wait3A_360 = arith.constant 0 : i32
      %dma_wait3A_361 = tpu.memref_slice %arg5[%dma_wait3A_359, %dma_wait3A_360] : memref<50000x384xf32, #tpu.memory_space<hbm>> -> memref<50000x384xf32, #tpu.memory_space<hbm>>
      tpu.wait_indirect_dma semaphore(%arg16 : memref<!tpu.dma_semaphore, #tpu.memory_space<semaphore_mem>>) src(%arg13 : memref<112x384xf32, #tpu.memory_space<vmem>>) dst(%dma_wait3A_361 : memref<50000x384xf32, #tpu.memory_space<hbm>>)
      %add3A_362 = arith.constant 448 : i32
      %add3A_363 = arith.addi %mul3A_7, %add3A_362 : i32
      %dma_start3A_364 = arith.constant 0 : i32
      %dma_start3A_365 = tpu.memref_slice %arg3[%add3A_363, %dma_start3A_364] : memref<50000x384xf32, #tpu.memory_space<hbm>> -> memref<112x384xf32, #tpu.memory_space<hbm>>
      %dma_start3A_366 = arith.constant 0 : i32
      %dma_start3A_367 = tpu.memref_slice %arg3[%add3A_363, %dma_start3A_366] : memref<50000x384xf32, #tpu.memory_space<hbm>> -> memref<112x384xf32, #tpu.memory_space<hbm>>
      tpu.enqueue_dma source(%dma_start3A_367 : memref<112x384xf32, #tpu.memory_space<hbm>>) target(%arg13 : memref<112x384xf32, #tpu.memory_space<vmem>>) target_semaphore(%arg16 : memref<!tpu.dma_semaphore, #tpu.memory_space<semaphore_mem>>)
      %dma_wait3A_368 = arith.constant 0 : i32
      %dma_wait3A_369 = tpu.memref_slice %arg3[%add3A_339, %dma_wait3A_368] : memref<50000x384xf32, #tpu.memory_space<hbm>> -> memref<112x384xf32, #tpu.memory_space<hbm>>
      %dma_wait3A_370 = arith.constant 0 : i32
      %dma_wait3A_371 = tpu.memref_slice %arg3[%add3A_339, %dma_wait3A_370] : memref<50000x384xf32, #tpu.memory_space<hbm>> -> memref<112x384xf32, #tpu.memory_space<hbm>>
      tpu.wait_dma2 semaphore(%arg17 : memref<!tpu.dma_semaphore, #tpu.memory_space<semaphore_mem>>) src(%dma_wait3A_371 : memref<112x384xf32, #tpu.memory_space<hbm>>) dst(%arg14 : memref<112x384xf32, #tpu.memory_space<vmem>>)
      %dma_start3A_372 = arith.constant 3 : i32
      %dma_start3A_373 = arith.constant 0 : i32
      %dma_start3A_374 = tpu.memref_slice %arg8[%dma_start3A_372, %dma_start3A_373] : memref<14x112xi32, #tpu.memory_space<vmem>> -> memref<1x112xi32, #tpu.memory_space<vmem>>
      %dma_start3A_375 = tpu.memref_squeeze %dma_start3A_374 : memref<1x112xi32, #tpu.memory_space<vmem>> -> memref<112xi32, #tpu.memory_space<vmem>>
      %dma_start3A_376 = arith.constant 0 : i32
      %dma_start3A_377 = arith.constant 0 : i32
      %dma_start3A_378 = tpu.memref_slice %arg5[%dma_start3A_376, %dma_start3A_377] : memref<50000x384xf32, #tpu.memory_space<hbm>> -> memref<50000x384xf32, #tpu.memory_space<hbm>>
      tpu.enqueue_indirect_dma source(%arg14 : memref<112x384xf32, #tpu.memory_space<vmem>>) target(%dma_start3A_378 : memref<50000x384xf32, #tpu.memory_space<hbm>>) offsets(%dma_start3A_375 : memref<112xi32, #tpu.memory_space<vmem>>) semaphore(%arg17 : memref<!tpu.dma_semaphore, #tpu.memory_space<semaphore_mem>>)
      %dma_wait3A_379 = arith.constant 3 : i32
      %dma_wait3A_380 = arith.constant 0 : i32
      %dma_wait3A_381 = tpu.memref_slice %arg8[%dma_wait3A_379, %dma_wait3A_380] : memref<14x112xi32, #tpu.memory_space<vmem>> -> memref<1x112xi32, #tpu.memory_space<vmem>>
      %dma_wait3A_382 = tpu.memref_squeeze %dma_wait3A_381 : memref<1x112xi32, #tpu.memory_space<vmem>> -> memref<112xi32, #tpu.memory_space<vmem>>
      %dma_wait3A_383 = arith.constant 0 : i32
      %dma_wait3A_384 = arith.constant 0 : i32
      %dma_wait3A_385 = tpu.memref_slice %arg5[%dma_wait3A_383, %dma_wait3A_384] : memref<50000x384xf32, #tpu.memory_space<hbm>> -> memref<50000x384xf32, #tpu.memory_space<hbm>>
      tpu.wait_indirect_dma semaphore(%arg17 : memref<!tpu.dma_semaphore, #tpu.memory_space<semaphore_mem>>) src(%arg14 : memref<112x384xf32, #tpu.memory_space<vmem>>) dst(%dma_wait3A_385 : memref<50000x384xf32, #tpu.memory_space<hbm>>)
      %add3A_386 = arith.constant 560 : i32
      %add3A_387 = arith.addi %mul3A_7, %add3A_386 : i32
      %dma_start3A_388 = arith.constant 0 : i32
      %dma_start3A_389 = tpu.memref_slice %arg3[%add3A_387, %dma_start3A_388] : memref<50000x384xf32, #tpu.memory_space<hbm>> -> memref<112x384xf32, #tpu.memory_space<hbm>>
      %dma_start3A_390 = arith.constant 0 : i32
      %dma_start3A_391 = tpu.memref_slice %arg3[%add3A_387, %dma_start3A_390] : memref<50000x384xf32, #tpu.memory_space<hbm>> -> memref<112x384xf32, #tpu.memory_space<hbm>>
      tpu.enqueue_dma source(%dma_start3A_391 : memref<112x384xf32, #tpu.memory_space<hbm>>) target(%arg14 : memref<112x384xf32, #tpu.memory_space<vmem>>) target_semaphore(%arg17 : memref<!tpu.dma_semaphore, #tpu.memory_space<semaphore_mem>>)
      %dma_wait3A_392 = arith.constant 0 : i32
      %dma_wait3A_393 = tpu.memref_slice %arg3[%add3A_363, %dma_wait3A_392] : memref<50000x384xf32, #tpu.memory_space<hbm>> -> memref<112x384xf32, #tpu.memory_space<hbm>>
      %dma_wait3A_394 = arith.constant 0 : i32
      %dma_wait3A_395 = tpu.memref_slice %arg3[%add3A_363, %dma_wait3A_394] : memref<50000x384xf32, #tpu.memory_space<hbm>> -> memref<112x384xf32, #tpu.memory_space<hbm>>
      tpu.wait_dma2 semaphore(%arg16 : memref<!tpu.dma_semaphore, #tpu.memory_space<semaphore_mem>>) src(%dma_wait3A_395 : memref<112x384xf32, #tpu.memory_space<hbm>>) dst(%arg13 : memref<112x384xf32, #tpu.memory_space<vmem>>)
      %dma_start3A_396 = arith.constant 4 : i32
      %dma_start3A_397 = arith.constant 0 : i32
      %dma_start3A_398 = tpu.memref_slice %arg8[%dma_start3A_396, %dma_start3A_397] : memref<14x112xi32, #tpu.memory_space<vmem>> -> memref<1x112xi32, #tpu.memory_space<vmem>>
      %dma_start3A_399 = tpu.memref_squeeze %dma_start3A_398 : memref<1x112xi32, #tpu.memory_space<vmem>> -> memref<112xi32, #tpu.memory_space<vmem>>
      %dma_start3A_400 = arith.constant 0 : i32
      %dma_start3A_401 = arith.constant 0 : i32
      %dma_start3A_402 = tpu.memref_slice %arg5[%dma_start3A_400, %dma_start3A_401] : memref<50000x384xf32, #tpu.memory_space<hbm>> -> memref<50000x384xf32, #tpu.memory_space<hbm>>
      tpu.enqueue_indirect_dma source(%arg13 : memref<112x384xf32, #tpu.memory_space<vmem>>) target(%dma_start3A_402 : memref<50000x384xf32, #tpu.memory_space<hbm>>) offsets(%dma_start3A_399 : memref<112xi32, #tpu.memory_space<vmem>>) semaphore(%arg16 : memref<!tpu.dma_semaphore, #tpu.memory_space<semaphore_mem>>)
      %dma_wait3A_403 = arith.constant 4 : i32
      %dma_wait3A_404 = arith.constant 0 : i32
      %dma_wait3A_405 = tpu.memref_slice %arg8[%dma_wait3A_403, %dma_wait3A_404] : memref<14x112xi32, #tpu.memory_space<vmem>> -> memref<1x112xi32, #tpu.memory_space<vmem>>
      %dma_wait3A_406 = tpu.memref_squeeze %dma_wait3A_405 : memref<1x112xi32, #tpu.memory_space<vmem>> -> memref<112xi32, #tpu.memory_space<vmem>>
      %dma_wait3A_407 = arith.constant 0 : i32
      %dma_wait3A_408 = arith.constant 0 : i32
      %dma_wait3A_409 = tpu.memref_slice %arg5[%dma_wait3A_407, %dma_wait3A_408] : memref<50000x384xf32, #tpu.memory_space<hbm>> -> memref<50000x384xf32, #tpu.memory_space<hbm>>
      tpu.wait_indirect_dma semaphore(%arg16 : memref<!tpu.dma_semaphore, #tpu.memory_space<semaphore_mem>>) src(%arg13 : memref<112x384xf32, #tpu.memory_space<vmem>>) dst(%dma_wait3A_409 : memref<50000x384xf32, #tpu.memory_space<hbm>>)
      %add3A_410 = arith.constant 672 : i32
      %add3A_411 = arith.addi %mul3A_7, %add3A_410 : i32
      %dma_start3A_412 = arith.constant 0 : i32
      %dma_start3A_413 = tpu.memref_slice %arg3[%add3A_411, %dma_start3A_412] : memref<50000x384xf32, #tpu.memory_space<hbm>> -> memref<112x384xf32, #tpu.memory_space<hbm>>
      %dma_start3A_414 = arith.constant 0 : i32
      %dma_start3A_415 = tpu.memref_slice %arg3[%add3A_411, %dma_start3A_414] : memref<50000x384xf32, #tpu.memory_space<hbm>> -> memref<112x384xf32, #tpu.memory_space<hbm>>
      tpu.enqueue_dma source(%dma_start3A_415 : memref<112x384xf32, #tpu.memory_space<hbm>>) target(%arg13 : memref<112x384xf32, #tpu.memory_space<vmem>>) target_semaphore(%arg16 : memref<!tpu.dma_semaphore, #tpu.memory_space<semaphore_mem>>)
      %dma_wait3A_416 = arith.constant 0 : i32
      %dma_wait3A_417 = tpu.memref_slice %arg3[%add3A_387, %dma_wait3A_416] : memref<50000x384xf32, #tpu.memory_space<hbm>> -> memref<112x384xf32, #tpu.memory_space<hbm>>
      %dma_wait3A_418 = arith.constant 0 : i32
      %dma_wait3A_419 = tpu.memref_slice %arg3[%add3A_387, %dma_wait3A_418] : memref<50000x384xf32, #tpu.memory_space<hbm>> -> memref<112x384xf32, #tpu.memory_space<hbm>>
      tpu.wait_dma2 semaphore(%arg17 : memref<!tpu.dma_semaphore, #tpu.memory_space<semaphore_mem>>) src(%dma_wait3A_419 : memref<112x384xf32, #tpu.memory_space<hbm>>) dst(%arg14 : memref<112x384xf32, #tpu.memory_space<vmem>>)
      %dma_start3A_420 = arith.constant 5 : i32
      %dma_start3A_421 = arith.constant 0 : i32
      %dma_start3A_422 = tpu.memref_slice %arg8[%dma_start3A_420, %dma_start3A_421] : memref<14x112xi32, #tpu.memory_space<vmem>> -> memref<1x112xi32, #tpu.memory_space<vmem>>
      %dma_start3A_423 = tpu.memref_squeeze %dma_start3A_422 : memref<1x112xi32, #tpu.memory_space<vmem>> -> memref<112xi32, #tpu.memory_space<vmem>>
      %dma_start3A_424 = arith.constant 0 : i32
      %dma_start3A_425 = arith.constant 0 : i32
      %dma_start3A_426 = tpu.memref_slice %arg5[%dma_start3A_424, %dma_start3A_425] : memref<50000x384xf32, #tpu.memory_space<hbm>> -> memref<50000x384xf32, #tpu.memory_space<hbm>>
      tpu.enqueue_indirect_dma source(%arg14 : memref<112x384xf32, #tpu.memory_space<vmem>>) target(%dma_start3A_426 : memref<50000x384xf32, #tpu.memory_space<hbm>>) offsets(%dma_start3A_423 : memref<112xi32, #tpu.memory_space<vmem>>) semaphore(%arg17 : memref<!tpu.dma_semaphore, #tpu.memory_space<semaphore_mem>>)
      %dma_wait3A_427 = arith.constant 5 : i32
      %dma_wait3A_428 = arith.constant 0 : i32
      %dma_wait3A_429 = tpu.memref_slice %arg8[%dma_wait3A_427, %dma_wait3A_428] : memref<14x112xi32, #tpu.memory_space<vmem>> -> memref<1x112xi32, #tpu.memory_space<vmem>>
      %dma_wait3A_430 = tpu.memref_squeeze %dma_wait3A_429 : memref<1x112xi32, #tpu.memory_space<vmem>> -> memref<112xi32, #tpu.memory_space<vmem>>
      %dma_wait3A_431 = arith.constant 0 : i32
      %dma_wait3A_432 = arith.constant 0 : i32
      %dma_wait3A_433 = tpu.memref_slice %arg5[%dma_wait3A_431, %dma_wait3A_432] : memref<50000x384xf32, #tpu.memory_space<hbm>> -> memref<50000x384xf32, #tpu.memory_space<hbm>>
      tpu.wait_indirect_dma semaphore(%arg17 : memref<!tpu.dma_semaphore, #tpu.memory_space<semaphore_mem>>) src(%arg14 : memref<112x384xf32, #tpu.memory_space<vmem>>) dst(%dma_wait3A_433 : memref<50000x384xf32, #tpu.memory_space<hbm>>)
      %add3A_434 = arith.constant 784 : i32
      %add3A_435 = arith.addi %mul3A_7, %add3A_434 : i32
      %dma_start3A_436 = arith.constant 0 : i32
      %dma_start3A_437 = tpu.memref_slice %arg3[%add3A_435, %dma_start3A_436] : memref<50000x384xf32, #tpu.memory_space<hbm>> -> memref<112x384xf32, #tpu.memory_space<hbm>>
      %dma_start3A_438 = arith.constant 0 : i32
      %dma_start3A_439 = tpu.memref_slice %arg3[%add3A_435, %dma_start3A_438] : memref<50000x384xf32, #tpu.memory_space<hbm>> -> memref<112x384xf32, #tpu.memory_space<hbm>>
      tpu.enqueue_dma source(%dma_start3A_439 : memref<112x384xf32, #tpu.memory_space<hbm>>) target(%arg14 : memref<112x384xf32, #tpu.memory_space<vmem>>) target_semaphore(%arg17 : memref<!tpu.dma_semaphore, #tpu.memory_space<semaphore_mem>>)
      %dma_wait3A_440 = arith.constant 0 : i32
      %dma_wait3A_441 = tpu.memref_slice %arg3[%add3A_411, %dma_wait3A_440] : memref<50000x384xf32, #tpu.memory_space<hbm>> -> memref<112x384xf32, #tpu.memory_space<hbm>>
      %dma_wait3A_442 = arith.constant 0 : i32
      %dma_wait3A_443 = tpu.memref_slice %arg3[%add3A_411, %dma_wait3A_442] : memref<50000x384xf32, #tpu.memory_space<hbm>> -> memref<112x384xf32, #tpu.memory_space<hbm>>
      tpu.wait_dma2 semaphore(%arg16 : memref<!tpu.dma_semaphore, #tpu.memory_space<semaphore_mem>>) src(%dma_wait3A_443 : memref<112x384xf32, #tpu.memory_space<hbm>>) dst(%arg13 : memref<112x384xf32, #tpu.memory_space<vmem>>)
      %dma_start3A_444 = arith.constant 6 : i32
      %dma_start3A_445 = arith.constant 0 : i32
      %dma_start3A_446 = tpu.memref_slice %arg8[%dma_start3A_444, %dma_start3A_445] : memref<14x112xi32, #tpu.memory_space<vmem>> -> memref<1x112xi32, #tpu.memory_space<vmem>>
      %dma_start3A_447 = tpu.memref_squeeze %dma_start3A_446 : memref<1x112xi32, #tpu.memory_space<vmem>> -> memref<112xi32, #tpu.memory_space<vmem>>
      %dma_start3A_448 = arith.constant 0 : i32
      %dma_start3A_449 = arith.constant 0 : i32
      %dma_start3A_450 = tpu.memref_slice %arg5[%dma_start3A_448, %dma_start3A_449] : memref<50000x384xf32, #tpu.memory_space<hbm>> -> memref<50000x384xf32, #tpu.memory_space<hbm>>
      tpu.enqueue_indirect_dma source(%arg13 : memref<112x384xf32, #tpu.memory_space<vmem>>) target(%dma_start3A_450 : memref<50000x384xf32, #tpu.memory_space<hbm>>) offsets(%dma_start3A_447 : memref<112xi32, #tpu.memory_space<vmem>>) semaphore(%arg16 : memref<!tpu.dma_semaphore, #tpu.memory_space<semaphore_mem>>)
      %dma_wait3A_451 = arith.constant 6 : i32
      %dma_wait3A_452 = arith.constant 0 : i32
      %dma_wait3A_453 = tpu.memref_slice %arg8[%dma_wait3A_451, %dma_wait3A_452] : memref<14x112xi32, #tpu.memory_space<vmem>> -> memref<1x112xi32, #tpu.memory_space<vmem>>
      %dma_wait3A_454 = tpu.memref_squeeze %dma_wait3A_453 : memref<1x112xi32, #tpu.memory_space<vmem>> -> memref<112xi32, #tpu.memory_space<vmem>>
      %dma_wait3A_455 = arith.constant 0 : i32
      %dma_wait3A_456 = arith.constant 0 : i32
      %dma_wait3A_457 = tpu.memref_slice %arg5[%dma_wait3A_455, %dma_wait3A_456] : memref<50000x384xf32, #tpu.memory_space<hbm>> -> memref<50000x384xf32, #tpu.memory_space<hbm>>
      tpu.wait_indirect_dma semaphore(%arg16 : memref<!tpu.dma_semaphore, #tpu.memory_space<semaphore_mem>>) src(%arg13 : memref<112x384xf32, #tpu.memory_space<vmem>>) dst(%dma_wait3A_457 : memref<50000x384xf32, #tpu.memory_space<hbm>>)
      %add3A_458 = arith.constant 896 : i32
      %add3A_459 = arith.addi %mul3A_7, %add3A_458 : i32
      %dma_start3A_460 = arith.constant 0 : i32
      %dma_start3A_461 = tpu.memref_slice %arg3[%add3A_459, %dma_start3A_460] : memref<50000x384xf32, #tpu.memory_space<hbm>> -> memref<112x384xf32, #tpu.memory_space<hbm>>
      %dma_start3A_462 = arith.constant 0 : i32
      %dma_start3A_463 = tpu.memref_slice %arg3[%add3A_459, %dma_start3A_462] : memref<50000x384xf32, #tpu.memory_space<hbm>> -> memref<112x384xf32, #tpu.memory_space<hbm>>
      tpu.enqueue_dma source(%dma_start3A_463 : memref<112x384xf32, #tpu.memory_space<hbm>>) target(%arg13 : memref<112x384xf32, #tpu.memory_space<vmem>>) target_semaphore(%arg16 : memref<!tpu.dma_semaphore, #tpu.memory_space<semaphore_mem>>)
      %dma_wait3A_464 = arith.constant 0 : i32
      %dma_wait3A_465 = tpu.memref_slice %arg3[%add3A_435, %dma_wait3A_464] : memref<50000x384xf32, #tpu.memory_space<hbm>> -> memref<112x384xf32, #tpu.memory_space<hbm>>
      %dma_wait3A_466 = arith.constant 0 : i32
      %dma_wait3A_467 = tpu.memref_slice %arg3[%add3A_435, %dma_wait3A_466] : memref<50000x384xf32, #tpu.memory_space<hbm>> -> memref<112x384xf32, #tpu.memory_space<hbm>>
      tpu.wait_dma2 semaphore(%arg17 : memref<!tpu.dma_semaphore, #tpu.memory_space<semaphore_mem>>) src(%dma_wait3A_467 : memref<112x384xf32, #tpu.memory_space<hbm>>) dst(%arg14 : memref<112x384xf32, #tpu.memory_space<vmem>>)
      %dma_start3A_468 = arith.constant 7 : i32
      %dma_start3A_469 = arith.constant 0 : i32
      %dma_start3A_470 = tpu.memref_slice %arg8[%dma_start3A_468, %dma_start3A_469] : memref<14x112xi32, #tpu.memory_space<vmem>> -> memref<1x112xi32, #tpu.memory_space<vmem>>
      %dma_start3A_471 = tpu.memref_squeeze %dma_start3A_470 : memref<1x112xi32, #tpu.memory_space<vmem>> -> memref<112xi32, #tpu.memory_space<vmem>>
      %dma_start3A_472 = arith.constant 0 : i32
      %dma_start3A_473 = arith.constant 0 : i32
      %dma_start3A_474 = tpu.memref_slice %arg5[%dma_start3A_472, %dma_start3A_473] : memref<50000x384xf32, #tpu.memory_space<hbm>> -> memref<50000x384xf32, #tpu.memory_space<hbm>>
      tpu.enqueue_indirect_dma source(%arg14 : memref<112x384xf32, #tpu.memory_space<vmem>>) target(%dma_start3A_474 : memref<50000x384xf32, #tpu.memory_space<hbm>>) offsets(%dma_start3A_471 : memref<112xi32, #tpu.memory_space<vmem>>) semaphore(%arg17 : memref<!tpu.dma_semaphore, #tpu.memory_space<semaphore_mem>>)
      %dma_wait3A_475 = arith.constant 7 : i32
      %dma_wait3A_476 = arith.constant 0 : i32
      %dma_wait3A_477 = tpu.memref_slice %arg8[%dma_wait3A_475, %dma_wait3A_476] : memref<14x112xi32, #tpu.memory_space<vmem>> -> memref<1x112xi32, #tpu.memory_space<vmem>>
      %dma_wait3A_478 = tpu.memref_squeeze %dma_wait3A_477 : memref<1x112xi32, #tpu.memory_space<vmem>> -> memref<112xi32, #tpu.memory_space<vmem>>
      %dma_wait3A_479 = arith.constant 0 : i32
      %dma_wait3A_480 = arith.constant 0 : i32
      %dma_wait3A_481 = tpu.memref_slice %arg5[%dma_wait3A_479, %dma_wait3A_480] : memref<50000x384xf32, #tpu.memory_space<hbm>> -> memref<50000x384xf32, #tpu.memory_space<hbm>>
      tpu.wait_indirect_dma semaphore(%arg17 : memref<!tpu.dma_semaphore, #tpu.memory_space<semaphore_mem>>) src(%arg14 : memref<112x384xf32, #tpu.memory_space<vmem>>) dst(%dma_wait3A_481 : memref<50000x384xf32, #tpu.memory_space<hbm>>)
      %add3A_482 = arith.constant 1008 : i32
      %add3A_483 = arith.addi %mul3A_7, %add3A_482 : i32
      %dma_start3A_484 = arith.constant 0 : i32
      %dma_start3A_485 = tpu.memref_slice %arg3[%add3A_483, %dma_start3A_484] : memref<50000x384xf32, #tpu.memory_space<hbm>> -> memref<112x384xf32, #tpu.memory_space<hbm>>
      %dma_start3A_486 = arith.constant 0 : i32
      %dma_start3A_487 = tpu.memref_slice %arg3[%add3A_483, %dma_start3A_486] : memref<50000x384xf32, #tpu.memory_space<hbm>> -> memref<112x384xf32, #tpu.memory_space<hbm>>
      tpu.enqueue_dma source(%dma_start3A_487 : memref<112x384xf32, #tpu.memory_space<hbm>>) target(%arg14 : memref<112x384xf32, #tpu.memory_space<vmem>>) target_semaphore(%arg17 : memref<!tpu.dma_semaphore, #tpu.memory_space<semaphore_mem>>)
      %dma_wait3A_488 = arith.constant 0 : i32
      %dma_wait3A_489 = tpu.memref_slice %arg3[%add3A_459, %dma_wait3A_488] : memref<50000x384xf32, #tpu.memory_space<hbm>> -> memref<112x384xf32, #tpu.memory_space<hbm>>
      %dma_wait3A_490 = arith.constant 0 : i32
      %dma_wait3A_491 = tpu.memref_slice %arg3[%add3A_459, %dma_wait3A_490] : memref<50000x384xf32, #tpu.memory_space<hbm>> -> memref<112x384xf32, #tpu.memory_space<hbm>>
      tpu.wait_dma2 semaphore(%arg16 : memref<!tpu.dma_semaphore, #tpu.memory_space<semaphore_mem>>) src(%dma_wait3A_491 : memref<112x384xf32, #tpu.memory_space<hbm>>) dst(%arg13 : memref<112x384xf32, #tpu.memory_space<vmem>>)
      %dma_start3A_492 = arith.constant 8 : i32
      %dma_start3A_493 = arith.constant 0 : i32
      %dma_start3A_494 = tpu.memref_slice %arg8[%dma_start3A_492, %dma_start3A_493] : memref<14x112xi32, #tpu.memory_space<vmem>> -> memref<1x112xi32, #tpu.memory_space<vmem>>
      %dma_start3A_495 = tpu.memref_squeeze %dma_start3A_494 : memref<1x112xi32, #tpu.memory_space<vmem>> -> memref<112xi32, #tpu.memory_space<vmem>>
      %dma_start3A_496 = arith.constant 0 : i32
      %dma_start3A_497 = arith.constant 0 : i32
      %dma_start3A_498 = tpu.memref_slice %arg5[%dma_start3A_496, %dma_start3A_497] : memref<50000x384xf32, #tpu.memory_space<hbm>> -> memref<50000x384xf32, #tpu.memory_space<hbm>>
      tpu.enqueue_indirect_dma source(%arg13 : memref<112x384xf32, #tpu.memory_space<vmem>>) target(%dma_start3A_498 : memref<50000x384xf32, #tpu.memory_space<hbm>>) offsets(%dma_start3A_495 : memref<112xi32, #tpu.memory_space<vmem>>) semaphore(%arg16 : memref<!tpu.dma_semaphore, #tpu.memory_space<semaphore_mem>>)
      %dma_wait3A_499 = arith.constant 8 : i32
      %dma_wait3A_500 = arith.constant 0 : i32
      %dma_wait3A_501 = tpu.memref_slice %arg8[%dma_wait3A_499, %dma_wait3A_500] : memref<14x112xi32, #tpu.memory_space<vmem>> -> memref<1x112xi32, #tpu.memory_space<vmem>>
      %dma_wait3A_502 = tpu.memref_squeeze %dma_wait3A_501 : memref<1x112xi32, #tpu.memory_space<vmem>> -> memref<112xi32, #tpu.memory_space<vmem>>
      %dma_wait3A_503 = arith.constant 0 : i32
      %dma_wait3A_504 = arith.constant 0 : i32
      %dma_wait3A_505 = tpu.memref_slice %arg5[%dma_wait3A_503, %dma_wait3A_504] : memref<50000x384xf32, #tpu.memory_space<hbm>> -> memref<50000x384xf32, #tpu.memory_space<hbm>>
      tpu.wait_indirect_dma semaphore(%arg16 : memref<!tpu.dma_semaphore, #tpu.memory_space<semaphore_mem>>) src(%arg13 : memref<112x384xf32, #tpu.memory_space<vmem>>) dst(%dma_wait3A_505 : memref<50000x384xf32, #tpu.memory_space<hbm>>)
      %add3A_506 = arith.constant 1120 : i32
      %add3A_507 = arith.addi %mul3A_7, %add3A_506 : i32
      %dma_start3A_508 = arith.constant 0 : i32
      %dma_start3A_509 = tpu.memref_slice %arg3[%add3A_507, %dma_start3A_508] : memref<50000x384xf32, #tpu.memory_space<hbm>> -> memref<112x384xf32, #tpu.memory_space<hbm>>
      %dma_start3A_510 = arith.constant 0 : i32
      %dma_start3A_511 = tpu.memref_slice %arg3[%add3A_507, %dma_start3A_510] : memref<50000x384xf32, #tpu.memory_space<hbm>> -> memref<112x384xf32, #tpu.memory_space<hbm>>
      tpu.enqueue_dma source(%dma_start3A_511 : memref<112x384xf32, #tpu.memory_space<hbm>>) target(%arg13 : memref<112x384xf32, #tpu.memory_space<vmem>>) target_semaphore(%arg16 : memref<!tpu.dma_semaphore, #tpu.memory_space<semaphore_mem>>)
      %dma_wait3A_512 = arith.constant 0 : i32
      %dma_wait3A_513 = tpu.memref_slice %arg3[%add3A_483, %dma_wait3A_512] : memref<50000x384xf32, #tpu.memory_space<hbm>> -> memref<112x384xf32, #tpu.memory_space<hbm>>
      %dma_wait3A_514 = arith.constant 0 : i32
      %dma_wait3A_515 = tpu.memref_slice %arg3[%add3A_483, %dma_wait3A_514] : memref<50000x384xf32, #tpu.memory_space<hbm>> -> memref<112x384xf32, #tpu.memory_space<hbm>>
      tpu.wait_dma2 semaphore(%arg17 : memref<!tpu.dma_semaphore, #tpu.memory_space<semaphore_mem>>) src(%dma_wait3A_515 : memref<112x384xf32, #tpu.memory_space<hbm>>) dst(%arg14 : memref<112x384xf32, #tpu.memory_space<vmem>>)
      %dma_start3A_516 = arith.constant 9 : i32
      %dma_start3A_517 = arith.constant 0 : i32
      %dma_start3A_518 = tpu.memref_slice %arg8[%dma_start3A_516, %dma_start3A_517] : memref<14x112xi32, #tpu.memory_space<vmem>> -> memref<1x112xi32, #tpu.memory_space<vmem>>
      %dma_start3A_519 = tpu.memref_squeeze %dma_start3A_518 : memref<1x112xi32, #tpu.memory_space<vmem>> -> memref<112xi32, #tpu.memory_space<vmem>>
      %dma_start3A_520 = arith.constant 0 : i32
      %dma_start3A_521 = arith.constant 0 : i32
      %dma_start3A_522 = tpu.memref_slice %arg5[%dma_start3A_520, %dma_start3A_521] : memref<50000x384xf32, #tpu.memory_space<hbm>> -> memref<50000x384xf32, #tpu.memory_space<hbm>>
      tpu.enqueue_indirect_dma source(%arg14 : memref<112x384xf32, #tpu.memory_space<vmem>>) target(%dma_start3A_522 : memref<50000x384xf32, #tpu.memory_space<hbm>>) offsets(%dma_start3A_519 : memref<112xi32, #tpu.memory_space<vmem>>) semaphore(%arg17 : memref<!tpu.dma_semaphore, #tpu.memory_space<semaphore_mem>>)
      %dma_wait3A_523 = arith.constant 9 : i32
      %dma_wait3A_524 = arith.constant 0 : i32
      %dma_wait3A_525 = tpu.memref_slice %arg8[%dma_wait3A_523, %dma_wait3A_524] : memref<14x112xi32, #tpu.memory_space<vmem>> -> memref<1x112xi32, #tpu.memory_space<vmem>>
      %dma_wait3A_526 = tpu.memref_squeeze %dma_wait3A_525 : memref<1x112xi32, #tpu.memory_space<vmem>> -> memref<112xi32, #tpu.memory_space<vmem>>
      %dma_wait3A_527 = arith.constant 0 : i32
      %dma_wait3A_528 = arith.constant 0 : i32
      %dma_wait3A_529 = tpu.memref_slice %arg5[%dma_wait3A_527, %dma_wait3A_528] : memref<50000x384xf32, #tpu.memory_space<hbm>> -> memref<50000x384xf32, #tpu.memory_space<hbm>>
      tpu.wait_indirect_dma semaphore(%arg17 : memref<!tpu.dma_semaphore, #tpu.memory_space<semaphore_mem>>) src(%arg14 : memref<112x384xf32, #tpu.memory_space<vmem>>) dst(%dma_wait3A_529 : memref<50000x384xf32, #tpu.memory_space<hbm>>)
      %add3A_530 = arith.constant 1232 : i32
      %add3A_531 = arith.addi %mul3A_7, %add3A_530 : i32
      %dma_start3A_532 = arith.constant 0 : i32
      %dma_start3A_533 = tpu.memref_slice %arg3[%add3A_531, %dma_start3A_532] : memref<50000x384xf32, #tpu.memory_space<hbm>> -> memref<112x384xf32, #tpu.memory_space<hbm>>
      %dma_start3A_534 = arith.constant 0 : i32
      %dma_start3A_535 = tpu.memref_slice %arg3[%add3A_531, %dma_start3A_534] : memref<50000x384xf32, #tpu.memory_space<hbm>> -> memref<112x384xf32, #tpu.memory_space<hbm>>
      tpu.enqueue_dma source(%dma_start3A_535 : memref<112x384xf32, #tpu.memory_space<hbm>>) target(%arg14 : memref<112x384xf32, #tpu.memory_space<vmem>>) target_semaphore(%arg17 : memref<!tpu.dma_semaphore, #tpu.memory_space<semaphore_mem>>)
      %dma_wait3A_536 = arith.constant 0 : i32
      %dma_wait3A_537 = tpu.memref_slice %arg3[%add3A_507, %dma_wait3A_536] : memref<50000x384xf32, #tpu.memory_space<hbm>> -> memref<112x384xf32, #tpu.memory_space<hbm>>
      %dma_wait3A_538 = arith.constant 0 : i32
      %dma_wait3A_539 = tpu.memref_slice %arg3[%add3A_507, %dma_wait3A_538] : memref<50000x384xf32, #tpu.memory_space<hbm>> -> memref<112x384xf32, #tpu.memory_space<hbm>>
      tpu.wait_dma2 semaphore(%arg16 : memref<!tpu.dma_semaphore, #tpu.memory_space<semaphore_mem>>) src(%dma_wait3A_539 : memref<112x384xf32, #tpu.memory_space<hbm>>) dst(%arg13 : memref<112x384xf32, #tpu.memory_space<vmem>>)
      %dma_start3A_540 = arith.constant 10 : i32
      %dma_start3A_541 = arith.constant 0 : i32
      %dma_start3A_542 = tpu.memref_slice %arg8[%dma_start3A_540, %dma_start3A_541] : memref<14x112xi32, #tpu.memory_space<vmem>> -> memref<1x112xi32, #tpu.memory_space<vmem>>
      %dma_start3A_543 = tpu.memref_squeeze %dma_start3A_542 : memref<1x112xi32, #tpu.memory_space<vmem>> -> memref<112xi32, #tpu.memory_space<vmem>>
      %dma_start3A_544 = arith.constant 0 : i32
      %dma_start3A_545 = arith.constant 0 : i32
      %dma_start3A_546 = tpu.memref_slice %arg5[%dma_start3A_544, %dma_start3A_545] : memref<50000x384xf32, #tpu.memory_space<hbm>> -> memref<50000x384xf32, #tpu.memory_space<hbm>>
      tpu.enqueue_indirect_dma source(%arg13 : memref<112x384xf32, #tpu.memory_space<vmem>>) target(%dma_start3A_546 : memref<50000x384xf32, #tpu.memory_space<hbm>>) offsets(%dma_start3A_543 : memref<112xi32, #tpu.memory_space<vmem>>) semaphore(%arg16 : memref<!tpu.dma_semaphore, #tpu.memory_space<semaphore_mem>>)
      %dma_wait3A_547 = arith.constant 10 : i32
      %dma_wait3A_548 = arith.constant 0 : i32
      %dma_wait3A_549 = tpu.memref_slice %arg8[%dma_wait3A_547, %dma_wait3A_548] : memref<14x112xi32, #tpu.memory_space<vmem>> -> memref<1x112xi32, #tpu.memory_space<vmem>>
      %dma_wait3A_550 = tpu.memref_squeeze %dma_wait3A_549 : memref<1x112xi32, #tpu.memory_space<vmem>> -> memref<112xi32, #tpu.memory_space<vmem>>
      %dma_wait3A_551 = arith.constant 0 : i32
      %dma_wait3A_552 = arith.constant 0 : i32
      %dma_wait3A_553 = tpu.memref_slice %arg5[%dma_wait3A_551, %dma_wait3A_552] : memref<50000x384xf32, #tpu.memory_space<hbm>> -> memref<50000x384xf32, #tpu.memory_space<hbm>>
      tpu.wait_indirect_dma semaphore(%arg16 : memref<!tpu.dma_semaphore, #tpu.memory_space<semaphore_mem>>) src(%arg13 : memref<112x384xf32, #tpu.memory_space<vmem>>) dst(%dma_wait3A_553 : memref<50000x384xf32, #tpu.memory_space<hbm>>)
      %add3A_554 = arith.constant 1344 : i32
      %add3A_555 = arith.addi %mul3A_7, %add3A_554 : i32
      %dma_start3A_556 = arith.constant 0 : i32
      %dma_start3A_557 = tpu.memref_slice %arg3[%add3A_555, %dma_start3A_556] : memref<50000x384xf32, #tpu.memory_space<hbm>> -> memref<112x384xf32, #tpu.memory_space<hbm>>
      %dma_start3A_558 = arith.constant 0 : i32
      %dma_start3A_559 = tpu.memref_slice %arg3[%add3A_555, %dma_start3A_558] : memref<50000x384xf32, #tpu.memory_space<hbm>> -> memref<112x384xf32, #tpu.memory_space<hbm>>
      tpu.enqueue_dma source(%dma_start3A_559 : memref<112x384xf32, #tpu.memory_space<hbm>>) target(%arg13 : memref<112x384xf32, #tpu.memory_space<vmem>>) target_semaphore(%arg16 : memref<!tpu.dma_semaphore, #tpu.memory_space<semaphore_mem>>)
      %dma_wait3A_560 = arith.constant 0 : i32
      %dma_wait3A_561 = tpu.memref_slice %arg3[%add3A_531, %dma_wait3A_560] : memref<50000x384xf32, #tpu.memory_space<hbm>> -> memref<112x384xf32, #tpu.memory_space<hbm>>
      %dma_wait3A_562 = arith.constant 0 : i32
      %dma_wait3A_563 = tpu.memref_slice %arg3[%add3A_531, %dma_wait3A_562] : memref<50000x384xf32, #tpu.memory_space<hbm>> -> memref<112x384xf32, #tpu.memory_space<hbm>>
      tpu.wait_dma2 semaphore(%arg17 : memref<!tpu.dma_semaphore, #tpu.memory_space<semaphore_mem>>) src(%dma_wait3A_563 : memref<112x384xf32, #tpu.memory_space<hbm>>) dst(%arg14 : memref<112x384xf32, #tpu.memory_space<vmem>>)
      %dma_start3A_564 = arith.constant 11 : i32
      %dma_start3A_565 = arith.constant 0 : i32
      %dma_start3A_566 = tpu.memref_slice %arg8[%dma_start3A_564, %dma_start3A_565] : memref<14x112xi32, #tpu.memory_space<vmem>> -> memref<1x112xi32, #tpu.memory_space<vmem>>
      %dma_start3A_567 = tpu.memref_squeeze %dma_start3A_566 : memref<1x112xi32, #tpu.memory_space<vmem>> -> memref<112xi32, #tpu.memory_space<vmem>>
      %dma_start3A_568 = arith.constant 0 : i32
      %dma_start3A_569 = arith.constant 0 : i32
      %dma_start3A_570 = tpu.memref_slice %arg5[%dma_start3A_568, %dma_start3A_569] : memref<50000x384xf32, #tpu.memory_space<hbm>> -> memref<50000x384xf32, #tpu.memory_space<hbm>>
      tpu.enqueue_indirect_dma source(%arg14 : memref<112x384xf32, #tpu.memory_space<vmem>>) target(%dma_start3A_570 : memref<50000x384xf32, #tpu.memory_space<hbm>>) offsets(%dma_start3A_567 : memref<112xi32, #tpu.memory_space<vmem>>) semaphore(%arg17 : memref<!tpu.dma_semaphore, #tpu.memory_space<semaphore_mem>>)
      %dma_wait3A_571 = arith.constant 11 : i32
      %dma_wait3A_572 = arith.constant 0 : i32
      %dma_wait3A_573 = tpu.memref_slice %arg8[%dma_wait3A_571, %dma_wait3A_572] : memref<14x112xi32, #tpu.memory_space<vmem>> -> memref<1x112xi32, #tpu.memory_space<vmem>>
      %dma_wait3A_574 = tpu.memref_squeeze %dma_wait3A_573 : memref<1x112xi32, #tpu.memory_space<vmem>> -> memref<112xi32, #tpu.memory_space<vmem>>
      %dma_wait3A_575 = arith.constant 0 : i32
      %dma_wait3A_576 = arith.constant 0 : i32
      %dma_wait3A_577 = tpu.memref_slice %arg5[%dma_wait3A_575, %dma_wait3A_576] : memref<50000x384xf32, #tpu.memory_space<hbm>> -> memref<50000x384xf32, #tpu.memory_space<hbm>>
      tpu.wait_indirect_dma semaphore(%arg17 : memref<!tpu.dma_semaphore, #tpu.memory_space<semaphore_mem>>) src(%arg14 : memref<112x384xf32, #tpu.memory_space<vmem>>) dst(%dma_wait3A_577 : memref<50000x384xf32, #tpu.memory_space<hbm>>)
      %add3A_578 = arith.constant 1456 : i32
      %add3A_579 = arith.addi %mul3A_7, %add3A_578 : i32
      %dma_start3A_580 = arith.constant 0 : i32
      %dma_start3A_581 = tpu.memref_slice %arg3[%add3A_579, %dma_start3A_580] : memref<50000x384xf32, #tpu.memory_space<hbm>> -> memref<112x384xf32, #tpu.memory_space<hbm>>
      %dma_start3A_582 = arith.constant 0 : i32
      %dma_start3A_583 = tpu.memref_slice %arg3[%add3A_579, %dma_start3A_582] : memref<50000x384xf32, #tpu.memory_space<hbm>> -> memref<112x384xf32, #tpu.memory_space<hbm>>
      tpu.enqueue_dma source(%dma_start3A_583 : memref<112x384xf32, #tpu.memory_space<hbm>>) target(%arg14 : memref<112x384xf32, #tpu.memory_space<vmem>>) target_semaphore(%arg17 : memref<!tpu.dma_semaphore, #tpu.memory_space<semaphore_mem>>)
      %dma_wait3A_584 = arith.constant 0 : i32
      %dma_wait3A_585 = tpu.memref_slice %arg3[%add3A_555, %dma_wait3A_584] : memref<50000x384xf32, #tpu.memory_space<hbm>> -> memref<112x384xf32, #tpu.memory_space<hbm>>
      %dma_wait3A_586 = arith.constant 0 : i32
      %dma_wait3A_587 = tpu.memref_slice %arg3[%add3A_555, %dma_wait3A_586] : memref<50000x384xf32, #tpu.memory_space<hbm>> -> memref<112x384xf32, #tpu.memory_space<hbm>>
      tpu.wait_dma2 semaphore(%arg16 : memref<!tpu.dma_semaphore, #tpu.memory_space<semaphore_mem>>) src(%dma_wait3A_587 : memref<112x384xf32, #tpu.memory_space<hbm>>) dst(%arg13 : memref<112x384xf32, #tpu.memory_space<vmem>>)
      %dma_start3A_588 = arith.constant 12 : i32
      %dma_start3A_589 = arith.constant 0 : i32
      %dma_start3A_590 = tpu.memref_slice %arg8[%dma_start3A_588, %dma_start3A_589] : memref<14x112xi32, #tpu.memory_space<vmem>> -> memref<1x112xi32, #tpu.memory_space<vmem>>
      %dma_start3A_591 = tpu.memref_squeeze %dma_start3A_590 : memref<1x112xi32, #tpu.memory_space<vmem>> -> memref<112xi32, #tpu.memory_space<vmem>>
      %dma_start3A_592 = arith.constant 0 : i32
      %dma_start3A_593 = arith.constant 0 : i32
      %dma_start3A_594 = tpu.memref_slice %arg5[%dma_start3A_592, %dma_start3A_593] : memref<50000x384xf32, #tpu.memory_space<hbm>> -> memref<50000x384xf32, #tpu.memory_space<hbm>>
      tpu.enqueue_indirect_dma source(%arg13 : memref<112x384xf32, #tpu.memory_space<vmem>>) target(%dma_start3A_594 : memref<50000x384xf32, #tpu.memory_space<hbm>>) offsets(%dma_start3A_591 : memref<112xi32, #tpu.memory_space<vmem>>) semaphore(%arg16 : memref<!tpu.dma_semaphore, #tpu.memory_space<semaphore_mem>>)
      %dma_wait3A_595 = arith.constant 12 : i32
      %dma_wait3A_596 = arith.constant 0 : i32
      %dma_wait3A_597 = tpu.memref_slice %arg8[%dma_wait3A_595, %dma_wait3A_596] : memref<14x112xi32, #tpu.memory_space<vmem>> -> memref<1x112xi32, #tpu.memory_space<vmem>>
      %dma_wait3A_598 = tpu.memref_squeeze %dma_wait3A_597 : memref<1x112xi32, #tpu.memory_space<vmem>> -> memref<112xi32, #tpu.memory_space<vmem>>
      %dma_wait3A_599 = arith.constant 0 : i32
      %dma_wait3A_600 = arith.constant 0 : i32
      %dma_wait3A_601 = tpu.memref_slice %arg5[%dma_wait3A_599, %dma_wait3A_600] : memref<50000x384xf32, #tpu.memory_space<hbm>> -> memref<50000x384xf32, #tpu.memory_space<hbm>>
      tpu.wait_indirect_dma semaphore(%arg16 : memref<!tpu.dma_semaphore, #tpu.memory_space<semaphore_mem>>) src(%arg13 : memref<112x384xf32, #tpu.memory_space<vmem>>) dst(%dma_wait3A_601 : memref<50000x384xf32, #tpu.memory_space<hbm>>)
      %dma_wait3A_602 = arith.constant 0 : i32
      %dma_wait3A_603 = tpu.memref_slice %arg3[%add3A_579, %dma_wait3A_602] : memref<50000x384xf32, #tpu.memory_space<hbm>> -> memref<112x384xf32, #tpu.memory_space<hbm>>
      %dma_wait3A_604 = arith.constant 0 : i32
      %dma_wait3A_605 = tpu.memref_slice %arg3[%add3A_579, %dma_wait3A_604] : memref<50000x384xf32, #tpu.memory_space<hbm>> -> memref<112x384xf32, #tpu.memory_space<hbm>>
      tpu.wait_dma2 semaphore(%arg17 : memref<!tpu.dma_semaphore, #tpu.memory_space<semaphore_mem>>) src(%dma_wait3A_605 : memref<112x384xf32, #tpu.memory_space<hbm>>) dst(%arg14 : memref<112x384xf32, #tpu.memory_space<vmem>>)
      %dma_start3A_606 = arith.constant 13 : i32
      %dma_start3A_607 = arith.constant 0 : i32
      %dma_start3A_608 = tpu.memref_slice %arg8[%dma_start3A_606, %dma_start3A_607] : memref<14x112xi32, #tpu.memory_space<vmem>> -> memref<1x112xi32, #tpu.memory_space<vmem>>
      %dma_start3A_609 = tpu.memref_squeeze %dma_start3A_608 : memref<1x112xi32, #tpu.memory_space<vmem>> -> memref<112xi32, #tpu.memory_space<vmem>>
      %dma_start3A_610 = arith.constant 0 : i32
      %dma_start3A_611 = arith.constant 0 : i32
      %dma_start3A_612 = tpu.memref_slice %arg5[%dma_start3A_610, %dma_start3A_611] : memref<50000x384xf32, #tpu.memory_space<hbm>> -> memref<50000x384xf32, #tpu.memory_space<hbm>>
      tpu.enqueue_indirect_dma source(%arg14 : memref<112x384xf32, #tpu.memory_space<vmem>>) target(%dma_start3A_612 : memref<50000x384xf32, #tpu.memory_space<hbm>>) offsets(%dma_start3A_609 : memref<112xi32, #tpu.memory_space<vmem>>) semaphore(%arg17 : memref<!tpu.dma_semaphore, #tpu.memory_space<semaphore_mem>>)
      %dma_wait3A_613 = arith.constant 13 : i32
      %dma_wait3A_614 = arith.constant 0 : i32
      %dma_wait3A_615 = tpu.memref_slice %arg8[%dma_wait3A_613, %dma_wait3A_614] : memref<14x112xi32, #tpu.memory_space<vmem>> -> memref<1x112xi32, #tpu.memory_space<vmem>>
      %dma_wait3A_616 = tpu.memref_squeeze %dma_wait3A_615 : memref<1x112xi32, #tpu.memory_space<vmem>> -> memref<112xi32, #tpu.memory_space<vmem>>
      %dma_wait3A_617 = arith.constant 0 : i32
      %dma_wait3A_618 = arith.constant 0 : i32
      %dma_wait3A_619 = tpu.memref_slice %arg5[%dma_wait3A_617, %dma_wait3A_618] : memref<50000x384xf32, #tpu.memory_space<hbm>> -> memref<50000x384xf32, #tpu.memory_space<hbm>>
      tpu.wait_indirect_dma semaphore(%arg17 : memref<!tpu.dma_semaphore, #tpu.memory_space<semaphore_mem>>) src(%arg14 : memref<112x384xf32, #tpu.memory_space<vmem>>) dst(%dma_wait3A_619 : memref<50000x384xf32, #tpu.memory_space<hbm>>)
    } else {
    }
    %eq3A_281 = arith.constant 31 : i32
    %eq3A_282 = arith.cmpi eq, %add3A, %eq3A_281 : i32
    %convert_element_type3A_283 = arith.extui %eq3A_282 : i1 to i32
    %cond3A_284 = arith.constant 0 : i32
    %cond3A_285 = arith.cmpi ne, %convert_element_type3A_283, %cond3A_284 : i32
    scf.if %cond3A_285 {
      %add3A_286 = arith.constant 0 : i32
      %add3A_287 = arith.addi %mul3A_7, %add3A_286 : i32
      %dma_start3A = arith.constant 0 : i32
      %dma_start3A_288 = tpu.memref_slice %arg3[%add3A_287, %dma_start3A] : memref<50000x384xf32, #tpu.memory_space<hbm>> -> memref<112x384xf32, #tpu.memory_space<hbm>>
      %dma_start3A_289 = arith.constant 0 : i32
      %dma_start3A_290 = tpu.memref_slice %arg3[%add3A_287, %dma_start3A_289] : memref<50000x384xf32, #tpu.memory_space<hbm>> -> memref<112x384xf32, #tpu.memory_space<hbm>>
      tpu.enqueue_dma source(%dma_start3A_290 : memref<112x384xf32, #tpu.memory_space<hbm>>) target(%arg13 : memref<112x384xf32, #tpu.memory_space<vmem>>) target_semaphore(%arg16 : memref<!tpu.dma_semaphore, #tpu.memory_space<semaphore_mem>>)
      %add3A_291 = arith.constant 112 : i32
      %add3A_292 = arith.addi %mul3A_7, %add3A_291 : i32
      %dma_start3A_293 = arith.constant 0 : i32
      %dma_start3A_294 = tpu.memref_slice %arg3[%add3A_292, %dma_start3A_293] : memref<50000x384xf32, #tpu.memory_space<hbm>> -> memref<112x384xf32, #tpu.memory_space<hbm>>
      %dma_start3A_295 = arith.constant 0 : i32
      %dma_start3A_296 = tpu.memref_slice %arg3[%add3A_292, %dma_start3A_295] : memref<50000x384xf32, #tpu.memory_space<hbm>> -> memref<112x384xf32, #tpu.memory_space<hbm>>
      tpu.enqueue_dma source(%dma_start3A_296 : memref<112x384xf32, #tpu.memory_space<hbm>>) target(%arg14 : memref<112x384xf32, #tpu.memory_space<vmem>>) target_semaphore(%arg17 : memref<!tpu.dma_semaphore, #tpu.memory_space<semaphore_mem>>)
      %dma_wait3A = arith.constant 0 : i32
      %dma_wait3A_297 = tpu.memref_slice %arg3[%add3A_287, %dma_wait3A] : memref<50000x384xf32, #tpu.memory_space<hbm>> -> memref<112x384xf32, #tpu.memory_space<hbm>>
      %dma_wait3A_298 = arith.constant 0 : i32
      %dma_wait3A_299 = tpu.memref_slice %arg3[%add3A_287, %dma_wait3A_298] : memref<50000x384xf32, #tpu.memory_space<hbm>> -> memref<112x384xf32, #tpu.memory_space<hbm>>
      tpu.wait_dma2 semaphore(%arg16 : memref<!tpu.dma_semaphore, #tpu.memory_space<semaphore_mem>>) src(%dma_wait3A_299 : memref<112x384xf32, #tpu.memory_space<hbm>>) dst(%arg13 : memref<112x384xf32, #tpu.memory_space<vmem>>)
      %dma_start3A_300 = arith.constant 0 : i32
      %dma_start3A_301 = arith.constant 0 : i32
      %dma_start3A_302 = tpu.memref_slice %arg8[%dma_start3A_300, %dma_start3A_301] : memref<14x112xi32, #tpu.memory_space<vmem>> -> memref<1x112xi32, #tpu.memory_space<vmem>>
      %dma_start3A_303 = tpu.memref_squeeze %dma_start3A_302 : memref<1x112xi32, #tpu.memory_space<vmem>> -> memref<112xi32, #tpu.memory_space<vmem>>
      %dma_start3A_304 = arith.constant 0 : i32
      %dma_start3A_305 = arith.constant 0 : i32
      %dma_start3A_306 = tpu.memref_slice %arg5[%dma_start3A_304, %dma_start3A_305] : memref<50000x384xf32, #tpu.memory_space<hbm>> -> memref<50000x384xf32, #tpu.memory_space<hbm>>
      tpu.enqueue_indirect_dma source(%arg13 : memref<112x384xf32, #tpu.memory_space<vmem>>) target(%dma_start3A_306 : memref<50000x384xf32, #tpu.memory_space<hbm>>) offsets(%dma_start3A_303 : memref<112xi32, #tpu.memory_space<vmem>>) semaphore(%arg16 : memref<!tpu.dma_semaphore, #tpu.memory_space<semaphore_mem>>)
      %dma_wait3A_307 = arith.constant 0 : i32
      %dma_wait3A_308 = arith.constant 0 : i32
      %dma_wait3A_309 = tpu.memref_slice %arg8[%dma_wait3A_307, %dma_wait3A_308] : memref<14x112xi32, #tpu.memory_space<vmem>> -> memref<1x112xi32, #tpu.memory_space<vmem>>
      %dma_wait3A_310 = tpu.memref_squeeze %dma_wait3A_309 : memref<1x112xi32, #tpu.memory_space<vmem>> -> memref<112xi32, #tpu.memory_space<vmem>>
      %dma_wait3A_311 = arith.constant 0 : i32
      %dma_wait3A_312 = arith.constant 0 : i32
      %dma_wait3A_313 = tpu.memref_slice %arg5[%dma_wait3A_311, %dma_wait3A_312] : memref<50000x384xf32, #tpu.memory_space<hbm>> -> memref<50000x384xf32, #tpu.memory_space<hbm>>
      tpu.wait_indirect_dma semaphore(%arg16 : memref<!tpu.dma_semaphore, #tpu.memory_space<semaphore_mem>>) src(%arg13 : memref<112x384xf32, #tpu.memory_space<vmem>>) dst(%dma_wait3A_313 : memref<50000x384xf32, #tpu.memory_space<hbm>>)
      %add3A_314 = arith.constant 224 : i32
      %add3A_315 = arith.addi %mul3A_7, %add3A_314 : i32
      %dma_start3A_316 = arith.constant 0 : i32
      %dma_start3A_317 = tpu.memref_slice %arg3[%add3A_315, %dma_start3A_316] : memref<50000x384xf32, #tpu.memory_space<hbm>> -> memref<112x384xf32, #tpu.memory_space<hbm>>
      %dma_start3A_318 = arith.constant 0 : i32
      %dma_start3A_319 = tpu.memref_slice %arg3[%add3A_315, %dma_start3A_318] : memref<50000x384xf32, #tpu.memory_space<hbm>> -> memref<112x384xf32, #tpu.memory_space<hbm>>
      tpu.enqueue_dma source(%dma_start3A_319 : memref<112x384xf32, #tpu.memory_space<hbm>>) target(%arg13 : memref<112x384xf32, #tpu.memory_space<vmem>>) target_semaphore(%arg16 : memref<!tpu.dma_semaphore, #tpu.memory_space<semaphore_mem>>)
      %dma_wait3A_320 = arith.constant 0 : i32
      %dma_wait3A_321 = tpu.memref_slice %arg3[%add3A_292, %dma_wait3A_320] : memref<50000x384xf32, #tpu.memory_space<hbm>> -> memref<112x384xf32, #tpu.memory_space<hbm>>
      %dma_wait3A_322 = arith.constant 0 : i32
      %dma_wait3A_323 = tpu.memref_slice %arg3[%add3A_292, %dma_wait3A_322] : memref<50000x384xf32, #tpu.memory_space<hbm>> -> memref<112x384xf32, #tpu.memory_space<hbm>>
      tpu.wait_dma2 semaphore(%arg17 : memref<!tpu.dma_semaphore, #tpu.memory_space<semaphore_mem>>) src(%dma_wait3A_323 : memref<112x384xf32, #tpu.memory_space<hbm>>) dst(%arg14 : memref<112x384xf32, #tpu.memory_space<vmem>>)
      %dma_start3A_324 = arith.constant 1 : i32
      %dma_start3A_325 = arith.constant 0 : i32
      %dma_start3A_326 = tpu.memref_slice %arg8[%dma_start3A_324, %dma_start3A_325] : memref<14x112xi32, #tpu.memory_space<vmem>> -> memref<1x112xi32, #tpu.memory_space<vmem>>
      %dma_start3A_327 = tpu.memref_squeeze %dma_start3A_326 : memref<1x112xi32, #tpu.memory_space<vmem>> -> memref<112xi32, #tpu.memory_space<vmem>>
      %dma_start3A_328 = arith.constant 0 : i32
      %dma_start3A_329 = arith.constant 0 : i32
      %dma_start3A_330 = tpu.memref_slice %arg5[%dma_start3A_328, %dma_start3A_329] : memref<50000x384xf32, #tpu.memory_space<hbm>> -> memref<50000x384xf32, #tpu.memory_space<hbm>>
      tpu.enqueue_indirect_dma source(%arg14 : memref<112x384xf32, #tpu.memory_space<vmem>>) target(%dma_start3A_330 : memref<50000x384xf32, #tpu.memory_space<hbm>>) offsets(%dma_start3A_327 : memref<112xi32, #tpu.memory_space<vmem>>) semaphore(%arg17 : memref<!tpu.dma_semaphore, #tpu.memory_space<semaphore_mem>>)
      %dma_wait3A_331 = arith.constant 1 : i32
      %dma_wait3A_332 = arith.constant 0 : i32
      %dma_wait3A_333 = tpu.memref_slice %arg8[%dma_wait3A_331, %dma_wait3A_332] : memref<14x112xi32, #tpu.memory_space<vmem>> -> memref<1x112xi32, #tpu.memory_space<vmem>>
      %dma_wait3A_334 = tpu.memref_squeeze %dma_wait3A_333 : memref<1x112xi32, #tpu.memory_space<vmem>> -> memref<112xi32, #tpu.memory_space<vmem>>
      %dma_wait3A_335 = arith.constant 0 : i32
      %dma_wait3A_336 = arith.constant 0 : i32
      %dma_wait3A_337 = tpu.memref_slice %arg5[%dma_wait3A_335, %dma_wait3A_336] : memref<50000x384xf32, #tpu.memory_space<hbm>> -> memref<50000x384xf32, #tpu.memory_space<hbm>>
      tpu.wait_indirect_dma semaphore(%arg17 : memref<!tpu.dma_semaphore, #tpu.memory_space<semaphore_mem>>) src(%arg14 : memref<112x384xf32, #tpu.memory_space<vmem>>) dst(%dma_wait3A_337 : memref<50000x384xf32, #tpu.memory_space<hbm>>)
      %add3A_338 = arith.constant 336 : i32
      %add3A_339 = arith.addi %mul3A_7, %add3A_338 : i32
      %dma_start3A_340 = arith.constant 0 : i32
      %dma_start3A_341 = tpu.memref_slice %arg3[%add3A_339, %dma_start3A_340] : memref<50000x384xf32, #tpu.memory_space<hbm>> -> memref<112x384xf32, #tpu.memory_space<hbm>>
      %dma_start3A_342 = arith.constant 0 : i32
      %dma_start3A_343 = tpu.memref_slice %arg3[%add3A_339, %dma_start3A_342] : memref<50000x384xf32, #tpu.memory_space<hbm>> -> memref<112x384xf32, #tpu.memory_space<hbm>>
      tpu.enqueue_dma source(%dma_start3A_343 : memref<112x384xf32, #tpu.memory_space<hbm>>) target(%arg14 : memref<112x384xf32, #tpu.memory_space<vmem>>) target_semaphore(%arg17 : memref<!tpu.dma_semaphore, #tpu.memory_space<semaphore_mem>>)
      %dma_wait3A_344 = arith.constant 0 : i32
      %dma_wait3A_345 = tpu.memref_slice %arg3[%add3A_315, %dma_wait3A_344] : memref<50000x384xf32, #tpu.memory_space<hbm>> -> memref<112x384xf32, #tpu.memory_space<hbm>>
      %dma_wait3A_346 = arith.constant 0 : i32
      %dma_wait3A_347 = tpu.memref_slice %arg3[%add3A_315, %dma_wait3A_346] : memref<50000x384xf32, #tpu.memory_space<hbm>> -> memref<112x384xf32, #tpu.memory_space<hbm>>
      tpu.wait_dma2 semaphore(%arg16 : memref<!tpu.dma_semaphore, #tpu.memory_space<semaphore_mem>>) src(%dma_wait3A_347 : memref<112x384xf32, #tpu.memory_space<hbm>>) dst(%arg13 : memref<112x384xf32, #tpu.memory_space<vmem>>)
      %dma_start3A_348 = arith.constant 2 : i32
      %dma_start3A_349 = arith.constant 0 : i32
      %dma_start3A_350 = tpu.memref_slice %arg8[%dma_start3A_348, %dma_start3A_349] : memref<14x112xi32, #tpu.memory_space<vmem>> -> memref<1x112xi32, #tpu.memory_space<vmem>>
      %dma_start3A_351 = tpu.memref_squeeze %dma_start3A_350 : memref<1x112xi32, #tpu.memory_space<vmem>> -> memref<112xi32, #tpu.memory_space<vmem>>
      %dma_start3A_352 = arith.constant 0 : i32
      %dma_start3A_353 = arith.constant 0 : i32
      %dma_start3A_354 = tpu.memref_slice %arg5[%dma_start3A_352, %dma_start3A_353] : memref<50000x384xf32, #tpu.memory_space<hbm>> -> memref<50000x384xf32, #tpu.memory_space<hbm>>
      tpu.enqueue_indirect_dma source(%arg13 : memref<112x384xf32, #tpu.memory_space<vmem>>) target(%dma_start3A_354 : memref<50000x384xf32, #tpu.memory_space<hbm>>) offsets(%dma_start3A_351 : memref<112xi32, #tpu.memory_space<vmem>>) semaphore(%arg16 : memref<!tpu.dma_semaphore, #tpu.memory_space<semaphore_mem>>)
      %dma_wait3A_355 = arith.constant 2 : i32
      %dma_wait3A_356 = arith.constant 0 : i32
      %dma_wait3A_357 = tpu.memref_slice %arg8[%dma_wait3A_355, %dma_wait3A_356] : memref<14x112xi32, #tpu.memory_space<vmem>> -> memref<1x112xi32, #tpu.memory_space<vmem>>
      %dma_wait3A_358 = tpu.memref_squeeze %dma_wait3A_357 : memref<1x112xi32, #tpu.memory_space<vmem>> -> memref<112xi32, #tpu.memory_space<vmem>>
      %dma_wait3A_359 = arith.constant 0 : i32
      %dma_wait3A_360 = arith.constant 0 : i32
      %dma_wait3A_361 = tpu.memref_slice %arg5[%dma_wait3A_359, %dma_wait3A_360] : memref<50000x384xf32, #tpu.memory_space<hbm>> -> memref<50000x384xf32, #tpu.memory_space<hbm>>
      tpu.wait_indirect_dma semaphore(%arg16 : memref<!tpu.dma_semaphore, #tpu.memory_space<semaphore_mem>>) src(%arg13 : memref<112x384xf32, #tpu.memory_space<vmem>>) dst(%dma_wait3A_361 : memref<50000x384xf32, #tpu.memory_space<hbm>>)
      %add3A_362 = arith.constant 448 : i32
      %add3A_363 = arith.addi %mul3A_7, %add3A_362 : i32
      %dma_start3A_364 = arith.constant 0 : i32
      %dma_start3A_365 = tpu.memref_slice %arg3[%add3A_363, %dma_start3A_364] : memref<50000x384xf32, #tpu.memory_space<hbm>> -> memref<112x384xf32, #tpu.memory_space<hbm>>
      %dma_start3A_366 = arith.constant 0 : i32
      %dma_start3A_367 = tpu.memref_slice %arg3[%add3A_363, %dma_start3A_366] : memref<50000x384xf32, #tpu.memory_space<hbm>> -> memref<112x384xf32, #tpu.memory_space<hbm>>
      tpu.enqueue_dma source(%dma_start3A_367 : memref<112x384xf32, #tpu.memory_space<hbm>>) target(%arg13 : memref<112x384xf32, #tpu.memory_space<vmem>>) target_semaphore(%arg16 : memref<!tpu.dma_semaphore, #tpu.memory_space<semaphore_mem>>)
      %dma_wait3A_368 = arith.constant 0 : i32
      %dma_wait3A_369 = tpu.memref_slice %arg3[%add3A_339, %dma_wait3A_368] : memref<50000x384xf32, #tpu.memory_space<hbm>> -> memref<112x384xf32, #tpu.memory_space<hbm>>
      %dma_wait3A_370 = arith.constant 0 : i32
      %dma_wait3A_371 = tpu.memref_slice %arg3[%add3A_339, %dma_wait3A_370] : memref<50000x384xf32, #tpu.memory_space<hbm>> -> memref<112x384xf32, #tpu.memory_space<hbm>>
      tpu.wait_dma2 semaphore(%arg17 : memref<!tpu.dma_semaphore, #tpu.memory_space<semaphore_mem>>) src(%dma_wait3A_371 : memref<112x384xf32, #tpu.memory_space<hbm>>) dst(%arg14 : memref<112x384xf32, #tpu.memory_space<vmem>>)
      %dma_start3A_372 = arith.constant 3 : i32
      %dma_start3A_373 = arith.constant 0 : i32
      %dma_start3A_374 = tpu.memref_slice %arg8[%dma_start3A_372, %dma_start3A_373] : memref<14x112xi32, #tpu.memory_space<vmem>> -> memref<1x112xi32, #tpu.memory_space<vmem>>
      %dma_start3A_375 = tpu.memref_squeeze %dma_start3A_374 : memref<1x112xi32, #tpu.memory_space<vmem>> -> memref<112xi32, #tpu.memory_space<vmem>>
      %dma_start3A_376 = arith.constant 0 : i32
      %dma_start3A_377 = arith.constant 0 : i32
      %dma_start3A_378 = tpu.memref_slice %arg5[%dma_start3A_376, %dma_start3A_377] : memref<50000x384xf32, #tpu.memory_space<hbm>> -> memref<50000x384xf32, #tpu.memory_space<hbm>>
      tpu.enqueue_indirect_dma source(%arg14 : memref<112x384xf32, #tpu.memory_space<vmem>>) target(%dma_start3A_378 : memref<50000x384xf32, #tpu.memory_space<hbm>>) offsets(%dma_start3A_375 : memref<112xi32, #tpu.memory_space<vmem>>) semaphore(%arg17 : memref<!tpu.dma_semaphore, #tpu.memory_space<semaphore_mem>>)
      %dma_wait3A_379 = arith.constant 3 : i32
      %dma_wait3A_380 = arith.constant 0 : i32
      %dma_wait3A_381 = tpu.memref_slice %arg8[%dma_wait3A_379, %dma_wait3A_380] : memref<14x112xi32, #tpu.memory_space<vmem>> -> memref<1x112xi32, #tpu.memory_space<vmem>>
      %dma_wait3A_382 = tpu.memref_squeeze %dma_wait3A_381 : memref<1x112xi32, #tpu.memory_space<vmem>> -> memref<112xi32, #tpu.memory_space<vmem>>
      %dma_wait3A_383 = arith.constant 0 : i32
      %dma_wait3A_384 = arith.constant 0 : i32
      %dma_wait3A_385 = tpu.memref_slice %arg5[%dma_wait3A_383, %dma_wait3A_384] : memref<50000x384xf32, #tpu.memory_space<hbm>> -> memref<50000x384xf32, #tpu.memory_space<hbm>>
      tpu.wait_indirect_dma semaphore(%arg17 : memref<!tpu.dma_semaphore, #tpu.memory_space<semaphore_mem>>) src(%arg14 : memref<112x384xf32, #tpu.memory_space<vmem>>) dst(%dma_wait3A_385 : memref<50000x384xf32, #tpu.memory_space<hbm>>)
      %add3A_386 = arith.constant 560 : i32
      %add3A_387 = arith.addi %mul3A_7, %add3A_386 : i32
      %dma_start3A_388 = arith.constant 0 : i32
      %dma_start3A_389 = tpu.memref_slice %arg3[%add3A_387, %dma_start3A_388] : memref<50000x384xf32, #tpu.memory_space<hbm>> -> memref<112x384xf32, #tpu.memory_space<hbm>>
      %dma_start3A_390 = arith.constant 0 : i32
      %dma_start3A_391 = tpu.memref_slice %arg3[%add3A_387, %dma_start3A_390] : memref<50000x384xf32, #tpu.memory_space<hbm>> -> memref<112x384xf32, #tpu.memory_space<hbm>>
      tpu.enqueue_dma source(%dma_start3A_391 : memref<112x384xf32, #tpu.memory_space<hbm>>) target(%arg14 : memref<112x384xf32, #tpu.memory_space<vmem>>) target_semaphore(%arg17 : memref<!tpu.dma_semaphore, #tpu.memory_space<semaphore_mem>>)
      %dma_wait3A_392 = arith.constant 0 : i32
      %dma_wait3A_393 = tpu.memref_slice %arg3[%add3A_363, %dma_wait3A_392] : memref<50000x384xf32, #tpu.memory_space<hbm>> -> memref<112x384xf32, #tpu.memory_space<hbm>>
      %dma_wait3A_394 = arith.constant 0 : i32
      %dma_wait3A_395 = tpu.memref_slice %arg3[%add3A_363, %dma_wait3A_394] : memref<50000x384xf32, #tpu.memory_space<hbm>> -> memref<112x384xf32, #tpu.memory_space<hbm>>
      tpu.wait_dma2 semaphore(%arg16 : memref<!tpu.dma_semaphore, #tpu.memory_space<semaphore_mem>>) src(%dma_wait3A_395 : memref<112x384xf32, #tpu.memory_space<hbm>>) dst(%arg13 : memref<112x384xf32, #tpu.memory_space<vmem>>)
      %dma_start3A_396 = arith.constant 4 : i32
      %dma_start3A_397 = arith.constant 0 : i32
      %dma_start3A_398 = tpu.memref_slice %arg8[%dma_start3A_396, %dma_start3A_397] : memref<14x112xi32, #tpu.memory_space<vmem>> -> memref<1x112xi32, #tpu.memory_space<vmem>>
      %dma_start3A_399 = tpu.memref_squeeze %dma_start3A_398 : memref<1x112xi32, #tpu.memory_space<vmem>> -> memref<112xi32, #tpu.memory_space<vmem>>
      %dma_start3A_400 = arith.constant 0 : i32
      %dma_start3A_401 = arith.constant 0 : i32
      %dma_start3A_402 = tpu.memref_slice %arg5[%dma_start3A_400, %dma_start3A_401] : memref<50000x384xf32, #tpu.memory_space<hbm>> -> memref<50000x384xf32, #tpu.memory_space<hbm>>
      tpu.enqueue_indirect_dma source(%arg13 : memref<112x384xf32, #tpu.memory_space<vmem>>) target(%dma_start3A_402 : memref<50000x384xf32, #tpu.memory_space<hbm>>) offsets(%dma_start3A_399 : memref<112xi32, #tpu.memory_space<vmem>>) semaphore(%arg16 : memref<!tpu.dma_semaphore, #tpu.memory_space<semaphore_mem>>)
      %dma_wait3A_403 = arith.constant 4 : i32
      %dma_wait3A_404 = arith.constant 0 : i32
      %dma_wait3A_405 = tpu.memref_slice %arg8[%dma_wait3A_403, %dma_wait3A_404] : memref<14x112xi32, #tpu.memory_space<vmem>> -> memref<1x112xi32, #tpu.memory_space<vmem>>
      %dma_wait3A_406 = tpu.memref_squeeze %dma_wait3A_405 : memref<1x112xi32, #tpu.memory_space<vmem>> -> memref<112xi32, #tpu.memory_space<vmem>>
      %dma_wait3A_407 = arith.constant 0 : i32
      %dma_wait3A_408 = arith.constant 0 : i32
      %dma_wait3A_409 = tpu.memref_slice %arg5[%dma_wait3A_407, %dma_wait3A_408] : memref<50000x384xf32, #tpu.memory_space<hbm>> -> memref<50000x384xf32, #tpu.memory_space<hbm>>
      tpu.wait_indirect_dma semaphore(%arg16 : memref<!tpu.dma_semaphore, #tpu.memory_space<semaphore_mem>>) src(%arg13 : memref<112x384xf32, #tpu.memory_space<vmem>>) dst(%dma_wait3A_409 : memref<50000x384xf32, #tpu.memory_space<hbm>>)
      %add3A_410 = arith.constant 672 : i32
      %add3A_411 = arith.addi %mul3A_7, %add3A_410 : i32
      %dma_start3A_412 = arith.constant 0 : i32
      %dma_start3A_413 = tpu.memref_slice %arg3[%add3A_411, %dma_start3A_412] : memref<50000x384xf32, #tpu.memory_space<hbm>> -> memref<112x384xf32, #tpu.memory_space<hbm>>
      %dma_start3A_414 = arith.constant 0 : i32
      %dma_start3A_415 = tpu.memref_slice %arg3[%add3A_411, %dma_start3A_414] : memref<50000x384xf32, #tpu.memory_space<hbm>> -> memref<112x384xf32, #tpu.memory_space<hbm>>
      tpu.enqueue_dma source(%dma_start3A_415 : memref<112x384xf32, #tpu.memory_space<hbm>>) target(%arg13 : memref<112x384xf32, #tpu.memory_space<vmem>>) target_semaphore(%arg16 : memref<!tpu.dma_semaphore, #tpu.memory_space<semaphore_mem>>)
      %dma_wait3A_416 = arith.constant 0 : i32
      %dma_wait3A_417 = tpu.memref_slice %arg3[%add3A_387, %dma_wait3A_416] : memref<50000x384xf32, #tpu.memory_space<hbm>> -> memref<112x384xf32, #tpu.memory_space<hbm>>
      %dma_wait3A_418 = arith.constant 0 : i32
      %dma_wait3A_419 = tpu.memref_slice %arg3[%add3A_387, %dma_wait3A_418] : memref<50000x384xf32, #tpu.memory_space<hbm>> -> memref<112x384xf32, #tpu.memory_space<hbm>>
      tpu.wait_dma2 semaphore(%arg17 : memref<!tpu.dma_semaphore, #tpu.memory_space<semaphore_mem>>) src(%dma_wait3A_419 : memref<112x384xf32, #tpu.memory_space<hbm>>) dst(%arg14 : memref<112x384xf32, #tpu.memory_space<vmem>>)
      %dma_start3A_420 = arith.constant 5 : i32
      %dma_start3A_421 = arith.constant 0 : i32
      %dma_start3A_422 = tpu.memref_slice %arg8[%dma_start3A_420, %dma_start3A_421] : memref<14x112xi32, #tpu.memory_space<vmem>> -> memref<1x112xi32, #tpu.memory_space<vmem>>
      %dma_start3A_423 = tpu.memref_squeeze %dma_start3A_422 : memref<1x112xi32, #tpu.memory_space<vmem>> -> memref<112xi32, #tpu.memory_space<vmem>>
      %dma_start3A_424 = arith.constant 0 : i32
      %dma_start3A_425 = arith.constant 0 : i32
      %dma_start3A_426 = tpu.memref_slice %arg5[%dma_start3A_424, %dma_start3A_425] : memref<50000x384xf32, #tpu.memory_space<hbm>> -> memref<50000x384xf32, #tpu.memory_space<hbm>>
      tpu.enqueue_indirect_dma source(%arg14 : memref<112x384xf32, #tpu.memory_space<vmem>>) target(%dma_start3A_426 : memref<50000x384xf32, #tpu.memory_space<hbm>>) offsets(%dma_start3A_423 : memref<112xi32, #tpu.memory_space<vmem>>) semaphore(%arg17 : memref<!tpu.dma_semaphore, #tpu.memory_space<semaphore_mem>>)
      %dma_wait3A_427 = arith.constant 5 : i32
      %dma_wait3A_428 = arith.constant 0 : i32
      %dma_wait3A_429 = tpu.memref_slice %arg8[%dma_wait3A_427, %dma_wait3A_428] : memref<14x112xi32, #tpu.memory_space<vmem>> -> memref<1x112xi32, #tpu.memory_space<vmem>>
      %dma_wait3A_430 = tpu.memref_squeeze %dma_wait3A_429 : memref<1x112xi32, #tpu.memory_space<vmem>> -> memref<112xi32, #tpu.memory_space<vmem>>
      %dma_wait3A_431 = arith.constant 0 : i32
      %dma_wait3A_432 = arith.constant 0 : i32
      %dma_wait3A_433 = tpu.memref_slice %arg5[%dma_wait3A_431, %dma_wait3A_432] : memref<50000x384xf32, #tpu.memory_space<hbm>> -> memref<50000x384xf32, #tpu.memory_space<hbm>>
      tpu.wait_indirect_dma semaphore(%arg17 : memref<!tpu.dma_semaphore, #tpu.memory_space<semaphore_mem>>) src(%arg14 : memref<112x384xf32, #tpu.memory_space<vmem>>) dst(%dma_wait3A_433 : memref<50000x384xf32, #tpu.memory_space<hbm>>)
      %add3A_434 = arith.constant 784 : i32
      %add3A_435 = arith.addi %mul3A_7, %add3A_434 : i32
      %dma_start3A_436 = arith.constant 0 : i32
      %dma_start3A_437 = tpu.memref_slice %arg3[%add3A_435, %dma_start3A_436] : memref<50000x384xf32, #tpu.memory_space<hbm>> -> memref<112x384xf32, #tpu.memory_space<hbm>>
      %dma_start3A_438 = arith.constant 0 : i32
      %dma_start3A_439 = tpu.memref_slice %arg3[%add3A_435, %dma_start3A_438] : memref<50000x384xf32, #tpu.memory_space<hbm>> -> memref<112x384xf32, #tpu.memory_space<hbm>>
      tpu.enqueue_dma source(%dma_start3A_439 : memref<112x384xf32, #tpu.memory_space<hbm>>) target(%arg14 : memref<112x384xf32, #tpu.memory_space<vmem>>) target_semaphore(%arg17 : memref<!tpu.dma_semaphore, #tpu.memory_space<semaphore_mem>>)
      %dma_wait3A_440 = arith.constant 0 : i32
      %dma_wait3A_441 = tpu.memref_slice %arg3[%add3A_411, %dma_wait3A_440] : memref<50000x384xf32, #tpu.memory_space<hbm>> -> memref<112x384xf32, #tpu.memory_space<hbm>>
      %dma_wait3A_442 = arith.constant 0 : i32
      %dma_wait3A_443 = tpu.memref_slice %arg3[%add3A_411, %dma_wait3A_442] : memref<50000x384xf32, #tpu.memory_space<hbm>> -> memref<112x384xf32, #tpu.memory_space<hbm>>
      tpu.wait_dma2 semaphore(%arg16 : memref<!tpu.dma_semaphore, #tpu.memory_space<semaphore_mem>>) src(%dma_wait3A_443 : memref<112x384xf32, #tpu.memory_space<hbm>>) dst(%arg13 : memref<112x384xf32, #tpu.memory_space<vmem>>)
      %dma_start3A_444 = arith.constant 6 : i32
      %dma_start3A_445 = arith.constant 0 : i32
      %dma_start3A_446 = tpu.memref_slice %arg8[%dma_start3A_444, %dma_start3A_445] : memref<14x112xi32, #tpu.memory_space<vmem>> -> memref<1x112xi32, #tpu.memory_space<vmem>>
      %dma_start3A_447 = tpu.memref_squeeze %dma_start3A_446 : memref<1x112xi32, #tpu.memory_space<vmem>> -> memref<112xi32, #tpu.memory_space<vmem>>
      %dma_start3A_448 = arith.constant 0 : i32
      %dma_start3A_449 = arith.constant 0 : i32
      %dma_start3A_450 = tpu.memref_slice %arg5[%dma_start3A_448, %dma_start3A_449] : memref<50000x384xf32, #tpu.memory_space<hbm>> -> memref<50000x384xf32, #tpu.memory_space<hbm>>
      tpu.enqueue_indirect_dma source(%arg13 : memref<112x384xf32, #tpu.memory_space<vmem>>) target(%dma_start3A_450 : memref<50000x384xf32, #tpu.memory_space<hbm>>) offsets(%dma_start3A_447 : memref<112xi32, #tpu.memory_space<vmem>>) semaphore(%arg16 : memref<!tpu.dma_semaphore, #tpu.memory_space<semaphore_mem>>)
      %dma_wait3A_451 = arith.constant 6 : i32
      %dma_wait3A_452 = arith.constant 0 : i32
      %dma_wait3A_453 = tpu.memref_slice %arg8[%dma_wait3A_451, %dma_wait3A_452] : memref<14x112xi32, #tpu.memory_space<vmem>> -> memref<1x112xi32, #tpu.memory_space<vmem>>
      %dma_wait3A_454 = tpu.memref_squeeze %dma_wait3A_453 : memref<1x112xi32, #tpu.memory_space<vmem>> -> memref<112xi32, #tpu.memory_space<vmem>>
      %dma_wait3A_455 = arith.constant 0 : i32
      %dma_wait3A_456 = arith.constant 0 : i32
      %dma_wait3A_457 = tpu.memref_slice %arg5[%dma_wait3A_455, %dma_wait3A_456] : memref<50000x384xf32, #tpu.memory_space<hbm>> -> memref<50000x384xf32, #tpu.memory_space<hbm>>
      tpu.wait_indirect_dma semaphore(%arg16 : memref<!tpu.dma_semaphore, #tpu.memory_space<semaphore_mem>>) src(%arg13 : memref<112x384xf32, #tpu.memory_space<vmem>>) dst(%dma_wait3A_457 : memref<50000x384xf32, #tpu.memory_space<hbm>>)
      %add3A_458 = arith.constant 896 : i32
      %add3A_459 = arith.addi %mul3A_7, %add3A_458 : i32
      %dma_start3A_460 = arith.constant 0 : i32
      %dma_start3A_461 = tpu.memref_slice %arg3[%add3A_459, %dma_start3A_460] : memref<50000x384xf32, #tpu.memory_space<hbm>> -> memref<112x384xf32, #tpu.memory_space<hbm>>
      %dma_start3A_462 = arith.constant 0 : i32
      %dma_start3A_463 = tpu.memref_slice %arg3[%add3A_459, %dma_start3A_462] : memref<50000x384xf32, #tpu.memory_space<hbm>> -> memref<112x384xf32, #tpu.memory_space<hbm>>
      tpu.enqueue_dma source(%dma_start3A_463 : memref<112x384xf32, #tpu.memory_space<hbm>>) target(%arg13 : memref<112x384xf32, #tpu.memory_space<vmem>>) target_semaphore(%arg16 : memref<!tpu.dma_semaphore, #tpu.memory_space<semaphore_mem>>)
      %dma_wait3A_464 = arith.constant 0 : i32
      %dma_wait3A_465 = tpu.memref_slice %arg3[%add3A_435, %dma_wait3A_464] : memref<50000x384xf32, #tpu.memory_space<hbm>> -> memref<112x384xf32, #tpu.memory_space<hbm>>
      %dma_wait3A_466 = arith.constant 0 : i32
      %dma_wait3A_467 = tpu.memref_slice %arg3[%add3A_435, %dma_wait3A_466] : memref<50000x384xf32, #tpu.memory_space<hbm>> -> memref<112x384xf32, #tpu.memory_space<hbm>>
      tpu.wait_dma2 semaphore(%arg17 : memref<!tpu.dma_semaphore, #tpu.memory_space<semaphore_mem>>) src(%dma_wait3A_467 : memref<112x384xf32, #tpu.memory_space<hbm>>) dst(%arg14 : memref<112x384xf32, #tpu.memory_space<vmem>>)
      %dma_start3A_468 = arith.constant 7 : i32
      %dma_start3A_469 = arith.constant 0 : i32
      %dma_start3A_470 = tpu.memref_slice %arg8[%dma_start3A_468, %dma_start3A_469] : memref<14x112xi32, #tpu.memory_space<vmem>> -> memref<1x112xi32, #tpu.memory_space<vmem>>
      %dma_start3A_471 = tpu.memref_squeeze %dma_start3A_470 : memref<1x112xi32, #tpu.memory_space<vmem>> -> memref<112xi32, #tpu.memory_space<vmem>>
      %dma_start3A_472 = arith.constant 0 : i32
      %dma_start3A_473 = arith.constant 0 : i32
      %dma_start3A_474 = tpu.memref_slice %arg5[%dma_start3A_472, %dma_start3A_473] : memref<50000x384xf32, #tpu.memory_space<hbm>> -> memref<50000x384xf32, #tpu.memory_space<hbm>>
      tpu.enqueue_indirect_dma source(%arg14 : memref<112x384xf32, #tpu.memory_space<vmem>>) target(%dma_start3A_474 : memref<50000x384xf32, #tpu.memory_space<hbm>>) offsets(%dma_start3A_471 : memref<112xi32, #tpu.memory_space<vmem>>) semaphore(%arg17 : memref<!tpu.dma_semaphore, #tpu.memory_space<semaphore_mem>>)
      %dma_wait3A_475 = arith.constant 7 : i32
      %dma_wait3A_476 = arith.constant 0 : i32
      %dma_wait3A_477 = tpu.memref_slice %arg8[%dma_wait3A_475, %dma_wait3A_476] : memref<14x112xi32, #tpu.memory_space<vmem>> -> memref<1x112xi32, #tpu.memory_space<vmem>>
      %dma_wait3A_478 = tpu.memref_squeeze %dma_wait3A_477 : memref<1x112xi32, #tpu.memory_space<vmem>> -> memref<112xi32, #tpu.memory_space<vmem>>
      %dma_wait3A_479 = arith.constant 0 : i32
      %dma_wait3A_480 = arith.constant 0 : i32
      %dma_wait3A_481 = tpu.memref_slice %arg5[%dma_wait3A_479, %dma_wait3A_480] : memref<50000x384xf32, #tpu.memory_space<hbm>> -> memref<50000x384xf32, #tpu.memory_space<hbm>>
      tpu.wait_indirect_dma semaphore(%arg17 : memref<!tpu.dma_semaphore, #tpu.memory_space<semaphore_mem>>) src(%arg14 : memref<112x384xf32, #tpu.memory_space<vmem>>) dst(%dma_wait3A_481 : memref<50000x384xf32, #tpu.memory_space<hbm>>)
      %add3A_482 = arith.constant 1008 : i32
      %add3A_483 = arith.addi %mul3A_7, %add3A_482 : i32
      %dma_start3A_484 = arith.constant 0 : i32
      %dma_start3A_485 = tpu.memref_slice %arg3[%add3A_483, %dma_start3A_484] : memref<50000x384xf32, #tpu.memory_space<hbm>> -> memref<112x384xf32, #tpu.memory_space<hbm>>
      %dma_start3A_486 = arith.constant 0 : i32
      %dma_start3A_487 = tpu.memref_slice %arg3[%add3A_483, %dma_start3A_486] : memref<50000x384xf32, #tpu.memory_space<hbm>> -> memref<112x384xf32, #tpu.memory_space<hbm>>
      tpu.enqueue_dma source(%dma_start3A_487 : memref<112x384xf32, #tpu.memory_space<hbm>>) target(%arg14 : memref<112x384xf32, #tpu.memory_space<vmem>>) target_semaphore(%arg17 : memref<!tpu.dma_semaphore, #tpu.memory_space<semaphore_mem>>)
      %dma_wait3A_488 = arith.constant 0 : i32
      %dma_wait3A_489 = tpu.memref_slice %arg3[%add3A_459, %dma_wait3A_488] : memref<50000x384xf32, #tpu.memory_space<hbm>> -> memref<112x384xf32, #tpu.memory_space<hbm>>
      %dma_wait3A_490 = arith.constant 0 : i32
      %dma_wait3A_491 = tpu.memref_slice %arg3[%add3A_459, %dma_wait3A_490] : memref<50000x384xf32, #tpu.memory_space<hbm>> -> memref<112x384xf32, #tpu.memory_space<hbm>>
      tpu.wait_dma2 semaphore(%arg16 : memref<!tpu.dma_semaphore, #tpu.memory_space<semaphore_mem>>) src(%dma_wait3A_491 : memref<112x384xf32, #tpu.memory_space<hbm>>) dst(%arg13 : memref<112x384xf32, #tpu.memory_space<vmem>>)
      %dma_start3A_492 = arith.constant 8 : i32
      %dma_start3A_493 = arith.constant 0 : i32
      %dma_start3A_494 = tpu.memref_slice %arg8[%dma_start3A_492, %dma_start3A_493] : memref<14x112xi32, #tpu.memory_space<vmem>> -> memref<1x112xi32, #tpu.memory_space<vmem>>
      %dma_start3A_495 = tpu.memref_squeeze %dma_start3A_494 : memref<1x112xi32, #tpu.memory_space<vmem>> -> memref<112xi32, #tpu.memory_space<vmem>>
      %dma_start3A_496 = arith.constant 0 : i32
      %dma_start3A_497 = arith.constant 0 : i32
      %dma_start3A_498 = tpu.memref_slice %arg5[%dma_start3A_496, %dma_start3A_497] : memref<50000x384xf32, #tpu.memory_space<hbm>> -> memref<50000x384xf32, #tpu.memory_space<hbm>>
      tpu.enqueue_indirect_dma source(%arg13 : memref<112x384xf32, #tpu.memory_space<vmem>>) target(%dma_start3A_498 : memref<50000x384xf32, #tpu.memory_space<hbm>>) offsets(%dma_start3A_495 : memref<112xi32, #tpu.memory_space<vmem>>) semaphore(%arg16 : memref<!tpu.dma_semaphore, #tpu.memory_space<semaphore_mem>>)
      %dma_wait3A_499 = arith.constant 8 : i32
      %dma_wait3A_500 = arith.constant 0 : i32
      %dma_wait3A_501 = tpu.memref_slice %arg8[%dma_wait3A_499, %dma_wait3A_500] : memref<14x112xi32, #tpu.memory_space<vmem>> -> memref<1x112xi32, #tpu.memory_space<vmem>>
      %dma_wait3A_502 = tpu.memref_squeeze %dma_wait3A_501 : memref<1x112xi32, #tpu.memory_space<vmem>> -> memref<112xi32, #tpu.memory_space<vmem>>
      %dma_wait3A_503 = arith.constant 0 : i32
      %dma_wait3A_504 = arith.constant 0 : i32
      %dma_wait3A_505 = tpu.memref_slice %arg5[%dma_wait3A_503, %dma_wait3A_504] : memref<50000x384xf32, #tpu.memory_space<hbm>> -> memref<50000x384xf32, #tpu.memory_space<hbm>>
      tpu.wait_indirect_dma semaphore(%arg16 : memref<!tpu.dma_semaphore, #tpu.memory_space<semaphore_mem>>) src(%arg13 : memref<112x384xf32, #tpu.memory_space<vmem>>) dst(%dma_wait3A_505 : memref<50000x384xf32, #tpu.memory_space<hbm>>)
      %add3A_506 = arith.constant 1120 : i32
      %add3A_507 = arith.addi %mul3A_7, %add3A_506 : i32
      %dma_start3A_508 = arith.constant 0 : i32
      %dma_start3A_509 = tpu.memref_slice %arg3[%add3A_507, %dma_start3A_508] : memref<50000x384xf32, #tpu.memory_space<hbm>> -> memref<112x384xf32, #tpu.memory_space<hbm>>
      %dma_start3A_510 = arith.constant 0 : i32
      %dma_start3A_511 = tpu.memref_slice %arg3[%add3A_507, %dma_start3A_510] : memref<50000x384xf32, #tpu.memory_space<hbm>> -> memref<112x384xf32, #tpu.memory_space<hbm>>
      tpu.enqueue_dma source(%dma_start3A_511 : memref<112x384xf32, #tpu.memory_space<hbm>>) target(%arg13 : memref<112x384xf32, #tpu.memory_space<vmem>>) target_semaphore(%arg16 : memref<!tpu.dma_semaphore, #tpu.memory_space<semaphore_mem>>)
      %dma_wait3A_512 = arith.constant 0 : i32
      %dma_wait3A_513 = tpu.memref_slice %arg3[%add3A_483, %dma_wait3A_512] : memref<50000x384xf32, #tpu.memory_space<hbm>> -> memref<112x384xf32, #tpu.memory_space<hbm>>
      %dma_wait3A_514 = arith.constant 0 : i32
      %dma_wait3A_515 = tpu.memref_slice %arg3[%add3A_483, %dma_wait3A_514] : memref<50000x384xf32, #tpu.memory_space<hbm>> -> memref<112x384xf32, #tpu.memory_space<hbm>>
      tpu.wait_dma2 semaphore(%arg17 : memref<!tpu.dma_semaphore, #tpu.memory_space<semaphore_mem>>) src(%dma_wait3A_515 : memref<112x384xf32, #tpu.memory_space<hbm>>) dst(%arg14 : memref<112x384xf32, #tpu.memory_space<vmem>>)
      %dma_start3A_516 = arith.constant 9 : i32
      %dma_start3A_517 = arith.constant 0 : i32
      %dma_start3A_518 = tpu.memref_slice %arg8[%dma_start3A_516, %dma_start3A_517] : memref<14x112xi32, #tpu.memory_space<vmem>> -> memref<1x112xi32, #tpu.memory_space<vmem>>
      %dma_start3A_519 = tpu.memref_squeeze %dma_start3A_518 : memref<1x112xi32, #tpu.memory_space<vmem>> -> memref<112xi32, #tpu.memory_space<vmem>>
      %dma_start3A_520 = arith.constant 0 : i32
      %dma_start3A_521 = arith.constant 0 : i32
      %dma_start3A_522 = tpu.memref_slice %arg5[%dma_start3A_520, %dma_start3A_521] : memref<50000x384xf32, #tpu.memory_space<hbm>> -> memref<50000x384xf32, #tpu.memory_space<hbm>>
      tpu.enqueue_indirect_dma source(%arg14 : memref<112x384xf32, #tpu.memory_space<vmem>>) target(%dma_start3A_522 : memref<50000x384xf32, #tpu.memory_space<hbm>>) offsets(%dma_start3A_519 : memref<112xi32, #tpu.memory_space<vmem>>) semaphore(%arg17 : memref<!tpu.dma_semaphore, #tpu.memory_space<semaphore_mem>>)
      %dma_wait3A_523 = arith.constant 9 : i32
      %dma_wait3A_524 = arith.constant 0 : i32
      %dma_wait3A_525 = tpu.memref_slice %arg8[%dma_wait3A_523, %dma_wait3A_524] : memref<14x112xi32, #tpu.memory_space<vmem>> -> memref<1x112xi32, #tpu.memory_space<vmem>>
      %dma_wait3A_526 = tpu.memref_squeeze %dma_wait3A_525 : memref<1x112xi32, #tpu.memory_space<vmem>> -> memref<112xi32, #tpu.memory_space<vmem>>
      %dma_wait3A_527 = arith.constant 0 : i32
      %dma_wait3A_528 = arith.constant 0 : i32
      %dma_wait3A_529 = tpu.memref_slice %arg5[%dma_wait3A_527, %dma_wait3A_528] : memref<50000x384xf32, #tpu.memory_space<hbm>> -> memref<50000x384xf32, #tpu.memory_space<hbm>>
      tpu.wait_indirect_dma semaphore(%arg17 : memref<!tpu.dma_semaphore, #tpu.memory_space<semaphore_mem>>) src(%arg14 : memref<112x384xf32, #tpu.memory_space<vmem>>) dst(%dma_wait3A_529 : memref<50000x384xf32, #tpu.memory_space<hbm>>)
      %add3A_530 = arith.constant 1232 : i32
      %add3A_531 = arith.addi %mul3A_7, %add3A_530 : i32
      %dma_start3A_532 = arith.constant 0 : i32
      %dma_start3A_533 = tpu.memref_slice %arg3[%add3A_531, %dma_start3A_532] : memref<50000x384xf32, #tpu.memory_space<hbm>> -> memref<112x384xf32, #tpu.memory_space<hbm>>
      %dma_start3A_534 = arith.constant 0 : i32
      %dma_start3A_535 = tpu.memref_slice %arg3[%add3A_531, %dma_start3A_534] : memref<50000x384xf32, #tpu.memory_space<hbm>> -> memref<112x384xf32, #tpu.memory_space<hbm>>
      tpu.enqueue_dma source(%dma_start3A_535 : memref<112x384xf32, #tpu.memory_space<hbm>>) target(%arg14 : memref<112x384xf32, #tpu.memory_space<vmem>>) target_semaphore(%arg17 : memref<!tpu.dma_semaphore, #tpu.memory_space<semaphore_mem>>)
      %dma_wait3A_536 = arith.constant 0 : i32
      %dma_wait3A_537 = tpu.memref_slice %arg3[%add3A_507, %dma_wait3A_536] : memref<50000x384xf32, #tpu.memory_space<hbm>> -> memref<112x384xf32, #tpu.memory_space<hbm>>
      %dma_wait3A_538 = arith.constant 0 : i32
      %dma_wait3A_539 = tpu.memref_slice %arg3[%add3A_507, %dma_wait3A_538] : memref<50000x384xf32, #tpu.memory_space<hbm>> -> memref<112x384xf32, #tpu.memory_space<hbm>>
      tpu.wait_dma2 semaphore(%arg16 : memref<!tpu.dma_semaphore, #tpu.memory_space<semaphore_mem>>) src(%dma_wait3A_539 : memref<112x384xf32, #tpu.memory_space<hbm>>) dst(%arg13 : memref<112x384xf32, #tpu.memory_space<vmem>>)
      %dma_start3A_540 = arith.constant 10 : i32
      %dma_start3A_541 = arith.constant 0 : i32
      %dma_start3A_542 = tpu.memref_slice %arg8[%dma_start3A_540, %dma_start3A_541] : memref<14x112xi32, #tpu.memory_space<vmem>> -> memref<1x112xi32, #tpu.memory_space<vmem>>
      %dma_start3A_543 = tpu.memref_squeeze %dma_start3A_542 : memref<1x112xi32, #tpu.memory_space<vmem>> -> memref<112xi32, #tpu.memory_space<vmem>>
      %dma_start3A_544 = arith.constant 0 : i32
      %dma_start3A_545 = arith.constant 0 : i32
      %dma_start3A_546 = tpu.memref_slice %arg5[%dma_start3A_544, %dma_start3A_545] : memref<50000x384xf32, #tpu.memory_space<hbm>> -> memref<50000x384xf32, #tpu.memory_space<hbm>>
      tpu.enqueue_indirect_dma source(%arg13 : memref<112x384xf32, #tpu.memory_space<vmem>>) target(%dma_start3A_546 : memref<50000x384xf32, #tpu.memory_space<hbm>>) offsets(%dma_start3A_543 : memref<112xi32, #tpu.memory_space<vmem>>) semaphore(%arg16 : memref<!tpu.dma_semaphore, #tpu.memory_space<semaphore_mem>>)
      %dma_wait3A_547 = arith.constant 10 : i32
      %dma_wait3A_548 = arith.constant 0 : i32
      %dma_wait3A_549 = tpu.memref_slice %arg8[%dma_wait3A_547, %dma_wait3A_548] : memref<14x112xi32, #tpu.memory_space<vmem>> -> memref<1x112xi32, #tpu.memory_space<vmem>>
      %dma_wait3A_550 = tpu.memref_squeeze %dma_wait3A_549 : memref<1x112xi32, #tpu.memory_space<vmem>> -> memref<112xi32, #tpu.memory_space<vmem>>
      %dma_wait3A_551 = arith.constant 0 : i32
      %dma_wait3A_552 = arith.constant 0 : i32
      %dma_wait3A_553 = tpu.memref_slice %arg5[%dma_wait3A_551, %dma_wait3A_552] : memref<50000x384xf32, #tpu.memory_space<hbm>> -> memref<50000x384xf32, #tpu.memory_space<hbm>>
      tpu.wait_indirect_dma semaphore(%arg16 : memref<!tpu.dma_semaphore, #tpu.memory_space<semaphore_mem>>) src(%arg13 : memref<112x384xf32, #tpu.memory_space<vmem>>) dst(%dma_wait3A_553 : memref<50000x384xf32, #tpu.memory_space<hbm>>)
      %dma_wait3A_554 = arith.constant 0 : i32
      %dma_wait3A_555 = tpu.memref_slice %arg3[%add3A_531, %dma_wait3A_554] : memref<50000x384xf32, #tpu.memory_space<hbm>> -> memref<112x384xf32, #tpu.memory_space<hbm>>
      %dma_wait3A_556 = arith.constant 0 : i32
      %dma_wait3A_557 = tpu.memref_slice %arg3[%add3A_531, %dma_wait3A_556] : memref<50000x384xf32, #tpu.memory_space<hbm>> -> memref<112x384xf32, #tpu.memory_space<hbm>>
      tpu.wait_dma2 semaphore(%arg17 : memref<!tpu.dma_semaphore, #tpu.memory_space<semaphore_mem>>) src(%dma_wait3A_557 : memref<112x384xf32, #tpu.memory_space<hbm>>) dst(%arg14 : memref<112x384xf32, #tpu.memory_space<vmem>>)
      %dma_start3A_558 = arith.constant 11 : i32
      %dma_start3A_559 = arith.constant 0 : i32
      %dma_start3A_560 = tpu.memref_slice %arg8[%dma_start3A_558, %dma_start3A_559] : memref<14x112xi32, #tpu.memory_space<vmem>> -> memref<1x112xi32, #tpu.memory_space<vmem>>
      %dma_start3A_561 = tpu.memref_squeeze %dma_start3A_560 : memref<1x112xi32, #tpu.memory_space<vmem>> -> memref<112xi32, #tpu.memory_space<vmem>>
      %dma_start3A_562 = arith.constant 0 : i32
      %dma_start3A_563 = arith.constant 0 : i32
      %dma_start3A_564 = tpu.memref_slice %arg5[%dma_start3A_562, %dma_start3A_563] : memref<50000x384xf32, #tpu.memory_space<hbm>> -> memref<50000x384xf32, #tpu.memory_space<hbm>>
      tpu.enqueue_indirect_dma source(%arg14 : memref<112x384xf32, #tpu.memory_space<vmem>>) target(%dma_start3A_564 : memref<50000x384xf32, #tpu.memory_space<hbm>>) offsets(%dma_start3A_561 : memref<112xi32, #tpu.memory_space<vmem>>) semaphore(%arg17 : memref<!tpu.dma_semaphore, #tpu.memory_space<semaphore_mem>>)
      %dma_wait3A_565 = arith.constant 11 : i32
      %dma_wait3A_566 = arith.constant 0 : i32
      %dma_wait3A_567 = tpu.memref_slice %arg8[%dma_wait3A_565, %dma_wait3A_566] : memref<14x112xi32, #tpu.memory_space<vmem>> -> memref<1x112xi32, #tpu.memory_space<vmem>>
      %dma_wait3A_568 = tpu.memref_squeeze %dma_wait3A_567 : memref<1x112xi32, #tpu.memory_space<vmem>> -> memref<112xi32, #tpu.memory_space<vmem>>
      %dma_wait3A_569 = arith.constant 0 : i32
      %dma_wait3A_570 = arith.constant 0 : i32
      %dma_wait3A_571 = tpu.memref_slice %arg5[%dma_wait3A_569, %dma_wait3A_570] : memref<50000x384xf32, #tpu.memory_space<hbm>> -> memref<50000x384xf32, #tpu.memory_space<hbm>>
      tpu.wait_indirect_dma semaphore(%arg17 : memref<!tpu.dma_semaphore, #tpu.memory_space<semaphore_mem>>) src(%arg14 : memref<112x384xf32, #tpu.memory_space<vmem>>) dst(%dma_wait3A_571 : memref<50000x384xf32, #tpu.memory_space<hbm>>)
      %add3A_572 = arith.constant 1344 : i32
      %add3A_573 = arith.addi %mul3A_7, %add3A_572 : i32
      "tpu.region"() ({
        %run_scoped3A = tpu.sem_alloc : memref<!tpu.dma_semaphore, #tpu.memory_space<semaphore_mem>>
        %dma_start3A_594 = arith.constant 0 : i32
        %dma_start3A_595 = arith.constant 0 : i32
        %dma_start3A_596 = tpu.memref_slice %arg13[%dma_start3A_594, %dma_start3A_595] : memref<112x384xf32, #tpu.memory_space<vmem>> -> memref<48x384xf32, #tpu.memory_space<vmem>>
        %dma_start3A_597 = arith.constant 0 : i32
        %dma_start3A_598 = tpu.memref_slice %arg3[%add3A_573, %dma_start3A_597] : memref<50000x384xf32, #tpu.memory_space<hbm>> -> memref<48x384xf32, #tpu.memory_space<hbm>>
        %dma_start3A_599 = arith.constant 0 : i32
        %dma_start3A_600 = arith.constant 0 : i32
        %dma_start3A_601 = tpu.memref_slice %arg13[%dma_start3A_599, %dma_start3A_600] : memref<112x384xf32, #tpu.memory_space<vmem>> -> memref<48x384xf32, #tpu.memory_space<vmem>>
        %dma_start3A_602 = arith.constant 0 : i32
        %dma_start3A_603 = tpu.memref_slice %arg3[%add3A_573, %dma_start3A_602] : memref<50000x384xf32, #tpu.memory_space<hbm>> -> memref<48x384xf32, #tpu.memory_space<hbm>>
        tpu.enqueue_dma source(%dma_start3A_603 : memref<48x384xf32, #tpu.memory_space<hbm>>) target(%dma_start3A_601 : memref<48x384xf32, #tpu.memory_space<vmem>>) target_semaphore(%run_scoped3A : memref<!tpu.dma_semaphore, #tpu.memory_space<semaphore_mem>>)
        %dma_wait3A_604 = arith.constant 0 : i32
        %dma_wait3A_605 = arith.constant 0 : i32
        %dma_wait3A_606 = tpu.memref_slice %arg13[%dma_wait3A_604, %dma_wait3A_605] : memref<112x384xf32, #tpu.memory_space<vmem>> -> memref<48x384xf32, #tpu.memory_space<vmem>>
        %dma_wait3A_607 = arith.constant 0 : i32
        %dma_wait3A_608 = tpu.memref_slice %arg3[%add3A_573, %dma_wait3A_607] : memref<50000x384xf32, #tpu.memory_space<hbm>> -> memref<48x384xf32, #tpu.memory_space<hbm>>
        %dma_wait3A_609 = arith.constant 0 : i32
        %dma_wait3A_610 = arith.constant 0 : i32
        %dma_wait3A_611 = tpu.memref_slice %arg13[%dma_wait3A_609, %dma_wait3A_610] : memref<112x384xf32, #tpu.memory_space<vmem>> -> memref<48x384xf32, #tpu.memory_space<vmem>>
        %dma_wait3A_612 = arith.constant 0 : i32
        %dma_wait3A_613 = tpu.memref_slice %arg3[%add3A_573, %dma_wait3A_612] : memref<50000x384xf32, #tpu.memory_space<hbm>> -> memref<48x384xf32, #tpu.memory_space<hbm>>
        tpu.wait_dma2 semaphore(%run_scoped3A : memref<!tpu.dma_semaphore, #tpu.memory_space<semaphore_mem>>) src(%dma_wait3A_613 : memref<48x384xf32, #tpu.memory_space<hbm>>) dst(%dma_wait3A_611 : memref<48x384xf32, #tpu.memory_space<vmem>>)
        tpu.yield
      }) : () -> ()
      %dma_start3A_574 = arith.constant 0 : i32
      %dma_start3A_575 = arith.constant 0 : i32
      %dma_start3A_576 = arith.constant 0 : i32
      %dma_start3A_577 = tpu.memref_slice %arg13[%dma_start3A_575, %dma_start3A_576] : memref<112x384xf32, #tpu.memory_space<vmem>> -> memref<48x384xf32, #tpu.memory_space<vmem>>
      %dma_start3A_578 = arith.constant 0 : i32
      %dma_start3A_579 = tpu.memref_slice %arg9[%dma_start3A_574, %dma_start3A_578] : memref<1x48xi32, #tpu.memory_space<vmem>> -> memref<1x48xi32, #tpu.memory_space<vmem>>
      %dma_start3A_580 = tpu.memref_squeeze %dma_start3A_579 : memref<1x48xi32, #tpu.memory_space<vmem>> -> memref<48xi32, #tpu.memory_space<vmem>>
      %dma_start3A_581 = arith.constant 0 : i32
      %dma_start3A_582 = arith.constant 0 : i32
      %dma_start3A_583 = tpu.memref_slice %arg5[%dma_start3A_581, %dma_start3A_582] : memref<50000x384xf32, #tpu.memory_space<hbm>> -> memref<50000x384xf32, #tpu.memory_space<hbm>>
      tpu.enqueue_indirect_dma source(%dma_start3A_577 : memref<48x384xf32, #tpu.memory_space<vmem>>) target(%dma_start3A_583 : memref<50000x384xf32, #tpu.memory_space<hbm>>) offsets(%dma_start3A_580 : memref<48xi32, #tpu.memory_space<vmem>>) semaphore(%arg16 : memref<!tpu.dma_semaphore, #tpu.memory_space<semaphore_mem>>)
      %dma_wait3A_584 = arith.constant 0 : i32
      %dma_wait3A_585 = arith.constant 0 : i32
      %dma_wait3A_586 = arith.constant 0 : i32
      %dma_wait3A_587 = tpu.memref_slice %arg13[%dma_wait3A_585, %dma_wait3A_586] : memref<112x384xf32, #tpu.memory_space<vmem>> -> memref<48x384xf32, #tpu.memory_space<vmem>>
      %dma_wait3A_588 = arith.constant 0 : i32
      %dma_wait3A_589 = tpu.memref_slice %arg9[%dma_wait3A_584, %dma_wait3A_588] : memref<1x48xi32, #tpu.memory_space<vmem>> -> memref<1x48xi32, #tpu.memory_space<vmem>>
      %dma_wait3A_590 = tpu.memref_squeeze %dma_wait3A_589 : memref<1x48xi32, #tpu.memory_space<vmem>> -> memref<48xi32, #tpu.memory_space<vmem>>
      %dma_wait3A_591 = arith.constant 0 : i32
      %dma_wait3A_592 = arith.constant 0 : i32
      %dma_wait3A_593 = tpu.memref_slice %arg5[%dma_wait3A_591, %dma_wait3A_592] : memref<50000x384xf32, #tpu.memory_space<hbm>> -> memref<50000x384xf32, #tpu.memory_space<hbm>>
      tpu.wait_indirect_dma semaphore(%arg16 : memref<!tpu.dma_semaphore, #tpu.memory_space<semaphore_mem>>) src(%dma_wait3A_587 : memref<48x384xf32, #tpu.memory_space<vmem>>) dst(%dma_wait3A_593 : memref<50000x384xf32, #tpu.memory_space<hbm>>)
    } else {
    }
    return
  }
}

</mosaic_0001>

<sc_bundles>
// kernel: kernel.3.cloned.1.call-start
scs
__scs_entry_jumppad:
0x0: {  	(pc) =	sbr.rel $0x88, $3  }
0x1: {  	(tag) =	ssettag $0x0;
	lr =	simm.s32 $0x1  }
0x2: {  	[smem:$0x3F9F] =	sst lr;
	_ =	strace $0xD0000000  }
0x3: {  	_ = 	snop  }
0x4: {  	_ = 	snop  }
0x5: {  	_ = 	snop  }
0x6: {  	_ = 	snop  }
0x7: {  	_ = 	snop  }
__scs_overlays_trampoline_lowered:
0x8: {  	[smem:$0x3FAE] =	sst s0  }
0x9: {  	[smem:$0x3FAF] =	sst s1  }
0xa: {  	[smem:$0x3FB0] =	sst s2  }
0xb: {  	[smem:$0x3FB1] =	sst s3  }
0xc: {  	[smem:$0x3FB2] =	sst s4  }
0xd: {  	[smem:$0x3FB3] =	sst s5  }
0xe: {  	[smem:$0x3FB4] =	sst s6  }
0xf: {  	[smem:$0x3FB5] =	sst s7  }
0x10: {  	[smem:$0x3FB6] =	sst s8  }
0x11: {  	[smem:$0x3FB7] =	sst s9;
	s0 =	simm.s32 @!p0 $0x0  }
0x12: {  	s1 =	sld [smem:$0x3F9D];
	s0 =	simm.s32 @p0 $0x1  }
0x13: {  	[smem:$0x3FB8] =	sst s0;
	s0 =	simm.s32 @!p1 $0x0  }
0x14: {  	s2 =	sld [smem:$0x3F9C];
	s0 =	simm.s32 @p1 $0x1  }
0x15: {  	[smem:$0x3FB9] =	sst s0;
	s0 =	simm.s32 @!p2 $0x0  }
0x16: {  	s3 =	sld [smem:$0x3FDB];
	s0 =	simm.s32 @p2 $0x1  }
0x17: {  	s4 =	simm.s32 $0x1BF5;
	[smem:$0x3FBB] =	sst s0  }
0x18: {  	s0 =	sld [smem:$0x3F9E];
	_ =	swait.ge [sflag:s4], $0x0  }
0x19: {  	s7 =	sld [smem:$0x3F9F]  }
0x1a: {  	s8 =	sadd.s32 $0xFFFFE003, lr  }
0x1b: {  	s9 =	sadd.s32 $0xFFFFFEF7, lr;
	s5 =	simm.s32 $0xFFFFFFFF;
	p2 =	slt.u32 s8, $0xFFFFF086  }
0x1c: {  	p1 =	slt.u32 s9, $0xF7A;
	s5 =	simm.s32 @!p2 $0x0  }
0x1d: {  	s5 =	simm.s32 @p1 $0x1;
	p0 =	seq.s32 s7, s2  }
0x1e: {  	s7 =	smul.u32 @!p0 $0xF7A, s2;
	p2 =	seq.s32 @!p0 s5, $0x0  }
0x1f: {  	s9 =	smul.u32 $0xF7A, s1;
	s8 =	simm.s32 @!p0 $0x1BF5;
	p2 =	por !p2, p0  }
0x20: {  	[sflag:s8] =	ssyncset.s32 @!p0 $0xFFFFF086;
	s6 =	sadd.s32 @!p0 s3, s7;
	s7 =	simm.s32 @!p0 $0x108  }
0x21: {  	s3 =	sadd.s32 s3, s9;
	s6 =	sadd.s32 @!p0 $0x88, s6;
	s7 =	simm.s32 @p2 $0x1082  }
0x22: {  	[simem:s7], [sflag:s8] =	dma.local @!p0 [hbm:s6], $0xF7A  }
0x23: {  	s9 =	sor.u32 $0xD0000000, s2;
	s6 =	simm.s32 $0x108;
	_ =	swait.ge @!p0 [sflag:s8], $0x0  }
0x24: {  	s3 =	sadd.s32 $0x88, s3;
	s6 =	simm.s32 @!p1 $0x1082;
	[sflag:s4] =	ssyncset.s32 $0xFFFFF086  }
0x25: {  	[simem:s6], [sflag:s4] =	dma.local [hbm:s3], $0xF7A  }
0x26: {  	[smem:$0x3F9F] =	sst s1;
	(tag) =	ssettag s2;
	_ =	strace s9  }
0x27: {  	s1 =	sld [smem:$0x3FAF]  }
0x28: {  	s2 =	sld [smem:$0x3FB0]  }
0x29: {  	s4 =	sld [smem:$0x3FB2]  }
0x2a: {  	p0 =	seq.s32 s5, $0x0;
	s5 =	sld [smem:$0x3FB3]  }
0x2b: {  	s6 =	sld [smem:$0x3FB4]  }
0x2c: {  	s7 =	sld [smem:$0x3FB5]  }
0x2d: {  	s3 =	simm.s32 $0x108;
	s8 =	sld [smem:$0x3FB6]  }
0x2e: {  	s3 =	simm.s32 @!p0 $0x1082;
	s9 =	sld [smem:$0x3FB7]  }
0x2f: {  	lr =	sadd.s32 s0, s3;
	s0 =	sld [smem:$0x3FAE]  }
0x30: {  	s3 =	sld [smem:$0x3FB1]  }
0x31: {  	[smem:$0x3FBA] =	sst s10  }
0x32: {  	s10 =	sld [smem:$0x3FB8];
	_ =	sdelay $0x3  }
0x33: {  	p0 =	seq.s32 s10, $0x1;
	s10 =	sld [smem:$0x3FBA];
	_ =	sdelay $0x3  }
0x34: {  	[smem:$0x3FBA] =	sst s10  }
0x35: {  	s10 =	sld [smem:$0x3FB9];
	_ =	sdelay $0x3  }
0x36: {  	p1 =	seq.s32 s10, $0x1;
	s10 =	sld [smem:$0x3FBA];
	_ =	sdelay $0x3  }
0x37: {  	[smem:$0x3FBA] =	sst s10  }
0x38: {  	s10 =	sld [smem:$0x3FBB]  }
0x39: {  	_ = 	snop;
	(pc) =	sbr.ind lr, $3  }
0x3a: {  	_ = 	snop  }
0x3b: {  	_ = 	snop  }
0x3c: {  	p2 =	seq.s32 s10, $0x1;
	s10 =	sld [smem:$0x3FBA]  }
0x3d: {  	_ =	shalt  }
0x3e: {  	_ =	shalt  }
0x3f: {  	_ =	shalt  }
0x40: {  	_ =	shalt  }
0x41: {  	_ =	shalt  }
0x42: {  	_ =	shalt  }
0x43: {  	_ =	shalt  }
0x44: {  	_ =	shalt  }
0x45: {  	_ =	shalt  }
0x46: {  	_ =	shalt  }
0x47: {  	_ =	shalt  }
0x48: {  	_ =	shalt  }
0x49: {  	_ =	shalt  }
0x4a: {  	_ =	shalt  }
0x4b: {  	_ =	shalt  }
0x4c: {  	_ =	shalt  }
0x4d: {  	_ =	shalt  }
0x4e: {  	_ =	shalt  }
0x4f: {  	_ =	shalt  }
0x50: {  	_ =	shalt  }
0x51: {  	_ =	shalt  }
0x52: {  	_ =	shalt  }
0x53: {  	_ =	shalt  }
0x54: {  	_ =	shalt  }
0x55: {  	_ =	shalt  }
0x56: {  	_ =	shalt  }
0x57: {  	_ =	shalt  }
0x58: {  	_ =	shalt  }
0x59: {  	_ =	shalt  }
0x5a: {  	_ =	shalt  }
0x5b: {  	_ =	shalt  }
0x5c: {  	_ =	shalt  }
0x5d: {  	_ =	shalt  }
0x5e: {  	_ =	shalt  }
0x5f: {  	_ =	shalt  }
0x60: {  	_ =	shalt  }
0x61: {  	_ =	shalt  }
0x62: {  	_ =	shalt  }
0x63: {  	_ =	shalt  }
0x64: {  	_ =	shalt  }
0x65: {  	_ =	shalt  }
0x66: {  	_ =	shalt  }
0x67: {  	_ =	shalt  }
0x68: {  	_ =	shalt  }
0x69: {  	_ =	shalt  }
0x6a: {  	_ =	shalt  }
0x6b: {  	_ =	shalt  }
0x6c: {  	_ =	shalt  }
0x6d: {  	_ =	shalt  }
0x6e: {  	_ =	shalt  }
0x6f: {  	_ =	shalt  }
0x70: {  	_ =	shalt  }
0x71: {  	_ =	shalt  }
0x72: {  	_ =	shalt  }
0x73: {  	_ =	shalt  }
0x74: {  	_ =	shalt  }
0x75: {  	_ =	shalt  }
0x76: {  	_ =	shalt  }
0x77: {  	_ =	shalt  }
0x78: {  	_ =	shalt  }
0x79: {  	_ =	shalt  }
0x7a: {  	_ =	shalt  }
0x7b: {  	_ =	shalt  }
0x7c: {  	_ =	shalt  }
0x7d: {  	_ =	shalt  }
0x7e: {  	_ =	shalt  }
0x7f: {  	_ =	shalt  }
0x80: {  	_ =	shalt  }
0x81: {  	_ =	shalt  }
0x82: {  	_ =	shalt  }
0x83: {  	_ =	shalt  }
0x84: {  	_ =	shalt  }
0x85: {  	_ =	shalt  }
0x86: {  	_ =	shalt  }
0x87: {  	_ =	shalt  }
.Lfunc_end0:
.L_simem_size_0:
called_computation.2_lowered:
.L_overlay_start_0:
0x88: {  	s2 =	sld [smem:$0x3FD9]  }
0x89: {  	s3 =	sld [smem:$0x3FFE];
	_ =	sdelay $0x1  }
0x8a: {  	s1 =	srdreg.scid  }
0x8b: {  	s0 =	sand.u32 $0x1, s1  }
0x8c: {  	s14 =	sshll.u32 s0, $0xA;
	s2 =	sadd.s32 s3, s2  }
0x8d: {  	s2 =	sadd.s32 s2, s14  }
0x8e: {  	[smem:$0x3FC6] =	sst s2  }
0x8f: {  	_ = 	snop  }
0x90: {  	s2 =	sld [smem:$0x3FD0];
	_ =	sdelay $0x2  }
0x91: {  	s15 =	simm.s32 $0xA;
	s4 =	simm.s32 $0x10  }
0x92: {  	[smem:s4], [sflag:s15] =	dma.local [hbm:s2], $0x1  }
0x93: {  	_ =	swait.eq [sflag:s15], $0x1  }
0x94: {  	[sflag:s15] =	ssyncset.done $0x0  }
0x95: {  	s16 =	sld [smem:$0x10];
	[sflag:s15] =	ssyncadd.s32 $0xFFFFFFFF  }
0x96: {  	s17 =	sld [smem:$0x11];
	(tm) =	ssettm $0x1  }
0x97: {  	s18 =	sld [smem:$0x3FFB];
	_ =	sdelay $0x3  }
0x98: {  	_ =	strace s18  }
0x99: {  	s4 =	sld [smem:$0x3FFC];
	_ =	sdelay $0x3  }
0x9a: {  	_ =	strace s4  }
0x9b: {  	s4 =	sld [smem:$0x3FFD];
	_ =	sdelay $0x3  }
0x9c: {  	_ =	strace s4  }
0x9d: {  	_ =	strace $0x8FFFFFFF  }
0x9e: {  	s19 =	sld [smem:$0x3FDB];
	_ =	sdelay $0x1  }
0x9f: {  	s5 =	simm.s32 $_scs_section_size  }
0xa0: {  	s6 =	simm.s32 $_size__tile_overlayer_lowered;
	s7 =	simm.s32 $_tile_overlayer_lowered  }
0xa1: {  	s22 =	simm.s32 $0x1BFF;
	s21 =	sshll.u32 s7, $0x1;
	s4 =	sadd.s32 s5, s19  }
0xa2: {  	s8 =	simm.s32 $0x0;
	s20 =	sshll.u32 s6, $0x1;
	s6 =	sadd.s32 s21, s4  }
0xa3: {  	[timem:s8], [sflag:s22] =	dma.local [hbm:s6], s20  }
0xa4: {  	_ =	swait.ge [sflag:s22], s20  }
0xa5: {  	s5 =	ssub.s32 $0x0, s20;
	[sflag:s22] =	ssyncset.done $0x0  }
0xa6: {  	[sflag:s22] =	ssyncadd.s32 s5;
	_ =	sdelay $0x1  }
0xa7: {  	s23 =	simm.s32 $0x1B8B  }
0xa8: {  	_ =	swait.ge [sflag:s23], $0x1  }
0xa9: {  	[sflag:s23] =	ssyncset.done $0x0  }
0xaa: {  	s25 =	simm.s32 $0x1B8E;
	s24 =	sld [smem:$0x3FFE];
	[sflag:s23] =	ssyncadd.s32 $0xFFFFFFFF  }
0xab: {  	s26 =	simm.s32 $execute0_lowered;
	[smem:$0x3FD2] =	sst s25  }
0xac: {  	s6 =	sshll.u32 s26, $0x1;
	_ =	strace $0x80000049;
	[dreg:$0x1] =	wrdreg $0xFFFFFFFF  }
0xad: {  	s28 =	simm.s32 $_size_execute0_lowered;
	s4 =	sadd.s32 s4, s6;
	[dreg:$0x0] =	wrdreg $0x0  }
0xae: {  	s6 =	sshll.u32 s28, $0x1;
	[dreg:$0x2] =	wrdreg s4  }
0xaf: {  	[dreg:$0x3] =	wrdreg s6  }
0xb0: {  	[dreg:$0x4] =	wrdreg $0xC0  }
0xb1: {  	_ =	task [dreg:s8], $0x5FFFF  }
0xb2: {  	[dreg:$0x1] =	wrdreg $0xFFFFFFFF  }
0xb3: {  	[dreg:$0x0] =	wrdreg $0x60  }
0xb4: {  	[dreg:$0x2] =	wrdreg s24  }
0xb5: {  	[dreg:$0x3] =	wrdreg s17  }
0xb6: {  	[dreg:$0x4] =	wrdreg s16  }
0xb7: {  	[dreg:$0x5] =	wrdreg $0x16E800  }
0xb8: {  	[dreg:$0x6] =	wrdreg $0x9  }
0xb9: {  	_ =	task.clear_ibuf [dreg:s8], $0x7FFFF;
	_ =	strace $0x90000049  }
0xba: {  	s29 =	simm.s32 $0x9;
	_ =	strace $0x8000004B  }
0xbb: {  	_ =	swait.ge [sflag:s29], $0x1  }
0xbc: {  	[sflag:s29] =	ssyncadd.s32 $0xFFFFFFFF  }
0xbd: {  	_ =	strace $0x9000004B  }
0xbe: {  	_ =	sfence  }
0xbf: {  	s30 =	sld [smem:$0x0];
	_ =	sdelay $0x2  }
0xc0: {  	s31 =	sshll.u32 s1, $0xD;
	s1 =	sshrl.u32 s1, $0x2  }
0xc1: {  	s3 =	sand.u32 $0x4000, s31;
	s1 =	sadd.s32 s1, s30  }
0xc2: {  	s0 =	sor.u32 s3, s0;
	s1 =	sshll.u32 s1, $0x11  }
0xc3: {  	s0 =	sor.u32 s1, s0  }
0xc4: {  	s0 =	sadd.s32 $0x8F2B, s0  }
0xc5: {  	[sflag:s0] =	ssyncadd.remote.s32 $0x1  }
0xc6: {  	_ =	sfence.sel $0xFFFF  }
0xc7: {  	[dreg:$0x0] =	wrdreg $0xFFFFFFFF;
	(pc) =	sbr.abs _section_cstart, $3  }
0xc8: {  	[dreg:$0x1] =	wrdreg $0xFFFFFFFF  }
0xc9: {  	_ =	task.clear_ibuf [dreg:s8], $0x2FFFF;
	_ =	strace $0x9FFFFFFF  }
0xca: {  	(tm) =	ssettm $0x7FFFFFFF  }
0xcb: {  	_ =	shalt  }
tec
execute0_lowered:
.L_overlay_start_1:
0x0: {  	(tag) =	ssettag $0x1  }
0x1: {  	s0 =	rddreg [dreg:$0x0]  }
0x2: {  	s1 =	rddreg [dreg:$0x1]  }
0x3: {  	s2 =	rddreg [dreg:$0x2]  }
0x4: {  	s13 =	rddreg [dreg:$0x3];
	s4 =	srdreg.scid;
	s3 =	simm.s32 $0x0  }
0x5: {  	s14 =	stileid.u32;
	[smem:$0x7FF] =	sst s3;
	s21 =	sadd.s32 $0x239A00, s1  }
0x6: {  	s23 =	sadd.s32 $0x23AF00, s1;
	_ =	strace $0x8000004A;
	[dreg:$0x7] =	wrdreg s21  }
0x7: {  	s6 =	sand.u32 $0x1, s4;
	s24 =	sadd.s32 $0x23C400, s1;
	[dreg:$0x8] =	wrdreg s23  }
0x8: {  	s7 =	sadd.s32 $0x24BA00, s0;
	s25 =	sadd.s32 $0x23D900, s1;
	[dreg:$0x9] =	wrdreg s24  }
0x9: {  	s26 =	sadd.s32 $0x23EE00, s1;
	s28 =	sadd.s32 $0x240300, s1;
	[dreg:$0xb] =	wrdreg s25  }
0xa: {  	s16 =	sadd.s32 $0x1300, s0;
	s29 =	sadd.s32 $0x241800, s1;
	[dreg:$0xc] =	wrdreg s26  }
0xb: {  	s30 =	smul.u32 $0x620, s14;
	s5 =	sshll.u32 s6, $0x4;
	[dreg:$0xe] =	wrdreg s28  }
0xc: {  	s8 =	ssub.s32 $0x2, s6;
	s6 =	smul.u32 $0x6200, s6;
	[dreg:$0xf] =	wrdreg s29  }
0xd: {  	s4 =	sor.u32 s14, s5;
	s9 =	ssub.s32 s14, s5;
	s5 =	sadd.s32 $0x1200, s0  }
0xe: {  	s11 =	sshrl.u32 s8, $0x1;
	s14 =	sadd.s32 $0x248100, s1;
	s10 =	smul.u32 $0x620, s4  }
0xf: {  	s9 =	sadd.s32 $0x10, s9;
	s0 =	sadd.s32 s30, s6;
	[dreg:$0x17] =	wrdreg s14  }
0x10: {  	s22 =	sshll.u32 s4, $0x4;
	s30 =	simm.s32 $0x0;
	[dreg:$0x13] =	wrdreg s0  }
0x11: {  	s8 =	ssub.s32 s8, s11;
	s11 =	sadd.s32 s22, s13;
	[smem:$0x7FD] =	sst s30  }
0x12: {  	s12 =	smul.u32 $0xC4, s9;
	s15 =	smax.u32 s8, $0x1;
	[dreg:$0xa] =	wrdreg s11  }
0x13: {  	s10 =	sshrl.u32 s10, $0x3;
	s11 =	sadd.s32 $0x245700, s1;
	[dreg:$0x19] =	wrdreg s15  }
0x14: {  	s9 =	sshll.u32 s9, $0x4;
	s19 =	sadd.s32 s7, s10;
	[dreg:$0x14] =	wrdreg s11  }
0x15: {  	s9 =	sand.u32 $0x3FFFFFF0, s9;
	s7 =	sadd.s32 s7, s12;
	[dreg:$0x5] =	wrdreg s19  }
0x16: {  	s9 =	sadd.s32 s9, s13;
	[dreg:$0x6] =	wrdreg s7  }
0x17: {  	s2 =	sadd.s32 s2, s10;
	[dreg:$0xd] =	wrdreg s9  }
0x18: {  	s20 =	smul.u32 $0x180, s10;
	s10 =	sadd.s32 $0x244200, s1;
	[dreg:$0x10] =	wrdreg s2  }
0x19: {  	s12 =	sadd.s32 $0x246C00, s1;
	[dreg:$0x12] =	wrdreg s10  }
0x1a: {  	s9 =	sadd.s32 $0x242D00, s1;
	[dreg:$0x15] =	wrdreg s12  }
0x1b: {  	[dreg:$0x11] =	wrdreg s9;
	s13 =	sadd.s32 s1, s20;
	s1 =	sadd.s32 $0x249600, s1  }
0x1c: {  	[dreg:$0x18] =	wrdreg s1  }
0x1d: {  	s17 =	sadd.s32 $0x1500, s13;
	[dreg:$0x16] =	wrdreg s13  }
0x1e: {  	s18 =	sadd.s32 $0x2A00, s13;
	[dreg:$0x1a] =	wrdreg s17  }
0x1f: {  	s19 =	sadd.s32 $0x3F00, s13;
	[dreg:$0x1b] =	wrdreg s18  }
0x20: {  	s20 =	sadd.s32 $0x5400, s13;
	[dreg:$0x1c] =	wrdreg s19  }
0x21: {  	s21 =	sadd.s32 $0x6900, s13;
	[dreg:$0x1d] =	wrdreg s20  }
0x22: {  	s22 =	sadd.s32 $0x7E00, s13;
	[dreg:$0x1e] =	wrdreg s21  }
0x23: {  	s23 =	sadd.s32 $0x9300, s13;
	[dreg:$0x1f] =	wrdreg s22  }
0x24: {  	s24 =	sadd.s32 $0xA800, s13;
	[smem:$0x7F6] =	sst s23  }
0x25: {  	v0 =	vimm.s32 $0x1;
	vm0 =	vmmov $0x1;
	vm1 =	vcmask $0x704;
	s25 =	sadd.s32 $0xBD00, s13;
	[smem:$0x7F7] =	sst s24  }
0x26: {  	vm2 =	vcmask $0xB08;
	vm3 =	vcmask $0xF0C;
	vm4 =	vcmask $0x1310;
	s26 =	sadd.s32 $0xD200, s13;
	[smem:$0x7F8] =	sst s25  }
.Ltmp0:
0x27: {  	vm5 =	vcmask $0x308;
	vm6 =	vcmask $0x70C;
	vm7 =	vcmask $0xB10;
	s28 =	sadd.s32 $0xE700, s13;
	[smem:$0x7F9] =	sst s26;
	(pc) =	sbr.rel .LBB2_1-.Ltmp0, $4  }
0x28: {  	s31 =	simm.s32 $0xC680;
	vm8 =	vcmask $0xF14;
	v1 =	vimm.s32 $0xF;
	v2 =	vlaneseq.u32;
	s29 =	sadd.s32 $0xFC00, s13;
	[smem:$0x7FA] =	sst s28  }
0x29: {  	vm9 =	vmmov $0x1f;
	v4 =	vimm.s32 $0x0;
	vm10 =	vmmov $0xffff;
	p0 =	seq.s32 s4, $0x1F;
	s0 =	sadd.s32 $0x11100, s13;
	[smem:$0x7FB] =	sst s29  }
0x2a: {  	vm11 =	vmmov $0xff;
	v3 =	vmul.u32 $0x6, v2;
	v6 =	vshrl.u32 v2, $0x3;
	s7 =	simm.s32 $0x1C00;
	[smem:$0x7FC] =	sst s0;
	s20 =	simm.s32 $0x3  }
0x2b: {  	v5 =	vand.u32 $0x7, v2;
	v7 =	vor.u32 $0x8, v2;
	v6 =	vmul.u32 $0x8, v6;
	s23 =	simm.s32 $0x1E80;
	s26 =	simm.s32 $0x1;
	s22 =	simm.s32 $0x2  }
.LBB2_11:
0x2c: {  	s1 =	rddreg [dreg:$0x7]  }
0x2d: {  	[tilespmem:s23], [sflag:$0x1] =	stream.linear.gather [hbm4b:s1+s3], $0xA800, $0x38;
	[tilespmem:$0x16EA0] =	vst v63  }
0x2e: {  	s18 =	rddreg [dreg:$0x8]  }
0x2f: {  	[tilespmem:s31], [sflag:$0x2] =	stream.linear.gather [hbm4b:s18+s3], $0xA800, $0x38;
	[tilespmem:$0x16EA0] =	vst v63  }
0x30: {  	_ =	swait.ge [sflag:s26], $0xA800  }
0x31: {  	[sflag:s26] =	ssyncset.done $0x0  }
0x32: {  	[sflag:s26] =	ssyncadd.s32 $0xFFFF5800  }
0x33: {  	v8 =	vld [tilespmem:$0xD00];
	_ =	sdelay $0x4  }
0x34: {  	v9 =	vshrl.u32 v8, $0x3  }
0x35: {  	v9 =	vmul.u32 $0x18, v9  }
0x36: {  	v8 =	vand.u32 $0x7, v8  }
0x37: {  	v8 =	vor.u32 v8, v9  }
0x38: {  	v9 =	vperm.xlane v8, v5;
	_ =	sdelay $0x1  }
0x39: {  	v9 =	vadd.s32 v6, v9;
	_ =	sdelay $0x1  }
0x3a: {  	v8 =	vperm.xlane v8, v7;
	_ =	sdelay $0x1  }
0x3b: {  	v8 =	vadd.s32 v6, v8  }
0x3c: {  	[hbm4b:s5+s3] =	stream.indirect_vreg.scatter [tilespmem:s23], [sflag:$0x1], $0x80, v9, vm10, $0xb8;
	[tilespmem:$0x16EA0] =	vst v63  }
0x3d: {  	s0 =	simm.s32 $0x2680  }
0x3e: {  	[hbm4b:s16+s3] =	stream.indirect_vreg.scatter [tilespmem:s0], [sflag:$0x1], $0x80, v9, vm11, $0xb8;
	[tilespmem:$0x16EA0] =	vst v63  }
0x3f: {  	s19 =	simm.s32 $0x2A80  }
0x40: {  	[hbm4b:s5+s3] =	stream.indirect_vreg.scatter [tilespmem:s19], [sflag:$0x1], $0x80, v8, vm10, $0xb8;
	[tilespmem:$0x16EA0] =	vst v63  }
0x41: {  	s21 =	simm.s32 $0x3280  }
0x42: {  	[hbm4b:s16+s3] =	stream.indirect_vreg.scatter [tilespmem:s21], [sflag:$0x1], $0x80, v8, vm11, $0xb8;
	[tilespmem:$0x16EA0] =	vst v63  }
0x43: {  	v8 =	vld [tilespmem:$0xD10];
	_ =	sdelay $0x4  }
0x44: {  	v30 =	vshrl.u32 v8, $0x3  }
0x45: {  	v9 =	vmul.u32 $0x18, v30  }
0x46: {  	v8 =	vand.u32 $0x7, v8  }
0x47: {  	v8 =	vor.u32 v8, v9  }
0x48: {  	v9 =	vperm.xlane v8, v5;
	_ =	sdelay $0x1  }
0x49: {  	v9 =	vadd.s32 v6, v9;
	_ =	sdelay $0x1  }
0x4a: {  	v8 =	vperm.xlane v8, v7;
	_ =	sdelay $0x1  }
0x4b: {  	s24 =	simm.s32 $0x3680;
	v8 =	vadd.s32 v6, v8  }
0x4c: {  	[hbm4b:s5+s3] =	stream.indirect_vreg.scatter [tilespmem:s24], [sflag:$0x1], $0x80, v9, vm10, $0xb8;
	[tilespmem:$0x16EA0] =	vst v63  }
0x4d: {  	s25 =	simm.s32 $0x3E80  }
0x4e: {  	[hbm4b:s16+s3] =	stream.indirect_vreg.scatter [tilespmem:s25], [sflag:$0x1], $0x80, v9, vm11, $0xb8;
	[tilespmem:$0x16EA0] =	vst v63  }
0x4f: {  	s28 =	simm.s32 $0x4280  }
0x50: {  	[hbm4b:s5+s3] =	stream.indirect_vreg.scatter [tilespmem:s28], [sflag:$0x1], $0x80, v8, vm10, $0xb8;
	[tilespmem:$0x16EA0] =	vst v63  }
0x51: {  	s29 =	simm.s32 $0x4A80  }
0x52: {  	[hbm4b:s16+s3] =	stream.indirect_vreg.scatter [tilespmem:s29], [sflag:$0x1], $0x80, v8, vm11, $0xb8;
	[tilespmem:$0x16EA0] =	vst v63  }
0x53: {  	v8 =	vld [tilespmem:$0xD20];
	_ =	sdelay $0x4  }
0x54: {  	v31 =	vshrl.u32 v8, $0x3  }
0x55: {  	v9 =	vmul.u32 $0x18, v31  }
0x56: {  	v8 =	vand.u32 $0x7, v8  }
0x57: {  	v8 =	vor.u32 v8, v9  }
0x58: {  	v9 =	vperm.xlane v8, v5;
	_ =	sdelay $0x1  }
0x59: {  	v9 =	vadd.s32 v6, v9;
	_ =	sdelay $0x1  }
0x5a: {  	v8 =	vperm.xlane v8, v7;
	_ =	sdelay $0x1  }
0x5b: {  	s30 =	simm.s32 $0x4E80;
	v8 =	vadd.s32 v6, v8  }
0x5c: {  	[hbm4b:s5+s3] =	stream.indirect_vreg.scatter [tilespmem:s30], [sflag:$0x1], $0x80, v9, vm10, $0xb8;
	[tilespmem:$0x16EA0] =	vst v63  }
0x5d: {  	s1 =	simm.s32 $0x5680  }
0x5e: {  	[hbm4b:s16+s3] =	stream.indirect_vreg.scatter [tilespmem:s1], [sflag:$0x1], $0x80, v9, vm11, $0xb8;
	[tilespmem:$0x16EA0] =	vst v63  }
0x5f: {  	s2 =	simm.s32 $0x5A80  }
0x60: {  	[hbm4b:s5+s3] =	stream.indirect_vreg.scatter [tilespmem:s2], [sflag:$0x1], $0x80, v8, vm10, $0xb8;
	[tilespmem:$0x16EA0] =	vst v63  }
0x61: {  	s7 =	simm.s32 $0x6280  }
0x62: {  	[hbm4b:s16+s3] =	stream.indirect_vreg.scatter [tilespmem:s7], [sflag:$0x1], $0x80, v8, vm11, $0xb8;
	[tilespmem:$0x16EA0] =	vst v63  }
0x63: {  	v8 =	vld [tilespmem:$0xD30];
	_ =	sdelay $0x4  }
0x64: {  	v32 =	vshrl.u32 v8, $0x3  }
0x65: {  	v9 =	vmul.u32 $0x18, v32  }
0x66: {  	v8 =	vand.u32 $0x7, v8  }
0x67: {  	v8 =	vor.u32 v8, v9  }
0x68: {  	v9 =	vperm.xlane v8, v5;
	_ =	sdelay $0x1  }
0x69: {  	v9 =	vadd.s32 v6, v9;
	_ =	sdelay $0x1  }
0x6a: {  	v8 =	vperm.xlane v8, v7;
	_ =	sdelay $0x1  }
0x6b: {  	s8 =	simm.s32 $0x6680;
	v8 =	vadd.s32 v6, v8  }
0x6c: {  	[hbm4b:s5+s3] =	stream.indirect_vreg.scatter [tilespmem:s8], [sflag:$0x1], $0x80, v9, vm10, $0xb8;
	[tilespmem:$0x16EA0] =	vst v63  }
0x6d: {  	s10 =	simm.s32 $0x6E80  }
0x6e: {  	[hbm4b:s16+s3] =	stream.indirect_vreg.scatter [tilespmem:s10], [sflag:$0x1], $0x80, v9, vm11, $0xb8;
	[tilespmem:$0x16EA0] =	vst v63  }
0x6f: {  	s11 =	simm.s32 $0x7280  }
0x70: {  	[hbm4b:s5+s3] =	stream.indirect_vreg.scatter [tilespmem:s11], [sflag:$0x1], $0x80, v8, vm10, $0xb8;
	[tilespmem:$0x16EA0] =	vst v63  }
0x71: {  	s13 =	simm.s32 $0x7A80  }
0x72: {  	[hbm4b:s16+s3] =	stream.indirect_vreg.scatter [tilespmem:s13], [sflag:$0x1], $0x80, v8, vm11, $0xb8;
	[tilespmem:$0x16EA0] =	vst v63  }
0x73: {  	v8 =	vld [tilespmem:$0xD40];
	_ =	sdelay $0x4  }
0x74: {  	v33 =	vshrl.u32 v8, $0x3  }
0x75: {  	v9 =	vmul.u32 $0x18, v33  }
0x76: {  	v8 =	vand.u32 $0x7, v8  }
0x77: {  	v8 =	vor.u32 v8, v9  }
0x78: {  	v9 =	vperm.xlane v8, v5;
	_ =	sdelay $0x1  }
0x79: {  	v9 =	vadd.s32 v6, v9;
	_ =	sdelay $0x1  }
0x7a: {  	v8 =	vperm.xlane v8, v7;
	_ =	sdelay $0x1  }
0x7b: {  	s14 =	simm.s32 $0x7E80;
	v8 =	vadd.s32 v6, v8  }
0x7c: {  	[hbm4b:s5+s3] =	stream.indirect_vreg.scatter [tilespmem:s14], [sflag:$0x1], $0x80, v9, vm10, $0xb8;
	[tilespmem:$0x16EA0] =	vst v63  }
0x7d: {  	s17 =	simm.s32 $0x8680  }
0x7e: {  	[hbm4b:s16+s3] =	stream.indirect_vreg.scatter [tilespmem:s17], [sflag:$0x1], $0x80, v9, vm11, $0xb8;
	[tilespmem:$0x16EA0] =	vst v63  }
0x7f: {  	s18 =	simm.s32 $0x8A80  }
0x80: {  	[hbm4b:s5+s3] =	stream.indirect_vreg.scatter [tilespmem:s18], [sflag:$0x1], $0x80, v8, vm10, $0xb8;
	[tilespmem:$0x16EA0] =	vst v63  }
0x81: {  	s19 =	simm.s32 $0x9280  }
0x82: {  	[hbm4b:s16+s3] =	stream.indirect_vreg.scatter [tilespmem:s19], [sflag:$0x1], $0x80, v8, vm11, $0xb8;
	[tilespmem:$0x16EA0] =	vst v63  }
0x83: {  	v8 =	vld [tilespmem:$0xD50];
	_ =	sdelay $0x4  }
0x84: {  	v34 =	vshrl.u32 v8, $0x3  }
0x85: {  	v9 =	vmul.u32 $0x18, v34  }
0x86: {  	v8 =	vand.u32 $0x7, v8  }
0x87: {  	v8 =	vor.u32 v8, v9  }
0x88: {  	v9 =	vperm.xlane v8, v5;
	_ =	sdelay $0x1  }
0x89: {  	v9 =	vadd.s32 v6, v9;
	_ =	sdelay $0x1  }
0x8a: {  	v8 =	vperm.xlane v8, v7;
	_ =	sdelay $0x1  }
0x8b: {  	s21 =	simm.s32 $0x9680;
	v8 =	vadd.s32 v6, v8  }
0x8c: {  	[hbm4b:s5+s3] =	stream.indirect_vreg.scatter [tilespmem:s21], [sflag:$0x1], $0x80, v9, vm10, $0xb8;
	[tilespmem:$0x16EA0] =	vst v63  }
0x8d: {  	s24 =	simm.s32 $0x9E80  }
0x8e: {  	[hbm4b:s16+s3] =	stream.indirect_vreg.scatter [tilespmem:s24], [sflag:$0x1], $0x80, v9, vm11, $0xb8;
	[tilespmem:$0x16EA0] =	vst v63  }
0x8f: {  	s25 =	simm.s32 $0xA280  }
0x90: {  	[hbm4b:s5+s3] =	stream.indirect_vreg.scatter [tilespmem:s25], [sflag:$0x1], $0x80, v8, vm10, $0xb8;
	[tilespmem:$0x16EA0] =	vst v63  }
0x91: {  	s28 =	simm.s32 $0xAA80  }
0x92: {  	[hbm4b:s16+s3] =	stream.indirect_vreg.scatter [tilespmem:s28], [sflag:$0x1], $0x80, v8, vm11, $0xb8;
	[tilespmem:$0x16EA0] =	vst v63  }
0x93: {  	v8 =	vld [tilespmem:$0xD60];
	_ =	sdelay $0x4  }
0x94: {  	v35 =	vshrl.u32 v8, $0x3  }
0x95: {  	v9 =	vmul.u32 $0x18, v35  }
0x96: {  	v8 =	vand.u32 $0x7, v8  }
0x97: {  	v8 =	vor.u32 v8, v9  }
0x98: {  	v9 =	vperm.xlane v8, v5;
	_ =	sdelay $0x1  }
0x99: {  	v9 =	vadd.s32 v6, v9;
	_ =	sdelay $0x1  }
0x9a: {  	v8 =	vperm.xlane v8, v7;
	_ =	sdelay $0x1  }
0x9b: {  	s29 =	simm.s32 $0xAE80;
	v8 =	vadd.s32 v6, v8  }
0x9c: {  	[hbm4b:s5+s3] =	stream.indirect_vreg.scatter [tilespmem:s29], [sflag:$0x1], $0x80, v9, vm10, $0xb8;
	[tilespmem:$0x16EA0] =	vst v63  }
0x9d: {  	s30 =	simm.s32 $0xB680  }
0x9e: {  	[hbm4b:s16+s3] =	stream.indirect_vreg.scatter [tilespmem:s30], [sflag:$0x1], $0x80, v9, vm11, $0xb8;
	[tilespmem:$0x16EA0] =	vst v63  }
0x9f: {  	s1 =	simm.s32 $0xBA80  }
0xa0: {  	[hbm4b:s5+s3] =	stream.indirect_vreg.scatter [tilespmem:s1], [sflag:$0x1], $0x80, v8, vm10, $0xb8;
	[tilespmem:$0x16EA0] =	vst v63  }
0xa1: {  	s2 =	simm.s32 $0xC280  }
0xa2: {  	[hbm4b:s16+s3] =	stream.indirect_vreg.scatter [tilespmem:s2], [sflag:$0x1], $0x80, v8, vm11, $0xb8;
	[tilespmem:$0x16EA0] =	vst v63  }
0xa3: {  	_ =	swait.ge [sflag:s26], $0xA800  }
0xa4: {  	[sflag:s26] =	ssyncset.done $0x0  }
0xa5: {  	s7 =	rddreg [dreg:$0x9];
	[sflag:s26] =	ssyncadd.s32 $0xFFFF5800  }
0xa6: {  	[tilespmem:s23], [sflag:$0x1] =	stream.linear.gather [hbm4b:s7+s3], $0xA800, $0x38;
	[tilespmem:$0x16EA0] =	vst v63  }
0xa7: {  	_ =	swait.ge [sflag:s22], $0xA800  }
0xa8: {  	[sflag:s22] =	ssyncset.done $0x0  }
0xa9: {  	[sflag:s22] =	ssyncadd.s32 $0xFFFF5800  }
0xaa: {  	v8 =	vld [tilespmem:$0xD80];
	_ =	sdelay $0x4  }
0xab: {  	v36 =	vshrl.u32 v8, $0x3  }
0xac: {  	v9 =	vmul.u32 $0x18, v36  }
0xad: {  	v8 =	vand.u32 $0x7, v8  }
0xae: {  	v8 =	vor.u32 v8, v9  }
0xaf: {  	v9 =	vperm.xlane v8, v5;
	_ =	sdelay $0x1  }
0xb0: {  	v9 =	vadd.s32 v6, v9;
	_ =	sdelay $0x1  }
0xb1: {  	v8 =	vperm.xlane v8, v7;
	_ =	sdelay $0x1  }
0xb2: {  	v8 =	vadd.s32 v6, v8  }
0xb3: {  	[hbm4b:s5+s3] =	stream.indirect_vreg.scatter [tilespmem:s31], [sflag:$0x2], $0x80, v9, vm10, $0xb8;
	[tilespmem:$0x16EA0] =	vst v63  }
0xb4: {  	s8 =	simm.s32 $0xCE80  }
0xb5: {  	[hbm4b:s16+s3] =	stream.indirect_vreg.scatter [tilespmem:s8], [sflag:$0x2], $0x80, v9, vm11, $0xb8;
	[tilespmem:$0x16EA0] =	vst v63  }
0xb6: {  	s10 =	simm.s32 $0xD280  }
0xb7: {  	[hbm4b:s5+s3] =	stream.indirect_vreg.scatter [tilespmem:s10], [sflag:$0x2], $0x80, v8, vm10, $0xb8;
	[tilespmem:$0x16EA0] =	vst v63  }
0xb8: {  	s11 =	simm.s32 $0xDA80  }
0xb9: {  	[hbm4b:s16+s3] =	stream.indirect_vreg.scatter [tilespmem:s11], [sflag:$0x2], $0x80, v8, vm11, $0xb8;
	[tilespmem:$0x16EA0] =	vst v63  }
0xba: {  	v8 =	vld [tilespmem:$0xD90];
	_ =	sdelay $0x4  }
0xbb: {  	v37 =	vshrl.u32 v8, $0x3  }
0xbc: {  	v9 =	vmul.u32 $0x18, v37  }
0xbd: {  	v8 =	vand.u32 $0x7, v8  }
0xbe: {  	v8 =	vor.u32 v8, v9  }
0xbf: {  	v9 =	vperm.xlane v8, v5;
	_ =	sdelay $0x1  }
0xc0: {  	v9 =	vadd.s32 v6, v9;
	_ =	sdelay $0x1  }
0xc1: {  	v8 =	vperm.xlane v8, v7;
	_ =	sdelay $0x1  }
0xc2: {  	s13 =	simm.s32 $0xDE80;
	v8 =	vadd.s32 v6, v8  }
0xc3: {  	[hbm4b:s5+s3] =	stream.indirect_vreg.scatter [tilespmem:s13], [sflag:$0x2], $0x80, v9, vm10, $0xb8;
	[tilespmem:$0x16EA0] =	vst v63  }
0xc4: {  	s14 =	simm.s32 $0xE680  }
0xc5: {  	[hbm4b:s16+s3] =	stream.indirect_vreg.scatter [tilespmem:s14], [sflag:$0x2], $0x80, v9, vm11, $0xb8;
	[tilespmem:$0x16EA0] =	vst v63  }
0xc6: {  	s17 =	simm.s32 $0xEA80  }
0xc7: {  	[hbm4b:s5+s3] =	stream.indirect_vreg.scatter [tilespmem:s17], [sflag:$0x2], $0x80, v8, vm10, $0xb8;
	[tilespmem:$0x16EA0] =	vst v63  }
0xc8: {  	s18 =	simm.s32 $0xF280  }
0xc9: {  	[hbm4b:s16+s3] =	stream.indirect_vreg.scatter [tilespmem:s18], [sflag:$0x2], $0x80, v8, vm11, $0xb8;
	[tilespmem:$0x16EA0] =	vst v63  }
0xca: {  	v8 =	vld [tilespmem:$0xDA0];
	_ =	sdelay $0x4  }
0xcb: {  	v38 =	vshrl.u32 v8, $0x3  }
0xcc: {  	v9 =	vmul.u32 $0x18, v38  }
0xcd: {  	v8 =	vand.u32 $0x7, v8  }
0xce: {  	v8 =	vor.u32 v8, v9  }
0xcf: {  	v9 =	vperm.xlane v8, v5;
	_ =	sdelay $0x1  }
0xd0: {  	v9 =	vadd.s32 v6, v9;
	_ =	sdelay $0x1  }
0xd1: {  	v8 =	vperm.xlane v8, v7;
	_ =	sdelay $0x1  }
0xd2: {  	s21 =	simm.s32 $0xF680;
	v8 =	vadd.s32 v6, v8  }
0xd3: {  	[hbm4b:s5+s3] =	stream.indirect_vreg.scatter [tilespmem:s21], [sflag:$0x2], $0x80, v9, vm10, $0xb8;
	[tilespmem:$0x16EA0] =	vst v63  }
0xd4: {  	s24 =	simm.s32 $0xFE80  }
0xd5: {  	[hbm4b:s16+s3] =	stream.indirect_vreg.scatter [tilespmem:s24], [sflag:$0x2], $0x80, v9, vm11, $0xb8;
	[tilespmem:$0x16EA0] =	vst v63  }
0xd6: {  	s28 =	simm.s32 $0x10280  }
0xd7: {  	[hbm4b:s5+s3] =	stream.indirect_vreg.scatter [tilespmem:s28], [sflag:$0x2], $0x80, v8, vm10, $0xb8;
	[tilespmem:$0x16EA0] =	vst v63  }
0xd8: {  	s29 =	simm.s32 $0x10A80  }
0xd9: {  	[hbm4b:s16+s3] =	stream.indirect_vreg.scatter [tilespmem:s29], [sflag:$0x2], $0x80, v8, vm11, $0xb8;
	[tilespmem:$0x16EA0] =	vst v63  }
0xda: {  	v8 =	vld [tilespmem:$0xDB0];
	_ =	sdelay $0x4  }
0xdb: {  	v39 =	vshrl.u32 v8, $0x3  }
0xdc: {  	v9 =	vmul.u32 $0x18, v39  }
0xdd: {  	v8 =	vand.u32 $0x7, v8  }
0xde: {  	v8 =	vor.u32 v8, v9  }
0xdf: {  	v9 =	vperm.xlane v8, v5;
	_ =	sdelay $0x1  }
0xe0: {  	v9 =	vadd.s32 v6, v9;
	_ =	sdelay $0x1  }
0xe1: {  	v8 =	vperm.xlane v8, v7;
	_ =	sdelay $0x1  }
0xe2: {  	s30 =	simm.s32 $0x10E80;
	v8 =	vadd.s32 v6, v8  }
0xe3: {  	[hbm4b:s5+s3] =	stream.indirect_vreg.scatter [tilespmem:s30], [sflag:$0x2], $0x80, v9, vm10, $0xb8;
	[tilespmem:$0x16EA0] =	vst v63  }
0xe4: {  	s1 =	simm.s32 $0x11680  }
0xe5: {  	[hbm4b:s16+s3] =	stream.indirect_vreg.scatter [tilespmem:s1], [sflag:$0x2], $0x80, v9, vm11, $0xb8;
	[tilespmem:$0x16EA0] =	vst v63  }
0xe6: {  	s2 =	simm.s32 $0x11A80  }
0xe7: {  	[hbm4b:s5+s3] =	stream.indirect_vreg.scatter [tilespmem:s2], [sflag:$0x2], $0x80, v8, vm10, $0xb8;
	[tilespmem:$0x16EA0] =	vst v63  }
0xe8: {  	s7 =	simm.s32 $0x12280  }
0xe9: {  	[hbm4b:s16+s3] =	stream.indirect_vreg.scatter [tilespmem:s7], [sflag:$0x2], $0x80, v8, vm11, $0xb8;
	[tilespmem:$0x16EA0] =	vst v63  }
0xea: {  	v8 =	vld [tilespmem:$0xDC0];
	_ =	sdelay $0x4  }
0xeb: {  	v40 =	vshrl.u32 v8, $0x3  }
0xec: {  	v9 =	vmul.u32 $0x18, v40  }
0xed: {  	v8 =	vand.u32 $0x7, v8  }
0xee: {  	v8 =	vor.u32 v8, v9  }
0xef: {  	v9 =	vperm.xlane v8, v5;
	_ =	sdelay $0x1  }
0xf0: {  	v9 =	vadd.s32 v6, v9;
	_ =	sdelay $0x1  }
0xf1: {  	v8 =	vperm.xlane v8, v7;
	_ =	sdelay $0x1  }
0xf2: {  	s8 =	simm.s32 $0x12680;
	v8 =	vadd.s32 v6, v8  }
0xf3: {  	[hbm4b:s5+s3] =	stream.indirect_vreg.scatter [tilespmem:s8], [sflag:$0x2], $0x80, v9, vm10, $0xb8;
	[tilespmem:$0x16EA0] =	vst v63  }
0xf4: {  	s10 =	simm.s32 $0x12E80  }
0xf5: {  	[hbm4b:s16+s3] =	stream.indirect_vreg.scatter [tilespmem:s10], [sflag:$0x2], $0x80, v9, vm11, $0xb8;
	[tilespmem:$0x16EA0] =	vst v63  }
0xf6: {  	s11 =	simm.s32 $0x13280  }
0xf7: {  	[hbm4b:s5+s3] =	stream.indirect_vreg.scatter [tilespmem:s11], [sflag:$0x2], $0x80, v8, vm10, $0xb8;
	[tilespmem:$0x16EA0] =	vst v63  }
0xf8: {  	s13 =	simm.s32 $0x13A80  }
0xf9: {  	[hbm4b:s16+s3] =	stream.indirect_vreg.scatter [tilespmem:s13], [sflag:$0x2], $0x80, v8, vm11, $0xb8;
	[tilespmem:$0x16EA0] =	vst v63  }
0xfa: {  	v8 =	vld [tilespmem:$0xDD0];
	_ =	sdelay $0x4  }
0xfb: {  	v41 =	vshrl.u32 v8, $0x3  }
0xfc: {  	v9 =	vmul.u32 $0x18, v41  }
0xfd: {  	v8 =	vand.u32 $0x7, v8  }
0xfe: {  	v8 =	vor.u32 v8, v9  }
0xff: {  	v9 =	vperm.xlane v8, v5;
	_ =	sdelay $0x1  }
0x100: {  	v9 =	vadd.s32 v6, v9;
	_ =	sdelay $0x1  }
0x101: {  	v8 =	vperm.xlane v8, v7;
	_ =	sdelay $0x1  }
0x102: {  	s14 =	simm.s32 $0x13E80;
	v8 =	vadd.s32 v6, v8  }
0x103: {  	[hbm4b:s5+s3] =	stream.indirect_vreg.scatter [tilespmem:s14], [sflag:$0x2], $0x80, v9, vm10, $0xb8;
	[tilespmem:$0x16EA0] =	vst v63  }
0x104: {  	s17 =	simm.s32 $0x14680  }
0x105: {  	[hbm4b:s16+s3] =	stream.indirect_vreg.scatter [tilespmem:s17], [sflag:$0x2], $0x80, v9, vm11, $0xb8;
	[tilespmem:$0x16EA0] =	vst v63  }
0x106: {  	s18 =	simm.s32 $0x14A80  }
0x107: {  	[hbm4b:s5+s3] =	stream.indirect_vreg.scatter [tilespmem:s18], [sflag:$0x2], $0x80, v8, vm10, $0xb8;
	[tilespmem:$0x16EA0] =	vst v63  }
0x108: {  	s21 =	simm.s32 $0x15280  }
0x109: {  	[hbm4b:s16+s3] =	stream.indirect_vreg.scatter [tilespmem:s21], [sflag:$0x2], $0x80, v8, vm11, $0xb8;
	[tilespmem:$0x16EA0] =	vst v63  }
0x10a: {  	v8 =	vld [tilespmem:$0xDE0];
	_ =	sdelay $0x4  }
0x10b: {  	v42 =	vshrl.u32 v8, $0x3  }
0x10c: {  	v9 =	vmul.u32 $0x18, v42  }
0x10d: {  	v8 =	vand.u32 $0x7, v8  }
0x10e: {  	v8 =	vor.u32 v8, v9  }
0x10f: {  	v9 =	vperm.xlane v8, v5;
	_ =	sdelay $0x1  }
0x110: {  	v9 =	vadd.s32 v6, v9;
	_ =	sdelay $0x1  }
0x111: {  	v8 =	vperm.xlane v8, v7;
	_ =	sdelay $0x1  }
0x112: {  	s24 =	simm.s32 $0x15680;
	v8 =	vadd.s32 v6, v8  }
0x113: {  	[hbm4b:s5+s3] =	stream.indirect_vreg.scatter [tilespmem:s24], [sflag:$0x2], $0x80, v9, vm10, $0xb8;
	[tilespmem:$0x16EA0] =	vst v63  }
0x114: {  	s28 =	simm.s32 $0x15E80  }
0x115: {  	[hbm4b:s16+s3] =	stream.indirect_vreg.scatter [tilespmem:s28], [sflag:$0x2], $0x80, v9, vm11, $0xb8;
	[tilespmem:$0x16EA0] =	vst v63  }
0x116: {  	s29 =	simm.s32 $0x16280  }
0x117: {  	[hbm4b:s5+s3] =	stream.indirect_vreg.scatter [tilespmem:s29], [sflag:$0x2], $0x80, v8, vm10, $0xb8;
	[tilespmem:$0x16EA0] =	vst v63  }
0x118: {  	s30 =	simm.s32 $0x16A80  }
0x119: {  	[hbm4b:s16+s3] =	stream.indirect_vreg.scatter [tilespmem:s30], [sflag:$0x2], $0x80, v8, vm11, $0xb8;
	[tilespmem:$0x16EA0] =	vst v63  }
0x11a: {  	_ =	swait.ge [sflag:s22], $0xA800  }
0x11b: {  	[sflag:s22] =	ssyncset.done $0x0  }
0x11c: {  	s0 =	rddreg [dreg:$0xb];
	[sflag:s22] =	ssyncadd.s32 $0xFFFF5800  }
0x11d: {  	[tilespmem:s31], [sflag:$0x2] =	stream.linear.gather [hbm4b:s0+s3], $0xA800, $0x38;
	[tilespmem:$0x16EA0] =	vst v63  }
0x11e: {  	_ =	swait.ge [sflag:s26], $0xA800  }
0x11f: {  	[sflag:s26] =	ssyncset.done $0x0  }
0x120: {  	[sflag:s26] =	ssyncadd.s32 $0xFFFF5800  }
0x121: {  	v8 =	vld [tilespmem:$0xE00];
	_ =	sdelay $0x4  }
0x122: {  	v43 =	vshrl.u32 v8, $0x3  }
0x123: {  	v9 =	vmul.u32 $0x18, v43  }
0x124: {  	v8 =	vand.u32 $0x7, v8  }
0x125: {  	v8 =	vor.u32 v8, v9  }
0x126: {  	v9 =	vperm.xlane v8, v5;
	_ =	sdelay $0x1  }
0x127: {  	v9 =	vadd.s32 v6, v9;
	_ =	sdelay $0x1  }
0x128: {  	v8 =	vperm.xlane v8, v7;
	_ =	sdelay $0x1  }
0x129: {  	v8 =	vadd.s32 v6, v8  }
0x12a: {  	[hbm4b:s5+s3] =	stream.indirect_vreg.scatter [tilespmem:s23], [sflag:$0x1], $0x80, v9, vm10, $0xb8;
	[tilespmem:$0x16EA0] =	vst v63  }
0x12b: {  	s0 =	simm.s32 $0x2680  }
0x12c: {  	[hbm4b:s16+s3] =	stream.indirect_vreg.scatter [tilespmem:s0], [sflag:$0x1], $0x80, v9, vm11, $0xb8;
	[tilespmem:$0x16EA0] =	vst v63  }
0x12d: {  	s2 =	simm.s32 $0x2A80  }
0x12e: {  	[hbm4b:s5+s3] =	stream.indirect_vreg.scatter [tilespmem:s2], [sflag:$0x1], $0x80, v8, vm10, $0xb8;
	[tilespmem:$0x16EA0] =	vst v63  }
0x12f: {  	s6 =	simm.s32 $0x3280  }
0x130: {  	[hbm4b:s16+s3] =	stream.indirect_vreg.scatter [tilespmem:s6], [sflag:$0x1], $0x80, v8, vm11, $0xb8;
	[tilespmem:$0x16EA0] =	vst v63  }
0x131: {  	v8 =	vld [tilespmem:$0xE10];
	_ =	sdelay $0x4  }
0x132: {  	v44 =	vshrl.u32 v8, $0x3  }
0x133: {  	v9 =	vmul.u32 $0x18, v44  }
0x134: {  	v8 =	vand.u32 $0x7, v8  }
0x135: {  	v8 =	vor.u32 v8, v9  }
0x136: {  	v9 =	vperm.xlane v8, v5;
	_ =	sdelay $0x1  }
0x137: {  	v9 =	vadd.s32 v6, v9;
	_ =	sdelay $0x1  }
0x138: {  	v8 =	vperm.xlane v8, v7;
	_ =	sdelay $0x1  }
0x139: {  	s6 =	simm.s32 $0x3680;
	v8 =	vadd.s32 v6, v8  }
0x13a: {  	[hbm4b:s5+s3] =	stream.indirect_vreg.scatter [tilespmem:s6], [sflag:$0x1], $0x80, v9, vm10, $0xb8;
	[tilespmem:$0x16EA0] =	vst v63  }
0x13b: {  	s7 =	simm.s32 $0x3E80  }
0x13c: {  	[hbm4b:s16+s3] =	stream.indirect_vreg.scatter [tilespmem:s7], [sflag:$0x1], $0x80, v9, vm11, $0xb8;
	[tilespmem:$0x16EA0] =	vst v63  }
0x13d: {  	s8 =	simm.s32 $0x4280  }
0x13e: {  	[hbm4b:s5+s3] =	stream.indirect_vreg.scatter [tilespmem:s8], [sflag:$0x1], $0x80, v8, vm10, $0xb8;
	[tilespmem:$0x16EA0] =	vst v63  }
0x13f: {  	s9 =	simm.s32 $0x4A80  }
0x140: {  	[hbm4b:s16+s3] =	stream.indirect_vreg.scatter [tilespmem:s9], [sflag:$0x1], $0x80, v8, vm11, $0xb8;
	[tilespmem:$0x16EA0] =	vst v63  }
0x141: {  	v8 =	vld [tilespmem:$0xE20];
	_ =	sdelay $0x4  }
0x142: {  	v45 =	vshrl.u32 v8, $0x3  }
0x143: {  	v9 =	vmul.u32 $0x18, v45  }
0x144: {  	v8 =	vand.u32 $0x7, v8  }
0x145: {  	v8 =	vor.u32 v8, v9  }
0x146: {  	v9 =	vperm.xlane v8, v5;
	_ =	sdelay $0x1  }
0x147: {  	v9 =	vadd.s32 v6, v9;
	_ =	sdelay $0x1  }
0x148: {  	v8 =	vperm.xlane v8, v7;
	_ =	sdelay $0x1  }
0x149: {  	s9 =	simm.s32 $0x4E80;
	v8 =	vadd.s32 v6, v8  }
0x14a: {  	[hbm4b:s5+s3] =	stream.indirect_vreg.scatter [tilespmem:s9], [sflag:$0x1], $0x80, v9, vm10, $0xb8;
	[tilespmem:$0x16EA0] =	vst v63  }
0x14b: {  	s10 =	simm.s32 $0x5680  }
0x14c: {  	[hbm4b:s16+s3] =	stream.indirect_vreg.scatter [tilespmem:s10], [sflag:$0x1], $0x80, v9, vm11, $0xb8;
	[tilespmem:$0x16EA0] =	vst v63  }
0x14d: {  	s11 =	simm.s32 $0x5A80  }
0x14e: {  	[hbm4b:s5+s3] =	stream.indirect_vreg.scatter [tilespmem:s11], [sflag:$0x1], $0x80, v8, vm10, $0xb8;
	[tilespmem:$0x16EA0] =	vst v63  }
0x14f: {  	s12 =	simm.s32 $0x6280  }
0x150: {  	[hbm4b:s16+s3] =	stream.indirect_vreg.scatter [tilespmem:s12], [sflag:$0x1], $0x80, v8, vm11, $0xb8;
	[tilespmem:$0x16EA0] =	vst v63  }
0x151: {  	v8 =	vld [tilespmem:$0xE30];
	_ =	sdelay $0x4  }
0x152: {  	v46 =	vshrl.u32 v8, $0x3  }
0x153: {  	v9 =	vmul.u32 $0x18, v46  }
0x154: {  	v8 =	vand.u32 $0x7, v8  }
0x155: {  	v8 =	vor.u32 v8, v9  }
0x156: {  	v9 =	vperm.xlane v8, v5;
	_ =	sdelay $0x1  }
0x157: {  	v9 =	vadd.s32 v6, v9;
	_ =	sdelay $0x1  }
0x158: {  	v8 =	vperm.xlane v8, v7;
	_ =	sdelay $0x1  }
0x159: {  	s12 =	simm.s32 $0x6680;
	v8 =	vadd.s32 v6, v8  }
0x15a: {  	[hbm4b:s5+s3] =	stream.indirect_vreg.scatter [tilespmem:s12], [sflag:$0x1], $0x80, v9, vm10, $0xb8;
	[tilespmem:$0x16EA0] =	vst v63  }
0x15b: {  	s13 =	simm.s32 $0x6E80  }
0x15c: {  	[hbm4b:s16+s3] =	stream.indirect_vreg.scatter [tilespmem:s13], [sflag:$0x1], $0x80, v9, vm11, $0xb8;
	[tilespmem:$0x16EA0] =	vst v63  }
0x15d: {  	s14 =	simm.s32 $0x7280  }
0x15e: {  	[hbm4b:s5+s3] =	stream.indirect_vreg.scatter [tilespmem:s14], [sflag:$0x1], $0x80, v8, vm10, $0xb8;
	[tilespmem:$0x16EA0] =	vst v63  }
0x15f: {  	s15 =	simm.s32 $0x7A80  }
0x160: {  	[hbm4b:s16+s3] =	stream.indirect_vreg.scatter [tilespmem:s15], [sflag:$0x1], $0x80, v8, vm11, $0xb8;
	[tilespmem:$0x16EA0] =	vst v63  }
0x161: {  	v8 =	vld [tilespmem:$0xE40];
	_ =	sdelay $0x4  }
0x162: {  	v47 =	vshrl.u32 v8, $0x3  }
0x163: {  	v9 =	vmul.u32 $0x18, v47  }
0x164: {  	v8 =	vand.u32 $0x7, v8  }
0x165: {  	v8 =	vor.u32 v8, v9  }
0x166: {  	v9 =	vperm.xlane v8, v5;
	_ =	sdelay $0x1  }
0x167: {  	v9 =	vadd.s32 v6, v9;
	_ =	sdelay $0x1  }
0x168: {  	v8 =	vperm.xlane v8, v7;
	_ =	sdelay $0x1  }
0x169: {  	s15 =	simm.s32 $0x7E80;
	v8 =	vadd.s32 v6, v8  }
0x16a: {  	[hbm4b:s5+s3] =	stream.indirect_vreg.scatter [tilespmem:s15], [sflag:$0x1], $0x80, v9, vm10, $0xb8;
	[tilespmem:$0x16EA0] =	vst v63  }
0x16b: {  	s17 =	simm.s32 $0x8680  }
0x16c: {  	[hbm4b:s16+s3] =	stream.indirect_vreg.scatter [tilespmem:s17], [sflag:$0x1], $0x80, v9, vm11, $0xb8;
	[tilespmem:$0x16EA0] =	vst v63  }
0x16d: {  	s18 =	simm.s32 $0x8A80  }
0x16e: {  	[hbm4b:s5+s3] =	stream.indirect_vreg.scatter [tilespmem:s18], [sflag:$0x1], $0x80, v8, vm10, $0xb8;
	[tilespmem:$0x16EA0] =	vst v63  }
0x16f: {  	s19 =	simm.s32 $0x9280  }
0x170: {  	[hbm4b:s16+s3] =	stream.indirect_vreg.scatter [tilespmem:s19], [sflag:$0x1], $0x80, v8, vm11, $0xb8;
	[tilespmem:$0x16EA0] =	vst v63  }
0x171: {  	v8 =	vld [tilespmem:$0xE50];
	_ =	sdelay $0x4  }
0x172: {  	v48 =	vshrl.u32 v8, $0x3  }
0x173: {  	v9 =	vmul.u32 $0x18, v48  }
0x174: {  	v8 =	vand.u32 $0x7, v8  }
0x175: {  	v8 =	vor.u32 v8, v9  }
0x176: {  	v9 =	vperm.xlane v8, v5;
	_ =	sdelay $0x1  }
0x177: {  	v9 =	vadd.s32 v6, v9;
	_ =	sdelay $0x1  }
0x178: {  	v8 =	vperm.xlane v8, v7;
	_ =	sdelay $0x1  }
0x179: {  	s19 =	simm.s32 $0x9680;
	v8 =	vadd.s32 v6, v8  }
0x17a: {  	[hbm4b:s5+s3] =	stream.indirect_vreg.scatter [tilespmem:s19], [sflag:$0x1], $0x80, v9, vm10, $0xb8;
	[tilespmem:$0x16EA0] =	vst v63  }
0x17b: {  	s21 =	simm.s32 $0x9E80  }
0x17c: {  	[hbm4b:s16+s3] =	stream.indirect_vreg.scatter [tilespmem:s21], [sflag:$0x1], $0x80, v9, vm11, $0xb8;
	[tilespmem:$0x16EA0] =	vst v63  }
0x17d: {  	s24 =	simm.s32 $0xA280  }
0x17e: {  	[hbm4b:s5+s3] =	stream.indirect_vreg.scatter [tilespmem:s24], [sflag:$0x1], $0x80, v8, vm10, $0xb8;
	[tilespmem:$0x16EA0] =	vst v63  }
0x17f: {  	s25 =	simm.s32 $0xAA80  }
0x180: {  	[hbm4b:s16+s3] =	stream.indirect_vreg.scatter [tilespmem:s25], [sflag:$0x1], $0x80, v8, vm11, $0xb8;
	[tilespmem:$0x16EA0] =	vst v63  }
0x181: {  	v8 =	vld [tilespmem:$0xE60];
	_ =	sdelay $0x4  }
0x182: {  	v49 =	vshrl.u32 v8, $0x3  }
0x183: {  	v9 =	vmul.u32 $0x18, v49  }
0x184: {  	v8 =	vand.u32 $0x7, v8  }
0x185: {  	v8 =	vor.u32 v8, v9  }
0x186: {  	v9 =	vperm.xlane v8, v5;
	_ =	sdelay $0x1  }
0x187: {  	v9 =	vadd.s32 v6, v9;
	_ =	sdelay $0x1  }
0x188: {  	v8 =	vperm.xlane v8, v7;
	_ =	sdelay $0x1  }
0x189: {  	s25 =	simm.s32 $0xAE80;
	v8 =	vadd.s32 v6, v8  }
0x18a: {  	[hbm4b:s5+s3] =	stream.indirect_vreg.scatter [tilespmem:s25], [sflag:$0x1], $0x80, v9, vm10, $0xb8;
	[tilespmem:$0x16EA0] =	vst v63  }
0x18b: {  	s28 =	simm.s32 $0xB680  }
0x18c: {  	[hbm4b:s16+s3] =	stream.indirect_vreg.scatter [tilespmem:s28], [sflag:$0x1], $0x80, v9, vm11, $0xb8;
	[tilespmem:$0x16EA0] =	vst v63  }
0x18d: {  	s29 =	simm.s32 $0xBA80  }
0x18e: {  	[hbm4b:s5+s3] =	stream.indirect_vreg.scatter [tilespmem:s29], [sflag:$0x1], $0x80, v8, vm10, $0xb8;
	[tilespmem:$0x16EA0] =	vst v63  }
0x18f: {  	s30 =	simm.s32 $0xC280  }
0x190: {  	[hbm4b:s16+s3] =	stream.indirect_vreg.scatter [tilespmem:s30], [sflag:$0x1], $0x80, v8, vm11, $0xb8;
	[tilespmem:$0x16EA0] =	vst v63  }
0x191: {  	_ =	swait.ge [sflag:s26], $0xA800  }
0x192: {  	[sflag:s26] =	ssyncset.done $0x0  }
0x193: {  	s1 =	rddreg [dreg:$0xc];
	[sflag:s26] =	ssyncadd.s32 $0xFFFF5800  }
0x194: {  	[tilespmem:s23], [sflag:$0x1] =	stream.linear.gather [hbm4b:s1+s3], $0xA800, $0x38;
	[tilespmem:$0x16EA0] =	vst v63  }
0x195: {  	_ =	swait.ge [sflag:s22], $0xA800  }
0x196: {  	[sflag:s22] =	ssyncset.done $0x0  }
0x197: {  	[sflag:s22] =	ssyncadd.s32 $0xFFFF5800  }
0x198: {  	v8 =	vld [tilespmem:$0xE80];
	_ =	sdelay $0x4  }
0x199: {  	v50 =	vshrl.u32 v8, $0x3  }
0x19a: {  	v9 =	vmul.u32 $0x18, v50  }
0x19b: {  	v8 =	vand.u32 $0x7, v8  }
0x19c: {  	v8 =	vor.u32 v8, v9  }
0x19d: {  	v9 =	vperm.xlane v8, v5;
	_ =	sdelay $0x1  }
0x19e: {  	v9 =	vadd.s32 v6, v9;
	_ =	sdelay $0x1  }
0x19f: {  	v8 =	vperm.xlane v8, v7;
	_ =	sdelay $0x1  }
0x1a0: {  	v8 =	vadd.s32 v6, v8  }
0x1a1: {  	[hbm4b:s5+s3] =	stream.indirect_vreg.scatter [tilespmem:s31], [sflag:$0x2], $0x80, v9, vm10, $0xb8;
	[tilespmem:$0x16EA0] =	vst v63  }
0x1a2: {  	s1 =	simm.s32 $0xCE80  }
0x1a3: {  	[hbm4b:s16+s3] =	stream.indirect_vreg.scatter [tilespmem:s1], [sflag:$0x2], $0x80, v9, vm11, $0xb8;
	[tilespmem:$0x16EA0] =	vst v63  }
0x1a4: {  	s1 =	simm.s32 $0xD280  }
0x1a5: {  	[hbm4b:s5+s3] =	stream.indirect_vreg.scatter [tilespmem:s1], [sflag:$0x2], $0x80, v8, vm10, $0xb8;
	[tilespmem:$0x16EA0] =	vst v63  }
0x1a6: {  	s1 =	simm.s32 $0xDA80  }
0x1a7: {  	[hbm4b:s16+s3] =	stream.indirect_vreg.scatter [tilespmem:s1], [sflag:$0x2], $0x80, v8, vm11, $0xb8;
	[tilespmem:$0x16EA0] =	vst v63  }
0x1a8: {  	v8 =	vld [tilespmem:$0xE90];
	_ =	sdelay $0x4  }
0x1a9: {  	v51 =	vshrl.u32 v8, $0x3  }
0x1aa: {  	v9 =	vmul.u32 $0x18, v51  }
0x1ab: {  	v8 =	vand.u32 $0x7, v8  }
0x1ac: {  	v8 =	vor.u32 v8, v9  }
0x1ad: {  	v9 =	vperm.xlane v8, v5;
	_ =	sdelay $0x1  }
0x1ae: {  	v9 =	vadd.s32 v6, v9;
	_ =	sdelay $0x1  }
0x1af: {  	v8 =	vperm.xlane v8, v7;
	_ =	sdelay $0x1  }
0x1b0: {  	s1 =	simm.s32 $0xDE80;
	v8 =	vadd.s32 v6, v8  }
0x1b1: {  	[hbm4b:s5+s3] =	stream.indirect_vreg.scatter [tilespmem:s1], [sflag:$0x2], $0x80, v9, vm10, $0xb8;
	[tilespmem:$0x16EA0] =	vst v63  }
0x1b2: {  	s1 =	simm.s32 $0xE680  }
0x1b3: {  	[hbm4b:s16+s3] =	stream.indirect_vreg.scatter [tilespmem:s1], [sflag:$0x2], $0x80, v9, vm11, $0xb8;
	[tilespmem:$0x16EA0] =	vst v63  }
0x1b4: {  	s1 =	simm.s32 $0xEA80  }
0x1b5: {  	[hbm4b:s5+s3] =	stream.indirect_vreg.scatter [tilespmem:s1], [sflag:$0x2], $0x80, v8, vm10, $0xb8;
	[tilespmem:$0x16EA0] =	vst v63  }
0x1b6: {  	s1 =	simm.s32 $0xF280  }
0x1b7: {  	[hbm4b:s16+s3] =	stream.indirect_vreg.scatter [tilespmem:s1], [sflag:$0x2], $0x80, v8, vm11, $0xb8;
	[tilespmem:$0x16EA0] =	vst v63  }
0x1b8: {  	v8 =	vld [tilespmem:$0xEA0];
	_ =	sdelay $0x4  }
0x1b9: {  	v52 =	vshrl.u32 v8, $0x3  }
0x1ba: {  	v9 =	vmul.u32 $0x18, v52  }
0x1bb: {  	v8 =	vand.u32 $0x7, v8  }
0x1bc: {  	v8 =	vor.u32 v8, v9  }
0x1bd: {  	v9 =	vperm.xlane v8, v5;
	_ =	sdelay $0x1  }
0x1be: {  	v9 =	vadd.s32 v6, v9;
	_ =	sdelay $0x1  }
0x1bf: {  	v8 =	vperm.xlane v8, v7;
	_ =	sdelay $0x1  }
0x1c0: {  	s1 =	simm.s32 $0xF680;
	v8 =	vadd.s32 v6, v8  }
0x1c1: {  	[hbm4b:s5+s3] =	stream.indirect_vreg.scatter [tilespmem:s1], [sflag:$0x2], $0x80, v9, vm10, $0xb8;
	[tilespmem:$0x16EA0] =	vst v63  }
0x1c2: {  	s1 =	simm.s32 $0xFE80  }
0x1c3: {  	[hbm4b:s16+s3] =	stream.indirect_vreg.scatter [tilespmem:s1], [sflag:$0x2], $0x80, v9, vm11, $0xb8;
	[tilespmem:$0x16EA0] =	vst v63  }
0x1c4: {  	s1 =	simm.s32 $0x10280  }
0x1c5: {  	[hbm4b:s5+s3] =	stream.indirect_vreg.scatter [tilespmem:s1], [sflag:$0x2], $0x80, v8, vm10, $0xb8;
	[tilespmem:$0x16EA0] =	vst v63  }
0x1c6: {  	s1 =	simm.s32 $0x10A80  }
0x1c7: {  	[hbm4b:s16+s3] =	stream.indirect_vreg.scatter [tilespmem:s1], [sflag:$0x2], $0x80, v8, vm11, $0xb8;
	[tilespmem:$0x16EA0] =	vst v63  }
0x1c8: {  	v8 =	vld [tilespmem:$0xEB0];
	_ =	sdelay $0x4  }
0x1c9: {  	v53 =	vshrl.u32 v8, $0x3  }
0x1ca: {  	v9 =	vmul.u32 $0x18, v53  }
0x1cb: {  	v8 =	vand.u32 $0x7, v8  }
0x1cc: {  	v8 =	vor.u32 v8, v9  }
0x1cd: {  	v9 =	vperm.xlane v8, v5;
	_ =	sdelay $0x1  }
0x1ce: {  	v9 =	vadd.s32 v6, v9;
	_ =	sdelay $0x1  }
0x1cf: {  	v8 =	vperm.xlane v8, v7;
	_ =	sdelay $0x1  }
0x1d0: {  	s1 =	simm.s32 $0x10E80;
	v8 =	vadd.s32 v6, v8  }
0x1d1: {  	[hbm4b:s5+s3] =	stream.indirect_vreg.scatter [tilespmem:s1], [sflag:$0x2], $0x80, v9, vm10, $0xb8;
	[tilespmem:$0x16EA0] =	vst v63  }
0x1d2: {  	s1 =	simm.s32 $0x11680  }
0x1d3: {  	[hbm4b:s16+s3] =	stream.indirect_vreg.scatter [tilespmem:s1], [sflag:$0x2], $0x80, v9, vm11, $0xb8;
	[tilespmem:$0x16EA0] =	vst v63  }
0x1d4: {  	s1 =	simm.s32 $0x11A80  }
0x1d5: {  	[hbm4b:s5+s3] =	stream.indirect_vreg.scatter [tilespmem:s1], [sflag:$0x2], $0x80, v8, vm10, $0xb8;
	[tilespmem:$0x16EA0] =	vst v63  }
0x1d6: {  	s1 =	simm.s32 $0x12280  }
0x1d7: {  	[hbm4b:s16+s3] =	stream.indirect_vreg.scatter [tilespmem:s1], [sflag:$0x2], $0x80, v8, vm11, $0xb8;
	[tilespmem:$0x16EA0] =	vst v63  }
0x1d8: {  	v8 =	vld [tilespmem:$0xEC0];
	_ =	sdelay $0x4  }
0x1d9: {  	v54 =	vshrl.u32 v8, $0x3  }
0x1da: {  	v9 =	vmul.u32 $0x18, v54  }
0x1db: {  	v8 =	vand.u32 $0x7, v8  }
0x1dc: {  	v8 =	vor.u32 v8, v9  }
0x1dd: {  	v9 =	vperm.xlane v8, v5;
	_ =	sdelay $0x1  }
0x1de: {  	v9 =	vadd.s32 v6, v9;
	_ =	sdelay $0x1  }
0x1df: {  	v8 =	vperm.xlane v8, v7;
	_ =	sdelay $0x1  }
0x1e0: {  	s1 =	simm.s32 $0x12680;
	v8 =	vadd.s32 v6, v8  }
0x1e1: {  	[hbm4b:s5+s3] =	stream.indirect_vreg.scatter [tilespmem:s1], [sflag:$0x2], $0x80, v9, vm10, $0xb8;
	[tilespmem:$0x16EA0] =	vst v63  }
0x1e2: {  	s1 =	simm.s32 $0x12E80  }
0x1e3: {  	[hbm4b:s16+s3] =	stream.indirect_vreg.scatter [tilespmem:s1], [sflag:$0x2], $0x80, v9, vm11, $0xb8;
	[tilespmem:$0x16EA0] =	vst v63  }
0x1e4: {  	s1 =	simm.s32 $0x13280  }
0x1e5: {  	[hbm4b:s5+s3] =	stream.indirect_vreg.scatter [tilespmem:s1], [sflag:$0x2], $0x80, v8, vm10, $0xb8;
	[tilespmem:$0x16EA0] =	vst v63  }
0x1e6: {  	s1 =	simm.s32 $0x13A80  }
0x1e7: {  	[hbm4b:s16+s3] =	stream.indirect_vreg.scatter [tilespmem:s1], [sflag:$0x2], $0x80, v8, vm11, $0xb8;
	[tilespmem:$0x16EA0] =	vst v63  }
0x1e8: {  	v8 =	vld [tilespmem:$0xED0];
	_ =	sdelay $0x4  }
0x1e9: {  	v55 =	vshrl.u32 v8, $0x3  }
0x1ea: {  	v9 =	vmul.u32 $0x18, v55  }
0x1eb: {  	v8 =	vand.u32 $0x7, v8  }
0x1ec: {  	v8 =	vor.u32 v8, v9  }
0x1ed: {  	v9 =	vperm.xlane v8, v5;
	_ =	sdelay $0x1  }
0x1ee: {  	v9 =	vadd.s32 v6, v9;
	_ =	sdelay $0x1  }
0x1ef: {  	v8 =	vperm.xlane v8, v7;
	_ =	sdelay $0x1  }
0x1f0: {  	s1 =	simm.s32 $0x13E80;
	v8 =	vadd.s32 v6, v8  }
0x1f1: {  	[hbm4b:s5+s3] =	stream.indirect_vreg.scatter [tilespmem:s1], [sflag:$0x2], $0x80, v9, vm10, $0xb8;
	[tilespmem:$0x16EA0] =	vst v63  }
0x1f2: {  	s1 =	simm.s32 $0x14680  }
0x1f3: {  	[hbm4b:s16+s3] =	stream.indirect_vreg.scatter [tilespmem:s1], [sflag:$0x2], $0x80, v9, vm11, $0xb8;
	[tilespmem:$0x16EA0] =	vst v63  }
0x1f4: {  	s1 =	simm.s32 $0x14A80  }
0x1f5: {  	[hbm4b:s5+s3] =	stream.indirect_vreg.scatter [tilespmem:s1], [sflag:$0x2], $0x80, v8, vm10, $0xb8;
	[tilespmem:$0x16EA0] =	vst v63  }
0x1f6: {  	s1 =	simm.s32 $0x15280  }
0x1f7: {  	[hbm4b:s16+s3] =	stream.indirect_vreg.scatter [tilespmem:s1], [sflag:$0x2], $0x80, v8, vm11, $0xb8;
	[tilespmem:$0x16EA0] =	vst v63  }
0x1f8: {  	v8 =	vld [tilespmem:$0xEE0];
	_ =	sdelay $0x4  }
0x1f9: {  	v56 =	vshrl.u32 v8, $0x3  }
0x1fa: {  	v9 =	vmul.u32 $0x18, v56  }
0x1fb: {  	v8 =	vand.u32 $0x7, v8  }
0x1fc: {  	v8 =	vor.u32 v8, v9  }
0x1fd: {  	v9 =	vperm.xlane v8, v5;
	_ =	sdelay $0x1  }
0x1fe: {  	v9 =	vadd.s32 v6, v9;
	_ =	sdelay $0x1  }
0x1ff: {  	v8 =	vperm.xlane v8, v7;
	_ =	sdelay $0x1  }
0x200: {  	s1 =	simm.s32 $0x15680;
	v8 =	vadd.s32 v6, v8  }
0x201: {  	[hbm4b:s5+s3] =	stream.indirect_vreg.scatter [tilespmem:s1], [sflag:$0x2], $0x80, v9, vm10, $0xb8;
	[tilespmem:$0x16EA0] =	vst v63  }
0x202: {  	s1 =	simm.s32 $0x15E80  }
0x203: {  	[hbm4b:s16+s3] =	stream.indirect_vreg.scatter [tilespmem:s1], [sflag:$0x2], $0x80, v9, vm11, $0xb8;
	[tilespmem:$0x16EA0] =	vst v63  }
0x204: {  	s1 =	simm.s32 $0x16280  }
0x205: {  	[hbm4b:s5+s3] =	stream.indirect_vreg.scatter [tilespmem:s1], [sflag:$0x2], $0x80, v8, vm10, $0xb8;
	[tilespmem:$0x16EA0] =	vst v63  }
0x206: {  	s1 =	simm.s32 $0x16A80  }
0x207: {  	[hbm4b:s16+s3] =	stream.indirect_vreg.scatter [tilespmem:s1], [sflag:$0x2], $0x80, v8, vm11, $0xb8;
	[tilespmem:$0x16EA0] =	vst v63  }
0x208: {  	_ =	swait.ge [sflag:s22], $0xA800  }
0x209: {  	[sflag:s22] =	ssyncset.done $0x0  }
0x20a: {  	s1 =	rddreg [dreg:$0xe];
	[sflag:s22] =	ssyncadd.s32 $0xFFFF5800  }
0x20b: {  	[tilespmem:s31], [sflag:$0x2] =	stream.linear.gather [hbm4b:s1+s3], $0xA800, $0x38;
	[tilespmem:$0x16EA0] =	vst v63  }
0x20c: {  	_ =	swait.ge [sflag:s26], $0xA800  }
0x20d: {  	[sflag:s26] =	ssyncset.done $0x0  }
0x20e: {  	[sflag:s26] =	ssyncadd.s32 $0xFFFF5800  }
0x20f: {  	v8 =	vld [tilespmem:$0xF00];
	_ =	sdelay $0x4  }
0x210: {  	v57 =	vshrl.u32 v8, $0x3  }
0x211: {  	v9 =	vmul.u32 $0x18, v57  }
0x212: {  	v8 =	vand.u32 $0x7, v8  }
0x213: {  	v8 =	vor.u32 v8, v9  }
0x214: {  	v9 =	vperm.xlane v8, v5;
	_ =	sdelay $0x1  }
0x215: {  	v9 =	vadd.s32 v6, v9;
	_ =	sdelay $0x1  }
0x216: {  	v8 =	vperm.xlane v8, v7;
	_ =	sdelay $0x1  }
0x217: {  	v8 =	vadd.s32 v6, v8  }
0x218: {  	[hbm4b:s5+s3] =	stream.indirect_vreg.scatter [tilespmem:s23], [sflag:$0x1], $0x80, v9, vm10, $0xb8;
	[tilespmem:$0x16EA0] =	vst v63  }
0x219: {  	_ = 	snop  }
0x21a: {  	[hbm4b:s16+s3] =	stream.indirect_vreg.scatter [tilespmem:s0], [sflag:$0x1], $0x80, v9, vm11, $0xb8;
	[tilespmem:$0x16EA0] =	vst v63  }
0x21b: {  	_ = 	snop  }
0x21c: {  	[hbm4b:s5+s3] =	stream.indirect_vreg.scatter [tilespmem:s2], [sflag:$0x1], $0x80, v8, vm10, $0xb8;
	[tilespmem:$0x16EA0] =	vst v63  }
0x21d: {  	s1 =	simm.s32 $0x3280  }
0x21e: {  	[hbm4b:s16+s3] =	stream.indirect_vreg.scatter [tilespmem:s1], [sflag:$0x1], $0x80, v8, vm11, $0xb8;
	[tilespmem:$0x16EA0] =	vst v63  }
0x21f: {  	v8 =	vld [tilespmem:$0xF10];
	_ =	sdelay $0x4  }
0x220: {  	v58 =	vshrl.u32 v8, $0x3  }
0x221: {  	v9 =	vmul.u32 $0x18, v58  }
0x222: {  	v8 =	vand.u32 $0x7, v8  }
0x223: {  	v8 =	vor.u32 v8, v9  }
0x224: {  	v9 =	vperm.xlane v8, v5;
	_ =	sdelay $0x1  }
0x225: {  	v9 =	vadd.s32 v6, v9;
	_ =	sdelay $0x1  }
0x226: {  	v8 =	vperm.xlane v8, v7;
	_ =	sdelay $0x1  }
0x227: {  	v8 =	vadd.s32 v6, v8  }
0x228: {  	[hbm4b:s5+s3] =	stream.indirect_vreg.scatter [tilespmem:s6], [sflag:$0x1], $0x80, v9, vm10, $0xb8;
	[tilespmem:$0x16EA0] =	vst v63  }
0x229: {  	_ = 	snop  }
0x22a: {  	[hbm4b:s16+s3] =	stream.indirect_vreg.scatter [tilespmem:s7], [sflag:$0x1], $0x80, v9, vm11, $0xb8;
	[tilespmem:$0x16EA0] =	vst v63  }
0x22b: {  	_ = 	snop  }
0x22c: {  	[hbm4b:s5+s3] =	stream.indirect_vreg.scatter [tilespmem:s8], [sflag:$0x1], $0x80, v8, vm10, $0xb8;
	[tilespmem:$0x16EA0] =	vst v63  }
0x22d: {  	s1 =	simm.s32 $0x4A80  }
0x22e: {  	[hbm4b:s16+s3] =	stream.indirect_vreg.scatter [tilespmem:s1], [sflag:$0x1], $0x80, v8, vm11, $0xb8;
	[tilespmem:$0x16EA0] =	vst v63  }
0x22f: {  	v8 =	vld [tilespmem:$0xF20];
	_ =	sdelay $0x4  }
0x230: {  	v59 =	vshrl.u32 v8, $0x3  }
0x231: {  	v9 =	vmul.u32 $0x18, v59  }
0x232: {  	v8 =	vand.u32 $0x7, v8  }
0x233: {  	v8 =	vor.u32 v8, v9  }
0x234: {  	v9 =	vperm.xlane v8, v5;
	_ =	sdelay $0x1  }
0x235: {  	v9 =	vadd.s32 v6, v9;
	_ =	sdelay $0x1  }
0x236: {  	v8 =	vperm.xlane v8, v7;
	_ =	sdelay $0x1  }
0x237: {  	v8 =	vadd.s32 v6, v8  }
0x238: {  	[hbm4b:s5+s3] =	stream.indirect_vreg.scatter [tilespmem:s9], [sflag:$0x1], $0x80, v9, vm10, $0xb8;
	[tilespmem:$0x16EA0] =	vst v63  }
0x239: {  	_ = 	snop  }
0x23a: {  	[hbm4b:s16+s3] =	stream.indirect_vreg.scatter [tilespmem:s10], [sflag:$0x1], $0x80, v9, vm11, $0xb8;
	[tilespmem:$0x16EA0] =	vst v63  }
0x23b: {  	_ = 	snop  }
0x23c: {  	[hbm4b:s5+s3] =	stream.indirect_vreg.scatter [tilespmem:s11], [sflag:$0x1], $0x80, v8, vm10, $0xb8;
	[tilespmem:$0x16EA0] =	vst v63  }
0x23d: {  	s1 =	simm.s32 $0x6280  }
0x23e: {  	[hbm4b:s16+s3] =	stream.indirect_vreg.scatter [tilespmem:s1], [sflag:$0x1], $0x80, v8, vm11, $0xb8;
	[tilespmem:$0x16EA0] =	vst v63  }
0x23f: {  	v8 =	vld [tilespmem:$0xF30];
	_ =	sdelay $0x4  }
0x240: {  	v60 =	vshrl.u32 v8, $0x3  }
0x241: {  	v9 =	vmul.u32 $0x18, v60  }
0x242: {  	v8 =	vand.u32 $0x7, v8  }
0x243: {  	v8 =	vor.u32 v8, v9  }
0x244: {  	v9 =	vperm.xlane v8, v5;
	_ =	sdelay $0x1  }
0x245: {  	v9 =	vadd.s32 v6, v9;
	_ =	sdelay $0x1  }
0x246: {  	v8 =	vperm.xlane v8, v7;
	_ =	sdelay $0x1  }
0x247: {  	v8 =	vadd.s32 v6, v8  }
0x248: {  	[hbm4b:s5+s3] =	stream.indirect_vreg.scatter [tilespmem:s12], [sflag:$0x1], $0x80, v9, vm10, $0xb8;
	[tilespmem:$0x16EA0] =	vst v63  }
0x249: {  	_ = 	snop  }
0x24a: {  	[hbm4b:s16+s3] =	stream.indirect_vreg.scatter [tilespmem:s13], [sflag:$0x1], $0x80, v9, vm11, $0xb8;
	[tilespmem:$0x16EA0] =	vst v63  }
0x24b: {  	_ = 	snop  }
0x24c: {  	[hbm4b:s5+s3] =	stream.indirect_vreg.scatter [tilespmem:s14], [sflag:$0x1], $0x80, v8, vm10, $0xb8;
	[tilespmem:$0x16EA0] =	vst v63  }
0x24d: {  	s1 =	simm.s32 $0x7A80  }
0x24e: {  	[hbm4b:s16+s3] =	stream.indirect_vreg.scatter [tilespmem:s1], [sflag:$0x1], $0x80, v8, vm11, $0xb8;
	[tilespmem:$0x16EA0] =	vst v63  }
0x24f: {  	v8 =	vld [tilespmem:$0xF40];
	_ =	sdelay $0x4  }
0x250: {  	v61 =	vshrl.u32 v8, $0x3  }
0x251: {  	v9 =	vmul.u32 $0x18, v61  }
0x252: {  	v8 =	vand.u32 $0x7, v8  }
0x253: {  	v8 =	vor.u32 v8, v9  }
0x254: {  	v9 =	vperm.xlane v8, v5;
	_ =	sdelay $0x1  }
0x255: {  	v9 =	vadd.s32 v6, v9;
	_ =	sdelay $0x1  }
0x256: {  	v8 =	vperm.xlane v8, v7;
	_ =	sdelay $0x1  }
0x257: {  	v8 =	vadd.s32 v6, v8  }
0x258: {  	[hbm4b:s5+s3] =	stream.indirect_vreg.scatter [tilespmem:s15], [sflag:$0x1], $0x80, v9, vm10, $0xb8;
	[tilespmem:$0x16EA0] =	vst v63  }
0x259: {  	_ = 	snop  }
0x25a: {  	[hbm4b:s16+s3] =	stream.indirect_vreg.scatter [tilespmem:s17], [sflag:$0x1], $0x80, v9, vm11, $0xb8;
	[tilespmem:$0x16EA0] =	vst v63  }
0x25b: {  	_ = 	snop  }
0x25c: {  	[hbm4b:s5+s3] =	stream.indirect_vreg.scatter [tilespmem:s18], [sflag:$0x1], $0x80, v8, vm10, $0xb8;
	[tilespmem:$0x16EA0] =	vst v63  }
0x25d: {  	s1 =	simm.s32 $0x9280  }
0x25e: {  	[hbm4b:s16+s3] =	stream.indirect_vreg.scatter [tilespmem:s1], [sflag:$0x1], $0x80, v8, vm11, $0xb8;
	[tilespmem:$0x16EA0] =	vst v63  }
0x25f: {  	v8 =	vld [tilespmem:$0xF50];
	_ =	sdelay $0x4  }
0x260: {  	v62 =	vshrl.u32 v8, $0x3  }
0x261: {  	v9 =	vmul.u32 $0x18, v62  }
0x262: {  	v8 =	vand.u32 $0x7, v8  }
0x263: {  	v8 =	vor.u32 v8, v9  }
0x264: {  	v9 =	vperm.xlane v8, v5;
	_ =	sdelay $0x1  }
0x265: {  	v9 =	vadd.s32 v6, v9;
	_ =	sdelay $0x1  }
0x266: {  	v8 =	vperm.xlane v8, v7;
	_ =	sdelay $0x1  }
0x267: {  	v8 =	vadd.s32 v6, v8  }
0x268: {  	[hbm4b:s5+s3] =	stream.indirect_vreg.scatter [tilespmem:s19], [sflag:$0x1], $0x80, v9, vm10, $0xb8;
	[tilespmem:$0x16EA0] =	vst v63  }
0x269: {  	_ = 	snop  }
0x26a: {  	[hbm4b:s16+s3] =	stream.indirect_vreg.scatter [tilespmem:s21], [sflag:$0x1], $0x80, v9, vm11, $0xb8;
	[tilespmem:$0x16EA0] =	vst v63  }
0x26b: {  	_ = 	snop  }
0x26c: {  	[hbm4b:s5+s3] =	stream.indirect_vreg.scatter [tilespmem:s24], [sflag:$0x1], $0x80, v8, vm10, $0xb8;
	[tilespmem:$0x16EA0] =	vst v63  }
0x26d: {  	s1 =	simm.s32 $0xAA80  }
0x26e: {  	[hbm4b:s16+s3] =	stream.indirect_vreg.scatter [tilespmem:s1], [sflag:$0x1], $0x80, v8, vm11, $0xb8;
	[tilespmem:$0x16EA0] =	vst v63  }
0x26f: {  	v8 =	vld [tilespmem:$0xF60];
	_ =	sdelay $0x4  }
0x270: {  	v63 =	vshrl.u32 v8, $0x3  }
0x271: {  	v9 =	vmul.u32 $0x18, v63  }
0x272: {  	v8 =	vand.u32 $0x7, v8  }
0x273: {  	v8 =	vor.u32 v8, v9  }
0x274: {  	v9 =	vperm.xlane v8, v5;
	_ =	sdelay $0x1  }
0x275: {  	v9 =	vadd.s32 v6, v9;
	_ =	sdelay $0x1  }
0x276: {  	v8 =	vperm.xlane v8, v7;
	_ =	sdelay $0x1  }
0x277: {  	v8 =	vadd.s32 v6, v8  }
0x278: {  	[hbm4b:s5+s3] =	stream.indirect_vreg.scatter [tilespmem:s25], [sflag:$0x1], $0x80, v9, vm10, $0xb8;
	[tilespmem:$0x16EA0] =	vst v63  }
0x279: {  	_ = 	snop  }
0x27a: {  	[hbm4b:s16+s3] =	stream.indirect_vreg.scatter [tilespmem:s28], [sflag:$0x1], $0x80, v9, vm11, $0xb8;
	[tilespmem:$0x16EA0] =	vst v63  }
0x27b: {  	_ = 	snop  }
0x27c: {  	[hbm4b:s5+s3] =	stream.indirect_vreg.scatter [tilespmem:s29], [sflag:$0x1], $0x80, v8, vm10, $0xb8;
	[tilespmem:$0x16EA0] =	vst v63  }
0x27d: {  	_ = 	snop  }
0x27e: {  	[hbm4b:s16+s3] =	stream.indirect_vreg.scatter [tilespmem:s30], [sflag:$0x1], $0x80, v8, vm11, $0xb8;
	[tilespmem:$0x16EA0] =	vst v63  }
0x27f: {  	_ =	swait.ge [sflag:s26], $0xA800  }
0x280: {  	[sflag:s26] =	ssyncset.done $0x0  }
0x281: {  	s1 =	rddreg [dreg:$0xf];
	[sflag:s26] =	ssyncadd.s32 $0xFFFF5800  }
0x282: {  	[tilespmem:s23], [sflag:$0x1] =	stream.linear.gather [hbm4b:s1+s3], $0xA800, $0x38;
	[tilespmem:$0x16EA0] =	vst v63  }
0x283: {  	_ =	swait.ge [sflag:s22], $0xA800  }
0x284: {  	[sflag:s22] =	ssyncset.done $0x0  }
0x285: {  	[sflag:s22] =	ssyncadd.s32 $0xFFFF5800  }
0x286: {  	v8 =	vld [tilespmem:$0xF80];
	_ =	sdelay $0x4  }
0x287: {  	v12 =	vshrl.u32 v8, $0x3  }
0x288: {  	v9 =	vmul.u32 $0x18, v12  }
0x289: {  	v8 =	vand.u32 $0x7, v8  }
0x28a: {  	v8 =	vor.u32 v8, v9  }
0x28b: {  	v9 =	vperm.xlane v8, v5;
	_ =	sdelay $0x1  }
0x28c: {  	v9 =	vadd.s32 v6, v9;
	_ =	sdelay $0x1  }
0x28d: {  	v8 =	vperm.xlane v8, v7;
	_ =	sdelay $0x1  }
0x28e: {  	v8 =	vadd.s32 v6, v8  }
0x28f: {  	[hbm4b:s5+s3] =	stream.indirect_vreg.scatter [tilespmem:s31], [sflag:$0x2], $0x80, v9, vm10, $0xb8;
	[tilespmem:$0x16EA0] =	vst v63  }
0x290: {  	s1 =	simm.s32 $0xCE80  }
0x291: {  	[hbm4b:s16+s3] =	stream.indirect_vreg.scatter [tilespmem:s1], [sflag:$0x2], $0x80, v9, vm11, $0xb8;
	[tilespmem:$0x16EA0] =	vst v63  }
0x292: {  	s1 =	simm.s32 $0xD280  }
0x293: {  	[hbm4b:s5+s3] =	stream.indirect_vreg.scatter [tilespmem:s1], [sflag:$0x2], $0x80, v8, vm10, $0xb8;
	[tilespmem:$0x16EA0] =	vst v63  }
0x294: {  	s1 =	simm.s32 $0xDA80  }
0x295: {  	[hbm4b:s16+s3] =	stream.indirect_vreg.scatter [tilespmem:s1], [sflag:$0x2], $0x80, v8, vm11, $0xb8;
	[tilespmem:$0x16EA0] =	vst v63  }
0x296: {  	v8 =	vld [tilespmem:$0xF90];
	_ =	sdelay $0x4  }
0x297: {  	v13 =	vshrl.u32 v8, $0x3  }
0x298: {  	v9 =	vmul.u32 $0x18, v13  }
0x299: {  	v8 =	vand.u32 $0x7, v8  }
0x29a: {  	v8 =	vor.u32 v8, v9  }
0x29b: {  	v9 =	vperm.xlane v8, v5;
	_ =	sdelay $0x1  }
0x29c: {  	v9 =	vadd.s32 v6, v9;
	_ =	sdelay $0x1  }
0x29d: {  	v8 =	vperm.xlane v8, v7;
	_ =	sdelay $0x1  }
0x29e: {  	s1 =	simm.s32 $0xDE80;
	v8 =	vadd.s32 v6, v8  }
0x29f: {  	[hbm4b:s5+s3] =	stream.indirect_vreg.scatter [tilespmem:s1], [sflag:$0x2], $0x80, v9, vm10, $0xb8;
	[tilespmem:$0x16EA0] =	vst v63  }
0x2a0: {  	s1 =	simm.s32 $0xE680  }
0x2a1: {  	[hbm4b:s16+s3] =	stream.indirect_vreg.scatter [tilespmem:s1], [sflag:$0x2], $0x80, v9, vm11, $0xb8;
	[tilespmem:$0x16EA0] =	vst v63  }
0x2a2: {  	s1 =	simm.s32 $0xEA80  }
0x2a3: {  	[hbm4b:s5+s3] =	stream.indirect_vreg.scatter [tilespmem:s1], [sflag:$0x2], $0x80, v8, vm10, $0xb8;
	[tilespmem:$0x16EA0] =	vst v63  }
0x2a4: {  	s1 =	simm.s32 $0xF280  }
0x2a5: {  	[hbm4b:s16+s3] =	stream.indirect_vreg.scatter [tilespmem:s1], [sflag:$0x2], $0x80, v8, vm11, $0xb8;
	[tilespmem:$0x16EA0] =	vst v63  }
0x2a6: {  	v8 =	vld [tilespmem:$0xFA0];
	_ =	sdelay $0x4  }
0x2a7: {  	v14 =	vshrl.u32 v8, $0x3  }
0x2a8: {  	v9 =	vmul.u32 $0x18, v14  }
0x2a9: {  	v8 =	vand.u32 $0x7, v8  }
0x2aa: {  	v8 =	vor.u32 v8, v9  }
0x2ab: {  	v9 =	vperm.xlane v8, v5;
	_ =	sdelay $0x1  }
0x2ac: {  	v9 =	vadd.s32 v6, v9;
	_ =	sdelay $0x1  }
0x2ad: {  	v8 =	vperm.xlane v8, v7;
	_ =	sdelay $0x1  }
0x2ae: {  	s1 =	simm.s32 $0xF680;
	v8 =	vadd.s32 v6, v8  }
0x2af: {  	[hbm4b:s5+s3] =	stream.indirect_vreg.scatter [tilespmem:s1], [sflag:$0x2], $0x80, v9, vm10, $0xb8;
	[tilespmem:$0x16EA0] =	vst v63  }
0x2b0: {  	s1 =	simm.s32 $0xFE80  }
0x2b1: {  	[hbm4b:s16+s3] =	stream.indirect_vreg.scatter [tilespmem:s1], [sflag:$0x2], $0x80, v9, vm11, $0xb8;
	[tilespmem:$0x16EA0] =	vst v63  }
0x2b2: {  	s1 =	simm.s32 $0x10280  }
0x2b3: {  	[hbm4b:s5+s3] =	stream.indirect_vreg.scatter [tilespmem:s1], [sflag:$0x2], $0x80, v8, vm10, $0xb8;
	[tilespmem:$0x16EA0] =	vst v63  }
0x2b4: {  	s1 =	simm.s32 $0x10A80  }
0x2b5: {  	[hbm4b:s16+s3] =	stream.indirect_vreg.scatter [tilespmem:s1], [sflag:$0x2], $0x80, v8, vm11, $0xb8;
	[tilespmem:$0x16EA0] =	vst v63  }
0x2b6: {  	v8 =	vld [tilespmem:$0xFB0];
	_ =	sdelay $0x4  }
0x2b7: {  	v15 =	vshrl.u32 v8, $0x3  }
0x2b8: {  	v9 =	vmul.u32 $0x18, v15  }
0x2b9: {  	v8 =	vand.u32 $0x7, v8  }
0x2ba: {  	v8 =	vor.u32 v8, v9  }
0x2bb: {  	v9 =	vperm.xlane v8, v5;
	_ =	sdelay $0x1  }
0x2bc: {  	v9 =	vadd.s32 v6, v9;
	_ =	sdelay $0x1  }
0x2bd: {  	v8 =	vperm.xlane v8, v7;
	_ =	sdelay $0x1  }
0x2be: {  	s1 =	simm.s32 $0x10E80;
	v8 =	vadd.s32 v6, v8  }
0x2bf: {  	[hbm4b:s5+s3] =	stream.indirect_vreg.scatter [tilespmem:s1], [sflag:$0x2], $0x80, v9, vm10, $0xb8;
	[tilespmem:$0x16EA0] =	vst v63  }
0x2c0: {  	s1 =	simm.s32 $0x11680  }
0x2c1: {  	[hbm4b:s16+s3] =	stream.indirect_vreg.scatter [tilespmem:s1], [sflag:$0x2], $0x80, v9, vm11, $0xb8;
	[tilespmem:$0x16EA0] =	vst v63  }
0x2c2: {  	s1 =	simm.s32 $0x11A80  }
0x2c3: {  	[hbm4b:s5+s3] =	stream.indirect_vreg.scatter [tilespmem:s1], [sflag:$0x2], $0x80, v8, vm10, $0xb8;
	[tilespmem:$0x16EA0] =	vst v63  }
0x2c4: {  	s1 =	simm.s32 $0x12280  }
0x2c5: {  	[hbm4b:s16+s3] =	stream.indirect_vreg.scatter [tilespmem:s1], [sflag:$0x2], $0x80, v8, vm11, $0xb8;
	[tilespmem:$0x16EA0] =	vst v63  }
0x2c6: {  	v8 =	vld [tilespmem:$0xFC0];
	_ =	sdelay $0x4  }
0x2c7: {  	v16 =	vshrl.u32 v8, $0x3  }
0x2c8: {  	v9 =	vmul.u32 $0x18, v16  }
0x2c9: {  	v8 =	vand.u32 $0x7, v8  }
0x2ca: {  	v8 =	vor.u32 v8, v9  }
0x2cb: {  	v9 =	vperm.xlane v8, v5;
	_ =	sdelay $0x1  }
0x2cc: {  	v9 =	vadd.s32 v6, v9;
	_ =	sdelay $0x1  }
0x2cd: {  	v8 =	vperm.xlane v8, v7;
	_ =	sdelay $0x1  }
0x2ce: {  	s1 =	simm.s32 $0x12680;
	v8 =	vadd.s32 v6, v8  }
0x2cf: {  	[hbm4b:s5+s3] =	stream.indirect_vreg.scatter [tilespmem:s1], [sflag:$0x2], $0x80, v9, vm10, $0xb8;
	[tilespmem:$0x16EA0] =	vst v63  }
0x2d0: {  	s1 =	simm.s32 $0x12E80  }
0x2d1: {  	[hbm4b:s16+s3] =	stream.indirect_vreg.scatter [tilespmem:s1], [sflag:$0x2], $0x80, v9, vm11, $0xb8;
	[tilespmem:$0x16EA0] =	vst v63  }
0x2d2: {  	s1 =	simm.s32 $0x13280  }
0x2d3: {  	[hbm4b:s5+s3] =	stream.indirect_vreg.scatter [tilespmem:s1], [sflag:$0x2], $0x80, v8, vm10, $0xb8;
	[tilespmem:$0x16EA0] =	vst v63  }
0x2d4: {  	s1 =	simm.s32 $0x13A80  }
0x2d5: {  	[hbm4b:s16+s3] =	stream.indirect_vreg.scatter [tilespmem:s1], [sflag:$0x2], $0x80, v8, vm11, $0xb8;
	[tilespmem:$0x16EA0] =	vst v63  }
0x2d6: {  	v8 =	vld [tilespmem:$0xFD0];
	_ =	sdelay $0x4  }
0x2d7: {  	v17 =	vshrl.u32 v8, $0x3  }
0x2d8: {  	v9 =	vmul.u32 $0x18, v17  }
0x2d9: {  	v8 =	vand.u32 $0x7, v8  }
0x2da: {  	v8 =	vor.u32 v8, v9  }
0x2db: {  	v9 =	vperm.xlane v8, v5;
	_ =	sdelay $0x1  }
0x2dc: {  	v9 =	vadd.s32 v6, v9;
	_ =	sdelay $0x1  }
0x2dd: {  	v8 =	vperm.xlane v8, v7;
	_ =	sdelay $0x1  }
0x2de: {  	s1 =	simm.s32 $0x13E80;
	v8 =	vadd.s32 v6, v8  }
0x2df: {  	[hbm4b:s5+s3] =	stream.indirect_vreg.scatter [tilespmem:s1], [sflag:$0x2], $0x80, v9, vm10, $0xb8;
	[tilespmem:$0x16EA0] =	vst v63  }
0x2e0: {  	s1 =	simm.s32 $0x14680  }
0x2e1: {  	[hbm4b:s16+s3] =	stream.indirect_vreg.scatter [tilespmem:s1], [sflag:$0x2], $0x80, v9, vm11, $0xb8;
	[tilespmem:$0x16EA0] =	vst v63  }
0x2e2: {  	s1 =	simm.s32 $0x14A80  }
0x2e3: {  	[hbm4b:s5+s3] =	stream.indirect_vreg.scatter [tilespmem:s1], [sflag:$0x2], $0x80, v8, vm10, $0xb8;
	[tilespmem:$0x16EA0] =	vst v63  }
0x2e4: {  	s1 =	simm.s32 $0x15280  }
0x2e5: {  	[hbm4b:s16+s3] =	stream.indirect_vreg.scatter [tilespmem:s1], [sflag:$0x2], $0x80, v8, vm11, $0xb8;
	[tilespmem:$0x16EA0] =	vst v63  }
0x2e6: {  	v8 =	vld [tilespmem:$0xFE0];
	_ =	sdelay $0x4  }
0x2e7: {  	v18 =	vshrl.u32 v8, $0x3  }
0x2e8: {  	v9 =	vmul.u32 $0x18, v18  }
0x2e9: {  	v8 =	vand.u32 $0x7, v8  }
0x2ea: {  	v8 =	vor.u32 v8, v9  }
0x2eb: {  	v9 =	vperm.xlane v8, v5;
	_ =	sdelay $0x1  }
0x2ec: {  	v9 =	vadd.s32 v6, v9;
	_ =	sdelay $0x1  }
0x2ed: {  	v8 =	vperm.xlane v8, v7;
	_ =	sdelay $0x1  }
0x2ee: {  	s1 =	simm.s32 $0x15680;
	v8 =	vadd.s32 v6, v8  }
0x2ef: {  	[hbm4b:s5+s3] =	stream.indirect_vreg.scatter [tilespmem:s1], [sflag:$0x2], $0x80, v9, vm10, $0xb8;
	[tilespmem:$0x16EA0] =	vst v63  }
0x2f0: {  	s1 =	simm.s32 $0x15E80  }
0x2f1: {  	[hbm4b:s16+s3] =	stream.indirect_vreg.scatter [tilespmem:s1], [sflag:$0x2], $0x80, v9, vm11, $0xb8;
	[tilespmem:$0x16EA0] =	vst v63  }
0x2f2: {  	s1 =	simm.s32 $0x16280  }
0x2f3: {  	[hbm4b:s5+s3] =	stream.indirect_vreg.scatter [tilespmem:s1], [sflag:$0x2], $0x80, v8, vm10, $0xb8;
	[tilespmem:$0x16EA0] =	vst v63  }
0x2f4: {  	s1 =	simm.s32 $0x16A80  }
0x2f5: {  	[hbm4b:s16+s3] =	stream.indirect_vreg.scatter [tilespmem:s1], [sflag:$0x2], $0x80, v8, vm11, $0xb8;
	[tilespmem:$0x16EA0] =	vst v63  }
0x2f6: {  	_ =	swait.ge [sflag:s22], $0xA800  }
0x2f7: {  	[sflag:s22] =	ssyncset.done $0x0  }
0x2f8: {  	s1 =	rddreg [dreg:$0x11];
	[sflag:s22] =	ssyncadd.s32 $0xFFFF5800  }
0x2f9: {  	[tilespmem:s31], [sflag:$0x2] =	stream.linear.gather [hbm4b:s1+s3], $0xA800, $0x38;
	[tilespmem:$0x16EA0] =	vst v63  }
0x2fa: {  	_ =	swait.ge [sflag:s26], $0xA800  }
0x2fb: {  	[sflag:s26] =	ssyncset.done $0x0  }
0x2fc: {  	[sflag:s26] =	ssyncadd.s32 $0xFFFF5800  }
0x2fd: {  	v8 =	vld [tilespmem:$0x1000];
	_ =	sdelay $0x4  }
0x2fe: {  	v19 =	vshrl.u32 v8, $0x3  }
0x2ff: {  	v9 =	vmul.u32 $0x18, v19  }
0x300: {  	v8 =	vand.u32 $0x7, v8  }
0x301: {  	v8 =	vor.u32 v8, v9  }
0x302: {  	v9 =	vperm.xlane v8, v5;
	_ =	sdelay $0x1  }
0x303: {  	v9 =	vadd.s32 v6, v9;
	_ =	sdelay $0x1  }
0x304: {  	v8 =	vperm.xlane v8, v7;
	_ =	sdelay $0x1  }
0x305: {  	v8 =	vadd.s32 v6, v8  }
0x306: {  	[hbm4b:s5+s3] =	stream.indirect_vreg.scatter [tilespmem:s23], [sflag:$0x1], $0x80, v9, vm10, $0xb8;
	[tilespmem:$0x16EA0] =	vst v63  }
0x307: {  	s0 =	simm.s32 $0x2680  }
0x308: {  	[hbm4b:s16+s3] =	stream.indirect_vreg.scatter [tilespmem:s0], [sflag:$0x1], $0x80, v9, vm11, $0xb8;
	[tilespmem:$0x16EA0] =	vst v63  }
0x309: {  	s2 =	simm.s32 $0x2A80  }
0x30a: {  	[hbm4b:s5+s3] =	stream.indirect_vreg.scatter [tilespmem:s2], [sflag:$0x1], $0x80, v8, vm10, $0xb8;
	[tilespmem:$0x16EA0] =	vst v63  }
0x30b: {  	s1 =	simm.s32 $0x3280  }
0x30c: {  	[hbm4b:s16+s3] =	stream.indirect_vreg.scatter [tilespmem:s1], [sflag:$0x1], $0x80, v8, vm11, $0xb8;
	[tilespmem:$0x16EA0] =	vst v63  }
0x30d: {  	v8 =	vld [tilespmem:$0x1010];
	_ =	sdelay $0x4  }
0x30e: {  	v20 =	vshrl.u32 v8, $0x3  }
0x30f: {  	v9 =	vmul.u32 $0x18, v20  }
0x310: {  	v8 =	vand.u32 $0x7, v8  }
0x311: {  	v8 =	vor.u32 v8, v9  }
0x312: {  	v9 =	vperm.xlane v8, v5;
	_ =	sdelay $0x1  }
0x313: {  	v9 =	vadd.s32 v6, v9;
	_ =	sdelay $0x1  }
0x314: {  	v8 =	vperm.xlane v8, v7;
	_ =	sdelay $0x1  }
0x315: {  	s6 =	simm.s32 $0x3680;
	v8 =	vadd.s32 v6, v8  }
0x316: {  	[hbm4b:s5+s3] =	stream.indirect_vreg.scatter [tilespmem:s6], [sflag:$0x1], $0x80, v9, vm10, $0xb8;
	[tilespmem:$0x16EA0] =	vst v63  }
0x317: {  	s7 =	simm.s32 $0x3E80  }
0x318: {  	[hbm4b:s16+s3] =	stream.indirect_vreg.scatter [tilespmem:s7], [sflag:$0x1], $0x80, v9, vm11, $0xb8;
	[tilespmem:$0x16EA0] =	vst v63  }
0x319: {  	s8 =	simm.s32 $0x4280  }
0x31a: {  	[hbm4b:s5+s3] =	stream.indirect_vreg.scatter [tilespmem:s8], [sflag:$0x1], $0x80, v8, vm10, $0xb8;
	[tilespmem:$0x16EA0] =	vst v63  }
0x31b: {  	s1 =	simm.s32 $0x4A80  }
0x31c: {  	[hbm4b:s16+s3] =	stream.indirect_vreg.scatter [tilespmem:s1], [sflag:$0x1], $0x80, v8, vm11, $0xb8;
	[tilespmem:$0x16EA0] =	vst v63  }
0x31d: {  	v8 =	vld [tilespmem:$0x1020];
	_ =	sdelay $0x4  }
0x31e: {  	v21 =	vshrl.u32 v8, $0x3  }
0x31f: {  	v9 =	vmul.u32 $0x18, v21  }
0x320: {  	v8 =	vand.u32 $0x7, v8  }
0x321: {  	v8 =	vor.u32 v8, v9  }
0x322: {  	v9 =	vperm.xlane v8, v5;
	_ =	sdelay $0x1  }
0x323: {  	v9 =	vadd.s32 v6, v9;
	_ =	sdelay $0x1  }
0x324: {  	v8 =	vperm.xlane v8, v7;
	_ =	sdelay $0x1  }
0x325: {  	s9 =	simm.s32 $0x4E80;
	v8 =	vadd.s32 v6, v8  }
0x326: {  	[hbm4b:s5+s3] =	stream.indirect_vreg.scatter [tilespmem:s9], [sflag:$0x1], $0x80, v9, vm10, $0xb8;
	[tilespmem:$0x16EA0] =	vst v63  }
0x327: {  	s10 =	simm.s32 $0x5680  }
0x328: {  	[hbm4b:s16+s3] =	stream.indirect_vreg.scatter [tilespmem:s10], [sflag:$0x1], $0x80, v9, vm11, $0xb8;
	[tilespmem:$0x16EA0] =	vst v63  }
0x329: {  	s11 =	simm.s32 $0x5A80  }
0x32a: {  	[hbm4b:s5+s3] =	stream.indirect_vreg.scatter [tilespmem:s11], [sflag:$0x1], $0x80, v8, vm10, $0xb8;
	[tilespmem:$0x16EA0] =	vst v63  }
0x32b: {  	s1 =	simm.s32 $0x6280  }
0x32c: {  	[hbm4b:s16+s3] =	stream.indirect_vreg.scatter [tilespmem:s1], [sflag:$0x1], $0x80, v8, vm11, $0xb8;
	[tilespmem:$0x16EA0] =	vst v63  }
0x32d: {  	v8 =	vld [tilespmem:$0x1030];
	_ =	sdelay $0x4  }
0x32e: {  	v22 =	vshrl.u32 v8, $0x3  }
0x32f: {  	v9 =	vmul.u32 $0x18, v22  }
0x330: {  	v8 =	vand.u32 $0x7, v8  }
0x331: {  	v8 =	vor.u32 v8, v9  }
0x332: {  	v9 =	vperm.xlane v8, v5;
	_ =	sdelay $0x1  }
0x333: {  	v9 =	vadd.s32 v6, v9;
	_ =	sdelay $0x1  }
0x334: {  	v8 =	vperm.xlane v8, v7;
	_ =	sdelay $0x1  }
0x335: {  	s12 =	simm.s32 $0x6680;
	v8 =	vadd.s32 v6, v8  }
0x336: {  	[hbm4b:s5+s3] =	stream.indirect_vreg.scatter [tilespmem:s12], [sflag:$0x1], $0x80, v9, vm10, $0xb8;
	[tilespmem:$0x16EA0] =	vst v63  }
0x337: {  	s13 =	simm.s32 $0x6E80  }
0x338: {  	[hbm4b:s16+s3] =	stream.indirect_vreg.scatter [tilespmem:s13], [sflag:$0x1], $0x80, v9, vm11, $0xb8;
	[tilespmem:$0x16EA0] =	vst v63  }
0x339: {  	s14 =	simm.s32 $0x7280  }
0x33a: {  	[hbm4b:s5+s3] =	stream.indirect_vreg.scatter [tilespmem:s14], [sflag:$0x1], $0x80, v8, vm10, $0xb8;
	[tilespmem:$0x16EA0] =	vst v63  }
0x33b: {  	s1 =	simm.s32 $0x7A80  }
0x33c: {  	[hbm4b:s16+s3] =	stream.indirect_vreg.scatter [tilespmem:s1], [sflag:$0x1], $0x80, v8, vm11, $0xb8;
	[tilespmem:$0x16EA0] =	vst v63  }
0x33d: {  	v8 =	vld [tilespmem:$0x1040];
	_ =	sdelay $0x4  }
0x33e: {  	v23 =	vshrl.u32 v8, $0x3  }
0x33f: {  	v9 =	vmul.u32 $0x18, v23  }
0x340: {  	v8 =	vand.u32 $0x7, v8  }
0x341: {  	v8 =	vor.u32 v8, v9  }
0x342: {  	v9 =	vperm.xlane v8, v5;
	_ =	sdelay $0x1  }
0x343: {  	v9 =	vadd.s32 v6, v9;
	_ =	sdelay $0x1  }
0x344: {  	v8 =	vperm.xlane v8, v7;
	_ =	sdelay $0x1  }
0x345: {  	s15 =	simm.s32 $0x7E80;
	v8 =	vadd.s32 v6, v8  }
0x346: {  	[hbm4b:s5+s3] =	stream.indirect_vreg.scatter [tilespmem:s15], [sflag:$0x1], $0x80, v9, vm10, $0xb8;
	[tilespmem:$0x16EA0] =	vst v63  }
0x347: {  	s17 =	simm.s32 $0x8680  }
0x348: {  	[hbm4b:s16+s3] =	stream.indirect_vreg.scatter [tilespmem:s17], [sflag:$0x1], $0x80, v9, vm11, $0xb8;
	[tilespmem:$0x16EA0] =	vst v63  }
0x349: {  	s18 =	simm.s32 $0x8A80  }
0x34a: {  	[hbm4b:s5+s3] =	stream.indirect_vreg.scatter [tilespmem:s18], [sflag:$0x1], $0x80, v8, vm10, $0xb8;
	[tilespmem:$0x16EA0] =	vst v63  }
0x34b: {  	s1 =	simm.s32 $0x9280  }
0x34c: {  	[hbm4b:s16+s3] =	stream.indirect_vreg.scatter [tilespmem:s1], [sflag:$0x1], $0x80, v8, vm11, $0xb8;
	[tilespmem:$0x16EA0] =	vst v63  }
0x34d: {  	v8 =	vld [tilespmem:$0x1050];
	_ =	sdelay $0x4  }
0x34e: {  	v24 =	vshrl.u32 v8, $0x3  }
0x34f: {  	v9 =	vmul.u32 $0x18, v24  }
0x350: {  	v8 =	vand.u32 $0x7, v8  }
0x351: {  	v8 =	vor.u32 v8, v9  }
0x352: {  	v9 =	vperm.xlane v8, v5;
	_ =	sdelay $0x1  }
0x353: {  	v9 =	vadd.s32 v6, v9;
	_ =	sdelay $0x1  }
0x354: {  	v8 =	vperm.xlane v8, v7;
	_ =	sdelay $0x1  }
0x355: {  	s19 =	simm.s32 $0x9680;
	v8 =	vadd.s32 v6, v8  }
0x356: {  	[hbm4b:s5+s3] =	stream.indirect_vreg.scatter [tilespmem:s19], [sflag:$0x1], $0x80, v9, vm10, $0xb8;
	[tilespmem:$0x16EA0] =	vst v63  }
0x357: {  	s21 =	simm.s32 $0x9E80  }
0x358: {  	[hbm4b:s16+s3] =	stream.indirect_vreg.scatter [tilespmem:s21], [sflag:$0x1], $0x80, v9, vm11, $0xb8;
	[tilespmem:$0x16EA0] =	vst v63  }
0x359: {  	s24 =	simm.s32 $0xA280  }
0x35a: {  	[hbm4b:s5+s3] =	stream.indirect_vreg.scatter [tilespmem:s24], [sflag:$0x1], $0x80, v8, vm10, $0xb8;
	[tilespmem:$0x16EA0] =	vst v63  }
0x35b: {  	s1 =	simm.s32 $0xAA80  }
0x35c: {  	[hbm4b:s16+s3] =	stream.indirect_vreg.scatter [tilespmem:s1], [sflag:$0x1], $0x80, v8, vm11, $0xb8;
	[tilespmem:$0x16EA0] =	vst v63  }
0x35d: {  	v8 =	vld [tilespmem:$0x1060];
	_ =	sdelay $0x4  }
0x35e: {  	v25 =	vshrl.u32 v8, $0x3  }
0x35f: {  	v9 =	vmul.u32 $0x18, v25  }
0x360: {  	v8 =	vand.u32 $0x7, v8  }
0x361: {  	v8 =	vor.u32 v8, v9  }
0x362: {  	v9 =	vperm.xlane v8, v5;
	_ =	sdelay $0x1  }
0x363: {  	v9 =	vadd.s32 v6, v9;
	_ =	sdelay $0x1  }
0x364: {  	v8 =	vperm.xlane v8, v7;
	_ =	sdelay $0x1  }
0x365: {  	s25 =	simm.s32 $0xAE80;
	v8 =	vadd.s32 v6, v8  }
0x366: {  	[hbm4b:s5+s3] =	stream.indirect_vreg.scatter [tilespmem:s25], [sflag:$0x1], $0x80, v9, vm10, $0xb8;
	[tilespmem:$0x16EA0] =	vst v63  }
0x367: {  	s28 =	simm.s32 $0xB680  }
0x368: {  	[hbm4b:s16+s3] =	stream.indirect_vreg.scatter [tilespmem:s28], [sflag:$0x1], $0x80, v9, vm11, $0xb8;
	[tilespmem:$0x16EA0] =	vst v63  }
0x369: {  	s29 =	simm.s32 $0xBA80  }
0x36a: {  	[hbm4b:s5+s3] =	stream.indirect_vreg.scatter [tilespmem:s29], [sflag:$0x1], $0x80, v8, vm10, $0xb8;
	[tilespmem:$0x16EA0] =	vst v63  }
0x36b: {  	s30 =	simm.s32 $0xC280  }
0x36c: {  	[hbm4b:s16+s3] =	stream.indirect_vreg.scatter [tilespmem:s30], [sflag:$0x1], $0x80, v8, vm11, $0xb8;
	[tilespmem:$0x16EA0] =	vst v63  }
0x36d: {  	_ =	swait.ge [sflag:s26], $0xA800  }
0x36e: {  	[sflag:s26] =	ssyncset.done $0x0  }
0x36f: {  	s1 =	rddreg [dreg:$0x12];
	[sflag:s26] =	ssyncadd.s32 $0xFFFF5800  }
0x370: {  	[tilespmem:s23], [sflag:$0x1] =	stream.linear.gather [hbm4b:s1+s3], $0xA800, $0x38;
	[tilespmem:$0x16EA0] =	vst v63  }
0x371: {  	_ =	swait.ge [sflag:s22], $0xA800  }
0x372: {  	[sflag:s22] =	ssyncset.done $0x0  }
0x373: {  	[sflag:s22] =	ssyncadd.s32 $0xFFFF5800  }
0x374: {  	v8 =	vld [tilespmem:$0x1080];
	_ =	sdelay $0x4  }
0x375: {  	v26 =	vshrl.u32 v8, $0x3  }
0x376: {  	v9 =	vmul.u32 $0x18, v26  }
0x377: {  	v8 =	vand.u32 $0x7, v8  }
0x378: {  	v8 =	vor.u32 v8, v9  }
0x379: {  	v9 =	vperm.xlane v8, v5;
	_ =	sdelay $0x1  }
0x37a: {  	v9 =	vadd.s32 v6, v9;
	_ =	sdelay $0x1  }
0x37b: {  	v8 =	vperm.xlane v8, v7;
	_ =	sdelay $0x1  }
0x37c: {  	v8 =	vadd.s32 v6, v8  }
0x37d: {  	[hbm4b:s5+s3] =	stream.indirect_vreg.scatter [tilespmem:s31], [sflag:$0x2], $0x80, v9, vm10, $0xb8;
	[tilespmem:$0x16EA0] =	vst v63  }
0x37e: {  	s1 =	simm.s32 $0xCE80  }
0x37f: {  	[hbm4b:s16+s3] =	stream.indirect_vreg.scatter [tilespmem:s1], [sflag:$0x2], $0x80, v9, vm11, $0xb8;
	[tilespmem:$0x16EA0] =	vst v63  }
0x380: {  	s1 =	simm.s32 $0xD280  }
0x381: {  	[hbm4b:s5+s3] =	stream.indirect_vreg.scatter [tilespmem:s1], [sflag:$0x2], $0x80, v8, vm10, $0xb8;
	[tilespmem:$0x16EA0] =	vst v63  }
0x382: {  	s1 =	simm.s32 $0xDA80  }
0x383: {  	[hbm4b:s16+s3] =	stream.indirect_vreg.scatter [tilespmem:s1], [sflag:$0x2], $0x80, v8, vm11, $0xb8;
	[tilespmem:$0x16EA0] =	vst v63  }
0x384: {  	v8 =	vld [tilespmem:$0x1090];
	_ =	sdelay $0x4  }
0x385: {  	v27 =	vshrl.u32 v8, $0x3  }
0x386: {  	v9 =	vmul.u32 $0x18, v27  }
0x387: {  	v8 =	vand.u32 $0x7, v8  }
0x388: {  	v8 =	vor.u32 v8, v9  }
0x389: {  	v9 =	vperm.xlane v8, v5;
	_ =	sdelay $0x1  }
0x38a: {  	v9 =	vadd.s32 v6, v9;
	_ =	sdelay $0x1  }
0x38b: {  	v8 =	vperm.xlane v8, v7;
	_ =	sdelay $0x1  }
0x38c: {  	s1 =	simm.s32 $0xDE80;
	v8 =	vadd.s32 v6, v8  }
0x38d: {  	[hbm4b:s5+s3] =	stream.indirect_vreg.scatter [tilespmem:s1], [sflag:$0x2], $0x80, v9, vm10, $0xb8;
	[tilespmem:$0x16EA0] =	vst v63  }
0x38e: {  	s1 =	simm.s32 $0xE680  }
0x38f: {  	[hbm4b:s16+s3] =	stream.indirect_vreg.scatter [tilespmem:s1], [sflag:$0x2], $0x80, v9, vm11, $0xb8;
	[tilespmem:$0x16EA0] =	vst v63  }
0x390: {  	s1 =	simm.s32 $0xEA80  }
0x391: {  	[hbm4b:s5+s3] =	stream.indirect_vreg.scatter [tilespmem:s1], [sflag:$0x2], $0x80, v8, vm10, $0xb8;
	[tilespmem:$0x16EA0] =	vst v63  }
0x392: {  	s1 =	simm.s32 $0xF280  }
0x393: {  	[hbm4b:s16+s3] =	stream.indirect_vreg.scatter [tilespmem:s1], [sflag:$0x2], $0x80, v8, vm11, $0xb8;
	[tilespmem:$0x16EA0] =	vst v63  }
0x394: {  	v8 =	vld [tilespmem:$0x10A0];
	_ =	sdelay $0x4  }
0x395: {  	v28 =	vshrl.u32 v8, $0x3  }
0x396: {  	v9 =	vmul.u32 $0x18, v28  }
0x397: {  	v8 =	vand.u32 $0x7, v8  }
0x398: {  	v8 =	vor.u32 v8, v9  }
0x399: {  	v9 =	vperm.xlane v8, v5;
	_ =	sdelay $0x1  }
0x39a: {  	v9 =	vadd.s32 v6, v9;
	_ =	sdelay $0x1  }
0x39b: {  	v8 =	vperm.xlane v8, v7;
	_ =	sdelay $0x1  }
0x39c: {  	s1 =	simm.s32 $0xF680;
	v8 =	vadd.s32 v6, v8  }
0x39d: {  	[hbm4b:s5+s3] =	stream.indirect_vreg.scatter [tilespmem:s1], [sflag:$0x2], $0x80, v9, vm10, $0xb8;
	[tilespmem:$0x16EA0] =	vst v63  }
0x39e: {  	s1 =	simm.s32 $0xFE80  }
0x39f: {  	[hbm4b:s16+s3] =	stream.indirect_vreg.scatter [tilespmem:s1], [sflag:$0x2], $0x80, v9, vm11, $0xb8;
	[tilespmem:$0x16EA0] =	vst v63  }
0x3a0: {  	s1 =	simm.s32 $0x10280  }
0x3a1: {  	[hbm4b:s5+s3] =	stream.indirect_vreg.scatter [tilespmem:s1], [sflag:$0x2], $0x80, v8, vm10, $0xb8;
	[tilespmem:$0x16EA0] =	vst v63  }
0x3a2: {  	s1 =	simm.s32 $0x10A80  }
0x3a3: {  	[hbm4b:s16+s3] =	stream.indirect_vreg.scatter [tilespmem:s1], [sflag:$0x2], $0x80, v8, vm11, $0xb8;
	[tilespmem:$0x16EA0] =	vst v63  }
0x3a4: {  	v8 =	vld [tilespmem:$0x10B0];
	_ =	sdelay $0x4  }
0x3a5: {  	v29 =	vshrl.u32 v8, $0x3  }
0x3a6: {  	v9 =	vmul.u32 $0x18, v29  }
0x3a7: {  	v8 =	vand.u32 $0x7, v8  }
0x3a8: {  	v8 =	vor.u32 v8, v9  }
0x3a9: {  	v9 =	vperm.xlane v8, v5;
	_ =	sdelay $0x1  }
0x3aa: {  	v9 =	vadd.s32 v6, v9;
	_ =	sdelay $0x1  }
0x3ab: {  	v8 =	vperm.xlane v8, v7;
	_ =	sdelay $0x1  }
0x3ac: {  	s1 =	simm.s32 $0x10E80;
	v8 =	vadd.s32 v6, v8  }
0x3ad: {  	[hbm4b:s5+s3] =	stream.indirect_vreg.scatter [tilespmem:s1], [sflag:$0x2], $0x80, v9, vm10, $0xb8;
	[tilespmem:$0x16EA0] =	vst v63  }
0x3ae: {  	s1 =	simm.s32 $0x11680  }
0x3af: {  	[hbm4b:s16+s3] =	stream.indirect_vreg.scatter [tilespmem:s1], [sflag:$0x2], $0x80, v9, vm11, $0xb8;
	[tilespmem:$0x16EA0] =	vst v63  }
0x3b0: {  	s1 =	simm.s32 $0x11A80  }
0x3b1: {  	[hbm4b:s5+s3] =	stream.indirect_vreg.scatter [tilespmem:s1], [sflag:$0x2], $0x80, v8, vm10, $0xb8;
	[tilespmem:$0x16EA0] =	vst v63  }
0x3b2: {  	s1 =	simm.s32 $0x12280  }
0x3b3: {  	[hbm4b:s16+s3] =	stream.indirect_vreg.scatter [tilespmem:s1], [sflag:$0x2], $0x80, v8, vm11, $0xb8;
	[tilespmem:$0x16EA0] =	vst v63  }
0x3b4: {  	v8 =	vld [tilespmem:$0x10C0];
	_ =	sdelay $0x4  }
0x3b5: {  	v30 =	vshrl.u32 v8, $0x3  }
0x3b6: {  	v9 =	vmul.u32 $0x18, v30  }
0x3b7: {  	v8 =	vand.u32 $0x7, v8  }
0x3b8: {  	v8 =	vor.u32 v8, v9  }
0x3b9: {  	v9 =	vperm.xlane v8, v5;
	_ =	sdelay $0x1  }
0x3ba: {  	v9 =	vadd.s32 v6, v9;
	_ =	sdelay $0x1  }
0x3bb: {  	v8 =	vperm.xlane v8, v7;
	_ =	sdelay $0x1  }
0x3bc: {  	s1 =	simm.s32 $0x12680;
	v8 =	vadd.s32 v6, v8  }
0x3bd: {  	[hbm4b:s5+s3] =	stream.indirect_vreg.scatter [tilespmem:s1], [sflag:$0x2], $0x80, v9, vm10, $0xb8;
	[tilespmem:$0x16EA0] =	vst v63  }
0x3be: {  	s1 =	simm.s32 $0x12E80  }
0x3bf: {  	[hbm4b:s16+s3] =	stream.indirect_vreg.scatter [tilespmem:s1], [sflag:$0x2], $0x80, v9, vm11, $0xb8;
	[tilespmem:$0x16EA0] =	vst v63  }
0x3c0: {  	s1 =	simm.s32 $0x13280  }
0x3c1: {  	[hbm4b:s5+s3] =	stream.indirect_vreg.scatter [tilespmem:s1], [sflag:$0x2], $0x80, v8, vm10, $0xb8;
	[tilespmem:$0x16EA0] =	vst v63  }
0x3c2: {  	s1 =	simm.s32 $0x13A80  }
0x3c3: {  	[hbm4b:s16+s3] =	stream.indirect_vreg.scatter [tilespmem:s1], [sflag:$0x2], $0x80, v8, vm11, $0xb8;
	[tilespmem:$0x16EA0] =	vst v63  }
0x3c4: {  	v8 =	vld [tilespmem:$0x10D0];
	_ =	sdelay $0x4  }
0x3c5: {  	v31 =	vshrl.u32 v8, $0x3  }
0x3c6: {  	v9 =	vmul.u32 $0x18, v31  }
0x3c7: {  	v8 =	vand.u32 $0x7, v8  }
0x3c8: {  	v8 =	vor.u32 v8, v9  }
0x3c9: {  	v9 =	vperm.xlane v8, v5;
	_ =	sdelay $0x1  }
0x3ca: {  	v9 =	vadd.s32 v6, v9;
	_ =	sdelay $0x1  }
0x3cb: {  	v8 =	vperm.xlane v8, v7;
	_ =	sdelay $0x1  }
0x3cc: {  	s1 =	simm.s32 $0x13E80;
	v8 =	vadd.s32 v6, v8  }
0x3cd: {  	[hbm4b:s5+s3] =	stream.indirect_vreg.scatter [tilespmem:s1], [sflag:$0x2], $0x80, v9, vm10, $0xb8;
	[tilespmem:$0x16EA0] =	vst v63  }
0x3ce: {  	s1 =	simm.s32 $0x14680  }
0x3cf: {  	[hbm4b:s16+s3] =	stream.indirect_vreg.scatter [tilespmem:s1], [sflag:$0x2], $0x80, v9, vm11, $0xb8;
	[tilespmem:$0x16EA0] =	vst v63  }
0x3d0: {  	s1 =	simm.s32 $0x14A80  }
0x3d1: {  	[hbm4b:s5+s3] =	stream.indirect_vreg.scatter [tilespmem:s1], [sflag:$0x2], $0x80, v8, vm10, $0xb8;
	[tilespmem:$0x16EA0] =	vst v63  }
0x3d2: {  	s1 =	simm.s32 $0x15280  }
0x3d3: {  	[hbm4b:s16+s3] =	stream.indirect_vreg.scatter [tilespmem:s1], [sflag:$0x2], $0x80, v8, vm11, $0xb8;
	[tilespmem:$0x16EA0] =	vst v63  }
0x3d4: {  	v8 =	vld [tilespmem:$0x10E0];
	_ =	sdelay $0x4  }
0x3d5: {  	v32 =	vshrl.u32 v8, $0x3  }
0x3d6: {  	v9 =	vmul.u32 $0x18, v32  }
0x3d7: {  	v8 =	vand.u32 $0x7, v8  }
0x3d8: {  	v8 =	vor.u32 v8, v9  }
0x3d9: {  	v9 =	vperm.xlane v8, v5;
	_ =	sdelay $0x1  }
0x3da: {  	v9 =	vadd.s32 v6, v9;
	_ =	sdelay $0x1  }
0x3db: {  	v8 =	vperm.xlane v8, v7;
	_ =	sdelay $0x1  }
0x3dc: {  	s1 =	simm.s32 $0x15680;
	v8 =	vadd.s32 v6, v8  }
0x3dd: {  	[hbm4b:s5+s3] =	stream.indirect_vreg.scatter [tilespmem:s1], [sflag:$0x2], $0x80, v9, vm10, $0xb8;
	[tilespmem:$0x16EA0] =	vst v63  }
0x3de: {  	s1 =	simm.s32 $0x15E80  }
0x3df: {  	[hbm4b:s16+s3] =	stream.indirect_vreg.scatter [tilespmem:s1], [sflag:$0x2], $0x80, v9, vm11, $0xb8;
	[tilespmem:$0x16EA0] =	vst v63  }
0x3e0: {  	s1 =	simm.s32 $0x16280  }
0x3e1: {  	[hbm4b:s5+s3] =	stream.indirect_vreg.scatter [tilespmem:s1], [sflag:$0x2], $0x80, v8, vm10, $0xb8;
	[tilespmem:$0x16EA0] =	vst v63  }
0x3e2: {  	s1 =	simm.s32 $0x16A80  }
0x3e3: {  	[hbm4b:s16+s3] =	stream.indirect_vreg.scatter [tilespmem:s1], [sflag:$0x2], $0x80, v8, vm11, $0xb8;
	[tilespmem:$0x16EA0] =	vst v63  }
0x3e4: {  	_ =	swait.ge [sflag:s22], $0xA800  }
0x3e5: {  	[sflag:s22] =	ssyncset.done $0x0  }
0x3e6: {  	s1 =	rddreg [dreg:$0x14];
	[sflag:s22] =	ssyncadd.s32 $0xFFFF5800  }
0x3e7: {  	[tilespmem:s31], [sflag:$0x2] =	stream.linear.gather [hbm4b:s1+s3], $0xA800, $0x38;
	[tilespmem:$0x16EA0] =	vst v63  }
0x3e8: {  	_ =	swait.ge [sflag:s26], $0xA800  }
0x3e9: {  	[sflag:s26] =	ssyncset.done $0x0  }
0x3ea: {  	[sflag:s26] =	ssyncadd.s32 $0xFFFF5800  }
0x3eb: {  	v8 =	vld [tilespmem:$0x1100];
	_ =	sdelay $0x4  }
0x3ec: {  	v33 =	vshrl.u32 v8, $0x3  }
0x3ed: {  	v9 =	vmul.u32 $0x18, v33  }
0x3ee: {  	v8 =	vand.u32 $0x7, v8  }
0x3ef: {  	v8 =	vor.u32 v8, v9  }
0x3f0: {  	v9 =	vperm.xlane v8, v5;
	_ =	sdelay $0x1  }
0x3f1: {  	v9 =	vadd.s32 v6, v9;
	_ =	sdelay $0x1  }
0x3f2: {  	v8 =	vperm.xlane v8, v7;
	_ =	sdelay $0x1  }
0x3f3: {  	v8 =	vadd.s32 v6, v8  }
0x3f4: {  	[hbm4b:s5+s3] =	stream.indirect_vreg.scatter [tilespmem:s23], [sflag:$0x1], $0x80, v9, vm10, $0xb8;
	[tilespmem:$0x16EA0] =	vst v63  }
0x3f5: {  	s0 =	simm.s32 $0x2680  }
0x3f6: {  	[hbm4b:s16+s3] =	stream.indirect_vreg.scatter [tilespmem:s0], [sflag:$0x1], $0x80, v9, vm11, $0xb8;
	[tilespmem:$0x16EA0] =	vst v63  }
0x3f7: {  	s2 =	simm.s32 $0x2A80  }
0x3f8: {  	[hbm4b:s5+s3] =	stream.indirect_vreg.scatter [tilespmem:s2], [sflag:$0x1], $0x80, v8, vm10, $0xb8;
	[tilespmem:$0x16EA0] =	vst v63  }
0x3f9: {  	s2 =	simm.s32 $0x3280  }
0x3fa: {  	[hbm4b:s16+s3] =	stream.indirect_vreg.scatter [tilespmem:s2], [sflag:$0x1], $0x80, v8, vm11, $0xb8;
	[tilespmem:$0x16EA0] =	vst v63  }
0x3fb: {  	v8 =	vld [tilespmem:$0x1110];
	_ =	sdelay $0x4  }
0x3fc: {  	v34 =	vshrl.u32 v8, $0x3  }
0x3fd: {  	v9 =	vmul.u32 $0x18, v34  }
0x3fe: {  	v8 =	vand.u32 $0x7, v8  }
0x3ff: {  	v8 =	vor.u32 v8, v9  }
0x400: {  	v9 =	vperm.xlane v8, v5;
	_ =	sdelay $0x1  }
0x401: {  	v9 =	vadd.s32 v6, v9;
	_ =	sdelay $0x1  }
0x402: {  	v8 =	vperm.xlane v8, v7;
	_ =	sdelay $0x1  }
0x403: {  	s6 =	simm.s32 $0x3680;
	v8 =	vadd.s32 v6, v8  }
0x404: {  	[hbm4b:s5+s3] =	stream.indirect_vreg.scatter [tilespmem:s6], [sflag:$0x1], $0x80, v9, vm10, $0xb8;
	[tilespmem:$0x16EA0] =	vst v63  }
0x405: {  	s7 =	simm.s32 $0x3E80  }
0x406: {  	[hbm4b:s16+s3] =	stream.indirect_vreg.scatter [tilespmem:s7], [sflag:$0x1], $0x80, v9, vm11, $0xb8;
	[tilespmem:$0x16EA0] =	vst v63  }
0x407: {  	s8 =	simm.s32 $0x4280  }
0x408: {  	[hbm4b:s5+s3] =	stream.indirect_vreg.scatter [tilespmem:s8], [sflag:$0x1], $0x80, v8, vm10, $0xb8;
	[tilespmem:$0x16EA0] =	vst v63  }
0x409: {  	s8 =	simm.s32 $0x4A80  }
0x40a: {  	[hbm4b:s16+s3] =	stream.indirect_vreg.scatter [tilespmem:s8], [sflag:$0x1], $0x80, v8, vm11, $0xb8;
	[tilespmem:$0x16EA0] =	vst v63  }
0x40b: {  	v8 =	vld [tilespmem:$0x1120];
	_ =	sdelay $0x4  }
0x40c: {  	v35 =	vshrl.u32 v8, $0x3  }
0x40d: {  	v9 =	vmul.u32 $0x18, v35  }
0x40e: {  	v8 =	vand.u32 $0x7, v8  }
0x40f: {  	v8 =	vor.u32 v8, v9  }
0x410: {  	v9 =	vperm.xlane v8, v5;
	_ =	sdelay $0x1  }
0x411: {  	v9 =	vadd.s32 v6, v9;
	_ =	sdelay $0x1  }
0x412: {  	v8 =	vperm.xlane v8, v7;
	_ =	sdelay $0x1  }
0x413: {  	s9 =	simm.s32 $0x4E80;
	v8 =	vadd.s32 v6, v8  }
0x414: {  	[hbm4b:s5+s3] =	stream.indirect_vreg.scatter [tilespmem:s9], [sflag:$0x1], $0x80, v9, vm10, $0xb8;
	[tilespmem:$0x16EA0] =	vst v63  }
0x415: {  	s10 =	simm.s32 $0x5680  }
0x416: {  	[hbm4b:s16+s3] =	stream.indirect_vreg.scatter [tilespmem:s10], [sflag:$0x1], $0x80, v9, vm11, $0xb8;
	[tilespmem:$0x16EA0] =	vst v63  }
0x417: {  	s11 =	simm.s32 $0x5A80  }
0x418: {  	[hbm4b:s5+s3] =	stream.indirect_vreg.scatter [tilespmem:s11], [sflag:$0x1], $0x80, v8, vm10, $0xb8;
	[tilespmem:$0x16EA0] =	vst v63  }
0x419: {  	s11 =	simm.s32 $0x6280  }
0x41a: {  	[hbm4b:s16+s3] =	stream.indirect_vreg.scatter [tilespmem:s11], [sflag:$0x1], $0x80, v8, vm11, $0xb8;
	[tilespmem:$0x16EA0] =	vst v63  }
0x41b: {  	v8 =	vld [tilespmem:$0x1130];
	_ =	sdelay $0x4  }
0x41c: {  	v36 =	vshrl.u32 v8, $0x3  }
0x41d: {  	v9 =	vmul.u32 $0x18, v36  }
0x41e: {  	v8 =	vand.u32 $0x7, v8  }
0x41f: {  	v8 =	vor.u32 v8, v9  }
0x420: {  	v9 =	vperm.xlane v8, v5;
	_ =	sdelay $0x1  }
0x421: {  	v9 =	vadd.s32 v6, v9;
	_ =	sdelay $0x1  }
0x422: {  	v8 =	vperm.xlane v8, v7;
	_ =	sdelay $0x1  }
0x423: {  	s12 =	simm.s32 $0x6680;
	v8 =	vadd.s32 v6, v8  }
0x424: {  	[hbm4b:s5+s3] =	stream.indirect_vreg.scatter [tilespmem:s12], [sflag:$0x1], $0x80, v9, vm10, $0xb8;
	[tilespmem:$0x16EA0] =	vst v63  }
0x425: {  	s13 =	simm.s32 $0x6E80  }
0x426: {  	[hbm4b:s16+s3] =	stream.indirect_vreg.scatter [tilespmem:s13], [sflag:$0x1], $0x80, v9, vm11, $0xb8;
	[tilespmem:$0x16EA0] =	vst v63  }
0x427: {  	s14 =	simm.s32 $0x7280  }
0x428: {  	[hbm4b:s5+s3] =	stream.indirect_vreg.scatter [tilespmem:s14], [sflag:$0x1], $0x80, v8, vm10, $0xb8;
	[tilespmem:$0x16EA0] =	vst v63  }
0x429: {  	s14 =	simm.s32 $0x7A80  }
0x42a: {  	[hbm4b:s16+s3] =	stream.indirect_vreg.scatter [tilespmem:s14], [sflag:$0x1], $0x80, v8, vm11, $0xb8;
	[tilespmem:$0x16EA0] =	vst v63  }
0x42b: {  	v8 =	vld [tilespmem:$0x1140];
	_ =	sdelay $0x4  }
0x42c: {  	v37 =	vshrl.u32 v8, $0x3  }
0x42d: {  	v9 =	vmul.u32 $0x18, v37  }
0x42e: {  	v8 =	vand.u32 $0x7, v8  }
0x42f: {  	v8 =	vor.u32 v8, v9  }
0x430: {  	v9 =	vperm.xlane v8, v5;
	_ =	sdelay $0x1  }
0x431: {  	v9 =	vadd.s32 v6, v9;
	_ =	sdelay $0x1  }
0x432: {  	v8 =	vperm.xlane v8, v7;
	_ =	sdelay $0x1  }
0x433: {  	s15 =	simm.s32 $0x7E80;
	v8 =	vadd.s32 v6, v8  }
0x434: {  	[hbm4b:s5+s3] =	stream.indirect_vreg.scatter [tilespmem:s15], [sflag:$0x1], $0x80, v9, vm10, $0xb8;
	[tilespmem:$0x16EA0] =	vst v63  }
0x435: {  	s17 =	simm.s32 $0x8680  }
0x436: {  	[hbm4b:s16+s3] =	stream.indirect_vreg.scatter [tilespmem:s17], [sflag:$0x1], $0x80, v9, vm11, $0xb8;
	[tilespmem:$0x16EA0] =	vst v63  }
0x437: {  	s18 =	simm.s32 $0x8A80  }
0x438: {  	[hbm4b:s5+s3] =	stream.indirect_vreg.scatter [tilespmem:s18], [sflag:$0x1], $0x80, v8, vm10, $0xb8;
	[tilespmem:$0x16EA0] =	vst v63  }
0x439: {  	s0 =	simm.s32 $0x9280  }
0x43a: {  	[hbm4b:s16+s3] =	stream.indirect_vreg.scatter [tilespmem:s0], [sflag:$0x1], $0x80, v8, vm11, $0xb8;
	[tilespmem:$0x16EA0] =	vst v63  }
0x43b: {  	v8 =	vld [tilespmem:$0x1150];
	_ =	sdelay $0x4  }
0x43c: {  	v38 =	vshrl.u32 v8, $0x3  }
0x43d: {  	v9 =	vmul.u32 $0x18, v38  }
0x43e: {  	v8 =	vand.u32 $0x7, v8  }
0x43f: {  	v8 =	vor.u32 v8, v9  }
0x440: {  	v9 =	vperm.xlane v8, v5;
	_ =	sdelay $0x1  }
0x441: {  	v9 =	vadd.s32 v6, v9;
	_ =	sdelay $0x1  }
0x442: {  	v8 =	vperm.xlane v8, v7;
	_ =	sdelay $0x1  }
0x443: {  	s19 =	simm.s32 $0x9680;
	v8 =	vadd.s32 v6, v8  }
0x444: {  	[hbm4b:s5+s3] =	stream.indirect_vreg.scatter [tilespmem:s19], [sflag:$0x1], $0x80, v9, vm10, $0xb8;
	[tilespmem:$0x16EA0] =	vst v63  }
0x445: {  	s21 =	simm.s32 $0x9E80  }
0x446: {  	[hbm4b:s16+s3] =	stream.indirect_vreg.scatter [tilespmem:s21], [sflag:$0x1], $0x80, v9, vm11, $0xb8;
	[tilespmem:$0x16EA0] =	vst v63  }
0x447: {  	s24 =	simm.s32 $0xA280  }
0x448: {  	[hbm4b:s5+s3] =	stream.indirect_vreg.scatter [tilespmem:s24], [sflag:$0x1], $0x80, v8, vm10, $0xb8;
	[tilespmem:$0x16EA0] =	vst v63  }
0x449: {  	s2 =	simm.s32 $0xAA80  }
0x44a: {  	[hbm4b:s16+s3] =	stream.indirect_vreg.scatter [tilespmem:s2], [sflag:$0x1], $0x80, v8, vm11, $0xb8;
	[tilespmem:$0x16EA0] =	vst v63  }
0x44b: {  	v8 =	vld [tilespmem:$0x1160];
	_ =	sdelay $0x4  }
0x44c: {  	v39 =	vshrl.u32 v8, $0x3  }
0x44d: {  	v9 =	vmul.u32 $0x18, v39  }
0x44e: {  	v8 =	vand.u32 $0x7, v8  }
0x44f: {  	v8 =	vor.u32 v8, v9  }
0x450: {  	v9 =	vperm.xlane v8, v5;
	_ =	sdelay $0x1  }
0x451: {  	v9 =	vadd.s32 v6, v9;
	_ =	sdelay $0x1  }
0x452: {  	v8 =	vperm.xlane v8, v7;
	_ =	sdelay $0x1  }
0x453: {  	s25 =	simm.s32 $0xAE80;
	v8 =	vadd.s32 v6, v8  }
0x454: {  	[hbm4b:s5+s3] =	stream.indirect_vreg.scatter [tilespmem:s25], [sflag:$0x1], $0x80, v9, vm10, $0xb8;
	[tilespmem:$0x16EA0] =	vst v63  }
0x455: {  	s28 =	simm.s32 $0xB680  }
0x456: {  	[hbm4b:s16+s3] =	stream.indirect_vreg.scatter [tilespmem:s28], [sflag:$0x1], $0x80, v9, vm11, $0xb8;
	[tilespmem:$0x16EA0] =	vst v63  }
0x457: {  	s29 =	simm.s32 $0xBA80  }
0x458: {  	[hbm4b:s5+s3] =	stream.indirect_vreg.scatter [tilespmem:s29], [sflag:$0x1], $0x80, v8, vm10, $0xb8;
	[tilespmem:$0x16EA0] =	vst v63  }
0x459: {  	s30 =	simm.s32 $0xC280  }
0x45a: {  	[hbm4b:s16+s3] =	stream.indirect_vreg.scatter [tilespmem:s30], [sflag:$0x1], $0x80, v8, vm11, $0xb8;
	[tilespmem:$0x16EA0] =	vst v63  }
0x45b: {  	_ =	swait.ge [sflag:s26], $0xA800  }
0x45c: {  	[sflag:s26] =	ssyncset.done $0x0  }
0x45d: {  	s6 =	rddreg [dreg:$0x15];
	[sflag:s26] =	ssyncadd.s32 $0xFFFF5800  }
0x45e: {  	[tilespmem:s23], [sflag:$0x1] =	stream.linear.gather [hbm4b:s6+s3], $0xA800, $0x38;
	[tilespmem:$0x16EA0] =	vst v63  }
0x45f: {  	_ =	swait.ge [sflag:s22], $0xA800  }
0x460: {  	[sflag:s22] =	ssyncset.done $0x0  }
0x461: {  	[sflag:s22] =	ssyncadd.s32 $0xFFFF5800  }
0x462: {  	v8 =	vld [tilespmem:$0x1180];
	_ =	sdelay $0x4  }
0x463: {  	v40 =	vshrl.u32 v8, $0x3  }
0x464: {  	v9 =	vmul.u32 $0x18, v40  }
0x465: {  	v8 =	vand.u32 $0x7, v8  }
0x466: {  	v8 =	vor.u32 v8, v9  }
0x467: {  	v9 =	vperm.xlane v8, v5;
	_ =	sdelay $0x1  }
0x468: {  	v9 =	vadd.s32 v6, v9;
	_ =	sdelay $0x1  }
0x469: {  	v8 =	vperm.xlane v8, v7;
	_ =	sdelay $0x1  }
0x46a: {  	v8 =	vadd.s32 v6, v8  }
0x46b: {  	[hbm4b:s5+s3] =	stream.indirect_vreg.scatter [tilespmem:s31], [sflag:$0x2], $0x80, v9, vm10, $0xb8;
	[tilespmem:$0x16EA0] =	vst v63  }
0x46c: {  	s7 =	simm.s32 $0xCE80  }
0x46d: {  	[hbm4b:s16+s3] =	stream.indirect_vreg.scatter [tilespmem:s7], [sflag:$0x2], $0x80, v9, vm11, $0xb8;
	[tilespmem:$0x16EA0] =	vst v63  }
0x46e: {  	s8 =	simm.s32 $0xD280  }
0x46f: {  	[hbm4b:s5+s3] =	stream.indirect_vreg.scatter [tilespmem:s8], [sflag:$0x2], $0x80, v8, vm10, $0xb8;
	[tilespmem:$0x16EA0] =	vst v63  }
0x470: {  	s9 =	simm.s32 $0xDA80  }
0x471: {  	[hbm4b:s16+s3] =	stream.indirect_vreg.scatter [tilespmem:s9], [sflag:$0x2], $0x80, v8, vm11, $0xb8;
	[tilespmem:$0x16EA0] =	vst v63  }
0x472: {  	v8 =	vld [tilespmem:$0x1190];
	_ =	sdelay $0x4  }
0x473: {  	v41 =	vshrl.u32 v8, $0x3  }
0x474: {  	v9 =	vmul.u32 $0x18, v41  }
0x475: {  	v8 =	vand.u32 $0x7, v8  }
0x476: {  	v8 =	vor.u32 v8, v9  }
0x477: {  	v9 =	vperm.xlane v8, v5;
	_ =	sdelay $0x1  }
0x478: {  	v9 =	vadd.s32 v6, v9;
	_ =	sdelay $0x1  }
0x479: {  	v8 =	vperm.xlane v8, v7;
	_ =	sdelay $0x1  }
0x47a: {  	s10 =	simm.s32 $0xDE80;
	v8 =	vadd.s32 v6, v8  }
0x47b: {  	[hbm4b:s5+s3] =	stream.indirect_vreg.scatter [tilespmem:s10], [sflag:$0x2], $0x80, v9, vm10, $0xb8;
	[tilespmem:$0x16EA0] =	vst v63  }
0x47c: {  	s11 =	simm.s32 $0xE680  }
0x47d: {  	[hbm4b:s16+s3] =	stream.indirect_vreg.scatter [tilespmem:s11], [sflag:$0x2], $0x80, v9, vm11, $0xb8;
	[tilespmem:$0x16EA0] =	vst v63  }
0x47e: {  	s12 =	simm.s32 $0xEA80  }
0x47f: {  	[hbm4b:s5+s3] =	stream.indirect_vreg.scatter [tilespmem:s12], [sflag:$0x2], $0x80, v8, vm10, $0xb8;
	[tilespmem:$0x16EA0] =	vst v63  }
0x480: {  	s13 =	simm.s32 $0xF280  }
0x481: {  	[hbm4b:s16+s3] =	stream.indirect_vreg.scatter [tilespmem:s13], [sflag:$0x2], $0x80, v8, vm11, $0xb8;
	[tilespmem:$0x16EA0] =	vst v63  }
0x482: {  	v8 =	vld [tilespmem:$0x11A0];
	_ =	sdelay $0x4  }
0x483: {  	v42 =	vshrl.u32 v8, $0x3  }
0x484: {  	v9 =	vmul.u32 $0x18, v42  }
0x485: {  	v8 =	vand.u32 $0x7, v8  }
0x486: {  	v8 =	vor.u32 v8, v9  }
0x487: {  	v9 =	vperm.xlane v8, v5;
	_ =	sdelay $0x1  }
0x488: {  	v9 =	vadd.s32 v6, v9;
	_ =	sdelay $0x1  }
0x489: {  	v8 =	vperm.xlane v8, v7;
	_ =	sdelay $0x1  }
0x48a: {  	s14 =	simm.s32 $0xF680;
	v8 =	vadd.s32 v6, v8  }
0x48b: {  	[hbm4b:s5+s3] =	stream.indirect_vreg.scatter [tilespmem:s14], [sflag:$0x2], $0x80, v9, vm10, $0xb8;
	[tilespmem:$0x16EA0] =	vst v63  }
0x48c: {  	s15 =	simm.s32 $0xFE80  }
0x48d: {  	[hbm4b:s16+s3] =	stream.indirect_vreg.scatter [tilespmem:s15], [sflag:$0x2], $0x80, v9, vm11, $0xb8;
	[tilespmem:$0x16EA0] =	vst v63  }
0x48e: {  	s17 =	simm.s32 $0x10280  }
0x48f: {  	[hbm4b:s5+s3] =	stream.indirect_vreg.scatter [tilespmem:s17], [sflag:$0x2], $0x80, v8, vm10, $0xb8;
	[tilespmem:$0x16EA0] =	vst v63  }
0x490: {  	s18 =	simm.s32 $0x10A80  }
0x491: {  	[hbm4b:s16+s3] =	stream.indirect_vreg.scatter [tilespmem:s18], [sflag:$0x2], $0x80, v8, vm11, $0xb8;
	[tilespmem:$0x16EA0] =	vst v63  }
0x492: {  	v8 =	vld [tilespmem:$0x11B0];
	_ =	sdelay $0x4  }
0x493: {  	v43 =	vshrl.u32 v8, $0x3  }
0x494: {  	v9 =	vmul.u32 $0x18, v43  }
0x495: {  	v8 =	vand.u32 $0x7, v8  }
0x496: {  	v8 =	vor.u32 v8, v9  }
0x497: {  	v9 =	vperm.xlane v8, v5;
	_ =	sdelay $0x1  }
0x498: {  	v9 =	vadd.s32 v6, v9;
	_ =	sdelay $0x1  }
0x499: {  	v8 =	vperm.xlane v8, v7;
	_ =	sdelay $0x1  }
0x49a: {  	s19 =	simm.s32 $0x10E80;
	v8 =	vadd.s32 v6, v8  }
0x49b: {  	[hbm4b:s5+s3] =	stream.indirect_vreg.scatter [tilespmem:s19], [sflag:$0x2], $0x80, v9, vm10, $0xb8;
	[tilespmem:$0x16EA0] =	vst v63  }
0x49c: {  	s21 =	simm.s32 $0x11680  }
0x49d: {  	[hbm4b:s16+s3] =	stream.indirect_vreg.scatter [tilespmem:s21], [sflag:$0x2], $0x80, v9, vm11, $0xb8;
	[tilespmem:$0x16EA0] =	vst v63  }
0x49e: {  	s24 =	simm.s32 $0x11A80  }
0x49f: {  	[hbm4b:s5+s3] =	stream.indirect_vreg.scatter [tilespmem:s24], [sflag:$0x2], $0x80, v8, vm10, $0xb8;
	[tilespmem:$0x16EA0] =	vst v63  }
0x4a0: {  	s25 =	simm.s32 $0x12280  }
0x4a1: {  	[hbm4b:s16+s3] =	stream.indirect_vreg.scatter [tilespmem:s25], [sflag:$0x2], $0x80, v8, vm11, $0xb8;
	[tilespmem:$0x16EA0] =	vst v63  }
0x4a2: {  	v8 =	vld [tilespmem:$0x11C0];
	_ =	sdelay $0x4  }
0x4a3: {  	v44 =	vshrl.u32 v8, $0x3  }
0x4a4: {  	v9 =	vmul.u32 $0x18, v44  }
0x4a5: {  	v8 =	vand.u32 $0x7, v8  }
0x4a6: {  	v8 =	vor.u32 v8, v9  }
0x4a7: {  	v9 =	vperm.xlane v8, v5;
	_ =	sdelay $0x1  }
0x4a8: {  	v9 =	vadd.s32 v6, v9;
	_ =	sdelay $0x1  }
0x4a9: {  	v8 =	vperm.xlane v8, v7;
	_ =	sdelay $0x1  }
0x4aa: {  	s14 =	simm.s32 $0x12680;
	v8 =	vadd.s32 v6, v8  }
0x4ab: {  	[hbm4b:s5+s3] =	stream.indirect_vreg.scatter [tilespmem:s14], [sflag:$0x2], $0x80, v9, vm10, $0xb8;
	[tilespmem:$0x16EA0] =	vst v63  }
0x4ac: {  	s15 =	simm.s32 $0x12E80  }
0x4ad: {  	[hbm4b:s16+s3] =	stream.indirect_vreg.scatter [tilespmem:s15], [sflag:$0x2], $0x80, v9, vm11, $0xb8;
	[tilespmem:$0x16EA0] =	vst v63  }
0x4ae: {  	s17 =	simm.s32 $0x13280  }
0x4af: {  	[hbm4b:s5+s3] =	stream.indirect_vreg.scatter [tilespmem:s17], [sflag:$0x2], $0x80, v8, vm10, $0xb8;
	[tilespmem:$0x16EA0] =	vst v63  }
0x4b0: {  	s18 =	simm.s32 $0x13A80  }
0x4b1: {  	[hbm4b:s16+s3] =	stream.indirect_vreg.scatter [tilespmem:s18], [sflag:$0x2], $0x80, v8, vm11, $0xb8;
	[tilespmem:$0x16EA0] =	vst v63  }
0x4b2: {  	v8 =	vld [tilespmem:$0x11D0];
	_ =	sdelay $0x4  }
0x4b3: {  	v45 =	vshrl.u32 v8, $0x3  }
0x4b4: {  	v9 =	vmul.u32 $0x18, v45  }
0x4b5: {  	v8 =	vand.u32 $0x7, v8  }
0x4b6: {  	v8 =	vor.u32 v8, v9  }
0x4b7: {  	v9 =	vperm.xlane v8, v5;
	_ =	sdelay $0x1  }
0x4b8: {  	v9 =	vadd.s32 v6, v9;
	_ =	sdelay $0x1  }
0x4b9: {  	v8 =	vperm.xlane v8, v7;
	_ =	sdelay $0x1  }
0x4ba: {  	s19 =	simm.s32 $0x13E80;
	v8 =	vadd.s32 v6, v8  }
0x4bb: {  	[hbm4b:s5+s3] =	stream.indirect_vreg.scatter [tilespmem:s19], [sflag:$0x2], $0x80, v9, vm10, $0xb8;
	[tilespmem:$0x16EA0] =	vst v63  }
0x4bc: {  	s21 =	simm.s32 $0x14680  }
0x4bd: {  	[hbm4b:s16+s3] =	stream.indirect_vreg.scatter [tilespmem:s21], [sflag:$0x2], $0x80, v9, vm11, $0xb8;
	[tilespmem:$0x16EA0] =	vst v63  }
0x4be: {  	s24 =	simm.s32 $0x14A80  }
0x4bf: {  	[hbm4b:s5+s3] =	stream.indirect_vreg.scatter [tilespmem:s24], [sflag:$0x2], $0x80, v8, vm10, $0xb8;
	[tilespmem:$0x16EA0] =	vst v63  }
0x4c0: {  	s25 =	simm.s32 $0x15280  }
0x4c1: {  	[hbm4b:s16+s3] =	stream.indirect_vreg.scatter [tilespmem:s25], [sflag:$0x2], $0x80, v8, vm11, $0xb8;
	[tilespmem:$0x16EA0] =	vst v63  }
0x4c2: {  	v8 =	vld [tilespmem:$0x11E0];
	_ =	sdelay $0x4  }
0x4c3: {  	v46 =	vshrl.u32 v8, $0x3  }
0x4c4: {  	v9 =	vmul.u32 $0x18, v46  }
0x4c5: {  	v8 =	vand.u32 $0x7, v8  }
0x4c6: {  	v8 =	vor.u32 v8, v9  }
0x4c7: {  	v9 =	vperm.xlane v8, v5;
	_ =	sdelay $0x1  }
0x4c8: {  	v9 =	vadd.s32 v6, v9;
	_ =	sdelay $0x1  }
0x4c9: {  	v8 =	vperm.xlane v8, v7;
	_ =	sdelay $0x1  }
0x4ca: {  	s21 =	simm.s32 $0x15680;
	v8 =	vadd.s32 v6, v8  }
0x4cb: {  	[hbm4b:s5+s3] =	stream.indirect_vreg.scatter [tilespmem:s21], [sflag:$0x2], $0x80, v9, vm10, $0xb8;
	[tilespmem:$0x16EA0] =	vst v63  }
0x4cc: {  	s24 =	simm.s32 $0x15E80  }
0x4cd: {  	[hbm4b:s16+s3] =	stream.indirect_vreg.scatter [tilespmem:s24], [sflag:$0x2], $0x80, v9, vm11, $0xb8;
	[tilespmem:$0x16EA0] =	vst v63  }
0x4ce: {  	s25 =	simm.s32 $0x16280  }
0x4cf: {  	[hbm4b:s5+s3] =	stream.indirect_vreg.scatter [tilespmem:s25], [sflag:$0x2], $0x80, v8, vm10, $0xb8;
	[tilespmem:$0x16EA0] =	vst v63  }
0x4d0: {  	s1 =	simm.s32 $0x16A80  }
0x4d1: {  	[hbm4b:s16+s3] =	stream.indirect_vreg.scatter [tilespmem:s1], [sflag:$0x2], $0x80, v8, vm11, $0xb8;
	[tilespmem:$0x16EA0] =	vst v63  }
0x4d2: {  	_ =	swait.ge [sflag:s22], $0xA800  }
0x4d3: {  	[sflag:s22] =	ssyncset.done $0x0  }
0x4d4: {  	s1 =	rddreg [dreg:$0x17];
	[sflag:s22] =	ssyncadd.s32 $0xFFFF5800  }
0x4d5: {  	[tilespmem:s31], [sflag:$0x2] =	stream.linear.gather [hbm4b:s1+s3], $0xA800, $0x38;
	[tilespmem:$0x16EA0] =	vst v63  }
0x4d6: {  	_ =	swait.ge [sflag:s26], $0xA800  }
0x4d7: {  	[sflag:s26] =	ssyncset.done $0x0  }
0x4d8: {  	[sflag:s26] =	ssyncadd.s32 $0xFFFF5800  }
0x4d9: {  	v8 =	vld [tilespmem:$0x1200];
	_ =	sdelay $0x4  }
0x4da: {  	v47 =	vshrl.u32 v8, $0x3  }
0x4db: {  	v9 =	vmul.u32 $0x18, v47  }
0x4dc: {  	v8 =	vand.u32 $0x7, v8  }
0x4dd: {  	v8 =	vor.u32 v8, v9  }
0x4de: {  	v9 =	vperm.xlane v8, v5;
	_ =	sdelay $0x1  }
0x4df: {  	v9 =	vadd.s32 v6, v9;
	_ =	sdelay $0x1  }
0x4e0: {  	v8 =	vperm.xlane v8, v7;
	_ =	sdelay $0x1  }
0x4e1: {  	v8 =	vadd.s32 v6, v8  }
0x4e2: {  	[hbm4b:s5+s3] =	stream.indirect_vreg.scatter [tilespmem:s23], [sflag:$0x1], $0x80, v9, vm10, $0xb8;
	[tilespmem:$0x16EA0] =	vst v63  }
0x4e3: {  	s1 =	simm.s32 $0x2680  }
0x4e4: {  	[hbm4b:s16+s3] =	stream.indirect_vreg.scatter [tilespmem:s1], [sflag:$0x1], $0x80, v9, vm11, $0xb8;
	[tilespmem:$0x16EA0] =	vst v63  }
0x4e5: {  	s1 =	simm.s32 $0x2A80  }
0x4e6: {  	[hbm4b:s5+s3] =	stream.indirect_vreg.scatter [tilespmem:s1], [sflag:$0x1], $0x80, v8, vm10, $0xb8;
	[tilespmem:$0x16EA0] =	vst v63  }
0x4e7: {  	s1 =	simm.s32 $0x3280  }
0x4e8: {  	[hbm4b:s16+s3] =	stream.indirect_vreg.scatter [tilespmem:s1], [sflag:$0x1], $0x80, v8, vm11, $0xb8;
	[tilespmem:$0x16EA0] =	vst v63  }
0x4e9: {  	v8 =	vld [tilespmem:$0x1210];
	_ =	sdelay $0x4  }
0x4ea: {  	v48 =	vshrl.u32 v8, $0x3  }
0x4eb: {  	v9 =	vmul.u32 $0x18, v48  }
0x4ec: {  	v8 =	vand.u32 $0x7, v8  }
0x4ed: {  	v8 =	vor.u32 v8, v9  }
0x4ee: {  	v9 =	vperm.xlane v8, v5;
	_ =	sdelay $0x1  }
0x4ef: {  	v9 =	vadd.s32 v6, v9;
	_ =	sdelay $0x1  }
0x4f0: {  	v8 =	vperm.xlane v8, v7;
	_ =	sdelay $0x1  }
0x4f1: {  	s1 =	simm.s32 $0x3680;
	v8 =	vadd.s32 v6, v8  }
0x4f2: {  	[hbm4b:s5+s3] =	stream.indirect_vreg.scatter [tilespmem:s1], [sflag:$0x1], $0x80, v9, vm10, $0xb8;
	[tilespmem:$0x16EA0] =	vst v63  }
0x4f3: {  	s1 =	simm.s32 $0x3E80  }
0x4f4: {  	[hbm4b:s16+s3] =	stream.indirect_vreg.scatter [tilespmem:s1], [sflag:$0x1], $0x80, v9, vm11, $0xb8;
	[tilespmem:$0x16EA0] =	vst v63  }
0x4f5: {  	s1 =	simm.s32 $0x4280  }
0x4f6: {  	[hbm4b:s5+s3] =	stream.indirect_vreg.scatter [tilespmem:s1], [sflag:$0x1], $0x80, v8, vm10, $0xb8;
	[tilespmem:$0x16EA0] =	vst v63  }
0x4f7: {  	s1 =	simm.s32 $0x4A80  }
0x4f8: {  	[hbm4b:s16+s3] =	stream.indirect_vreg.scatter [tilespmem:s1], [sflag:$0x1], $0x80, v8, vm11, $0xb8;
	[tilespmem:$0x16EA0] =	vst v63  }
0x4f9: {  	v8 =	vld [tilespmem:$0x1220];
	_ =	sdelay $0x4  }
0x4fa: {  	v49 =	vshrl.u32 v8, $0x3  }
0x4fb: {  	v9 =	vmul.u32 $0x18, v49  }
0x4fc: {  	v8 =	vand.u32 $0x7, v8  }
0x4fd: {  	v8 =	vor.u32 v8, v9  }
0x4fe: {  	v9 =	vperm.xlane v8, v5;
	_ =	sdelay $0x1  }
0x4ff: {  	v9 =	vadd.s32 v6, v9;
	_ =	sdelay $0x1  }
0x500: {  	v8 =	vperm.xlane v8, v7;
	_ =	sdelay $0x1  }
0x501: {  	s1 =	simm.s32 $0x4E80;
	v8 =	vadd.s32 v6, v8  }
0x502: {  	[hbm4b:s5+s3] =	stream.indirect_vreg.scatter [tilespmem:s1], [sflag:$0x1], $0x80, v9, vm10, $0xb8;
	[tilespmem:$0x16EA0] =	vst v63  }
0x503: {  	s1 =	simm.s32 $0x5680  }
0x504: {  	[hbm4b:s16+s3] =	stream.indirect_vreg.scatter [tilespmem:s1], [sflag:$0x1], $0x80, v9, vm11, $0xb8;
	[tilespmem:$0x16EA0] =	vst v63  }
0x505: {  	s1 =	simm.s32 $0x5A80  }
0x506: {  	[hbm4b:s5+s3] =	stream.indirect_vreg.scatter [tilespmem:s1], [sflag:$0x1], $0x80, v8, vm10, $0xb8;
	[tilespmem:$0x16EA0] =	vst v63  }
0x507: {  	s1 =	simm.s32 $0x6280  }
0x508: {  	[hbm4b:s16+s3] =	stream.indirect_vreg.scatter [tilespmem:s1], [sflag:$0x1], $0x80, v8, vm11, $0xb8;
	[tilespmem:$0x16EA0] =	vst v63  }
0x509: {  	v8 =	vld [tilespmem:$0x1230];
	_ =	sdelay $0x4  }
0x50a: {  	v50 =	vshrl.u32 v8, $0x3  }
0x50b: {  	v9 =	vmul.u32 $0x18, v50  }
0x50c: {  	v8 =	vand.u32 $0x7, v8  }
0x50d: {  	v8 =	vor.u32 v8, v9  }
0x50e: {  	v9 =	vperm.xlane v8, v5;
	_ =	sdelay $0x1  }
0x50f: {  	v9 =	vadd.s32 v6, v9;
	_ =	sdelay $0x1  }
0x510: {  	v8 =	vperm.xlane v8, v7;
	_ =	sdelay $0x1  }
0x511: {  	s1 =	simm.s32 $0x6680;
	v8 =	vadd.s32 v6, v8  }
0x512: {  	[hbm4b:s5+s3] =	stream.indirect_vreg.scatter [tilespmem:s1], [sflag:$0x1], $0x80, v9, vm10, $0xb8;
	[tilespmem:$0x16EA0] =	vst v63  }
0x513: {  	s1 =	simm.s32 $0x6E80  }
0x514: {  	[hbm4b:s16+s3] =	stream.indirect_vreg.scatter [tilespmem:s1], [sflag:$0x1], $0x80, v9, vm11, $0xb8;
	[tilespmem:$0x16EA0] =	vst v63  }
0x515: {  	s1 =	simm.s32 $0x7280  }
0x516: {  	[hbm4b:s5+s3] =	stream.indirect_vreg.scatter [tilespmem:s1], [sflag:$0x1], $0x80, v8, vm10, $0xb8;
	[tilespmem:$0x16EA0] =	vst v63  }
0x517: {  	s1 =	simm.s32 $0x7A80  }
0x518: {  	[hbm4b:s16+s3] =	stream.indirect_vreg.scatter [tilespmem:s1], [sflag:$0x1], $0x80, v8, vm11, $0xb8;
	[tilespmem:$0x16EA0] =	vst v63  }
0x519: {  	v8 =	vld [tilespmem:$0x1240];
	_ =	sdelay $0x4  }
0x51a: {  	v51 =	vshrl.u32 v8, $0x3  }
0x51b: {  	v9 =	vmul.u32 $0x18, v51  }
0x51c: {  	v8 =	vand.u32 $0x7, v8  }
0x51d: {  	v8 =	vor.u32 v8, v9  }
0x51e: {  	v9 =	vperm.xlane v8, v5;
	_ =	sdelay $0x1  }
0x51f: {  	v9 =	vadd.s32 v6, v9;
	_ =	sdelay $0x1  }
0x520: {  	v8 =	vperm.xlane v8, v7;
	_ =	sdelay $0x1  }
0x521: {  	s1 =	simm.s32 $0x7E80;
	v8 =	vadd.s32 v6, v8  }
0x522: {  	[hbm4b:s5+s3] =	stream.indirect_vreg.scatter [tilespmem:s1], [sflag:$0x1], $0x80, v9, vm10, $0xb8;
	[tilespmem:$0x16EA0] =	vst v63  }
0x523: {  	s1 =	simm.s32 $0x8680  }
0x524: {  	[hbm4b:s16+s3] =	stream.indirect_vreg.scatter [tilespmem:s1], [sflag:$0x1], $0x80, v9, vm11, $0xb8;
	[tilespmem:$0x16EA0] =	vst v63  }
0x525: {  	s1 =	simm.s32 $0x8A80  }
0x526: {  	[hbm4b:s5+s3] =	stream.indirect_vreg.scatter [tilespmem:s1], [sflag:$0x1], $0x80, v8, vm10, $0xb8;
	[tilespmem:$0x16EA0] =	vst v63  }
0x527: {  	s1 =	simm.s32 $0x9280  }
0x528: {  	[hbm4b:s16+s3] =	stream.indirect_vreg.scatter [tilespmem:s1], [sflag:$0x1], $0x80, v8, vm11, $0xb8;
	[tilespmem:$0x16EA0] =	vst v63  }
0x529: {  	v8 =	vld [tilespmem:$0x1250];
	_ =	sdelay $0x4  }
0x52a: {  	v52 =	vshrl.u32 v8, $0x3  }
0x52b: {  	v9 =	vmul.u32 $0x18, v52  }
0x52c: {  	v8 =	vand.u32 $0x7, v8  }
0x52d: {  	v8 =	vor.u32 v8, v9  }
0x52e: {  	v9 =	vperm.xlane v8, v5;
	_ =	sdelay $0x1  }
0x52f: {  	v9 =	vadd.s32 v6, v9;
	_ =	sdelay $0x1  }
0x530: {  	v8 =	vperm.xlane v8, v7;
	_ =	sdelay $0x1  }
0x531: {  	s1 =	simm.s32 $0x9680;
	v8 =	vadd.s32 v6, v8  }
0x532: {  	[hbm4b:s5+s3] =	stream.indirect_vreg.scatter [tilespmem:s1], [sflag:$0x1], $0x80, v9, vm10, $0xb8;
	[tilespmem:$0x16EA0] =	vst v63  }
0x533: {  	s1 =	simm.s32 $0x9E80  }
0x534: {  	[hbm4b:s16+s3] =	stream.indirect_vreg.scatter [tilespmem:s1], [sflag:$0x1], $0x80, v9, vm11, $0xb8;
	[tilespmem:$0x16EA0] =	vst v63  }
0x535: {  	s1 =	simm.s32 $0xA280  }
0x536: {  	[hbm4b:s5+s3] =	stream.indirect_vreg.scatter [tilespmem:s1], [sflag:$0x1], $0x80, v8, vm10, $0xb8;
	[tilespmem:$0x16EA0] =	vst v63  }
0x537: {  	s1 =	simm.s32 $0xAA80  }
0x538: {  	[hbm4b:s16+s3] =	stream.indirect_vreg.scatter [tilespmem:s1], [sflag:$0x1], $0x80, v8, vm11, $0xb8;
	[tilespmem:$0x16EA0] =	vst v63  }
0x539: {  	v8 =	vld [tilespmem:$0x1260];
	_ =	sdelay $0x4  }
0x53a: {  	v53 =	vshrl.u32 v8, $0x3  }
0x53b: {  	v9 =	vmul.u32 $0x18, v53  }
0x53c: {  	v8 =	vand.u32 $0x7, v8  }
0x53d: {  	v8 =	vor.u32 v8, v9  }
0x53e: {  	v9 =	vperm.xlane v8, v5;
	_ =	sdelay $0x1  }
0x53f: {  	v9 =	vadd.s32 v6, v9;
	_ =	sdelay $0x1  }
0x540: {  	v8 =	vperm.xlane v8, v7;
	_ =	sdelay $0x1  }
0x541: {  	s1 =	simm.s32 $0xAE80;
	v8 =	vadd.s32 v6, v8  }
0x542: {  	[hbm4b:s5+s3] =	stream.indirect_vreg.scatter [tilespmem:s1], [sflag:$0x1], $0x80, v9, vm10, $0xb8;
	[tilespmem:$0x16EA0] =	vst v63  }
0x543: {  	s1 =	simm.s32 $0xB680  }
0x544: {  	[hbm4b:s16+s3] =	stream.indirect_vreg.scatter [tilespmem:s1], [sflag:$0x1], $0x80, v9, vm11, $0xb8;
	[tilespmem:$0x16EA0] =	vst v63  }
0x545: {  	s1 =	simm.s32 $0xBA80  }
0x546: {  	[hbm4b:s5+s3] =	stream.indirect_vreg.scatter [tilespmem:s1], [sflag:$0x1], $0x80, v8, vm10, $0xb8;
	[tilespmem:$0x16EA0] =	vst v63  }
0x547: {  	s1 =	simm.s32 $0xC280  }
0x548: {  	[hbm4b:s16+s3] =	stream.indirect_vreg.scatter [tilespmem:s1], [sflag:$0x1], $0x80, v8, vm11, $0xb8;
	[tilespmem:$0x16EA0] =	vst v63  }
0x549: {  	_ =	swait.ge [sflag:s26], $0xA800  }
0x54a: {  	[sflag:s26] =	ssyncset.done $0x0  }
0x54b: {  	[sflag:s26] =	ssyncadd.s32 $0xFFFF5800  }
0x54c: {  	_ =	swait.ge [sflag:s22], $0xA800  }
0x54d: {  	[sflag:s22] =	ssyncset.done $0x0  }
0x54e: {  	[sflag:s22] =	ssyncadd.s32 $0xFFFF5800  }
0x54f: {  	v8 =	vld [tilespmem:$0x1280];
	_ =	sdelay $0x4  }
0x550: {  	v54 =	vshrl.u32 v8, $0x3  }
0x551: {  	v9 =	vmul.u32 $0x18, v54  }
0x552: {  	v8 =	vand.u32 $0x7, v8  }
0x553: {  	v8 =	vor.u32 v8, v9  }
0x554: {  	v9 =	vperm.xlane v8, v5;
	_ =	sdelay $0x1  }
0x555: {  	v9 =	vadd.s32 v6, v9;
	_ =	sdelay $0x1  }
0x556: {  	v8 =	vperm.xlane v8, v7;
	_ =	sdelay $0x1  }
0x557: {  	v8 =	vadd.s32 v6, v8  }
0x558: {  	[hbm4b:s5+s3] =	stream.indirect_vreg.scatter [tilespmem:s31], [sflag:$0x2], $0x80, v9, vm10, $0xb8;
	[tilespmem:$0x16EA0] =	vst v63  }
0x559: {  	s30 =	simm.s32 $0xCE80  }
0x55a: {  	[hbm4b:s16+s3] =	stream.indirect_vreg.scatter [tilespmem:s30], [sflag:$0x2], $0x80, v9, vm11, $0xb8;
	[tilespmem:$0x16EA0] =	vst v63  }
0x55b: {  	s0 =	simm.s32 $0xD280  }
0x55c: {  	[hbm4b:s5+s3] =	stream.indirect_vreg.scatter [tilespmem:s0], [sflag:$0x2], $0x80, v8, vm10, $0xb8;
	[tilespmem:$0x16EA0] =	vst v63  }
0x55d: {  	s28 =	simm.s32 $0xDA80  }
0x55e: {  	[hbm4b:s16+s3] =	stream.indirect_vreg.scatter [tilespmem:s28], [sflag:$0x2], $0x80, v8, vm11, $0xb8;
	[tilespmem:$0x16EA0] =	vst v63  }
0x55f: {  	v8 =	vld [tilespmem:$0x1290];
	_ =	sdelay $0x4  }
0x560: {  	v55 =	vshrl.u32 v8, $0x3  }
0x561: {  	v9 =	vmul.u32 $0x18, v55  }
0x562: {  	v8 =	vand.u32 $0x7, v8  }
0x563: {  	v8 =	vor.u32 v8, v9  }
0x564: {  	v9 =	vperm.xlane v8, v5;
	_ =	sdelay $0x1  }
0x565: {  	v9 =	vadd.s32 v6, v9;
	_ =	sdelay $0x1  }
0x566: {  	v8 =	vperm.xlane v8, v7;
	_ =	sdelay $0x1  }
0x567: {  	s2 =	simm.s32 $0xDE80;
	v8 =	vadd.s32 v6, v8  }
0x568: {  	[hbm4b:s5+s3] =	stream.indirect_vreg.scatter [tilespmem:s2], [sflag:$0x2], $0x80, v9, vm10, $0xb8;
	[tilespmem:$0x16EA0] =	vst v63  }
0x569: {  	s6 =	simm.s32 $0xE680  }
0x56a: {  	[hbm4b:s16+s3] =	stream.indirect_vreg.scatter [tilespmem:s6], [sflag:$0x2], $0x80, v9, vm11, $0xb8;
	[tilespmem:$0x16EA0] =	vst v63  }
0x56b: {  	s7 =	simm.s32 $0xEA80  }
0x56c: {  	[hbm4b:s5+s3] =	stream.indirect_vreg.scatter [tilespmem:s7], [sflag:$0x2], $0x80, v8, vm10, $0xb8;
	[tilespmem:$0x16EA0] =	vst v63  }
0x56d: {  	s29 =	simm.s32 $0xF280  }
0x56e: {  	[hbm4b:s16+s3] =	stream.indirect_vreg.scatter [tilespmem:s29], [sflag:$0x2], $0x80, v8, vm11, $0xb8;
	[tilespmem:$0x16EA0] =	vst v63  }
0x56f: {  	v8 =	vld [tilespmem:$0x12A0];
	_ =	sdelay $0x4  }
0x570: {  	v56 =	vshrl.u32 v8, $0x3  }
0x571: {  	v9 =	vmul.u32 $0x18, v56  }
0x572: {  	v8 =	vand.u32 $0x7, v8  }
0x573: {  	v8 =	vor.u32 v8, v9  }
0x574: {  	v9 =	vperm.xlane v8, v5;
	_ =	sdelay $0x1  }
0x575: {  	v9 =	vadd.s32 v6, v9;
	_ =	sdelay $0x1  }
0x576: {  	v8 =	vperm.xlane v8, v7;
	_ =	sdelay $0x1  }
0x577: {  	s8 =	simm.s32 $0xF680;
	v8 =	vadd.s32 v6, v8  }
0x578: {  	[hbm4b:s5+s3] =	stream.indirect_vreg.scatter [tilespmem:s8], [sflag:$0x2], $0x80, v9, vm10, $0xb8;
	[tilespmem:$0x16EA0] =	vst v63  }
0x579: {  	s9 =	simm.s32 $0xFE80  }
0x57a: {  	[hbm4b:s16+s3] =	stream.indirect_vreg.scatter [tilespmem:s9], [sflag:$0x2], $0x80, v9, vm11, $0xb8;
	[tilespmem:$0x16EA0] =	vst v63  }
0x57b: {  	s10 =	simm.s32 $0x10280  }
0x57c: {  	[hbm4b:s5+s3] =	stream.indirect_vreg.scatter [tilespmem:s10], [sflag:$0x2], $0x80, v8, vm10, $0xb8;
	[tilespmem:$0x16EA0] =	vst v63  }
0x57d: {  	s7 =	simm.s32 $0x10A80  }
0x57e: {  	[hbm4b:s16+s3] =	stream.indirect_vreg.scatter [tilespmem:s7], [sflag:$0x2], $0x80, v8, vm11, $0xb8;
	[tilespmem:$0x16EA0] =	vst v63  }
0x57f: {  	v8 =	vld [tilespmem:$0x12B0];
	_ =	sdelay $0x4  }
0x580: {  	v57 =	vshrl.u32 v8, $0x3  }
0x581: {  	v9 =	vmul.u32 $0x18, v57  }
0x582: {  	v8 =	vand.u32 $0x7, v8  }
0x583: {  	v8 =	vor.u32 v8, v9  }
0x584: {  	v9 =	vperm.xlane v8, v5;
	_ =	sdelay $0x1  }
0x585: {  	v9 =	vadd.s32 v6, v9;
	_ =	sdelay $0x1  }
0x586: {  	v8 =	vperm.xlane v8, v7;
	_ =	sdelay $0x1  }
0x587: {  	s11 =	simm.s32 $0x10E80;
	v8 =	vadd.s32 v6, v8  }
0x588: {  	[hbm4b:s5+s3] =	stream.indirect_vreg.scatter [tilespmem:s11], [sflag:$0x2], $0x80, v9, vm10, $0xb8;
	[tilespmem:$0x16EA0] =	vst v63  }
0x589: {  	s12 =	simm.s32 $0x11680  }
0x58a: {  	[hbm4b:s16+s3] =	stream.indirect_vreg.scatter [tilespmem:s12], [sflag:$0x2], $0x80, v9, vm11, $0xb8;
	[tilespmem:$0x16EA0] =	vst v63  }
0x58b: {  	s13 =	simm.s32 $0x11A80  }
0x58c: {  	[hbm4b:s5+s3] =	stream.indirect_vreg.scatter [tilespmem:s13], [sflag:$0x2], $0x80, v8, vm10, $0xb8;
	[tilespmem:$0x16EA0] =	vst v63  }
0x58d: {  	s8 =	simm.s32 $0x12280  }
0x58e: {  	[hbm4b:s16+s3] =	stream.indirect_vreg.scatter [tilespmem:s8], [sflag:$0x2], $0x80, v8, vm11, $0xb8;
	[tilespmem:$0x16EA0] =	vst v63  }
0x58f: {  	v8 =	vld [tilespmem:$0x12C0];
	_ =	sdelay $0x4  }
0x590: {  	v58 =	vshrl.u32 v8, $0x3  }
0x591: {  	v9 =	vmul.u32 $0x18, v58  }
0x592: {  	v8 =	vand.u32 $0x7, v8  }
0x593: {  	v8 =	vor.u32 v8, v9  }
0x594: {  	v9 =	vperm.xlane v8, v5;
	_ =	sdelay $0x1  }
0x595: {  	v9 =	vadd.s32 v6, v9;
	_ =	sdelay $0x1  }
0x596: {  	v8 =	vperm.xlane v8, v7;
	_ =	sdelay $0x1  }
0x597: {  	s14 =	simm.s32 $0x12680;
	v8 =	vadd.s32 v6, v8  }
0x598: {  	[hbm4b:s5+s3] =	stream.indirect_vreg.scatter [tilespmem:s14], [sflag:$0x2], $0x80, v9, vm10, $0xb8;
	[tilespmem:$0x16EA0] =	vst v63  }
0x599: {  	s15 =	simm.s32 $0x12E80  }
0x59a: {  	[hbm4b:s16+s3] =	stream.indirect_vreg.scatter [tilespmem:s15], [sflag:$0x2], $0x80, v9, vm11, $0xb8;
	[tilespmem:$0x16EA0] =	vst v63  }
0x59b: {  	s17 =	simm.s32 $0x13280  }
0x59c: {  	[hbm4b:s5+s3] =	stream.indirect_vreg.scatter [tilespmem:s17], [sflag:$0x2], $0x80, v8, vm10, $0xb8;
	[tilespmem:$0x16EA0] =	vst v63  }
0x59d: {  	s9 =	simm.s32 $0x13A80  }
0x59e: {  	[hbm4b:s16+s3] =	stream.indirect_vreg.scatter [tilespmem:s9], [sflag:$0x2], $0x80, v8, vm11, $0xb8;
	[tilespmem:$0x16EA0] =	vst v63  }
0x59f: {  	v8 =	vld [tilespmem:$0x12D0];
	_ =	sdelay $0x4  }
0x5a0: {  	v59 =	vshrl.u32 v8, $0x3  }
0x5a1: {  	v9 =	vmul.u32 $0x18, v59  }
0x5a2: {  	v8 =	vand.u32 $0x7, v8  }
0x5a3: {  	v8 =	vor.u32 v8, v9  }
0x5a4: {  	v9 =	vperm.xlane v8, v5;
	_ =	sdelay $0x1  }
0x5a5: {  	v9 =	vadd.s32 v6, v9;
	_ =	sdelay $0x1  }
0x5a6: {  	v8 =	vperm.xlane v8, v7;
	_ =	sdelay $0x1  }
0x5a7: {  	s10 =	simm.s32 $0x13E80;
	v8 =	vadd.s32 v6, v8  }
0x5a8: {  	[hbm4b:s5+s3] =	stream.indirect_vreg.scatter [tilespmem:s10], [sflag:$0x2], $0x80, v9, vm10, $0xb8;
	[tilespmem:$0x16EA0] =	vst v63  }
0x5a9: {  	s18 =	simm.s32 $0x14680  }
0x5aa: {  	[hbm4b:s16+s3] =	stream.indirect_vreg.scatter [tilespmem:s18], [sflag:$0x2], $0x80, v9, vm11, $0xb8;
	[tilespmem:$0x16EA0] =	vst v63  }
0x5ab: {  	s19 =	simm.s32 $0x14A80  }
0x5ac: {  	[hbm4b:s5+s3] =	stream.indirect_vreg.scatter [tilespmem:s19], [sflag:$0x2], $0x80, v8, vm10, $0xb8;
	[tilespmem:$0x16EA0] =	vst v63  }
0x5ad: {  	s11 =	simm.s32 $0x15280  }
0x5ae: {  	[hbm4b:s16+s3] =	stream.indirect_vreg.scatter [tilespmem:s11], [sflag:$0x2], $0x80, v8, vm11, $0xb8;
	[tilespmem:$0x16EA0] =	vst v63  }
0x5af: {  	v8 =	vld [tilespmem:$0x12E0];
	_ =	sdelay $0x4  }
0x5b0: {  	v60 =	vshrl.u32 v8, $0x3  }
0x5b1: {  	v9 =	vmul.u32 $0x18, v60  }
0x5b2: {  	v8 =	vand.u32 $0x7, v8  }
0x5b3: {  	v8 =	vor.u32 v8, v9  }
0x5b4: {  	v9 =	vperm.xlane v8, v5;
	_ =	sdelay $0x1  }
0x5b5: {  	v9 =	vadd.s32 v6, v9;
	_ =	sdelay $0x1  }
0x5b6: {  	v8 =	vperm.xlane v8, v7;
	_ =	sdelay $0x1  }
0x5b7: {  	s21 =	simm.s32 $0x15680;
	v8 =	vadd.s32 v6, v8  }
0x5b8: {  	[hbm4b:s5+s3] =	stream.indirect_vreg.scatter [tilespmem:s21], [sflag:$0x2], $0x80, v9, vm10, $0xb8;
	[tilespmem:$0x16EA0] =	vst v63  }
0x5b9: {  	s24 =	simm.s32 $0x15E80  }
0x5ba: {  	[hbm4b:s16+s3] =	stream.indirect_vreg.scatter [tilespmem:s24], [sflag:$0x2], $0x80, v9, vm11, $0xb8;
	[tilespmem:$0x16EA0] =	vst v63  }
0x5bb: {  	s25 =	simm.s32 $0x16280  }
0x5bc: {  	[hbm4b:s5+s3] =	stream.indirect_vreg.scatter [tilespmem:s25], [sflag:$0x2], $0x80, v8, vm10, $0xb8;
	[tilespmem:$0x16EA0] =	vst v63  }
0x5bd: {  	s12 =	simm.s32 $0x16A80  }
0x5be: {  	[hbm4b:s16+s3] =	stream.indirect_vreg.scatter [tilespmem:s12], [sflag:$0x2], $0x80, v8, vm11, $0xb8;
	[tilespmem:$0x16EA0] =	vst v63  }
0x5bf: {  	_ =	swait.ge [sflag:s22], $0xA800  }
0x5c0: {  	[sflag:s22] =	ssyncset.done $0x0  }
0x5c1: {  	s13 =	rddreg [dreg:$0x18];
	[sflag:s22] =	ssyncadd.s32 $0xFFFF5800  }
0x5c2: {  	[tilespmem:s23], [sflag:$0x3] =	stream.linear.gather [hbm4b:s13+s3], $0x4800, $0x38;
	[tilespmem:$0x16EA0] =	vst v63  }
0x5c3: {  	_ =	swait.ge [sflag:s20], $0x4800  }
0x5c4: {  	[sflag:s20] =	ssyncset.done $0x0  }
0x5c5: {  	[sflag:s20] =	ssyncadd.s32 $0xFFFFB800  }
0x5c6: {  	v8 =	vld [tilespmem:$0x1500];
	_ =	sdelay $0x4  }
0x5c7: {  	v61 =	vshrl.u32 v8, $0x3  }
0x5c8: {  	v9 =	vmul.u32 $0x18, v61  }
0x5c9: {  	v8 =	vand.u32 $0x7, v8  }
0x5ca: {  	v8 =	vor.u32 v8, v9  }
0x5cb: {  	v9 =	vperm.xlane v8, v5;
	_ =	sdelay $0x1  }
0x5cc: {  	v9 =	vadd.s32 v6, v9;
	_ =	sdelay $0x1  }
0x5cd: {  	v8 =	vperm.xlane v8, v7;
	_ =	sdelay $0x1  }
0x5ce: {  	v8 =	vadd.s32 v6, v8  }
0x5cf: {  	[hbm4b:s5+s3] =	stream.indirect_vreg.scatter [tilespmem:s23], [sflag:$0x1], $0x80, v9, vm10, $0xb8;
	[tilespmem:$0x16EA0] =	vst v63  }
0x5d0: {  	s14 =	simm.s32 $0x2680  }
0x5d1: {  	[hbm4b:s16+s3] =	stream.indirect_vreg.scatter [tilespmem:s14], [sflag:$0x1], $0x80, v9, vm11, $0xb8;
	[tilespmem:$0x16EA0] =	vst v63  }
0x5d2: {  	s15 =	simm.s32 $0x2A80  }
0x5d3: {  	[hbm4b:s5+s3] =	stream.indirect_vreg.scatter [tilespmem:s15], [sflag:$0x1], $0x80, v8, vm10, $0xb8;
	[tilespmem:$0x16EA0] =	vst v63  }
0x5d4: {  	s17 =	simm.s32 $0x3280  }
0x5d5: {  	[hbm4b:s16+s3] =	stream.indirect_vreg.scatter [tilespmem:s17], [sflag:$0x1], $0x80, v8, vm11, $0xb8;
	[tilespmem:$0x16EA0] =	vst v63  }
0x5d6: {  	v8 =	vld [tilespmem:$0x1510];
	_ =	sdelay $0x4  }
0x5d7: {  	v62 =	vshrl.u32 v8, $0x3  }
0x5d8: {  	v9 =	vmul.u32 $0x18, v62  }
0x5d9: {  	v8 =	vand.u32 $0x7, v8  }
0x5da: {  	v8 =	vor.u32 v8, v9  }
0x5db: {  	v9 =	vperm.xlane v8, v5;
	_ =	sdelay $0x1  }
0x5dc: {  	v9 =	vadd.s32 v6, v9;
	_ =	sdelay $0x1  }
0x5dd: {  	v8 =	vperm.xlane v8, v7;
	_ =	sdelay $0x1  }
0x5de: {  	s18 =	simm.s32 $0x3680;
	v8 =	vadd.s32 v6, v8  }
0x5df: {  	[hbm4b:s5+s3] =	stream.indirect_vreg.scatter [tilespmem:s18], [sflag:$0x1], $0x80, v9, vm10, $0xb8;
	[tilespmem:$0x16EA0] =	vst v63  }
0x5e0: {  	s19 =	simm.s32 $0x3E80  }
0x5e1: {  	[hbm4b:s16+s3] =	stream.indirect_vreg.scatter [tilespmem:s19], [sflag:$0x1], $0x80, v9, vm11, $0xb8;
	[tilespmem:$0x16EA0] =	vst v63  }
0x5e2: {  	s21 =	simm.s32 $0x4280  }
0x5e3: {  	[hbm4b:s5+s3] =	stream.indirect_vreg.scatter [tilespmem:s21], [sflag:$0x1], $0x80, v8, vm10, $0xb8;
	[tilespmem:$0x16EA0] =	vst v63  }
0x5e4: {  	s24 =	simm.s32 $0x4A80  }
0x5e5: {  	[hbm4b:s16+s3] =	stream.indirect_vreg.scatter [tilespmem:s24], [sflag:$0x1], $0x80, v8, vm11, $0xb8;
	[tilespmem:$0x16EA0] =	vst v63  }
0x5e6: {  	v8 =	vld [tilespmem:$0x1520];
	_ =	sdelay $0x4  }
0x5e7: {  	v63 =	vshrl.u32 v8, $0x3  }
0x5e8: {  	v9 =	vmul.u32 $0x18, v63  }
0x5e9: {  	v8 =	vand.u32 $0x7, v8  }
0x5ea: {  	v8 =	vor.u32 v8, v9  }
0x5eb: {  	v9 =	vperm.xlane v8, v5;
	_ =	sdelay $0x1  }
0x5ec: {  	v9 =	vadd.s32 v6, v9;
	_ =	sdelay $0x1  }
0x5ed: {  	v8 =	vperm.xlane v8, v7;
	_ =	sdelay $0x1  }
0x5ee: {  	s25 =	simm.s32 $0x4E80;
	v8 =	vadd.s32 v6, v8  }
0x5ef: {  	[hbm4b:s5+s3] =	stream.indirect_vreg.scatter [tilespmem:s25], [sflag:$0x1], $0x80, v9, vm10, $0xb8;
	[tilespmem:$0x16EA0] =	vst v63  }
0x5f0: {  	s28 =	simm.s32 $0x5680  }
0x5f1: {  	[hbm4b:s16+s3] =	stream.indirect_vreg.scatter [tilespmem:s28], [sflag:$0x1], $0x80, v9, vm11, $0xb8;
	[tilespmem:$0x16EA0] =	vst v63  }
0x5f2: {  	s29 =	simm.s32 $0x5A80  }
0x5f3: {  	[hbm4b:s5+s3] =	stream.indirect_vreg.scatter [tilespmem:s29], [sflag:$0x1], $0x80, v8, vm10, $0xb8;
	[tilespmem:$0x16EA0] =	vst v63  }
0x5f4: {  	s30 =	simm.s32 $0x6280  }
0x5f5: {  	[hbm4b:s16+s3] =	stream.indirect_vreg.scatter [tilespmem:s30], [sflag:$0x1], $0x80, v8, vm11, $0xb8;
	[tilespmem:$0x16EA0] =	vst v63  }
0x5f6: {  	_ =	swait.ge [sflag:s26], $0x4800  }
0x5f7: {  	[sflag:s26] =	ssyncset.done $0x0  }
0x5f8: {  	s7 =	simm.s32 $0x1C00;
	[sflag:s26] =	ssyncadd.s32 $0xFFFFB800  }
.LBB2_12:
0x5f9: {  	s0 =	sld [smem:$0x7FD];
	_ =	sdelay $0x2  }
0x5fa: {  	s1 =	rddreg [dreg:$0x19];
	s0 =	sadd.s32 $0x1, s0  }
0x5fb: {  	p1 =	sne.s32 s0, s1  }
.Ltmp1:
0x5fc: {  	_ = 	snop;
	(pc) =	sbr.rel @!p1 .LBB2_13-.Ltmp1, $2  }
0x5fd: {  	_ =	sdelay $0x2  }
0x5fe: {  	[smem:$0x7FD] =	sst s0  }
.LBB2_1:
0x5ff: {  	s1 =	rddreg [dreg:$0x5]  }
0x600: {  	[tilespmem:s3], [sflag:$0x3] =	stream.linear.gather [hbm4b:s1+s3], $0x620, $0x38;
	[tilespmem:$0x16EA0] =	vst v63  }
0x601: {  	_ =	swait.ge [sflag:s20], $0x620  }
0x602: {  	[sflag:s20] =	ssyncset.done $0x0  }
0x603: {  	s6 =	simm.s32 $0x680;
	s28 =	rddreg [dreg:$0x6];
	[sflag:s20] =	ssyncadd.s32 $0xFFFFF9E0  }
0x604: {  	[tilespmem:s6], [sflag:$0x3] =	stream.linear.gather [hbm4b:s28+s3], $0x620, $0x38;
	[tilespmem:$0x16EA0] =	vst v63  }
0x605: {  	_ =	swait.ge [sflag:s20], $0x620  }
0x606: {  	[sflag:s20] =	ssyncset.done $0x0  }
0x607: {  	s29 =	simm.s32 $0x0;
	[sflag:s20] =	ssyncadd.s32 $0xFFFFF9E0  }
0x608: {  	v9 =	vld [tilespmem:s29+$0x0];
	_ =	sdelay $0x4  }
0x609: {  	v8 =	vmul.u32 $0xA, v9;
	_ =	sdelay $0x1  }
0x60a: {  	vm12 =	vlt.s32 v8, $0x1F  }
0x60b: {  	s30 =	simm.s32 $0x10;
	v10 =	vadd.s32 $0xFFFFFFE2, v8;
	v8 =	vnsel vm12, $0x1F, v8  }
0x60c: {  	v11 =	vshll.u32 v0, v8;
	v8 =	vld [tilespmem:s30+$0x0]  }
0x60d: {  	vm13 =	vgt.s32 v10, $0x0  }
0x60e: {  	v10 =	vnsel vm13, $0x0, v10  }
0x60f: {  	vm12 =	vlt.s32 v9, $0x3;
	v13 =	vmin.u32 v10, $0x1F  }
0x610: {  	s1 =	simm.s32 $0x80;
	v12 =	vnsel vm12, $0x0, v11;
	v11 =	vimm.s32 $0x0;
	v10 =	vimm.s32 $0x0  }
.LBB2_2:
0x611: {  	s6 =	sshra.s32 s1, $0x2;
	p1 =	sne.s32 s1, $0x1840;
	s1 =	sadd.s32 $0x40, s1;
	v14 =	vmul.u32 $0xA, v8;
	vm12 =	vgt.s32 v9, $0x2;
	v13 =	vshll.u32 v0, v13;
	v9 =	vmovc v8  }
.Ltmp2:
0x612: {  	v11 =	vadd.s32 v11, v12;
	v8 =	vld [tilespmem:s6+$0x0];
	vm13 =	vlt.s32 v9, $0x3;
	v12 =	vnsel vm12, $0x0, v13;
	(pc) =	sbr.rel @p1 .LBB2_2-.Ltmp2, $4  }
0x613: {  	vm12 =	vlt.s32 v14, $0x1F;
	v13 =	vadd.s32 $0xFFFFFFE2, v14;
	v10 =	vadd.s32 v10, v12  }
0x614: {  	v12 =	vnsel vm12, $0x1F, v14;
	vm12 =	vgt.s32 v13, $0x0  }
0x615: {  	v13 =	vnsel vm12, $0x0, v13;
	v12 =	vshll.u32 v0, v12  }
0x616: {  	v13 =	vmin.u32 v13, $0x1F;
	v12 =	vnsel vm13, $0x0, v12  }
0x617: {  	v14 =	vmul.u32 $0xA, v8  }
0x618: {  	vm12 =	vgt.s32 v9, $0x2  }
0x619: {  	v9 =	vshll.u32 v0, v13;
	v11 =	vadd.s32 v11, v12;
	vm13 =	vlt.s32 v14, $0x1F  }
0x61a: {  	v9 =	vnsel vm12, $0x0, v9;
	v13 =	vadd.s32 $0xFFFFFFE2, v14;
	v12 =	vnsel vm13, $0x1F, v14  }
0x61b: {  	vm13 =	vlt.s32 v8, $0x3;
	vm12 =	vgt.s32 v13, $0x0;
	v12 =	vshll.u32 v0, v12  }
0x61c: {  	v9 =	vadd.s32 v10, v9;
	v10 =	vnsel vm12, $0x0, v13;
	v12 =	vnsel vm13, $0x0, v12  }
0x61d: {  	vm12 =	vgt.s32 v8, $0x2;
	v10 =	vmin.u32 v10, $0x1F;
	v8 =	vadd.s32 v11, v12  }
0x61e: {  	v10 =	vshll.u32 v0, v10;
	v11 =	vand.u32 $0x3FF, v8;
	v12 =	vshrl.u32 v8, $0xA  }
0x61f: {  	v10 =	vnsel vm12, $0x0, v10;
	v8 =	vshrl.u32 v8, $0x14;
	(xrf0) =	vadd.scan.msk.s32 $0xffff, v11;
	v11 =	vand.u32 $0x3FF, v12  }
0x620: {  	v9 =	vadd.s32 v9, v10;
	v8 =	vand.u32 $0x3FF, v8;
	(xrf0) =	vadd.scan.msk.s32 $0xffff, v11  }
0x621: {  	(xrf0) =	vadd.scan.msk.s32 $0xffff, v8;
	v8 =	vand.u32 $0x3FF, v9;
	v9 =	vshrl.u32 v9, $0xA  }
0x622: {  	(xrf0) =	vadd.scan.msk.s32 $0xffff, v8;
	v8 =	vand.u32 $0x3FF, v9  }
0x623: {  	(xrf0) =	vadd.scan.msk.s32 $0xffff, v8;
	_ =	sdelay $0x1  }
0x624: {  	v8, _, _ =	vpop (xrf0)  }
0x625: {  	v9, _, _ =	vpop (xrf0)  }
0x626: {  	v8 =	vbroadcast v8, $0xF;
	v10, _, _ =	vpop (xrf0);
	v9 =	vbroadcast v9, $0xF  }
0x627: {  	v11, _, _ =	vpop (xrf0);
	v10 =	vbroadcast v10, $0xF  }
0x628: {  	v8 =	vnsel vm0, $0x0, v8;
	v9 =	vnsel vm1, $0x0, v9;
	v11 =	vbroadcast v11, $0xF;
	v12, _, _ =	vpop (xrf0)  }
0x629: {  	v8 =	vadd.s32 v8, v9;
	v9 =	vnsel vm2, $0x0, v10;
	v10 =	vbroadcast v12, $0xF  }
0x62a: {  	v8 =	vadd.s32 v9, v8;
	v9 =	vnsel vm3, $0x0, v11  }
0x62b: {  	v8 =	vadd.s32 v9, v8;
	v9 =	vnsel vm4, $0x0, v10  }
0x62c: {  	v8 =	vadd.s32 v9, v8  }
0x62d: {  	s1 =	rddreg [dreg:$0xa];
	[tilespmem:$0x1C00] =	vst v8  }
0x62e: {  	[spmem:s1] =	stream.linear.scatter [tilespmem:s7], [sflag:$0x3], $0x10, $0x38;
	[tilespmem:$0x16EA0] =	vst v63  }
0x62f: {  	_ =	swait.ge [sflag:s20], $0x10  }
0x630: {  	[sflag:s20] =	ssyncset.done $0x0  }
0x631: {  	s30 =	simm.s32 $0x0;
	[sflag:s20] =	ssyncadd.s32 $0xFFFFFFF0  }
0x632: {  	v9 =	vld [tilespmem:s30+$0x680];
	_ =	sdelay $0x4  }
0x633: {  	v8 =	vmul.u32 $0xA, v9;
	_ =	sdelay $0x1  }
0x634: {  	vm12 =	vlt.s32 v8, $0x1F  }
0x635: {  	s6 =	simm.s32 $0x10;
	v11 =	vadd.s32 $0xFFFFFFE2, v8;
	v8 =	vnsel vm12, $0x1F, v8  }
0x636: {  	v12 =	vshll.u32 v0, v8;
	v8 =	vld [tilespmem:s6+$0x680];
	_ =	sdelay $0x1  }
0x637: {  	vm12 =	vgt.s32 v11, $0x0  }
0x638: {  	v10 =	vimm.s32 $0x0;
	vm13 =	vlt.s32 v9, $0x3;
	v11 =	vnsel vm12, $0x0, v11  }
0x639: {  	s1 =	simm.s32 $0x80;
	v13 =	vmin.u32 v11, $0x1F;
	v12 =	vnsel vm13, $0x0, v12;
	v11 =	vimm.s32 $0x0  }
.LBB2_4:
0x63a: {  	s6 =	sshra.s32 s1, $0x2;
	p1 =	sne.s32 s1, $0x1840;
	s1 =	sadd.s32 $0x40, s1;
	v14 =	vmul.u32 $0xA, v8;
	vm12 =	vgt.s32 v9, $0x2;
	v13 =	vshll.u32 v0, v13;
	v9 =	vmovc v8  }
.Ltmp3:
0x63b: {  	v10 =	vadd.s32 v10, v12;
	v8 =	vld [tilespmem:s6+$0x680];
	vm13 =	vlt.s32 v9, $0x3;
	v12 =	vnsel vm12, $0x0, v13;
	(pc) =	sbr.rel @p1 .LBB2_4-.Ltmp3, $4  }
0x63c: {  	vm12 =	vlt.s32 v14, $0x1F;
	v13 =	vadd.s32 $0xFFFFFFE2, v14;
	v11 =	vadd.s32 v11, v12  }
0x63d: {  	v12 =	vnsel vm12, $0x1F, v14;
	vm12 =	vgt.s32 v13, $0x0  }
0x63e: {  	v13 =	vnsel vm12, $0x0, v13;
	v12 =	vshll.u32 v0, v12  }
0x63f: {  	v13 =	vmin.u32 v13, $0x1F;
	v12 =	vnsel vm13, $0x0, v12  }
0x640: {  	v14 =	vmul.u32 $0xA, v8  }
0x641: {  	vm12 =	vgt.s32 v9, $0x2  }
0x642: {  	v9 =	vshll.u32 v0, v13;
	v10 =	vadd.s32 v10, v12;
	vm13 =	vlt.s32 v14, $0x1F  }
0x643: {  	v9 =	vnsel vm12, $0x0, v9;
	v62 =	vadd.s32 $0xFFFFFFE2, v14;
	v61 =	vnsel vm13, $0x1F, v14  }
0x644: {  	vm13 =	vlt.s32 v8, $0x3;
	vm12 =	vgt.s32 v62, $0x0;
	v12 =	vshll.u32 v0, v61  }
0x645: {  	v9 =	vadd.s32 v11, v9;
	v11 =	vnsel vm12, $0x0, v62;
	v12 =	vnsel vm13, $0x0, v12  }
0x646: {  	vm12 =	vgt.s32 v8, $0x2;
	v11 =	vmin.u32 v11, $0x1F;
	v8 =	vadd.s32 v10, v12  }
0x647: {  	v10 =	vshll.u32 v0, v11;
	v11 =	vand.u32 $0x3FF, v8;
	v12 =	vshrl.u32 v8, $0xA  }
0x648: {  	v10 =	vnsel vm12, $0x0, v10;
	v8 =	vshrl.u32 v8, $0x14;
	(xrf0) =	vadd.scan.msk.s32 $0xffff, v11;
	v11 =	vand.u32 $0x3FF, v12  }
0x649: {  	v9 =	vadd.s32 v9, v10;
	v8 =	vand.u32 $0x3FF, v8;
	(xrf0) =	vadd.scan.msk.s32 $0xffff, v11  }
0x64a: {  	(xrf0) =	vadd.scan.msk.s32 $0xffff, v8;
	v8 =	vand.u32 $0x3FF, v9;
	v9 =	vshrl.u32 v9, $0xA  }
0x64b: {  	(xrf0) =	vadd.scan.msk.s32 $0xffff, v8;
	v8 =	vand.u32 $0x3FF, v9  }
0x64c: {  	(xrf0) =	vadd.scan.msk.s32 $0xffff, v8;
	_ =	sdelay $0x1  }
0x64d: {  	v8, _, _ =	vpop (xrf0)  }
0x64e: {  	v9, _, _ =	vpop (xrf0)  }
0x64f: {  	v8 =	vbroadcast v8, $0xF;
	v10, _, _ =	vpop (xrf0);
	v9 =	vbroadcast v9, $0xF  }
0x650: {  	v11, _, _ =	vpop (xrf0);
	v10 =	vbroadcast v10, $0xF  }
0x651: {  	v8 =	vnsel vm0, $0x0, v8;
	v9 =	vnsel vm1, $0x0, v9;
	v11 =	vbroadcast v11, $0xF;
	v63, _, _ =	vpop (xrf0)  }
0x652: {  	v8 =	vadd.s32 v8, v9;
	v9 =	vnsel vm2, $0x0, v10;
	v10 =	vbroadcast v63, $0xF  }
0x653: {  	v8 =	vadd.s32 v9, v8;
	v9 =	vnsel vm3, $0x0, v11  }
0x654: {  	v8 =	vadd.s32 v9, v8;
	v9 =	vnsel vm4, $0x0, v10  }
0x655: {  	v8 =	vadd.s32 v9, v8  }
0x656: {  	s1 =	rddreg [dreg:$0xd];
	[tilespmem:$0x1C00] =	vst v8  }
0x657: {  	[spmem:s1] =	stream.linear.scatter [tilespmem:s7], [sflag:$0x3], $0x10, $0x38;
	[tilespmem:$0x16EA0] =	vst v63  }
0x658: {  	_ =	swait.ge [sflag:s20], $0x10  }
0x659: {  	[sflag:s20] =	ssyncset.done $0x0  }
0x65a: {  	[sflag:s20] =	ssyncadd.s32 $0xFFFFFFF0  }
0x65b: {  	[bflag:$0x0] =	sbarrier.arrive $0xFFFF  }
0x65c: {  	s30 =	simm.s32 $0x1C80;
	s6 =	rddreg [dreg:$0x3]  }
0x65d: {  	[tilespmem:s30], [sflag:$0x3] =	stream.linear.gather [spmem:s6], $0x200, $0x38;
	[tilespmem:$0x16EA0] =	vst v63  }
0x65e: {  	_ =	swait.ge [sflag:s20], $0x200  }
0x65f: {  	[sflag:s20] =	ssyncset.done $0x0  }
0x660: {  	[sflag:s20] =	ssyncadd.s32 $0xFFFFFE00  }
0x661: {  	v9 =	vld [tilespmem:s30+$0x0];
	_ =	sdelay $0x3  }
0x662: {  	p1 =	sgt.u32 s4, $0x0;
	v8 =	vimm.s32 $0x0  }
0x663: {  	s1 =	simm.s32 $0x1;
	s6 =	simm.s32 $0x1C90;
	v10 =	vadd.s32 v8, v9;
	v9 =	vpsel !p1, $0x0, v9  }
.LBB2_6:
0x664: {  	v11 =	vld [tilespmem:s6+$0x0];
	p1 =	sne.s32 s1, $0x1F;
	v8 =	vadd.s32 v8, v9;
	s7 =	smov.u32 s1;
	s1 =	sadd.s32 $0x1, s1  }
.Ltmp4:
0x665: {  	(pc) =	sbr.rel @p1 .LBB2_6-.Ltmp4, $3  }
0x666: {  	_ =	sdelay $0x1  }
0x667: {  	p2 =	slt.u32 s7, s4  }
0x668: {  	s6 =	sadd.s32 $0x10, s6;
	v10 =	vadd.s32 v10, v11;
	v9 =	vpsel !p2, $0x0, v11  }
0x669: {  	(xrf0) =	vadd.scan.msk.s32 $0xffff, v10;
	_ =	sdelay $0x5  }
0x66a: {  	s21 =	simm.s32 $0x0;
	v11, _, _ =	vpop (xrf0)  }
0x66b: {  	v13 =	vld [tilespmem:s21+$0x0];
	v10 =	vsub.s32 v11, v10  }
0x66c: {  	v11 =	vsel vm5, $0x0, v10  }
0x66d: {  	(xrf0) =	vadd.scan.msk.s32 $0xffff, v11;
	v11 =	vsel vm6, $0x0, v10  }
0x66e: {  	(xrf0) =	vadd.scan.msk.s32 $0xffff, v11;
	v11 =	vsel vm7, $0x0, v10  }
0x66f: {  	s1 =	smul.u32 $0x25, s21;
	(xrf0) =	vadd.scan.msk.s32 $0xffff, v11;
	v11 =	vsel vm8, $0x0, v10  }
0x670: {  	v14 =	vmul.u32 $0x6, v13;
	(xrf0) =	vadd.scan.msk.s32 $0xffff, v11  }
0x671: {  	s1 =	sshrl.u32 s1, $0x8  }
0x672: {  	s6 =	ssub.s32 $0x0, s1;
	v12 =	vshll.u32 v0, v14  }
0x673: {  	s6 =	sand.u32 $0xFE, s6;
	v11, _, _ =	vpop (xrf0);
	(xrf0) =	vadd.scan.msk.s32 $0xffff, v12  }
0x674: {  	v9 =	vadd.s32 v8, v9;
	s6 =	sshrl.u32 s6, $0x1;
	v15, _, _ =	vpop (xrf0)  }
0x675: {  	s11 =	rddreg [dreg:$0x13];
	s1 =	sadd.s32 s1, s6;
	v9 =	vadd.s32 v9, v10;
	v8 =	vbroadcast v11, $0xF;
	v12, _, _ =	vpop (xrf0)  }
0x676: {  	s1 =	sand.u32 $0xFC, s1;
	v16, _, _ =	vpop (xrf0);
	v10 =	vbroadcast v12, $0xF;
	v12 =	vbroadcast v15, $0xF;
	v15 =	vor.u32 s11, v2  }
0x677: {  	v13 =	vadd.s32 $0x10, v13;
	s1 =	sshrl.u32 s1, $0x2;
	v11 =	vbroadcast v16, $0xF  }
0x678: {  	s30 =	smul.u32 $0x7, s1;
	v16 =	vperm.xlane v9, v13;
	vm14 =	vge.s32 v15, v8;
	vm12 =	vge.s32 v15, v10  }
0x679: {  	vm15 =	vge.s32 v15, v12;
	v17 =	vsel vm14, $0x1, v4;
	vm13 =	vge.s32 v15, v11;
	v15, _, _ =	vpop (xrf0)  }
0x67a: {  	s17 =	simm.s32 $0xFC0;
	s19 =	simm.s32 $0x1580;
	s6 =	ssub.s32 $0x0, s30;
	v18 =	vsel vm15, $0x1, v4;
	v14 =	vshra.s32 v15, v14;
	v15 =	vperm.xlane v15, v1  }
0x67b: {  	p2 =	por $0x1, $0x1;
	s24 =	simm.s32 $0xFC0;
	s6 =	sand.u32 $0xFF, s6;
	v19 =	vsel vm12, $0x1, v4;
	v13 =	vsel vm13, $0x1, v4;
	v14 =	vand.u32 $0x3F, v14  }
0x67c: {  	s7 =	sshll.u32 s1, $0x7;
	s1 =	simm.s32 $0x1;
	s6 =	sshll.u32 s6, $0x4;
	v17 =	vadd.s32 v18, v17;
	v14 =	vadd.s32 v14, v16;
	v15 =	vshra.s32 v15, v3  }
0x67d: {  	s14 =	sor.u32 s6, s7;
	s6 =	simm.s32 $0x1590;
	s7 =	sadd.s32 $0x10, s11;
	v14 =	vadd.s32 $0xFFFFFFFF, v14;
	v16 =	vand.u32 $0x3F, v15;
	v15 =	vadd.s32 v19, v17  }
.LBB2_8:
0x67e: {  	s17 =	sadd.s32 $0x10, s17  }
0x67f: {  	v16 =	vnsel vm9, $0x0, v16;
	[tilespmem:s14+$0xD00] =	vst v14;
	v13 =	vadd.s32 v13, v15;
	s21 =	sadd.s32 $0x10, s21;
	s11 =	smov.u32 s1;
	s1 =	sadd.s32 $0x1, s1  }
0x680: {  	p1 =	sne.s32 s1, $0x62;
	v9 =	vadd.s32 v9, v16;
	[tilespmem:s24+$0x0] =	vst @!p2 v14;
	s24 =	smov.u32 s17  }
0x681: {  	[tilespmem:s19+$0x0] =	vst v13;
	s19 =	smov.u32 s6  }
0x682: {  	v13 =	vld [tilespmem:s21+$0x0];
	_ =	sdelay $0x1  }
0x683: {  	s14 =	smul.u32 $0x25, s11;
	_ =	sdelay $0x1  }
0x684: {  	s14 =	sshrl.u32 s14, $0x8  }
0x685: {  	s18 =	ssub.s32 s11, s14;
	v14 =	vmul.u32 $0x6, v13  }
0x686: {  	s18 =	sand.u32 $0xFE, s18  }
0x687: {  	s18 =	sshrl.u32 s18, $0x1;
	v15 =	vshll.u32 v0, v14  }
0x688: {  	s14 =	sadd.s32 s14, s18;
	(xrf0) =	vadd.scan.msk.s32 $0xffff, v15  }
0x689: {  	s14 =	sand.u32 $0xFC, s14  }
0x68a: {  	s14 =	sshrl.u32 s14, $0x2  }
0x68b: {  	s18 =	smul.u32 $0x7, s14  }
0x68c: {  	v17 =	vor.u32 s7, v2;
	v13 =	vadd.s32 $0x10, v13  }
0x68d: {  	vm12 =	vge.s32 v17, v10;
	vm13 =	vge.s32 v17, v11;
	v16 =	vperm.xlane v9, v13;
	s18 =	ssub.s32 s11, s18  }
.Ltmp5:
0x68e: {  	vm14 =	vge.s32 v17, v8;
	vm15 =	vge.s32 v17, v12;
	v13 =	vsel vm13, $0x1, v4;
	s18 =	sand.u32 $0xFF, s18;
	v15, _, _ =	vpop (xrf0);
	(pc) =	sbr.rel @p1 .LBB2_8-.Ltmp5, $4  }
0x68f: {  	v17 =	vsel vm14, $0x1, v4;
	s14 =	sshll.u32 s14, $0x7;
	s18 =	sshll.u32 s18, $0x4;
	v14 =	vshra.s32 v15, v14;
	v15 =	vperm.xlane v15, v1  }
0x690: {  	v18 =	vsel vm15, $0x1, v4;
	v19 =	vsel vm12, $0x1, v4;
	s14 =	sor.u32 s18, s14;
	v14 =	vand.u32 $0x3F, v14  }
0x691: {  	v17 =	vadd.s32 v18, v17;
	s11 =	sadd.s32 $0xFFFFFFAC, s11;
	v14 =	vadd.s32 v14, v16;
	v15 =	vshra.s32 v15, v3  }
0x692: {  	s7 =	sadd.s32 $0x10, s7;
	s6 =	sadd.s32 $0x10, s6;
	p2 =	sgt.u32 s11, $0x2;
	v14 =	vadd.s32 $0xFFFFFFFF, v14;
	v16 =	vand.u32 $0x3F, v15;
	v15 =	vadd.s32 v19, v17  }
0x693: {  	[tilespmem:s14+$0xD00] =	vst v14  }
0x694: {  	v8 =	vadd.s32 v13, v15;
	[tilespmem:s24+$0x0] =	vst @!p2 v14  }
.Ltmp6:
0x695: {  	s1 =	rddreg [dreg:$0x10];
	s6 =	simm.s32 $0x1580;
	[tilespmem:s19+$0x0] =	vst v8;
	(pc) =	sbr.rel @p0 .LBB2_11-.Ltmp6, $4  }
0x696: {  	[hbm4b:s1+s3] =	stream.linear.scatter [tilespmem:s6], [sflag:$0x3], $0x620, $0x38;
	[tilespmem:$0x16EA0] =	vst v63  }
0x697: {  	_ =	swait.ge [sflag:s20], $0x620  }
0x698: {  	[sflag:s20] =	ssyncset.done $0x0  }
0x699: {  	[sflag:s20] =	ssyncadd.s32 $0xFFFFF9E0  }
0x69a: {  	s1 =	rddreg [dreg:$0x16]  }
0x69b: {  	[tilespmem:s23], [sflag:$0x1] =	stream.linear.gather [hbm4b:s1+s3], $0xA800, $0x38;
	[tilespmem:$0x16EA0] =	vst v63  }
0x69c: {  	s15 =	rddreg [dreg:$0x1a]  }
0x69d: {  	[tilespmem:s31], [sflag:$0x2] =	stream.linear.gather [hbm4b:s15+s3], $0xA800, $0x38;
	[tilespmem:$0x16EA0] =	vst v63  }
0x69e: {  	_ =	swait.ge [sflag:s26], $0xA800  }
0x69f: {  	[sflag:s26] =	ssyncset.done $0x0  }
0x6a0: {  	[sflag:s26] =	ssyncadd.s32 $0xFFFF5800  }
0x6a1: {  	v8 =	vld [tilespmem:$0xD00];
	_ =	sdelay $0x4  }
0x6a2: {  	v9 =	vshrl.u32 v8, $0x3  }
0x6a3: {  	v9 =	vmul.u32 $0x18, v9  }
0x6a4: {  	v8 =	vand.u32 $0x7, v8  }
0x6a5: {  	v8 =	vor.u32 v8, v9  }
0x6a6: {  	v9 =	vperm.xlane v8, v5;
	_ =	sdelay $0x1  }
0x6a7: {  	v9 =	vadd.s32 v6, v9;
	_ =	sdelay $0x1  }
0x6a8: {  	v8 =	vperm.xlane v8, v7;
	_ =	sdelay $0x1  }
0x6a9: {  	v8 =	vadd.s32 v6, v8  }
0x6aa: {  	[hbm4b:s5+s3] =	stream.indirect_vreg.scatter [tilespmem:s23], [sflag:$0x1], $0x80, v9, vm10, $0xb8;
	[tilespmem:$0x16EA0] =	vst v63  }
0x6ab: {  	s0 =	simm.s32 $0x2680  }
0x6ac: {  	[hbm4b:s16+s3] =	stream.indirect_vreg.scatter [tilespmem:s0], [sflag:$0x1], $0x80, v9, vm11, $0xb8;
	[tilespmem:$0x16EA0] =	vst v63  }
0x6ad: {  	s17 =	simm.s32 $0x2A80  }
0x6ae: {  	[hbm4b:s5+s3] =	stream.indirect_vreg.scatter [tilespmem:s17], [sflag:$0x1], $0x80, v8, vm10, $0xb8;
	[tilespmem:$0x16EA0] =	vst v63  }
0x6af: {  	s18 =	simm.s32 $0x3280  }
0x6b0: {  	[hbm4b:s16+s3] =	stream.indirect_vreg.scatter [tilespmem:s18], [sflag:$0x1], $0x80, v8, vm11, $0xb8;
	[tilespmem:$0x16EA0] =	vst v63  }
0x6b1: {  	v8 =	vld [tilespmem:$0xD10];
	_ =	sdelay $0x4  }
0x6b2: {  	v19 =	vshrl.u32 v8, $0x3  }
0x6b3: {  	v9 =	vmul.u32 $0x18, v19  }
0x6b4: {  	v8 =	vand.u32 $0x7, v8  }
0x6b5: {  	v8 =	vor.u32 v8, v9  }
0x6b6: {  	v9 =	vperm.xlane v8, v5;
	_ =	sdelay $0x1  }
0x6b7: {  	v9 =	vadd.s32 v6, v9;
	_ =	sdelay $0x1  }
0x6b8: {  	v8 =	vperm.xlane v8, v7;
	_ =	sdelay $0x1  }
0x6b9: {  	s19 =	simm.s32 $0x3680;
	v8 =	vadd.s32 v6, v8  }
0x6ba: {  	[hbm4b:s5+s3] =	stream.indirect_vreg.scatter [tilespmem:s19], [sflag:$0x1], $0x80, v9, vm10, $0xb8;
	[tilespmem:$0x16EA0] =	vst v63  }
0x6bb: {  	s20 =	simm.s32 $0x3E80  }
0x6bc: {  	[hbm4b:s16+s3] =	stream.indirect_vreg.scatter [tilespmem:s20], [sflag:$0x1], $0x80, v9, vm11, $0xb8;
	[tilespmem:$0x16EA0] =	vst v63  }
0x6bd: {  	s21 =	simm.s32 $0x4280  }
0x6be: {  	[hbm4b:s5+s3] =	stream.indirect_vreg.scatter [tilespmem:s21], [sflag:$0x1], $0x80, v8, vm10, $0xb8;
	[tilespmem:$0x16EA0] =	vst v63  }
0x6bf: {  	s24 =	simm.s32 $0x4A80  }
0x6c0: {  	[hbm4b:s16+s3] =	stream.indirect_vreg.scatter [tilespmem:s24], [sflag:$0x1], $0x80, v8, vm11, $0xb8;
	[tilespmem:$0x16EA0] =	vst v63  }
0x6c1: {  	v8 =	vld [tilespmem:$0xD20];
	_ =	sdelay $0x4  }
0x6c2: {  	v20 =	vshrl.u32 v8, $0x3  }
0x6c3: {  	v9 =	vmul.u32 $0x18, v20  }
0x6c4: {  	v8 =	vand.u32 $0x7, v8  }
0x6c5: {  	v8 =	vor.u32 v8, v9  }
0x6c6: {  	v9 =	vperm.xlane v8, v5;
	_ =	sdelay $0x1  }
0x6c7: {  	v9 =	vadd.s32 v6, v9;
	_ =	sdelay $0x1  }
0x6c8: {  	v8 =	vperm.xlane v8, v7;
	_ =	sdelay $0x1  }
0x6c9: {  	s25 =	simm.s32 $0x4E80;
	v8 =	vadd.s32 v6, v8  }
0x6ca: {  	[hbm4b:s5+s3] =	stream.indirect_vreg.scatter [tilespmem:s25], [sflag:$0x1], $0x80, v9, vm10, $0xb8;
	[tilespmem:$0x16EA0] =	vst v63  }
0x6cb: {  	s28 =	simm.s32 $0x5680  }
0x6cc: {  	[hbm4b:s16+s3] =	stream.indirect_vreg.scatter [tilespmem:s28], [sflag:$0x1], $0x80, v9, vm11, $0xb8;
	[tilespmem:$0x16EA0] =	vst v63  }
0x6cd: {  	s29 =	simm.s32 $0x5A80  }
0x6ce: {  	[hbm4b:s5+s3] =	stream.indirect_vreg.scatter [tilespmem:s29], [sflag:$0x1], $0x80, v8, vm10, $0xb8;
	[tilespmem:$0x16EA0] =	vst v63  }
0x6cf: {  	s30 =	simm.s32 $0x6280  }
0x6d0: {  	[hbm4b:s16+s3] =	stream.indirect_vreg.scatter [tilespmem:s30], [sflag:$0x1], $0x80, v8, vm11, $0xb8;
	[tilespmem:$0x16EA0] =	vst v63  }
0x6d1: {  	v8 =	vld [tilespmem:$0xD30];
	_ =	sdelay $0x4  }
0x6d2: {  	v21 =	vshrl.u32 v8, $0x3  }
0x6d3: {  	v9 =	vmul.u32 $0x18, v21  }
0x6d4: {  	v8 =	vand.u32 $0x7, v8  }
0x6d5: {  	v8 =	vor.u32 v8, v9  }
0x6d6: {  	v9 =	vperm.xlane v8, v5;
	_ =	sdelay $0x1  }
0x6d7: {  	v9 =	vadd.s32 v6, v9;
	_ =	sdelay $0x1  }
0x6d8: {  	v8 =	vperm.xlane v8, v7;
	_ =	sdelay $0x1  }
0x6d9: {  	s1 =	simm.s32 $0x6680;
	v8 =	vadd.s32 v6, v8  }
0x6da: {  	[hbm4b:s5+s3] =	stream.indirect_vreg.scatter [tilespmem:s1], [sflag:$0x1], $0x80, v9, vm10, $0xb8;
	[tilespmem:$0x16EA0] =	vst v63  }
0x6db: {  	s12 =	simm.s32 $0x6E80  }
0x6dc: {  	[hbm4b:s16+s3] =	stream.indirect_vreg.scatter [tilespmem:s12], [sflag:$0x1], $0x80, v9, vm11, $0xb8;
	[tilespmem:$0x16EA0] =	vst v63  }
0x6dd: {  	s13 =	simm.s32 $0x7280  }
0x6de: {  	[hbm4b:s5+s3] =	stream.indirect_vreg.scatter [tilespmem:s13], [sflag:$0x1], $0x80, v8, vm10, $0xb8;
	[tilespmem:$0x16EA0] =	vst v63  }
0x6df: {  	s17 =	simm.s32 $0x7A80  }
0x6e0: {  	[hbm4b:s16+s3] =	stream.indirect_vreg.scatter [tilespmem:s17], [sflag:$0x1], $0x80, v8, vm11, $0xb8;
	[tilespmem:$0x16EA0] =	vst v63  }
0x6e1: {  	v8 =	vld [tilespmem:$0xD40];
	_ =	sdelay $0x4  }
0x6e2: {  	v22 =	vshrl.u32 v8, $0x3  }
0x6e3: {  	v9 =	vmul.u32 $0x18, v22  }
0x6e4: {  	v8 =	vand.u32 $0x7, v8  }
0x6e5: {  	v8 =	vor.u32 v8, v9  }
0x6e6: {  	v9 =	vperm.xlane v8, v5;
	_ =	sdelay $0x1  }
0x6e7: {  	v9 =	vadd.s32 v6, v9;
	_ =	sdelay $0x1  }
0x6e8: {  	v8 =	vperm.xlane v8, v7;
	_ =	sdelay $0x1  }
0x6e9: {  	s18 =	simm.s32 $0x7E80;
	v8 =	vadd.s32 v6, v8  }
0x6ea: {  	[hbm4b:s5+s3] =	stream.indirect_vreg.scatter [tilespmem:s18], [sflag:$0x1], $0x80, v9, vm10, $0xb8;
	[tilespmem:$0x16EA0] =	vst v63  }
0x6eb: {  	s19 =	simm.s32 $0x8680  }
0x6ec: {  	[hbm4b:s16+s3] =	stream.indirect_vreg.scatter [tilespmem:s19], [sflag:$0x1], $0x80, v9, vm11, $0xb8;
	[tilespmem:$0x16EA0] =	vst v63  }
0x6ed: {  	s20 =	simm.s32 $0x8A80  }
0x6ee: {  	[hbm4b:s5+s3] =	stream.indirect_vreg.scatter [tilespmem:s20], [sflag:$0x1], $0x80, v8, vm10, $0xb8;
	[tilespmem:$0x16EA0] =	vst v63  }
0x6ef: {  	s21 =	simm.s32 $0x9280  }
0x6f0: {  	[hbm4b:s16+s3] =	stream.indirect_vreg.scatter [tilespmem:s21], [sflag:$0x1], $0x80, v8, vm11, $0xb8;
	[tilespmem:$0x16EA0] =	vst v63  }
0x6f1: {  	v8 =	vld [tilespmem:$0xD50];
	_ =	sdelay $0x4  }
0x6f2: {  	v23 =	vshrl.u32 v8, $0x3  }
0x6f3: {  	v9 =	vmul.u32 $0x18, v23  }
0x6f4: {  	v8 =	vand.u32 $0x7, v8  }
0x6f5: {  	v8 =	vor.u32 v8, v9  }
0x6f6: {  	v9 =	vperm.xlane v8, v5;
	_ =	sdelay $0x1  }
0x6f7: {  	v9 =	vadd.s32 v6, v9;
	_ =	sdelay $0x1  }
0x6f8: {  	v8 =	vperm.xlane v8, v7;
	_ =	sdelay $0x1  }
0x6f9: {  	s24 =	simm.s32 $0x9680;
	v8 =	vadd.s32 v6, v8  }
0x6fa: {  	[hbm4b:s5+s3] =	stream.indirect_vreg.scatter [tilespmem:s24], [sflag:$0x1], $0x80, v9, vm10, $0xb8;
	[tilespmem:$0x16EA0] =	vst v63  }
0x6fb: {  	s25 =	simm.s32 $0x9E80  }
0x6fc: {  	[hbm4b:s16+s3] =	stream.indirect_vreg.scatter [tilespmem:s25], [sflag:$0x1], $0x80, v9, vm11, $0xb8;
	[tilespmem:$0x16EA0] =	vst v63  }
0x6fd: {  	s28 =	simm.s32 $0xA280  }
0x6fe: {  	[hbm4b:s5+s3] =	stream.indirect_vreg.scatter [tilespmem:s28], [sflag:$0x1], $0x80, v8, vm10, $0xb8;
	[tilespmem:$0x16EA0] =	vst v63  }
0x6ff: {  	s29 =	simm.s32 $0xAA80  }
0x700: {  	[hbm4b:s16+s3] =	stream.indirect_vreg.scatter [tilespmem:s29], [sflag:$0x1], $0x80, v8, vm11, $0xb8;
	[tilespmem:$0x16EA0] =	vst v63  }
0x701: {  	v8 =	vld [tilespmem:$0xD60];
	_ =	sdelay $0x4  }
0x702: {  	v24 =	vshrl.u32 v8, $0x3  }
0x703: {  	v9 =	vmul.u32 $0x18, v24  }
0x704: {  	v8 =	vand.u32 $0x7, v8  }
0x705: {  	v8 =	vor.u32 v8, v9  }
0x706: {  	v9 =	vperm.xlane v8, v5;
	_ =	sdelay $0x1  }
0x707: {  	v9 =	vadd.s32 v6, v9;
	_ =	sdelay $0x1  }
0x708: {  	v8 =	vperm.xlane v8, v7;
	_ =	sdelay $0x1  }
0x709: {  	s30 =	simm.s32 $0xAE80;
	v8 =	vadd.s32 v6, v8  }
0x70a: {  	[hbm4b:s5+s3] =	stream.indirect_vreg.scatter [tilespmem:s30], [sflag:$0x1], $0x80, v9, vm10, $0xb8;
	[tilespmem:$0x16EA0] =	vst v63  }
0x70b: {  	s1 =	simm.s32 $0xB680  }
0x70c: {  	[hbm4b:s16+s3] =	stream.indirect_vreg.scatter [tilespmem:s1], [sflag:$0x1], $0x80, v9, vm11, $0xb8;
	[tilespmem:$0x16EA0] =	vst v63  }
0x70d: {  	s17 =	simm.s32 $0xBA80  }
0x70e: {  	[hbm4b:s5+s3] =	stream.indirect_vreg.scatter [tilespmem:s17], [sflag:$0x1], $0x80, v8, vm10, $0xb8;
	[tilespmem:$0x16EA0] =	vst v63  }
0x70f: {  	s18 =	simm.s32 $0xC280  }
0x710: {  	[hbm4b:s16+s3] =	stream.indirect_vreg.scatter [tilespmem:s18], [sflag:$0x1], $0x80, v8, vm11, $0xb8;
	[tilespmem:$0x16EA0] =	vst v63  }
0x711: {  	_ =	swait.ge [sflag:s26], $0xA800  }
0x712: {  	[sflag:s26] =	ssyncset.done $0x0  }
0x713: {  	s19 =	rddreg [dreg:$0x1b];
	[sflag:s26] =	ssyncadd.s32 $0xFFFF5800  }
0x714: {  	[tilespmem:s23], [sflag:$0x1] =	stream.linear.gather [hbm4b:s19+s3], $0xA800, $0x38;
	[tilespmem:$0x16EA0] =	vst v63  }
0x715: {  	_ =	swait.ge [sflag:s22], $0xA800  }
0x716: {  	[sflag:s22] =	ssyncset.done $0x0  }
0x717: {  	[sflag:s22] =	ssyncadd.s32 $0xFFFF5800  }
0x718: {  	v8 =	vld [tilespmem:$0xD80];
	_ =	sdelay $0x4  }
0x719: {  	v25 =	vshrl.u32 v8, $0x3  }
0x71a: {  	v9 =	vmul.u32 $0x18, v25  }
0x71b: {  	v8 =	vand.u32 $0x7, v8  }
0x71c: {  	v8 =	vor.u32 v8, v9  }
0x71d: {  	v9 =	vperm.xlane v8, v5;
	_ =	sdelay $0x1  }
0x71e: {  	v9 =	vadd.s32 v6, v9;
	_ =	sdelay $0x1  }
0x71f: {  	v8 =	vperm.xlane v8, v7;
	_ =	sdelay $0x1  }
0x720: {  	v8 =	vadd.s32 v6, v8  }
0x721: {  	[hbm4b:s5+s3] =	stream.indirect_vreg.scatter [tilespmem:s31], [sflag:$0x2], $0x80, v9, vm10, $0xb8;
	[tilespmem:$0x16EA0] =	vst v63  }
0x722: {  	s20 =	simm.s32 $0xCE80  }
0x723: {  	[hbm4b:s16+s3] =	stream.indirect_vreg.scatter [tilespmem:s20], [sflag:$0x2], $0x80, v9, vm11, $0xb8;
	[tilespmem:$0x16EA0] =	vst v63  }
0x724: {  	s21 =	simm.s32 $0xD280  }
0x725: {  	[hbm4b:s5+s3] =	stream.indirect_vreg.scatter [tilespmem:s21], [sflag:$0x2], $0x80, v8, vm10, $0xb8;
	[tilespmem:$0x16EA0] =	vst v63  }
0x726: {  	s24 =	simm.s32 $0xDA80  }
0x727: {  	[hbm4b:s16+s3] =	stream.indirect_vreg.scatter [tilespmem:s24], [sflag:$0x2], $0x80, v8, vm11, $0xb8;
	[tilespmem:$0x16EA0] =	vst v63  }
0x728: {  	v8 =	vld [tilespmem:$0xD90];
	_ =	sdelay $0x4  }
0x729: {  	v26 =	vshrl.u32 v8, $0x3  }
0x72a: {  	v9 =	vmul.u32 $0x18, v26  }
0x72b: {  	v8 =	vand.u32 $0x7, v8  }
0x72c: {  	v8 =	vor.u32 v8, v9  }
0x72d: {  	v9 =	vperm.xlane v8, v5;
	_ =	sdelay $0x1  }
0x72e: {  	v9 =	vadd.s32 v6, v9;
	_ =	sdelay $0x1  }
0x72f: {  	v8 =	vperm.xlane v8, v7;
	_ =	sdelay $0x1  }
0x730: {  	s25 =	simm.s32 $0xDE80;
	v8 =	vadd.s32 v6, v8  }
0x731: {  	[hbm4b:s5+s3] =	stream.indirect_vreg.scatter [tilespmem:s25], [sflag:$0x2], $0x80, v9, vm10, $0xb8;
	[tilespmem:$0x16EA0] =	vst v63  }
0x732: {  	s28 =	simm.s32 $0xE680  }
0x733: {  	[hbm4b:s16+s3] =	stream.indirect_vreg.scatter [tilespmem:s28], [sflag:$0x2], $0x80, v9, vm11, $0xb8;
	[tilespmem:$0x16EA0] =	vst v63  }
0x734: {  	s29 =	simm.s32 $0xEA80  }
0x735: {  	[hbm4b:s5+s3] =	stream.indirect_vreg.scatter [tilespmem:s29], [sflag:$0x2], $0x80, v8, vm10, $0xb8;
	[tilespmem:$0x16EA0] =	vst v63  }
0x736: {  	s30 =	simm.s32 $0xF280  }
0x737: {  	[hbm4b:s16+s3] =	stream.indirect_vreg.scatter [tilespmem:s30], [sflag:$0x2], $0x80, v8, vm11, $0xb8;
	[tilespmem:$0x16EA0] =	vst v63  }
0x738: {  	v8 =	vld [tilespmem:$0xDA0];
	_ =	sdelay $0x4  }
0x739: {  	v27 =	vshrl.u32 v8, $0x3  }
0x73a: {  	v9 =	vmul.u32 $0x18, v27  }
0x73b: {  	v8 =	vand.u32 $0x7, v8  }
0x73c: {  	v8 =	vor.u32 v8, v9  }
0x73d: {  	v9 =	vperm.xlane v8, v5;
	_ =	sdelay $0x1  }
0x73e: {  	v9 =	vadd.s32 v6, v9;
	_ =	sdelay $0x1  }
0x73f: {  	v8 =	vperm.xlane v8, v7;
	_ =	sdelay $0x1  }
0x740: {  	s1 =	simm.s32 $0xF680;
	v8 =	vadd.s32 v6, v8  }
0x741: {  	[hbm4b:s5+s3] =	stream.indirect_vreg.scatter [tilespmem:s1], [sflag:$0x2], $0x80, v9, vm10, $0xb8;
	[tilespmem:$0x16EA0] =	vst v63  }
0x742: {  	s17 =	simm.s32 $0xFE80  }
0x743: {  	[hbm4b:s16+s3] =	stream.indirect_vreg.scatter [tilespmem:s17], [sflag:$0x2], $0x80, v9, vm11, $0xb8;
	[tilespmem:$0x16EA0] =	vst v63  }
0x744: {  	s18 =	simm.s32 $0x10280  }
0x745: {  	[hbm4b:s5+s3] =	stream.indirect_vreg.scatter [tilespmem:s18], [sflag:$0x2], $0x80, v8, vm10, $0xb8;
	[tilespmem:$0x16EA0] =	vst v63  }
0x746: {  	s19 =	simm.s32 $0x10A80  }
0x747: {  	[hbm4b:s16+s3] =	stream.indirect_vreg.scatter [tilespmem:s19], [sflag:$0x2], $0x80, v8, vm11, $0xb8;
	[tilespmem:$0x16EA0] =	vst v63  }
0x748: {  	v8 =	vld [tilespmem:$0xDB0];
	_ =	sdelay $0x4  }
0x749: {  	v28 =	vshrl.u32 v8, $0x3  }
0x74a: {  	v9 =	vmul.u32 $0x18, v28  }
0x74b: {  	v8 =	vand.u32 $0x7, v8  }
0x74c: {  	v8 =	vor.u32 v8, v9  }
0x74d: {  	v9 =	vperm.xlane v8, v5;
	_ =	sdelay $0x1  }
0x74e: {  	v9 =	vadd.s32 v6, v9;
	_ =	sdelay $0x1  }
0x74f: {  	v8 =	vperm.xlane v8, v7;
	_ =	sdelay $0x1  }
0x750: {  	s21 =	simm.s32 $0x10E80;
	v8 =	vadd.s32 v6, v8  }
0x751: {  	[hbm4b:s5+s3] =	stream.indirect_vreg.scatter [tilespmem:s21], [sflag:$0x2], $0x80, v9, vm10, $0xb8;
	[tilespmem:$0x16EA0] =	vst v63  }
0x752: {  	s24 =	simm.s32 $0x11680  }
0x753: {  	[hbm4b:s16+s3] =	stream.indirect_vreg.scatter [tilespmem:s24], [sflag:$0x2], $0x80, v9, vm11, $0xb8;
	[tilespmem:$0x16EA0] =	vst v63  }
0x754: {  	s25 =	simm.s32 $0x11A80  }
0x755: {  	[hbm4b:s5+s3] =	stream.indirect_vreg.scatter [tilespmem:s25], [sflag:$0x2], $0x80, v8, vm10, $0xb8;
	[tilespmem:$0x16EA0] =	vst v63  }
0x756: {  	s28 =	simm.s32 $0x12280  }
0x757: {  	[hbm4b:s16+s3] =	stream.indirect_vreg.scatter [tilespmem:s28], [sflag:$0x2], $0x80, v8, vm11, $0xb8;
	[tilespmem:$0x16EA0] =	vst v63  }
0x758: {  	v8 =	vld [tilespmem:$0xDC0];
	_ =	sdelay $0x4  }
0x759: {  	v29 =	vshrl.u32 v8, $0x3  }
0x75a: {  	v9 =	vmul.u32 $0x18, v29  }
0x75b: {  	v8 =	vand.u32 $0x7, v8  }
0x75c: {  	v8 =	vor.u32 v8, v9  }
0x75d: {  	v9 =	vperm.xlane v8, v5;
	_ =	sdelay $0x1  }
0x75e: {  	v9 =	vadd.s32 v6, v9;
	_ =	sdelay $0x1  }
0x75f: {  	v8 =	vperm.xlane v8, v7;
	_ =	sdelay $0x1  }
0x760: {  	s29 =	simm.s32 $0x12680;
	v8 =	vadd.s32 v6, v8  }
0x761: {  	[hbm4b:s5+s3] =	stream.indirect_vreg.scatter [tilespmem:s29], [sflag:$0x2], $0x80, v9, vm10, $0xb8;
	[tilespmem:$0x16EA0] =	vst v63  }
0x762: {  	s30 =	simm.s32 $0x12E80  }
0x763: {  	[hbm4b:s16+s3] =	stream.indirect_vreg.scatter [tilespmem:s30], [sflag:$0x2], $0x80, v9, vm11, $0xb8;
	[tilespmem:$0x16EA0] =	vst v63  }
0x764: {  	s1 =	simm.s32 $0x13280  }
0x765: {  	[hbm4b:s5+s3] =	stream.indirect_vreg.scatter [tilespmem:s1], [sflag:$0x2], $0x80, v8, vm10, $0xb8;
	[tilespmem:$0x16EA0] =	vst v63  }
0x766: {  	s17 =	simm.s32 $0x13A80  }
0x767: {  	[hbm4b:s16+s3] =	stream.indirect_vreg.scatter [tilespmem:s17], [sflag:$0x2], $0x80, v8, vm11, $0xb8;
	[tilespmem:$0x16EA0] =	vst v63  }
0x768: {  	v8 =	vld [tilespmem:$0xDD0];
	_ =	sdelay $0x4  }
0x769: {  	v30 =	vshrl.u32 v8, $0x3  }
0x76a: {  	v9 =	vmul.u32 $0x18, v30  }
0x76b: {  	v8 =	vand.u32 $0x7, v8  }
0x76c: {  	v8 =	vor.u32 v8, v9  }
0x76d: {  	v9 =	vperm.xlane v8, v5;
	_ =	sdelay $0x1  }
0x76e: {  	v9 =	vadd.s32 v6, v9;
	_ =	sdelay $0x1  }
0x76f: {  	v8 =	vperm.xlane v8, v7;
	_ =	sdelay $0x1  }
0x770: {  	s18 =	simm.s32 $0x13E80;
	v8 =	vadd.s32 v6, v8  }
0x771: {  	[hbm4b:s5+s3] =	stream.indirect_vreg.scatter [tilespmem:s18], [sflag:$0x2], $0x80, v9, vm10, $0xb8;
	[tilespmem:$0x16EA0] =	vst v63  }
0x772: {  	s19 =	simm.s32 $0x14680  }
0x773: {  	[hbm4b:s16+s3] =	stream.indirect_vreg.scatter [tilespmem:s19], [sflag:$0x2], $0x80, v9, vm11, $0xb8;
	[tilespmem:$0x16EA0] =	vst v63  }
0x774: {  	s21 =	simm.s32 $0x14A80  }
0x775: {  	[hbm4b:s5+s3] =	stream.indirect_vreg.scatter [tilespmem:s21], [sflag:$0x2], $0x80, v8, vm10, $0xb8;
	[tilespmem:$0x16EA0] =	vst v63  }
0x776: {  	s24 =	simm.s32 $0x15280  }
0x777: {  	[hbm4b:s16+s3] =	stream.indirect_vreg.scatter [tilespmem:s24], [sflag:$0x2], $0x80, v8, vm11, $0xb8;
	[tilespmem:$0x16EA0] =	vst v63  }
0x778: {  	v8 =	vld [tilespmem:$0xDE0];
	_ =	sdelay $0x4  }
0x779: {  	v31 =	vshrl.u32 v8, $0x3  }
0x77a: {  	v9 =	vmul.u32 $0x18, v31  }
0x77b: {  	v8 =	vand.u32 $0x7, v8  }
0x77c: {  	v8 =	vor.u32 v8, v9  }
0x77d: {  	v9 =	vperm.xlane v8, v5;
	_ =	sdelay $0x1  }
0x77e: {  	v9 =	vadd.s32 v6, v9;
	_ =	sdelay $0x1  }
0x77f: {  	v8 =	vperm.xlane v8, v7;
	_ =	sdelay $0x1  }
0x780: {  	s25 =	simm.s32 $0x15680;
	v8 =	vadd.s32 v6, v8  }
0x781: {  	[hbm4b:s5+s3] =	stream.indirect_vreg.scatter [tilespmem:s25], [sflag:$0x2], $0x80, v9, vm10, $0xb8;
	[tilespmem:$0x16EA0] =	vst v63  }
0x782: {  	s28 =	simm.s32 $0x15E80  }
0x783: {  	[hbm4b:s16+s3] =	stream.indirect_vreg.scatter [tilespmem:s28], [sflag:$0x2], $0x80, v9, vm11, $0xb8;
	[tilespmem:$0x16EA0] =	vst v63  }
0x784: {  	s29 =	simm.s32 $0x16280  }
0x785: {  	[hbm4b:s5+s3] =	stream.indirect_vreg.scatter [tilespmem:s29], [sflag:$0x2], $0x80, v8, vm10, $0xb8;
	[tilespmem:$0x16EA0] =	vst v63  }
0x786: {  	s30 =	simm.s32 $0x16A80  }
0x787: {  	[hbm4b:s16+s3] =	stream.indirect_vreg.scatter [tilespmem:s30], [sflag:$0x2], $0x80, v8, vm11, $0xb8;
	[tilespmem:$0x16EA0] =	vst v63  }
0x788: {  	_ =	swait.ge [sflag:s22], $0xA800  }
0x789: {  	[sflag:s22] =	ssyncset.done $0x0  }
0x78a: {  	s0 =	rddreg [dreg:$0x1c];
	[sflag:s22] =	ssyncadd.s32 $0xFFFF5800  }
0x78b: {  	[tilespmem:s31], [sflag:$0x2] =	stream.linear.gather [hbm4b:s0+s3], $0xA800, $0x38;
	[tilespmem:$0x16EA0] =	vst v63  }
0x78c: {  	_ =	swait.ge [sflag:s26], $0xA800  }
0x78d: {  	[sflag:s26] =	ssyncset.done $0x0  }
0x78e: {  	[sflag:s26] =	ssyncadd.s32 $0xFFFF5800  }
0x78f: {  	v8 =	vld [tilespmem:$0xE00];
	_ =	sdelay $0x4  }
0x790: {  	v32 =	vshrl.u32 v8, $0x3  }
0x791: {  	v9 =	vmul.u32 $0x18, v32  }
0x792: {  	v8 =	vand.u32 $0x7, v8  }
0x793: {  	v8 =	vor.u32 v8, v9  }
0x794: {  	v9 =	vperm.xlane v8, v5;
	_ =	sdelay $0x1  }
0x795: {  	v9 =	vadd.s32 v6, v9;
	_ =	sdelay $0x1  }
0x796: {  	v8 =	vperm.xlane v8, v7;
	_ =	sdelay $0x1  }
0x797: {  	v8 =	vadd.s32 v6, v8  }
0x798: {  	[hbm4b:s5+s3] =	stream.indirect_vreg.scatter [tilespmem:s23], [sflag:$0x1], $0x80, v9, vm10, $0xb8;
	[tilespmem:$0x16EA0] =	vst v63  }
0x799: {  	s2 =	simm.s32 $0x2680  }
0x79a: {  	[hbm4b:s16+s3] =	stream.indirect_vreg.scatter [tilespmem:s2], [sflag:$0x1], $0x80, v9, vm11, $0xb8;
	[tilespmem:$0x16EA0] =	vst v63  }
0x79b: {  	s6 =	simm.s32 $0x2A80  }
0x79c: {  	[hbm4b:s5+s3] =	stream.indirect_vreg.scatter [tilespmem:s6], [sflag:$0x1], $0x80, v8, vm10, $0xb8;
	[tilespmem:$0x16EA0] =	vst v63  }
0x79d: {  	s14 =	simm.s32 $0x3280  }
0x79e: {  	[hbm4b:s16+s3] =	stream.indirect_vreg.scatter [tilespmem:s14], [sflag:$0x1], $0x80, v8, vm11, $0xb8;
	[tilespmem:$0x16EA0] =	vst v63  }
0x79f: {  	v8 =	vld [tilespmem:$0xE10];
	_ =	sdelay $0x4  }
0x7a0: {  	v33 =	vshrl.u32 v8, $0x3  }
0x7a1: {  	v9 =	vmul.u32 $0x18, v33  }
0x7a2: {  	v8 =	vand.u32 $0x7, v8  }
0x7a3: {  	v8 =	vor.u32 v8, v9  }
0x7a4: {  	v9 =	vperm.xlane v8, v5;
	_ =	sdelay $0x1  }
0x7a5: {  	v9 =	vadd.s32 v6, v9;
	_ =	sdelay $0x1  }
0x7a6: {  	v8 =	vperm.xlane v8, v7;
	_ =	sdelay $0x1  }
0x7a7: {  	s7 =	simm.s32 $0x3680;
	v8 =	vadd.s32 v6, v8  }
0x7a8: {  	[hbm4b:s5+s3] =	stream.indirect_vreg.scatter [tilespmem:s7], [sflag:$0x1], $0x80, v9, vm10, $0xb8;
	[tilespmem:$0x16EA0] =	vst v63  }
0x7a9: {  	s8 =	simm.s32 $0x3E80  }
0x7aa: {  	[hbm4b:s16+s3] =	stream.indirect_vreg.scatter [tilespmem:s8], [sflag:$0x1], $0x80, v9, vm11, $0xb8;
	[tilespmem:$0x16EA0] =	vst v63  }
0x7ab: {  	s9 =	simm.s32 $0x4280  }
0x7ac: {  	[hbm4b:s5+s3] =	stream.indirect_vreg.scatter [tilespmem:s9], [sflag:$0x1], $0x80, v8, vm10, $0xb8;
	[tilespmem:$0x16EA0] =	vst v63  }
0x7ad: {  	s15 =	simm.s32 $0x4A80  }
0x7ae: {  	[hbm4b:s16+s3] =	stream.indirect_vreg.scatter [tilespmem:s15], [sflag:$0x1], $0x80, v8, vm11, $0xb8;
	[tilespmem:$0x16EA0] =	vst v63  }
0x7af: {  	v8 =	vld [tilespmem:$0xE20];
	_ =	sdelay $0x4  }
0x7b0: {  	v34 =	vshrl.u32 v8, $0x3  }
0x7b1: {  	v9 =	vmul.u32 $0x18, v34  }
0x7b2: {  	v8 =	vand.u32 $0x7, v8  }
0x7b3: {  	v8 =	vor.u32 v8, v9  }
0x7b4: {  	v9 =	vperm.xlane v8, v5;
	_ =	sdelay $0x1  }
0x7b5: {  	v9 =	vadd.s32 v6, v9;
	_ =	sdelay $0x1  }
0x7b6: {  	v8 =	vperm.xlane v8, v7;
	_ =	sdelay $0x1  }
0x7b7: {  	s10 =	simm.s32 $0x4E80;
	v8 =	vadd.s32 v6, v8  }
0x7b8: {  	[hbm4b:s5+s3] =	stream.indirect_vreg.scatter [tilespmem:s10], [sflag:$0x1], $0x80, v9, vm10, $0xb8;
	[tilespmem:$0x16EA0] =	vst v63  }
0x7b9: {  	s11 =	simm.s32 $0x5680  }
0x7ba: {  	[hbm4b:s16+s3] =	stream.indirect_vreg.scatter [tilespmem:s11], [sflag:$0x1], $0x80, v9, vm11, $0xb8;
	[tilespmem:$0x16EA0] =	vst v63  }
0x7bb: {  	s25 =	simm.s32 $0x5A80  }
0x7bc: {  	[hbm4b:s5+s3] =	stream.indirect_vreg.scatter [tilespmem:s25], [sflag:$0x1], $0x80, v8, vm10, $0xb8;
	[tilespmem:$0x16EA0] =	vst v63  }
0x7bd: {  	s17 =	simm.s32 $0x6280  }
0x7be: {  	[hbm4b:s16+s3] =	stream.indirect_vreg.scatter [tilespmem:s17], [sflag:$0x1], $0x80, v8, vm11, $0xb8;
	[tilespmem:$0x16EA0] =	vst v63  }
0x7bf: {  	v8 =	vld [tilespmem:$0xE30];
	_ =	sdelay $0x4  }
0x7c0: {  	v35 =	vshrl.u32 v8, $0x3  }
0x7c1: {  	v9 =	vmul.u32 $0x18, v35  }
0x7c2: {  	v8 =	vand.u32 $0x7, v8  }
0x7c3: {  	v8 =	vor.u32 v8, v9  }
0x7c4: {  	v9 =	vperm.xlane v8, v5;
	_ =	sdelay $0x1  }
0x7c5: {  	v9 =	vadd.s32 v6, v9;
	_ =	sdelay $0x1  }
0x7c6: {  	v8 =	vperm.xlane v8, v7;
	_ =	sdelay $0x1  }
0x7c7: {  	s21 =	simm.s32 $0x6680;
	v8 =	vadd.s32 v6, v8  }
0x7c8: {  	[hbm4b:s5+s3] =	stream.indirect_vreg.scatter [tilespmem:s21], [sflag:$0x1], $0x80, v9, vm10, $0xb8;
	[tilespmem:$0x16EA0] =	vst v63  }
0x7c9: {  	s24 =	simm.s32 $0x6E80  }
0x7ca: {  	[hbm4b:s16+s3] =	stream.indirect_vreg.scatter [tilespmem:s24], [sflag:$0x1], $0x80, v9, vm11, $0xb8;
	[tilespmem:$0x16EA0] =	vst v63  }
0x7cb: {  	s2 =	simm.s32 $0x7280  }
0x7cc: {  	[hbm4b:s5+s3] =	stream.indirect_vreg.scatter [tilespmem:s2], [sflag:$0x1], $0x80, v8, vm10, $0xb8;
	[tilespmem:$0x16EA0] =	vst v63  }
0x7cd: {  	s12 =	simm.s32 $0x7A80  }
0x7ce: {  	[hbm4b:s16+s3] =	stream.indirect_vreg.scatter [tilespmem:s12], [sflag:$0x1], $0x80, v8, vm11, $0xb8;
	[tilespmem:$0x16EA0] =	vst v63  }
0x7cf: {  	v8 =	vld [tilespmem:$0xE40];
	_ =	sdelay $0x4  }
0x7d0: {  	v36 =	vshrl.u32 v8, $0x3  }
0x7d1: {  	v9 =	vmul.u32 $0x18, v36  }
0x7d2: {  	v8 =	vand.u32 $0x7, v8  }
0x7d3: {  	v8 =	vor.u32 v8, v9  }
0x7d4: {  	v9 =	vperm.xlane v8, v5;
	_ =	sdelay $0x1  }
0x7d5: {  	v9 =	vadd.s32 v6, v9;
	_ =	sdelay $0x1  }
0x7d6: {  	v8 =	vperm.xlane v8, v7;
	_ =	sdelay $0x1  }
0x7d7: {  	s7 =	simm.s32 $0x7E80;
	v8 =	vadd.s32 v6, v8  }
0x7d8: {  	[hbm4b:s5+s3] =	stream.indirect_vreg.scatter [tilespmem:s7], [sflag:$0x1], $0x80, v9, vm10, $0xb8;
	[tilespmem:$0x16EA0] =	vst v63  }
0x7d9: {  	s8 =	simm.s32 $0x8680  }
0x7da: {  	[hbm4b:s16+s3] =	stream.indirect_vreg.scatter [tilespmem:s8], [sflag:$0x1], $0x80, v9, vm11, $0xb8;
	[tilespmem:$0x16EA0] =	vst v63  }
0x7db: {  	s9 =	simm.s32 $0x8A80  }
0x7dc: {  	[hbm4b:s5+s3] =	stream.indirect_vreg.scatter [tilespmem:s9], [sflag:$0x1], $0x80, v8, vm10, $0xb8;
	[tilespmem:$0x16EA0] =	vst v63  }
0x7dd: {  	s13 =	simm.s32 $0x9280  }
0x7de: {  	[hbm4b:s16+s3] =	stream.indirect_vreg.scatter [tilespmem:s13], [sflag:$0x1], $0x80, v8, vm11, $0xb8;
	[tilespmem:$0x16EA0] =	vst v63  }
0x7df: {  	v8 =	vld [tilespmem:$0xE50];
	_ =	sdelay $0x4  }
0x7e0: {  	v37 =	vshrl.u32 v8, $0x3  }
0x7e1: {  	v9 =	vmul.u32 $0x18, v37  }
0x7e2: {  	v8 =	vand.u32 $0x7, v8  }
0x7e3: {  	v8 =	vor.u32 v8, v9  }
0x7e4: {  	v9 =	vperm.xlane v8, v5;
	_ =	sdelay $0x1  }
0x7e5: {  	v9 =	vadd.s32 v6, v9;
	_ =	sdelay $0x1  }
0x7e6: {  	v8 =	vperm.xlane v8, v7;
	_ =	sdelay $0x1  }
0x7e7: {  	s10 =	simm.s32 $0x9680;
	v8 =	vadd.s32 v6, v8  }
0x7e8: {  	[hbm4b:s5+s3] =	stream.indirect_vreg.scatter [tilespmem:s10], [sflag:$0x1], $0x80, v9, vm10, $0xb8;
	[tilespmem:$0x16EA0] =	vst v63  }
0x7e9: {  	s11 =	simm.s32 $0x9E80  }
0x7ea: {  	[hbm4b:s16+s3] =	stream.indirect_vreg.scatter [tilespmem:s11], [sflag:$0x1], $0x80, v9, vm11, $0xb8;
	[tilespmem:$0x16EA0] =	vst v63  }
0x7eb: {  	s12 =	simm.s32 $0xA280  }
0x7ec: {  	[hbm4b:s5+s3] =	stream.indirect_vreg.scatter [tilespmem:s12], [sflag:$0x1], $0x80, v8, vm10, $0xb8;
	[tilespmem:$0x16EA0] =	vst v63  }
0x7ed: {  	s18 =	simm.s32 $0xAA80  }
0x7ee: {  	[hbm4b:s16+s3] =	stream.indirect_vreg.scatter [tilespmem:s18], [sflag:$0x1], $0x80, v8, vm11, $0xb8;
	[tilespmem:$0x16EA0] =	vst v63  }
0x7ef: {  	v8 =	vld [tilespmem:$0xE60];
	_ =	sdelay $0x4  }
0x7f0: {  	v38 =	vshrl.u32 v8, $0x3  }
0x7f1: {  	v9 =	vmul.u32 $0x18, v38  }
0x7f2: {  	v8 =	vand.u32 $0x7, v8  }
0x7f3: {  	v8 =	vor.u32 v8, v9  }
0x7f4: {  	v9 =	vperm.xlane v8, v5;
	_ =	sdelay $0x1  }
0x7f5: {  	v9 =	vadd.s32 v6, v9;
	_ =	sdelay $0x1  }
0x7f6: {  	v8 =	vperm.xlane v8, v7;
	_ =	sdelay $0x1  }
0x7f7: {  	s13 =	simm.s32 $0xAE80;
	v8 =	vadd.s32 v6, v8  }
0x7f8: {  	[hbm4b:s5+s3] =	stream.indirect_vreg.scatter [tilespmem:s13], [sflag:$0x1], $0x80, v9, vm10, $0xb8;
	[tilespmem:$0x16EA0] =	vst v63  }
0x7f9: {  	s14 =	simm.s32 $0xB680  }
0x7fa: {  	[hbm4b:s16+s3] =	stream.indirect_vreg.scatter [tilespmem:s14], [sflag:$0x1], $0x80, v9, vm11, $0xb8;
	[tilespmem:$0x16EA0] =	vst v63  }
0x7fb: {  	s15 =	simm.s32 $0xBA80  }
0x7fc: {  	[hbm4b:s5+s3] =	stream.indirect_vreg.scatter [tilespmem:s15], [sflag:$0x1], $0x80, v8, vm10, $0xb8;
	[tilespmem:$0x16EA0] =	vst v63  }
0x7fd: {  	s19 =	simm.s32 $0xC280  }
0x7fe: {  	[hbm4b:s16+s3] =	stream.indirect_vreg.scatter [tilespmem:s19], [sflag:$0x1], $0x80, v8, vm11, $0xb8;
	[tilespmem:$0x16EA0] =	vst v63  }
0x7ff: {  	_ =	swait.ge [sflag:s26], $0xA800  }
0x800: {  	[sflag:s26] =	ssyncset.done $0x0  }
0x801: {  	s6 =	rddreg [dreg:$0x1d];
	[sflag:s26] =	ssyncadd.s32 $0xFFFF5800  }
0x802: {  	[tilespmem:s23], [sflag:$0x1] =	stream.linear.gather [hbm4b:s6+s3], $0xA800, $0x38;
	[tilespmem:$0x16EA0] =	vst v63  }
0x803: {  	_ =	swait.ge [sflag:s22], $0xA800  }
0x804: {  	[sflag:s22] =	ssyncset.done $0x0  }
0x805: {  	[sflag:s22] =	ssyncadd.s32 $0xFFFF5800  }
0x806: {  	v8 =	vld [tilespmem:$0xE80];
	_ =	sdelay $0x4  }
0x807: {  	v39 =	vshrl.u32 v8, $0x3  }
0x808: {  	v9 =	vmul.u32 $0x18, v39  }
0x809: {  	v8 =	vand.u32 $0x7, v8  }
0x80a: {  	v8 =	vor.u32 v8, v9  }
0x80b: {  	v9 =	vperm.xlane v8, v5;
	_ =	sdelay $0x1  }
0x80c: {  	v9 =	vadd.s32 v6, v9;
	_ =	sdelay $0x1  }
0x80d: {  	v8 =	vperm.xlane v8, v7;
	_ =	sdelay $0x1  }
0x80e: {  	v8 =	vadd.s32 v6, v8  }
0x80f: {  	[hbm4b:s5+s3] =	stream.indirect_vreg.scatter [tilespmem:s31], [sflag:$0x2], $0x80, v9, vm10, $0xb8;
	[tilespmem:$0x16EA0] =	vst v63  }
0x810: {  	s29 =	simm.s32 $0xCE80  }
0x811: {  	[hbm4b:s16+s3] =	stream.indirect_vreg.scatter [tilespmem:s29], [sflag:$0x2], $0x80, v9, vm11, $0xb8;
	[tilespmem:$0x16EA0] =	vst v63  }
0x812: {  	s30 =	simm.s32 $0xD280  }
0x813: {  	[hbm4b:s5+s3] =	stream.indirect_vreg.scatter [tilespmem:s30], [sflag:$0x2], $0x80, v8, vm10, $0xb8;
	[tilespmem:$0x16EA0] =	vst v63  }
0x814: {  	s20 =	simm.s32 $0xDA80  }
0x815: {  	[hbm4b:s16+s3] =	stream.indirect_vreg.scatter [tilespmem:s20], [sflag:$0x2], $0x80, v8, vm11, $0xb8;
	[tilespmem:$0x16EA0] =	vst v63  }
0x816: {  	v8 =	vld [tilespmem:$0xE90];
	_ =	sdelay $0x4  }
0x817: {  	v40 =	vshrl.u32 v8, $0x3  }
0x818: {  	v9 =	vmul.u32 $0x18, v40  }
0x819: {  	v8 =	vand.u32 $0x7, v8  }
0x81a: {  	v8 =	vor.u32 v8, v9  }
0x81b: {  	v9 =	vperm.xlane v8, v5;
	_ =	sdelay $0x1  }
0x81c: {  	v9 =	vadd.s32 v6, v9;
	_ =	sdelay $0x1  }
0x81d: {  	v8 =	vperm.xlane v8, v7;
	_ =	sdelay $0x1  }
0x81e: {  	s31 =	simm.s32 $0xDE80;
	v8 =	vadd.s32 v6, v8  }
0x81f: {  	[hbm4b:s5+s3] =	stream.indirect_vreg.scatter [tilespmem:s31], [sflag:$0x2], $0x80, v9, vm10, $0xb8;
	[tilespmem:$0x16EA0] =	vst v63  }
0x820: {  	s0 =	simm.s32 $0xE680  }
0x821: {  	[hbm4b:s16+s3] =	stream.indirect_vreg.scatter [tilespmem:s0], [sflag:$0x2], $0x80, v9, vm11, $0xb8;
	[tilespmem:$0x16EA0] =	vst v63  }
0x822: {  	s2 =	simm.s32 $0xEA80  }
0x823: {  	[hbm4b:s5+s3] =	stream.indirect_vreg.scatter [tilespmem:s2], [sflag:$0x2], $0x80, v8, vm10, $0xb8;
	[tilespmem:$0x16EA0] =	vst v63  }
0x824: {  	s6 =	simm.s32 $0xF280  }
0x825: {  	[hbm4b:s16+s3] =	stream.indirect_vreg.scatter [tilespmem:s6], [sflag:$0x2], $0x80, v8, vm11, $0xb8;
	[tilespmem:$0x16EA0] =	vst v63  }
0x826: {  	v8 =	vld [tilespmem:$0xEA0];
	_ =	sdelay $0x4  }
0x827: {  	v41 =	vshrl.u32 v8, $0x3  }
0x828: {  	v9 =	vmul.u32 $0x18, v41  }
0x829: {  	v8 =	vand.u32 $0x7, v8  }
0x82a: {  	v8 =	vor.u32 v8, v9  }
0x82b: {  	v9 =	vperm.xlane v8, v5;
	_ =	sdelay $0x1  }
0x82c: {  	v9 =	vadd.s32 v6, v9;
	_ =	sdelay $0x1  }
0x82d: {  	v8 =	vperm.xlane v8, v7;
	_ =	sdelay $0x1  }
0x82e: {  	s1 =	simm.s32 $0xF680;
	v8 =	vadd.s32 v6, v8  }
0x82f: {  	[hbm4b:s5+s3] =	stream.indirect_vreg.scatter [tilespmem:s1], [sflag:$0x2], $0x80, v9, vm10, $0xb8;
	[tilespmem:$0x16EA0] =	vst v63  }
0x830: {  	s1 =	simm.s32 $0xFE80  }
0x831: {  	[hbm4b:s16+s3] =	stream.indirect_vreg.scatter [tilespmem:s1], [sflag:$0x2], $0x80, v9, vm11, $0xb8;
	[tilespmem:$0x16EA0] =	vst v63  }
0x832: {  	s1 =	simm.s32 $0x10280  }
0x833: {  	[hbm4b:s5+s3] =	stream.indirect_vreg.scatter [tilespmem:s1], [sflag:$0x2], $0x80, v8, vm10, $0xb8;
	[tilespmem:$0x16EA0] =	vst v63  }
0x834: {  	s1 =	simm.s32 $0x10A80  }
0x835: {  	[hbm4b:s16+s3] =	stream.indirect_vreg.scatter [tilespmem:s1], [sflag:$0x2], $0x80, v8, vm11, $0xb8;
	[tilespmem:$0x16EA0] =	vst v63  }
0x836: {  	v8 =	vld [tilespmem:$0xEB0];
	_ =	sdelay $0x4  }
0x837: {  	v42 =	vshrl.u32 v8, $0x3  }
0x838: {  	v9 =	vmul.u32 $0x18, v42  }
0x839: {  	v8 =	vand.u32 $0x7, v8  }
0x83a: {  	v8 =	vor.u32 v8, v9  }
0x83b: {  	v9 =	vperm.xlane v8, v5;
	_ =	sdelay $0x1  }
0x83c: {  	v9 =	vadd.s32 v6, v9;
	_ =	sdelay $0x1  }
0x83d: {  	v8 =	vperm.xlane v8, v7;
	_ =	sdelay $0x1  }
0x83e: {  	s1 =	simm.s32 $0x10E80;
	v8 =	vadd.s32 v6, v8  }
0x83f: {  	[hbm4b:s5+s3] =	stream.indirect_vreg.scatter [tilespmem:s1], [sflag:$0x2], $0x80, v9, vm10, $0xb8;
	[tilespmem:$0x16EA0] =	vst v63  }
0x840: {  	s1 =	simm.s32 $0x11680  }
0x841: {  	[hbm4b:s16+s3] =	stream.indirect_vreg.scatter [tilespmem:s1], [sflag:$0x2], $0x80, v9, vm11, $0xb8;
	[tilespmem:$0x16EA0] =	vst v63  }
0x842: {  	s1 =	simm.s32 $0x11A80  }
0x843: {  	[hbm4b:s5+s3] =	stream.indirect_vreg.scatter [tilespmem:s1], [sflag:$0x2], $0x80, v8, vm10, $0xb8;
	[tilespmem:$0x16EA0] =	vst v63  }
0x844: {  	s1 =	simm.s32 $0x12280  }
0x845: {  	[hbm4b:s16+s3] =	stream.indirect_vreg.scatter [tilespmem:s1], [sflag:$0x2], $0x80, v8, vm11, $0xb8;
	[tilespmem:$0x16EA0] =	vst v63  }
0x846: {  	v8 =	vld [tilespmem:$0xEC0];
	_ =	sdelay $0x4  }
0x847: {  	v43 =	vshrl.u32 v8, $0x3  }
0x848: {  	v9 =	vmul.u32 $0x18, v43  }
0x849: {  	v8 =	vand.u32 $0x7, v8  }
0x84a: {  	v8 =	vor.u32 v8, v9  }
0x84b: {  	v9 =	vperm.xlane v8, v5;
	_ =	sdelay $0x1  }
0x84c: {  	v9 =	vadd.s32 v6, v9;
	_ =	sdelay $0x1  }
0x84d: {  	v8 =	vperm.xlane v8, v7;
	_ =	sdelay $0x1  }
0x84e: {  	s1 =	simm.s32 $0x12680;
	v8 =	vadd.s32 v6, v8  }
0x84f: {  	[hbm4b:s5+s3] =	stream.indirect_vreg.scatter [tilespmem:s1], [sflag:$0x2], $0x80, v9, vm10, $0xb8;
	[tilespmem:$0x16EA0] =	vst v63  }
0x850: {  	s1 =	simm.s32 $0x12E80  }
0x851: {  	[hbm4b:s16+s3] =	stream.indirect_vreg.scatter [tilespmem:s1], [sflag:$0x2], $0x80, v9, vm11, $0xb8;
	[tilespmem:$0x16EA0] =	vst v63  }
0x852: {  	s1 =	simm.s32 $0x13280  }
0x853: {  	[hbm4b:s5+s3] =	stream.indirect_vreg.scatter [tilespmem:s1], [sflag:$0x2], $0x80, v8, vm10, $0xb8;
	[tilespmem:$0x16EA0] =	vst v63  }
0x854: {  	s1 =	simm.s32 $0x13A80  }
0x855: {  	[hbm4b:s16+s3] =	stream.indirect_vreg.scatter [tilespmem:s1], [sflag:$0x2], $0x80, v8, vm11, $0xb8;
	[tilespmem:$0x16EA0] =	vst v63  }
0x856: {  	v8 =	vld [tilespmem:$0xED0];
	_ =	sdelay $0x4  }
0x857: {  	v44 =	vshrl.u32 v8, $0x3  }
0x858: {  	v9 =	vmul.u32 $0x18, v44  }
0x859: {  	v8 =	vand.u32 $0x7, v8  }
0x85a: {  	v8 =	vor.u32 v8, v9  }
0x85b: {  	v9 =	vperm.xlane v8, v5;
	_ =	sdelay $0x1  }
0x85c: {  	v9 =	vadd.s32 v6, v9;
	_ =	sdelay $0x1  }
0x85d: {  	v8 =	vperm.xlane v8, v7;
	_ =	sdelay $0x1  }
0x85e: {  	s1 =	simm.s32 $0x13E80;
	v8 =	vadd.s32 v6, v8  }
0x85f: {  	[hbm4b:s5+s3] =	stream.indirect_vreg.scatter [tilespmem:s1], [sflag:$0x2], $0x80, v9, vm10, $0xb8;
	[tilespmem:$0x16EA0] =	vst v63  }
0x860: {  	s1 =	simm.s32 $0x14680  }
0x861: {  	[hbm4b:s16+s3] =	stream.indirect_vreg.scatter [tilespmem:s1], [sflag:$0x2], $0x80, v9, vm11, $0xb8;
	[tilespmem:$0x16EA0] =	vst v63  }
0x862: {  	s1 =	simm.s32 $0x14A80  }
0x863: {  	[hbm4b:s5+s3] =	stream.indirect_vreg.scatter [tilespmem:s1], [sflag:$0x2], $0x80, v8, vm10, $0xb8;
	[tilespmem:$0x16EA0] =	vst v63  }
0x864: {  	s1 =	simm.s32 $0x15280  }
0x865: {  	[hbm4b:s16+s3] =	stream.indirect_vreg.scatter [tilespmem:s1], [sflag:$0x2], $0x80, v8, vm11, $0xb8;
	[tilespmem:$0x16EA0] =	vst v63  }
0x866: {  	v8 =	vld [tilespmem:$0xEE0];
	_ =	sdelay $0x4  }
0x867: {  	v45 =	vshrl.u32 v8, $0x3  }
0x868: {  	v9 =	vmul.u32 $0x18, v45  }
0x869: {  	v8 =	vand.u32 $0x7, v8  }
0x86a: {  	v8 =	vor.u32 v8, v9  }
0x86b: {  	v9 =	vperm.xlane v8, v5;
	_ =	sdelay $0x1  }
0x86c: {  	v9 =	vadd.s32 v6, v9;
	_ =	sdelay $0x1  }
0x86d: {  	v8 =	vperm.xlane v8, v7;
	_ =	sdelay $0x1  }
0x86e: {  	s1 =	simm.s32 $0x15680;
	v8 =	vadd.s32 v6, v8  }
0x86f: {  	[hbm4b:s5+s3] =	stream.indirect_vreg.scatter [tilespmem:s1], [sflag:$0x2], $0x80, v9, vm10, $0xb8;
	[tilespmem:$0x16EA0] =	vst v63  }
0x870: {  	s1 =	simm.s32 $0x15E80  }
0x871: {  	[hbm4b:s16+s3] =	stream.indirect_vreg.scatter [tilespmem:s1], [sflag:$0x2], $0x80, v9, vm11, $0xb8;
	[tilespmem:$0x16EA0] =	vst v63  }
0x872: {  	s1 =	simm.s32 $0x16280  }
0x873: {  	[hbm4b:s5+s3] =	stream.indirect_vreg.scatter [tilespmem:s1], [sflag:$0x2], $0x80, v8, vm10, $0xb8;
	[tilespmem:$0x16EA0] =	vst v63  }
0x874: {  	s1 =	simm.s32 $0x16A80  }
0x875: {  	[hbm4b:s16+s3] =	stream.indirect_vreg.scatter [tilespmem:s1], [sflag:$0x2], $0x80, v8, vm11, $0xb8;
	[tilespmem:$0x16EA0] =	vst v63  }
0x876: {  	_ =	swait.ge [sflag:s22], $0xA800  }
0x877: {  	[sflag:s22] =	ssyncset.done $0x0  }
0x878: {  	s23 =	simm.s32 $0xC680;
	s1 =	rddreg [dreg:$0x1e];
	[sflag:s22] =	ssyncadd.s32 $0xFFFF5800  }
0x879: {  	[tilespmem:s23], [sflag:$0x2] =	stream.linear.gather [hbm4b:s1+s3], $0xA800, $0x38;
	[tilespmem:$0x16EA0] =	vst v63  }
0x87a: {  	_ =	swait.ge [sflag:s26], $0xA800  }
0x87b: {  	[sflag:s26] =	ssyncset.done $0x0  }
0x87c: {  	[sflag:s26] =	ssyncadd.s32 $0xFFFF5800  }
0x87d: {  	v8 =	vld [tilespmem:$0xF00];
	_ =	sdelay $0x4  }
0x87e: {  	v46 =	vshrl.u32 v8, $0x3  }
0x87f: {  	v9 =	vmul.u32 $0x18, v46  }
0x880: {  	v8 =	vand.u32 $0x7, v8  }
0x881: {  	v8 =	vor.u32 v8, v9  }
0x882: {  	v9 =	vperm.xlane v8, v5;
	_ =	sdelay $0x1  }
0x883: {  	v9 =	vadd.s32 v6, v9;
	_ =	sdelay $0x1  }
0x884: {  	v8 =	vperm.xlane v8, v7;
	_ =	sdelay $0x1  }
0x885: {  	s20 =	simm.s32 $0x1E80;
	v8 =	vadd.s32 v6, v8  }
0x886: {  	[hbm4b:s5+s3] =	stream.indirect_vreg.scatter [tilespmem:s20], [sflag:$0x1], $0x80, v9, vm10, $0xb8;
	[tilespmem:$0x16EA0] =	vst v63  }
0x887: {  	s1 =	simm.s32 $0x2680  }
0x888: {  	[hbm4b:s16+s3] =	stream.indirect_vreg.scatter [tilespmem:s1], [sflag:$0x1], $0x80, v9, vm11, $0xb8;
	[tilespmem:$0x16EA0] =	vst v63  }
0x889: {  	s28 =	simm.s32 $0x2A80  }
0x88a: {  	[hbm4b:s5+s3] =	stream.indirect_vreg.scatter [tilespmem:s28], [sflag:$0x1], $0x80, v8, vm10, $0xb8;
	[tilespmem:$0x16EA0] =	vst v63  }
0x88b: {  	s28 =	simm.s32 $0x3280  }
0x88c: {  	[hbm4b:s16+s3] =	stream.indirect_vreg.scatter [tilespmem:s28], [sflag:$0x1], $0x80, v8, vm11, $0xb8;
	[tilespmem:$0x16EA0] =	vst v63  }
0x88d: {  	v8 =	vld [tilespmem:$0xF10];
	_ =	sdelay $0x4  }
0x88e: {  	v47 =	vshrl.u32 v8, $0x3  }
0x88f: {  	v9 =	vmul.u32 $0x18, v47  }
0x890: {  	v8 =	vand.u32 $0x7, v8  }
0x891: {  	v8 =	vor.u32 v8, v9  }
0x892: {  	v9 =	vperm.xlane v8, v5;
	_ =	sdelay $0x1  }
0x893: {  	v9 =	vadd.s32 v6, v9;
	_ =	sdelay $0x1  }
0x894: {  	v8 =	vperm.xlane v8, v7;
	_ =	sdelay $0x1  }
0x895: {  	s28 =	simm.s32 $0x3680;
	v8 =	vadd.s32 v6, v8  }
0x896: {  	[hbm4b:s5+s3] =	stream.indirect_vreg.scatter [tilespmem:s28], [sflag:$0x1], $0x80, v9, vm10, $0xb8;
	[tilespmem:$0x16EA0] =	vst v63  }
0x897: {  	s28 =	simm.s32 $0x3E80  }
0x898: {  	[hbm4b:s16+s3] =	stream.indirect_vreg.scatter [tilespmem:s28], [sflag:$0x1], $0x80, v9, vm11, $0xb8;
	[tilespmem:$0x16EA0] =	vst v63  }
0x899: {  	s28 =	simm.s32 $0x4280  }
0x89a: {  	[hbm4b:s5+s3] =	stream.indirect_vreg.scatter [tilespmem:s28], [sflag:$0x1], $0x80, v8, vm10, $0xb8;
	[tilespmem:$0x16EA0] =	vst v63  }
0x89b: {  	s28 =	simm.s32 $0x4A80  }
0x89c: {  	[hbm4b:s16+s3] =	stream.indirect_vreg.scatter [tilespmem:s28], [sflag:$0x1], $0x80, v8, vm11, $0xb8;
	[tilespmem:$0x16EA0] =	vst v63  }
0x89d: {  	v8 =	vld [tilespmem:$0xF20];
	_ =	sdelay $0x4  }
0x89e: {  	v48 =	vshrl.u32 v8, $0x3  }
0x89f: {  	v9 =	vmul.u32 $0x18, v48  }
0x8a0: {  	v8 =	vand.u32 $0x7, v8  }
0x8a1: {  	v8 =	vor.u32 v8, v9  }
0x8a2: {  	v9 =	vperm.xlane v8, v5;
	_ =	sdelay $0x1  }
0x8a3: {  	v9 =	vadd.s32 v6, v9;
	_ =	sdelay $0x1  }
0x8a4: {  	v8 =	vperm.xlane v8, v7;
	_ =	sdelay $0x1  }
0x8a5: {  	s28 =	simm.s32 $0x4E80;
	v8 =	vadd.s32 v6, v8  }
0x8a6: {  	[hbm4b:s5+s3] =	stream.indirect_vreg.scatter [tilespmem:s28], [sflag:$0x1], $0x80, v9, vm10, $0xb8;
	[tilespmem:$0x16EA0] =	vst v63  }
0x8a7: {  	s28 =	simm.s32 $0x5680  }
0x8a8: {  	[hbm4b:s16+s3] =	stream.indirect_vreg.scatter [tilespmem:s28], [sflag:$0x1], $0x80, v9, vm11, $0xb8;
	[tilespmem:$0x16EA0] =	vst v63  }
0x8a9: {  	_ = 	snop  }
0x8aa: {  	[hbm4b:s5+s3] =	stream.indirect_vreg.scatter [tilespmem:s25], [sflag:$0x1], $0x80, v8, vm10, $0xb8;
	[tilespmem:$0x16EA0] =	vst v63  }
0x8ab: {  	_ = 	snop  }
0x8ac: {  	[hbm4b:s16+s3] =	stream.indirect_vreg.scatter [tilespmem:s17], [sflag:$0x1], $0x80, v8, vm11, $0xb8;
	[tilespmem:$0x16EA0] =	vst v63  }
0x8ad: {  	v8 =	vld [tilespmem:$0xF30];
	_ =	sdelay $0x4  }
0x8ae: {  	v49 =	vshrl.u32 v8, $0x3  }
0x8af: {  	v9 =	vmul.u32 $0x18, v49  }
0x8b0: {  	v8 =	vand.u32 $0x7, v8  }
0x8b1: {  	v8 =	vor.u32 v8, v9  }
0x8b2: {  	v9 =	vperm.xlane v8, v5;
	_ =	sdelay $0x1  }
0x8b3: {  	v9 =	vadd.s32 v6, v9;
	_ =	sdelay $0x1  }
0x8b4: {  	v8 =	vperm.xlane v8, v7;
	_ =	sdelay $0x1  }
0x8b5: {  	v8 =	vadd.s32 v6, v8  }
0x8b6: {  	[hbm4b:s5+s3] =	stream.indirect_vreg.scatter [tilespmem:s21], [sflag:$0x1], $0x80, v9, vm10, $0xb8;
	[tilespmem:$0x16EA0] =	vst v63  }
0x8b7: {  	_ = 	snop  }
0x8b8: {  	[hbm4b:s16+s3] =	stream.indirect_vreg.scatter [tilespmem:s24], [sflag:$0x1], $0x80, v9, vm11, $0xb8;
	[tilespmem:$0x16EA0] =	vst v63  }
0x8b9: {  	s24 =	simm.s32 $0x7280  }
0x8ba: {  	[hbm4b:s5+s3] =	stream.indirect_vreg.scatter [tilespmem:s24], [sflag:$0x1], $0x80, v8, vm10, $0xb8;
	[tilespmem:$0x16EA0] =	vst v63  }
0x8bb: {  	s1 =	simm.s32 $0x7A80  }
0x8bc: {  	[hbm4b:s16+s3] =	stream.indirect_vreg.scatter [tilespmem:s1], [sflag:$0x1], $0x80, v8, vm11, $0xb8;
	[tilespmem:$0x16EA0] =	vst v63  }
0x8bd: {  	v8 =	vld [tilespmem:$0xF40];
	_ =	sdelay $0x4  }
0x8be: {  	v50 =	vshrl.u32 v8, $0x3  }
0x8bf: {  	v9 =	vmul.u32 $0x18, v50  }
0x8c0: {  	v8 =	vand.u32 $0x7, v8  }
0x8c1: {  	v8 =	vor.u32 v8, v9  }
0x8c2: {  	v9 =	vperm.xlane v8, v5;
	_ =	sdelay $0x1  }
0x8c3: {  	v9 =	vadd.s32 v6, v9;
	_ =	sdelay $0x1  }
0x8c4: {  	v8 =	vperm.xlane v8, v7;
	_ =	sdelay $0x1  }
0x8c5: {  	v8 =	vadd.s32 v6, v8  }
0x8c6: {  	[hbm4b:s5+s3] =	stream.indirect_vreg.scatter [tilespmem:s7], [sflag:$0x1], $0x80, v9, vm10, $0xb8;
	[tilespmem:$0x16EA0] =	vst v63  }
0x8c7: {  	_ = 	snop  }
0x8c8: {  	[hbm4b:s16+s3] =	stream.indirect_vreg.scatter [tilespmem:s8], [sflag:$0x1], $0x80, v9, vm11, $0xb8;
	[tilespmem:$0x16EA0] =	vst v63  }
0x8c9: {  	_ = 	snop  }
0x8ca: {  	[hbm4b:s5+s3] =	stream.indirect_vreg.scatter [tilespmem:s9], [sflag:$0x1], $0x80, v8, vm10, $0xb8;
	[tilespmem:$0x16EA0] =	vst v63  }
0x8cb: {  	s1 =	simm.s32 $0x9280  }
0x8cc: {  	[hbm4b:s16+s3] =	stream.indirect_vreg.scatter [tilespmem:s1], [sflag:$0x1], $0x80, v8, vm11, $0xb8;
	[tilespmem:$0x16EA0] =	vst v63  }
0x8cd: {  	v8 =	vld [tilespmem:$0xF50];
	_ =	sdelay $0x4  }
0x8ce: {  	v51 =	vshrl.u32 v8, $0x3  }
0x8cf: {  	v9 =	vmul.u32 $0x18, v51  }
0x8d0: {  	v8 =	vand.u32 $0x7, v8  }
0x8d1: {  	v8 =	vor.u32 v8, v9  }
0x8d2: {  	v9 =	vperm.xlane v8, v5;
	_ =	sdelay $0x1  }
0x8d3: {  	v9 =	vadd.s32 v6, v9;
	_ =	sdelay $0x1  }
0x8d4: {  	v8 =	vperm.xlane v8, v7;
	_ =	sdelay $0x1  }
0x8d5: {  	v8 =	vadd.s32 v6, v8  }
0x8d6: {  	[hbm4b:s5+s3] =	stream.indirect_vreg.scatter [tilespmem:s10], [sflag:$0x1], $0x80, v9, vm10, $0xb8;
	[tilespmem:$0x16EA0] =	vst v63  }
0x8d7: {  	_ = 	snop  }
0x8d8: {  	[hbm4b:s16+s3] =	stream.indirect_vreg.scatter [tilespmem:s11], [sflag:$0x1], $0x80, v9, vm11, $0xb8;
	[tilespmem:$0x16EA0] =	vst v63  }
0x8d9: {  	_ = 	snop  }
0x8da: {  	[hbm4b:s5+s3] =	stream.indirect_vreg.scatter [tilespmem:s12], [sflag:$0x1], $0x80, v8, vm10, $0xb8;
	[tilespmem:$0x16EA0] =	vst v63  }
0x8db: {  	_ = 	snop  }
0x8dc: {  	[hbm4b:s16+s3] =	stream.indirect_vreg.scatter [tilespmem:s18], [sflag:$0x1], $0x80, v8, vm11, $0xb8;
	[tilespmem:$0x16EA0] =	vst v63  }
0x8dd: {  	v8 =	vld [tilespmem:$0xF60];
	_ =	sdelay $0x4  }
0x8de: {  	v52 =	vshrl.u32 v8, $0x3  }
0x8df: {  	v9 =	vmul.u32 $0x18, v52  }
0x8e0: {  	v8 =	vand.u32 $0x7, v8  }
0x8e1: {  	v8 =	vor.u32 v8, v9  }
0x8e2: {  	v9 =	vperm.xlane v8, v5;
	_ =	sdelay $0x1  }
0x8e3: {  	v9 =	vadd.s32 v6, v9;
	_ =	sdelay $0x1  }
0x8e4: {  	v8 =	vperm.xlane v8, v7;
	_ =	sdelay $0x1  }
0x8e5: {  	v8 =	vadd.s32 v6, v8  }
0x8e6: {  	[hbm4b:s5+s3] =	stream.indirect_vreg.scatter [tilespmem:s13], [sflag:$0x1], $0x80, v9, vm10, $0xb8;
	[tilespmem:$0x16EA0] =	vst v63  }
0x8e7: {  	_ = 	snop  }
0x8e8: {  	[hbm4b:s16+s3] =	stream.indirect_vreg.scatter [tilespmem:s14], [sflag:$0x1], $0x80, v9, vm11, $0xb8;
	[tilespmem:$0x16EA0] =	vst v63  }
0x8e9: {  	_ = 	snop  }
0x8ea: {  	[hbm4b:s5+s3] =	stream.indirect_vreg.scatter [tilespmem:s15], [sflag:$0x1], $0x80, v8, vm10, $0xb8;
	[tilespmem:$0x16EA0] =	vst v63  }
0x8eb: {  	_ = 	snop  }
0x8ec: {  	[hbm4b:s16+s3] =	stream.indirect_vreg.scatter [tilespmem:s19], [sflag:$0x1], $0x80, v8, vm11, $0xb8;
	[tilespmem:$0x16EA0] =	vst v63  }
0x8ed: {  	_ =	swait.ge [sflag:s26], $0xA800  }
0x8ee: {  	[sflag:s26] =	ssyncset.done $0x0  }
0x8ef: {  	s1 =	rddreg [dreg:$0x1f];
	[sflag:s26] =	ssyncadd.s32 $0xFFFF5800  }
0x8f0: {  	[tilespmem:s20], [sflag:$0x1] =	stream.linear.gather [hbm4b:s1+s3], $0xA800, $0x38;
	[tilespmem:$0x16EA0] =	vst v63  }
0x8f1: {  	_ =	swait.ge [sflag:s22], $0xA800  }
0x8f2: {  	[sflag:s22] =	ssyncset.done $0x0  }
0x8f3: {  	[sflag:s22] =	ssyncadd.s32 $0xFFFF5800  }
0x8f4: {  	v8 =	vld [tilespmem:$0xF80];
	_ =	sdelay $0x4  }
0x8f5: {  	v53 =	vshrl.u32 v8, $0x3  }
0x8f6: {  	v9 =	vmul.u32 $0x18, v53  }
0x8f7: {  	v8 =	vand.u32 $0x7, v8  }
0x8f8: {  	v8 =	vor.u32 v8, v9  }
0x8f9: {  	v9 =	vperm.xlane v8, v5;
	_ =	sdelay $0x1  }
0x8fa: {  	v9 =	vadd.s32 v6, v9;
	_ =	sdelay $0x1  }
0x8fb: {  	v8 =	vperm.xlane v8, v7;
	_ =	sdelay $0x1  }
0x8fc: {  	v8 =	vadd.s32 v6, v8  }
0x8fd: {  	[hbm4b:s5+s3] =	stream.indirect_vreg.scatter [tilespmem:s23], [sflag:$0x2], $0x80, v9, vm10, $0xb8;
	[tilespmem:$0x16EA0] =	vst v63  }
0x8fe: {  	_ = 	snop  }
0x8ff: {  	[hbm4b:s16+s3] =	stream.indirect_vreg.scatter [tilespmem:s29], [sflag:$0x2], $0x80, v9, vm11, $0xb8;
	[tilespmem:$0x16EA0] =	vst v63  }
0x900: {  	_ = 	snop  }
0x901: {  	[hbm4b:s5+s3] =	stream.indirect_vreg.scatter [tilespmem:s30], [sflag:$0x2], $0x80, v8, vm10, $0xb8;
	[tilespmem:$0x16EA0] =	vst v63  }
0x902: {  	s1 =	simm.s32 $0xDA80  }
0x903: {  	[hbm4b:s16+s3] =	stream.indirect_vreg.scatter [tilespmem:s1], [sflag:$0x2], $0x80, v8, vm11, $0xb8;
	[tilespmem:$0x16EA0] =	vst v63  }
0x904: {  	v8 =	vld [tilespmem:$0xF90];
	_ =	sdelay $0x4  }
0x905: {  	v54 =	vshrl.u32 v8, $0x3  }
0x906: {  	v9 =	vmul.u32 $0x18, v54  }
0x907: {  	v8 =	vand.u32 $0x7, v8  }
0x908: {  	v8 =	vor.u32 v8, v9  }
0x909: {  	v9 =	vperm.xlane v8, v5;
	_ =	sdelay $0x1  }
0x90a: {  	v9 =	vadd.s32 v6, v9;
	_ =	sdelay $0x1  }
0x90b: {  	v8 =	vperm.xlane v8, v7;
	_ =	sdelay $0x1  }
0x90c: {  	v8 =	vadd.s32 v6, v8  }
0x90d: {  	[hbm4b:s5+s3] =	stream.indirect_vreg.scatter [tilespmem:s31], [sflag:$0x2], $0x80, v9, vm10, $0xb8;
	[tilespmem:$0x16EA0] =	vst v63  }
0x90e: {  	_ = 	snop  }
0x90f: {  	[hbm4b:s16+s3] =	stream.indirect_vreg.scatter [tilespmem:s0], [sflag:$0x2], $0x80, v9, vm11, $0xb8;
	[tilespmem:$0x16EA0] =	vst v63  }
0x910: {  	_ = 	snop  }
0x911: {  	[hbm4b:s5+s3] =	stream.indirect_vreg.scatter [tilespmem:s2], [sflag:$0x2], $0x80, v8, vm10, $0xb8;
	[tilespmem:$0x16EA0] =	vst v63  }
0x912: {  	_ = 	snop  }
0x913: {  	[hbm4b:s16+s3] =	stream.indirect_vreg.scatter [tilespmem:s6], [sflag:$0x2], $0x80, v8, vm11, $0xb8;
	[tilespmem:$0x16EA0] =	vst v63  }
0x914: {  	v8 =	vld [tilespmem:$0xFA0];
	_ =	sdelay $0x4  }
0x915: {  	v55 =	vshrl.u32 v8, $0x3  }
0x916: {  	v9 =	vmul.u32 $0x18, v55  }
0x917: {  	v8 =	vand.u32 $0x7, v8  }
0x918: {  	v8 =	vor.u32 v8, v9  }
0x919: {  	v9 =	vperm.xlane v8, v5;
	_ =	sdelay $0x1  }
0x91a: {  	v9 =	vadd.s32 v6, v9;
	_ =	sdelay $0x1  }
0x91b: {  	v8 =	vperm.xlane v8, v7;
	_ =	sdelay $0x1  }
0x91c: {  	s6 =	simm.s32 $0xF680;
	v8 =	vadd.s32 v6, v8  }
0x91d: {  	[hbm4b:s5+s3] =	stream.indirect_vreg.scatter [tilespmem:s6], [sflag:$0x2], $0x80, v9, vm10, $0xb8;
	[tilespmem:$0x16EA0] =	vst v63  }
0x91e: {  	s1 =	simm.s32 $0xFE80  }
0x91f: {  	[hbm4b:s16+s3] =	stream.indirect_vreg.scatter [tilespmem:s1], [sflag:$0x2], $0x80, v9, vm11, $0xb8;
	[tilespmem:$0x16EA0] =	vst v63  }
0x920: {  	s1 =	simm.s32 $0x10280  }
0x921: {  	[hbm4b:s5+s3] =	stream.indirect_vreg.scatter [tilespmem:s1], [sflag:$0x2], $0x80, v8, vm10, $0xb8;
	[tilespmem:$0x16EA0] =	vst v63  }
0x922: {  	s1 =	simm.s32 $0x10A80  }
0x923: {  	[hbm4b:s16+s3] =	stream.indirect_vreg.scatter [tilespmem:s1], [sflag:$0x2], $0x80, v8, vm11, $0xb8;
	[tilespmem:$0x16EA0] =	vst v63  }
0x924: {  	v8 =	vld [tilespmem:$0xFB0];
	_ =	sdelay $0x4  }
0x925: {  	v56 =	vshrl.u32 v8, $0x3  }
0x926: {  	v9 =	vmul.u32 $0x18, v56  }
0x927: {  	v8 =	vand.u32 $0x7, v8  }
0x928: {  	v8 =	vor.u32 v8, v9  }
0x929: {  	v9 =	vperm.xlane v8, v5;
	_ =	sdelay $0x1  }
0x92a: {  	v9 =	vadd.s32 v6, v9;
	_ =	sdelay $0x1  }
0x92b: {  	v8 =	vperm.xlane v8, v7;
	_ =	sdelay $0x1  }
0x92c: {  	s1 =	simm.s32 $0x10E80;
	v8 =	vadd.s32 v6, v8  }
0x92d: {  	[hbm4b:s5+s3] =	stream.indirect_vreg.scatter [tilespmem:s1], [sflag:$0x2], $0x80, v9, vm10, $0xb8;
	[tilespmem:$0x16EA0] =	vst v63  }
0x92e: {  	s1 =	simm.s32 $0x11680  }
0x92f: {  	[hbm4b:s16+s3] =	stream.indirect_vreg.scatter [tilespmem:s1], [sflag:$0x2], $0x80, v9, vm11, $0xb8;
	[tilespmem:$0x16EA0] =	vst v63  }
0x930: {  	s1 =	simm.s32 $0x11A80  }
0x931: {  	[hbm4b:s5+s3] =	stream.indirect_vreg.scatter [tilespmem:s1], [sflag:$0x2], $0x80, v8, vm10, $0xb8;
	[tilespmem:$0x16EA0] =	vst v63  }
0x932: {  	s1 =	simm.s32 $0x12280  }
0x933: {  	[hbm4b:s16+s3] =	stream.indirect_vreg.scatter [tilespmem:s1], [sflag:$0x2], $0x80, v8, vm11, $0xb8;
	[tilespmem:$0x16EA0] =	vst v63  }
0x934: {  	v8 =	vld [tilespmem:$0xFC0];
	_ =	sdelay $0x4  }
0x935: {  	v57 =	vshrl.u32 v8, $0x3  }
0x936: {  	v9 =	vmul.u32 $0x18, v57  }
0x937: {  	v8 =	vand.u32 $0x7, v8  }
0x938: {  	v8 =	vor.u32 v8, v9  }
0x939: {  	v9 =	vperm.xlane v8, v5;
	_ =	sdelay $0x1  }
0x93a: {  	v9 =	vadd.s32 v6, v9;
	_ =	sdelay $0x1  }
0x93b: {  	v8 =	vperm.xlane v8, v7;
	_ =	sdelay $0x1  }
0x93c: {  	s1 =	simm.s32 $0x12680;
	v8 =	vadd.s32 v6, v8  }
0x93d: {  	[hbm4b:s5+s3] =	stream.indirect_vreg.scatter [tilespmem:s1], [sflag:$0x2], $0x80, v9, vm10, $0xb8;
	[tilespmem:$0x16EA0] =	vst v63  }
0x93e: {  	s1 =	simm.s32 $0x12E80  }
0x93f: {  	[hbm4b:s16+s3] =	stream.indirect_vreg.scatter [tilespmem:s1], [sflag:$0x2], $0x80, v9, vm11, $0xb8;
	[tilespmem:$0x16EA0] =	vst v63  }
0x940: {  	s1 =	simm.s32 $0x13280  }
0x941: {  	[hbm4b:s5+s3] =	stream.indirect_vreg.scatter [tilespmem:s1], [sflag:$0x2], $0x80, v8, vm10, $0xb8;
	[tilespmem:$0x16EA0] =	vst v63  }
0x942: {  	s1 =	simm.s32 $0x13A80  }
0x943: {  	[hbm4b:s16+s3] =	stream.indirect_vreg.scatter [tilespmem:s1], [sflag:$0x2], $0x80, v8, vm11, $0xb8;
	[tilespmem:$0x16EA0] =	vst v63  }
0x944: {  	v8 =	vld [tilespmem:$0xFD0];
	_ =	sdelay $0x4  }
0x945: {  	v58 =	vshrl.u32 v8, $0x3  }
0x946: {  	v9 =	vmul.u32 $0x18, v58  }
0x947: {  	v8 =	vand.u32 $0x7, v8  }
0x948: {  	v8 =	vor.u32 v8, v9  }
0x949: {  	v9 =	vperm.xlane v8, v5;
	_ =	sdelay $0x1  }
0x94a: {  	v9 =	vadd.s32 v6, v9;
	_ =	sdelay $0x1  }
0x94b: {  	v8 =	vperm.xlane v8, v7;
	_ =	sdelay $0x1  }
0x94c: {  	s1 =	simm.s32 $0x13E80;
	v8 =	vadd.s32 v6, v8  }
0x94d: {  	[hbm4b:s5+s3] =	stream.indirect_vreg.scatter [tilespmem:s1], [sflag:$0x2], $0x80, v9, vm10, $0xb8;
	[tilespmem:$0x16EA0] =	vst v63  }
0x94e: {  	s1 =	simm.s32 $0x14680  }
0x94f: {  	[hbm4b:s16+s3] =	stream.indirect_vreg.scatter [tilespmem:s1], [sflag:$0x2], $0x80, v9, vm11, $0xb8;
	[tilespmem:$0x16EA0] =	vst v63  }
0x950: {  	s1 =	simm.s32 $0x14A80  }
0x951: {  	[hbm4b:s5+s3] =	stream.indirect_vreg.scatter [tilespmem:s1], [sflag:$0x2], $0x80, v8, vm10, $0xb8;
	[tilespmem:$0x16EA0] =	vst v63  }
0x952: {  	s1 =	simm.s32 $0x15280  }
0x953: {  	[hbm4b:s16+s3] =	stream.indirect_vreg.scatter [tilespmem:s1], [sflag:$0x2], $0x80, v8, vm11, $0xb8;
	[tilespmem:$0x16EA0] =	vst v63  }
0x954: {  	v8 =	vld [tilespmem:$0xFE0];
	_ =	sdelay $0x4  }
0x955: {  	v59 =	vshrl.u32 v8, $0x3  }
0x956: {  	v9 =	vmul.u32 $0x18, v59  }
0x957: {  	v8 =	vand.u32 $0x7, v8  }
0x958: {  	v8 =	vor.u32 v8, v9  }
0x959: {  	v9 =	vperm.xlane v8, v5;
	_ =	sdelay $0x1  }
0x95a: {  	v9 =	vadd.s32 v6, v9;
	_ =	sdelay $0x1  }
0x95b: {  	v8 =	vperm.xlane v8, v7;
	_ =	sdelay $0x1  }
0x95c: {  	s1 =	simm.s32 $0x15680;
	v8 =	vadd.s32 v6, v8  }
0x95d: {  	[hbm4b:s5+s3] =	stream.indirect_vreg.scatter [tilespmem:s1], [sflag:$0x2], $0x80, v9, vm10, $0xb8;
	[tilespmem:$0x16EA0] =	vst v63  }
0x95e: {  	s1 =	simm.s32 $0x15E80  }
0x95f: {  	[hbm4b:s16+s3] =	stream.indirect_vreg.scatter [tilespmem:s1], [sflag:$0x2], $0x80, v9, vm11, $0xb8;
	[tilespmem:$0x16EA0] =	vst v63  }
0x960: {  	s1 =	simm.s32 $0x16280  }
0x961: {  	[hbm4b:s5+s3] =	stream.indirect_vreg.scatter [tilespmem:s1], [sflag:$0x2], $0x80, v8, vm10, $0xb8;
	[tilespmem:$0x16EA0] =	vst v63  }
0x962: {  	s1 =	simm.s32 $0x16A80  }
0x963: {  	[hbm4b:s16+s3] =	stream.indirect_vreg.scatter [tilespmem:s1], [sflag:$0x2], $0x80, v8, vm11, $0xb8;
	[tilespmem:$0x16EA0] =	vst v63  }
0x964: {  	_ =	swait.ge [sflag:s22], $0xA800  }
0x965: {  	s1 =	sld [smem:$0x7F6]  }
0x966: {  	[sflag:s22] =	ssyncset.done $0x0  }
0x967: {  	s31 =	simm.s32 $0xC680;
	[sflag:s22] =	ssyncadd.s32 $0xFFFF5800  }
0x968: {  	[tilespmem:s31], [sflag:$0x2] =	stream.linear.gather [hbm4b:s1+s3], $0xA800, $0x38;
	[tilespmem:$0x16EA0] =	vst v63  }
0x969: {  	_ =	swait.ge [sflag:s26], $0xA800  }
0x96a: {  	[sflag:s26] =	ssyncset.done $0x0  }
0x96b: {  	[sflag:s26] =	ssyncadd.s32 $0xFFFF5800  }
0x96c: {  	v8 =	vld [tilespmem:$0x1000];
	_ =	sdelay $0x4  }
0x96d: {  	v60 =	vshrl.u32 v8, $0x3  }
0x96e: {  	v9 =	vmul.u32 $0x18, v60  }
0x96f: {  	v8 =	vand.u32 $0x7, v8  }
0x970: {  	v8 =	vor.u32 v8, v9  }
0x971: {  	v9 =	vperm.xlane v8, v5;
	_ =	sdelay $0x1  }
0x972: {  	v9 =	vadd.s32 v6, v9;
	_ =	sdelay $0x1  }
0x973: {  	v8 =	vperm.xlane v8, v7;
	_ =	sdelay $0x1  }
0x974: {  	s23 =	simm.s32 $0x1E80;
	v8 =	vadd.s32 v6, v8  }
0x975: {  	[hbm4b:s5+s3] =	stream.indirect_vreg.scatter [tilespmem:s23], [sflag:$0x1], $0x80, v9, vm10, $0xb8;
	[tilespmem:$0x16EA0] =	vst v63  }
0x976: {  	s1 =	simm.s32 $0x2680  }
0x977: {  	[hbm4b:s16+s3] =	stream.indirect_vreg.scatter [tilespmem:s1], [sflag:$0x1], $0x80, v9, vm11, $0xb8;
	[tilespmem:$0x16EA0] =	vst v63  }
0x978: {  	s1 =	simm.s32 $0x2A80  }
0x979: {  	[hbm4b:s5+s3] =	stream.indirect_vreg.scatter [tilespmem:s1], [sflag:$0x1], $0x80, v8, vm10, $0xb8;
	[tilespmem:$0x16EA0] =	vst v63  }
0x97a: {  	s1 =	simm.s32 $0x3280  }
0x97b: {  	[hbm4b:s16+s3] =	stream.indirect_vreg.scatter [tilespmem:s1], [sflag:$0x1], $0x80, v8, vm11, $0xb8;
	[tilespmem:$0x16EA0] =	vst v63  }
0x97c: {  	v8 =	vld [tilespmem:$0x1010];
	_ =	sdelay $0x4  }
0x97d: {  	v61 =	vshrl.u32 v8, $0x3  }
0x97e: {  	v9 =	vmul.u32 $0x18, v61  }
0x97f: {  	v8 =	vand.u32 $0x7, v8  }
0x980: {  	v8 =	vor.u32 v8, v9  }
0x981: {  	v9 =	vperm.xlane v8, v5;
	_ =	sdelay $0x1  }
0x982: {  	v9 =	vadd.s32 v6, v9;
	_ =	sdelay $0x1  }
0x983: {  	v8 =	vperm.xlane v8, v7;
	_ =	sdelay $0x1  }
0x984: {  	s1 =	simm.s32 $0x3680;
	v8 =	vadd.s32 v6, v8  }
0x985: {  	[hbm4b:s5+s3] =	stream.indirect_vreg.scatter [tilespmem:s1], [sflag:$0x1], $0x80, v9, vm10, $0xb8;
	[tilespmem:$0x16EA0] =	vst v63  }
0x986: {  	s1 =	simm.s32 $0x3E80  }
0x987: {  	[hbm4b:s16+s3] =	stream.indirect_vreg.scatter [tilespmem:s1], [sflag:$0x1], $0x80, v9, vm11, $0xb8;
	[tilespmem:$0x16EA0] =	vst v63  }
0x988: {  	s1 =	simm.s32 $0x4280  }
0x989: {  	[hbm4b:s5+s3] =	stream.indirect_vreg.scatter [tilespmem:s1], [sflag:$0x1], $0x80, v8, vm10, $0xb8;
	[tilespmem:$0x16EA0] =	vst v63  }
0x98a: {  	s1 =	simm.s32 $0x4A80  }
0x98b: {  	[hbm4b:s16+s3] =	stream.indirect_vreg.scatter [tilespmem:s1], [sflag:$0x1], $0x80, v8, vm11, $0xb8;
	[tilespmem:$0x16EA0] =	vst v63  }
0x98c: {  	v8 =	vld [tilespmem:$0x1020];
	_ =	sdelay $0x4  }
0x98d: {  	v62 =	vshrl.u32 v8, $0x3  }
0x98e: {  	v9 =	vmul.u32 $0x18, v62  }
0x98f: {  	v8 =	vand.u32 $0x7, v8  }
0x990: {  	v8 =	vor.u32 v8, v9  }
0x991: {  	v9 =	vperm.xlane v8, v5;
	_ =	sdelay $0x1  }
0x992: {  	v9 =	vadd.s32 v6, v9;
	_ =	sdelay $0x1  }
0x993: {  	v8 =	vperm.xlane v8, v7;
	_ =	sdelay $0x1  }
0x994: {  	s1 =	simm.s32 $0x4E80;
	v8 =	vadd.s32 v6, v8  }
0x995: {  	[hbm4b:s5+s3] =	stream.indirect_vreg.scatter [tilespmem:s1], [sflag:$0x1], $0x80, v9, vm10, $0xb8;
	[tilespmem:$0x16EA0] =	vst v63  }
0x996: {  	s1 =	simm.s32 $0x5680  }
0x997: {  	[hbm4b:s16+s3] =	stream.indirect_vreg.scatter [tilespmem:s1], [sflag:$0x1], $0x80, v9, vm11, $0xb8;
	[tilespmem:$0x16EA0] =	vst v63  }
0x998: {  	s25 =	simm.s32 $0x5A80  }
0x999: {  	[hbm4b:s5+s3] =	stream.indirect_vreg.scatter [tilespmem:s25], [sflag:$0x1], $0x80, v8, vm10, $0xb8;
	[tilespmem:$0x16EA0] =	vst v63  }
0x99a: {  	s28 =	simm.s32 $0x6280  }
0x99b: {  	[hbm4b:s16+s3] =	stream.indirect_vreg.scatter [tilespmem:s28], [sflag:$0x1], $0x80, v8, vm11, $0xb8;
	[tilespmem:$0x16EA0] =	vst v63  }
0x99c: {  	v8 =	vld [tilespmem:$0x1030];
	_ =	sdelay $0x4  }
0x99d: {  	v63 =	vshrl.u32 v8, $0x3  }
0x99e: {  	v9 =	vmul.u32 $0x18, v63  }
0x99f: {  	v8 =	vand.u32 $0x7, v8  }
0x9a0: {  	v8 =	vor.u32 v8, v9  }
0x9a1: {  	v9 =	vperm.xlane v8, v5;
	_ =	sdelay $0x1  }
0x9a2: {  	v9 =	vadd.s32 v6, v9;
	_ =	sdelay $0x1  }
0x9a3: {  	v8 =	vperm.xlane v8, v7;
	_ =	sdelay $0x1  }
0x9a4: {  	s17 =	simm.s32 $0x6680;
	v8 =	vadd.s32 v6, v8  }
0x9a5: {  	[hbm4b:s5+s3] =	stream.indirect_vreg.scatter [tilespmem:s17], [sflag:$0x1], $0x80, v9, vm10, $0xb8;
	[tilespmem:$0x16EA0] =	vst v63  }
0x9a6: {  	s21 =	simm.s32 $0x6E80  }
0x9a7: {  	[hbm4b:s16+s3] =	stream.indirect_vreg.scatter [tilespmem:s21], [sflag:$0x1], $0x80, v9, vm11, $0xb8;
	[tilespmem:$0x16EA0] =	vst v63  }
0x9a8: {  	s24 =	simm.s32 $0x7280  }
0x9a9: {  	[hbm4b:s5+s3] =	stream.indirect_vreg.scatter [tilespmem:s24], [sflag:$0x1], $0x80, v8, vm10, $0xb8;
	[tilespmem:$0x16EA0] =	vst v63  }
0x9aa: {  	s1 =	simm.s32 $0x7A80  }
0x9ab: {  	[hbm4b:s16+s3] =	stream.indirect_vreg.scatter [tilespmem:s1], [sflag:$0x1], $0x80, v8, vm11, $0xb8;
	[tilespmem:$0x16EA0] =	vst v63  }
0x9ac: {  	v8 =	vld [tilespmem:$0x1040];
	_ =	sdelay $0x4  }
0x9ad: {  	v12 =	vshrl.u32 v8, $0x3  }
0x9ae: {  	v9 =	vmul.u32 $0x18, v12  }
0x9af: {  	v8 =	vand.u32 $0x7, v8  }
0x9b0: {  	v8 =	vor.u32 v8, v9  }
0x9b1: {  	v9 =	vperm.xlane v8, v5;
	_ =	sdelay $0x1  }
0x9b2: {  	v9 =	vadd.s32 v6, v9;
	_ =	sdelay $0x1  }
0x9b3: {  	v8 =	vperm.xlane v8, v7;
	_ =	sdelay $0x1  }
0x9b4: {  	s7 =	simm.s32 $0x7E80;
	v8 =	vadd.s32 v6, v8  }
0x9b5: {  	[hbm4b:s5+s3] =	stream.indirect_vreg.scatter [tilespmem:s7], [sflag:$0x1], $0x80, v9, vm10, $0xb8;
	[tilespmem:$0x16EA0] =	vst v63  }
0x9b6: {  	s8 =	simm.s32 $0x8680  }
0x9b7: {  	[hbm4b:s16+s3] =	stream.indirect_vreg.scatter [tilespmem:s8], [sflag:$0x1], $0x80, v9, vm11, $0xb8;
	[tilespmem:$0x16EA0] =	vst v63  }
0x9b8: {  	s9 =	simm.s32 $0x8A80  }
0x9b9: {  	[hbm4b:s5+s3] =	stream.indirect_vreg.scatter [tilespmem:s9], [sflag:$0x1], $0x80, v8, vm10, $0xb8;
	[tilespmem:$0x16EA0] =	vst v63  }
0x9ba: {  	s1 =	simm.s32 $0x9280  }
0x9bb: {  	[hbm4b:s16+s3] =	stream.indirect_vreg.scatter [tilespmem:s1], [sflag:$0x1], $0x80, v8, vm11, $0xb8;
	[tilespmem:$0x16EA0] =	vst v63  }
0x9bc: {  	v8 =	vld [tilespmem:$0x1050];
	_ =	sdelay $0x4  }
0x9bd: {  	v13 =	vshrl.u32 v8, $0x3  }
0x9be: {  	v9 =	vmul.u32 $0x18, v13  }
0x9bf: {  	v8 =	vand.u32 $0x7, v8  }
0x9c0: {  	v8 =	vor.u32 v8, v9  }
0x9c1: {  	v9 =	vperm.xlane v8, v5;
	_ =	sdelay $0x1  }
0x9c2: {  	v9 =	vadd.s32 v6, v9;
	_ =	sdelay $0x1  }
0x9c3: {  	v8 =	vperm.xlane v8, v7;
	_ =	sdelay $0x1  }
0x9c4: {  	s10 =	simm.s32 $0x9680;
	v8 =	vadd.s32 v6, v8  }
0x9c5: {  	[hbm4b:s5+s3] =	stream.indirect_vreg.scatter [tilespmem:s10], [sflag:$0x1], $0x80, v9, vm10, $0xb8;
	[tilespmem:$0x16EA0] =	vst v63  }
0x9c6: {  	s11 =	simm.s32 $0x9E80  }
0x9c7: {  	[hbm4b:s16+s3] =	stream.indirect_vreg.scatter [tilespmem:s11], [sflag:$0x1], $0x80, v9, vm11, $0xb8;
	[tilespmem:$0x16EA0] =	vst v63  }
0x9c8: {  	s12 =	simm.s32 $0xA280  }
0x9c9: {  	[hbm4b:s5+s3] =	stream.indirect_vreg.scatter [tilespmem:s12], [sflag:$0x1], $0x80, v8, vm10, $0xb8;
	[tilespmem:$0x16EA0] =	vst v63  }
0x9ca: {  	s18 =	simm.s32 $0xAA80  }
0x9cb: {  	[hbm4b:s16+s3] =	stream.indirect_vreg.scatter [tilespmem:s18], [sflag:$0x1], $0x80, v8, vm11, $0xb8;
	[tilespmem:$0x16EA0] =	vst v63  }
0x9cc: {  	v8 =	vld [tilespmem:$0x1060];
	_ =	sdelay $0x4  }
0x9cd: {  	v14 =	vshrl.u32 v8, $0x3  }
0x9ce: {  	v9 =	vmul.u32 $0x18, v14  }
0x9cf: {  	v8 =	vand.u32 $0x7, v8  }
0x9d0: {  	v8 =	vor.u32 v8, v9  }
0x9d1: {  	v9 =	vperm.xlane v8, v5;
	_ =	sdelay $0x1  }
0x9d2: {  	v9 =	vadd.s32 v6, v9;
	_ =	sdelay $0x1  }
0x9d3: {  	v8 =	vperm.xlane v8, v7;
	_ =	sdelay $0x1  }
0x9d4: {  	s13 =	simm.s32 $0xAE80;
	v8 =	vadd.s32 v6, v8  }
0x9d5: {  	[hbm4b:s5+s3] =	stream.indirect_vreg.scatter [tilespmem:s13], [sflag:$0x1], $0x80, v9, vm10, $0xb8;
	[tilespmem:$0x16EA0] =	vst v63  }
0x9d6: {  	s14 =	simm.s32 $0xB680  }
0x9d7: {  	[hbm4b:s16+s3] =	stream.indirect_vreg.scatter [tilespmem:s14], [sflag:$0x1], $0x80, v9, vm11, $0xb8;
	[tilespmem:$0x16EA0] =	vst v63  }
0x9d8: {  	s15 =	simm.s32 $0xBA80  }
0x9d9: {  	[hbm4b:s5+s3] =	stream.indirect_vreg.scatter [tilespmem:s15], [sflag:$0x1], $0x80, v8, vm10, $0xb8;
	[tilespmem:$0x16EA0] =	vst v63  }
0x9da: {  	s19 =	simm.s32 $0xC280  }
0x9db: {  	[hbm4b:s16+s3] =	stream.indirect_vreg.scatter [tilespmem:s19], [sflag:$0x1], $0x80, v8, vm11, $0xb8;
	[tilespmem:$0x16EA0] =	vst v63  }
0x9dc: {  	_ =	swait.ge [sflag:s26], $0xA800  }
0x9dd: {  	s1 =	sld [smem:$0x7F7]  }
0x9de: {  	[sflag:s26] =	ssyncset.done $0x0  }
0x9df: {  	[sflag:s26] =	ssyncadd.s32 $0xFFFF5800  }
0x9e0: {  	[tilespmem:s23], [sflag:$0x1] =	stream.linear.gather [hbm4b:s1+s3], $0xA800, $0x38;
	[tilespmem:$0x16EA0] =	vst v63  }
0x9e1: {  	_ =	swait.ge [sflag:s22], $0xA800  }
0x9e2: {  	[sflag:s22] =	ssyncset.done $0x0  }
0x9e3: {  	[sflag:s22] =	ssyncadd.s32 $0xFFFF5800  }
0x9e4: {  	v8 =	vld [tilespmem:$0x1080];
	_ =	sdelay $0x4  }
0x9e5: {  	v15 =	vshrl.u32 v8, $0x3  }
0x9e6: {  	v9 =	vmul.u32 $0x18, v15  }
0x9e7: {  	v8 =	vand.u32 $0x7, v8  }
0x9e8: {  	v8 =	vor.u32 v8, v9  }
0x9e9: {  	v9 =	vperm.xlane v8, v5;
	_ =	sdelay $0x1  }
0x9ea: {  	v9 =	vadd.s32 v6, v9;
	_ =	sdelay $0x1  }
0x9eb: {  	v8 =	vperm.xlane v8, v7;
	_ =	sdelay $0x1  }
0x9ec: {  	v8 =	vadd.s32 v6, v8  }
0x9ed: {  	[hbm4b:s5+s3] =	stream.indirect_vreg.scatter [tilespmem:s31], [sflag:$0x2], $0x80, v9, vm10, $0xb8;
	[tilespmem:$0x16EA0] =	vst v63  }
0x9ee: {  	s29 =	simm.s32 $0xCE80  }
0x9ef: {  	[hbm4b:s16+s3] =	stream.indirect_vreg.scatter [tilespmem:s29], [sflag:$0x2], $0x80, v9, vm11, $0xb8;
	[tilespmem:$0x16EA0] =	vst v63  }
0x9f0: {  	s30 =	simm.s32 $0xD280  }
0x9f1: {  	[hbm4b:s5+s3] =	stream.indirect_vreg.scatter [tilespmem:s30], [sflag:$0x2], $0x80, v8, vm10, $0xb8;
	[tilespmem:$0x16EA0] =	vst v63  }
0x9f2: {  	s1 =	simm.s32 $0xDA80  }
0x9f3: {  	[hbm4b:s16+s3] =	stream.indirect_vreg.scatter [tilespmem:s1], [sflag:$0x2], $0x80, v8, vm11, $0xb8;
	[tilespmem:$0x16EA0] =	vst v63  }
0x9f4: {  	v8 =	vld [tilespmem:$0x1090];
	_ =	sdelay $0x4  }
0x9f5: {  	v16 =	vshrl.u32 v8, $0x3  }
0x9f6: {  	v9 =	vmul.u32 $0x18, v16  }
0x9f7: {  	v8 =	vand.u32 $0x7, v8  }
0x9f8: {  	v8 =	vor.u32 v8, v9  }
0x9f9: {  	v9 =	vperm.xlane v8, v5;
	_ =	sdelay $0x1  }
0x9fa: {  	v9 =	vadd.s32 v6, v9;
	_ =	sdelay $0x1  }
0x9fb: {  	v8 =	vperm.xlane v8, v7;
	_ =	sdelay $0x1  }
0x9fc: {  	s1 =	simm.s32 $0xDE80;
	v8 =	vadd.s32 v6, v8  }
0x9fd: {  	[hbm4b:s5+s3] =	stream.indirect_vreg.scatter [tilespmem:s1], [sflag:$0x2], $0x80, v9, vm10, $0xb8;
	[tilespmem:$0x16EA0] =	vst v63  }
0x9fe: {  	s0 =	simm.s32 $0xE680  }
0x9ff: {  	[hbm4b:s16+s3] =	stream.indirect_vreg.scatter [tilespmem:s0], [sflag:$0x2], $0x80, v9, vm11, $0xb8;
	[tilespmem:$0x16EA0] =	vst v63  }
0xa00: {  	s2 =	simm.s32 $0xEA80  }
0xa01: {  	[hbm4b:s5+s3] =	stream.indirect_vreg.scatter [tilespmem:s2], [sflag:$0x2], $0x80, v8, vm10, $0xb8;
	[tilespmem:$0x16EA0] =	vst v63  }
0xa02: {  	s1 =	simm.s32 $0xF280  }
0xa03: {  	[hbm4b:s16+s3] =	stream.indirect_vreg.scatter [tilespmem:s1], [sflag:$0x2], $0x80, v8, vm11, $0xb8;
	[tilespmem:$0x16EA0] =	vst v63  }
0xa04: {  	v8 =	vld [tilespmem:$0x10A0];
	_ =	sdelay $0x4  }
0xa05: {  	v17 =	vshrl.u32 v8, $0x3  }
0xa06: {  	v9 =	vmul.u32 $0x18, v17  }
0xa07: {  	v8 =	vand.u32 $0x7, v8  }
0xa08: {  	v8 =	vor.u32 v8, v9  }
0xa09: {  	v9 =	vperm.xlane v8, v5;
	_ =	sdelay $0x1  }
0xa0a: {  	v9 =	vadd.s32 v6, v9;
	_ =	sdelay $0x1  }
0xa0b: {  	v8 =	vperm.xlane v8, v7;
	_ =	sdelay $0x1  }
0xa0c: {  	s6 =	simm.s32 $0xF680;
	v8 =	vadd.s32 v6, v8  }
0xa0d: {  	[hbm4b:s5+s3] =	stream.indirect_vreg.scatter [tilespmem:s6], [sflag:$0x2], $0x80, v9, vm10, $0xb8;
	[tilespmem:$0x16EA0] =	vst v63  }
0xa0e: {  	s1 =	simm.s32 $0xFE80  }
0xa0f: {  	[hbm4b:s16+s3] =	stream.indirect_vreg.scatter [tilespmem:s1], [sflag:$0x2], $0x80, v9, vm11, $0xb8;
	[tilespmem:$0x16EA0] =	vst v63  }
0xa10: {  	s1 =	simm.s32 $0x10280  }
0xa11: {  	[hbm4b:s5+s3] =	stream.indirect_vreg.scatter [tilespmem:s1], [sflag:$0x2], $0x80, v8, vm10, $0xb8;
	[tilespmem:$0x16EA0] =	vst v63  }
0xa12: {  	s1 =	simm.s32 $0x10A80  }
0xa13: {  	[hbm4b:s16+s3] =	stream.indirect_vreg.scatter [tilespmem:s1], [sflag:$0x2], $0x80, v8, vm11, $0xb8;
	[tilespmem:$0x16EA0] =	vst v63  }
0xa14: {  	v8 =	vld [tilespmem:$0x10B0];
	_ =	sdelay $0x4  }
0xa15: {  	v18 =	vshrl.u32 v8, $0x3  }
0xa16: {  	v9 =	vmul.u32 $0x18, v18  }
0xa17: {  	v8 =	vand.u32 $0x7, v8  }
0xa18: {  	v8 =	vor.u32 v8, v9  }
0xa19: {  	v9 =	vperm.xlane v8, v5;
	_ =	sdelay $0x1  }
0xa1a: {  	v9 =	vadd.s32 v6, v9;
	_ =	sdelay $0x1  }
0xa1b: {  	v8 =	vperm.xlane v8, v7;
	_ =	sdelay $0x1  }
0xa1c: {  	s1 =	simm.s32 $0x10E80;
	v8 =	vadd.s32 v6, v8  }
0xa1d: {  	[hbm4b:s5+s3] =	stream.indirect_vreg.scatter [tilespmem:s1], [sflag:$0x2], $0x80, v9, vm10, $0xb8;
	[tilespmem:$0x16EA0] =	vst v63  }
0xa1e: {  	s1 =	simm.s32 $0x11680  }
0xa1f: {  	[hbm4b:s16+s3] =	stream.indirect_vreg.scatter [tilespmem:s1], [sflag:$0x2], $0x80, v9, vm11, $0xb8;
	[tilespmem:$0x16EA0] =	vst v63  }
0xa20: {  	s1 =	simm.s32 $0x11A80  }
0xa21: {  	[hbm4b:s5+s3] =	stream.indirect_vreg.scatter [tilespmem:s1], [sflag:$0x2], $0x80, v8, vm10, $0xb8;
	[tilespmem:$0x16EA0] =	vst v63  }
0xa22: {  	s1 =	simm.s32 $0x12280  }
0xa23: {  	[hbm4b:s16+s3] =	stream.indirect_vreg.scatter [tilespmem:s1], [sflag:$0x2], $0x80, v8, vm11, $0xb8;
	[tilespmem:$0x16EA0] =	vst v63  }
0xa24: {  	v8 =	vld [tilespmem:$0x10C0];
	_ =	sdelay $0x4  }
0xa25: {  	v19 =	vshrl.u32 v8, $0x3  }
0xa26: {  	v9 =	vmul.u32 $0x18, v19  }
0xa27: {  	v8 =	vand.u32 $0x7, v8  }
0xa28: {  	v8 =	vor.u32 v8, v9  }
0xa29: {  	v9 =	vperm.xlane v8, v5;
	_ =	sdelay $0x1  }
0xa2a: {  	v9 =	vadd.s32 v6, v9;
	_ =	sdelay $0x1  }
0xa2b: {  	v8 =	vperm.xlane v8, v7;
	_ =	sdelay $0x1  }
0xa2c: {  	s1 =	simm.s32 $0x12680;
	v8 =	vadd.s32 v6, v8  }
0xa2d: {  	[hbm4b:s5+s3] =	stream.indirect_vreg.scatter [tilespmem:s1], [sflag:$0x2], $0x80, v9, vm10, $0xb8;
	[tilespmem:$0x16EA0] =	vst v63  }
0xa2e: {  	s1 =	simm.s32 $0x12E80  }
0xa2f: {  	[hbm4b:s16+s3] =	stream.indirect_vreg.scatter [tilespmem:s1], [sflag:$0x2], $0x80, v9, vm11, $0xb8;
	[tilespmem:$0x16EA0] =	vst v63  }
0xa30: {  	s1 =	simm.s32 $0x13280  }
0xa31: {  	[hbm4b:s5+s3] =	stream.indirect_vreg.scatter [tilespmem:s1], [sflag:$0x2], $0x80, v8, vm10, $0xb8;
	[tilespmem:$0x16EA0] =	vst v63  }
0xa32: {  	s1 =	simm.s32 $0x13A80  }
0xa33: {  	[hbm4b:s16+s3] =	stream.indirect_vreg.scatter [tilespmem:s1], [sflag:$0x2], $0x80, v8, vm11, $0xb8;
	[tilespmem:$0x16EA0] =	vst v63  }
0xa34: {  	v8 =	vld [tilespmem:$0x10D0];
	_ =	sdelay $0x4  }
0xa35: {  	v20 =	vshrl.u32 v8, $0x3  }
0xa36: {  	v9 =	vmul.u32 $0x18, v20  }
0xa37: {  	v8 =	vand.u32 $0x7, v8  }
0xa38: {  	v8 =	vor.u32 v8, v9  }
0xa39: {  	v9 =	vperm.xlane v8, v5;
	_ =	sdelay $0x1  }
0xa3a: {  	v9 =	vadd.s32 v6, v9;
	_ =	sdelay $0x1  }
0xa3b: {  	v8 =	vperm.xlane v8, v7;
	_ =	sdelay $0x1  }
0xa3c: {  	s1 =	simm.s32 $0x13E80;
	v8 =	vadd.s32 v6, v8  }
0xa3d: {  	[hbm4b:s5+s3] =	stream.indirect_vreg.scatter [tilespmem:s1], [sflag:$0x2], $0x80, v9, vm10, $0xb8;
	[tilespmem:$0x16EA0] =	vst v63  }
0xa3e: {  	s1 =	simm.s32 $0x14680  }
0xa3f: {  	[hbm4b:s16+s3] =	stream.indirect_vreg.scatter [tilespmem:s1], [sflag:$0x2], $0x80, v9, vm11, $0xb8;
	[tilespmem:$0x16EA0] =	vst v63  }
0xa40: {  	s1 =	simm.s32 $0x14A80  }
0xa41: {  	[hbm4b:s5+s3] =	stream.indirect_vreg.scatter [tilespmem:s1], [sflag:$0x2], $0x80, v8, vm10, $0xb8;
	[tilespmem:$0x16EA0] =	vst v63  }
0xa42: {  	s1 =	simm.s32 $0x15280  }
0xa43: {  	[hbm4b:s16+s3] =	stream.indirect_vreg.scatter [tilespmem:s1], [sflag:$0x2], $0x80, v8, vm11, $0xb8;
	[tilespmem:$0x16EA0] =	vst v63  }
0xa44: {  	v8 =	vld [tilespmem:$0x10E0];
	_ =	sdelay $0x4  }
0xa45: {  	v21 =	vshrl.u32 v8, $0x3  }
0xa46: {  	v9 =	vmul.u32 $0x18, v21  }
0xa47: {  	v8 =	vand.u32 $0x7, v8  }
0xa48: {  	v8 =	vor.u32 v8, v9  }
0xa49: {  	v9 =	vperm.xlane v8, v5;
	_ =	sdelay $0x1  }
0xa4a: {  	v9 =	vadd.s32 v6, v9;
	_ =	sdelay $0x1  }
0xa4b: {  	v8 =	vperm.xlane v8, v7;
	_ =	sdelay $0x1  }
0xa4c: {  	s1 =	simm.s32 $0x15680;
	v8 =	vadd.s32 v6, v8  }
0xa4d: {  	[hbm4b:s5+s3] =	stream.indirect_vreg.scatter [tilespmem:s1], [sflag:$0x2], $0x80, v9, vm10, $0xb8;
	[tilespmem:$0x16EA0] =	vst v63  }
0xa4e: {  	s1 =	simm.s32 $0x15E80  }
0xa4f: {  	[hbm4b:s16+s3] =	stream.indirect_vreg.scatter [tilespmem:s1], [sflag:$0x2], $0x80, v9, vm11, $0xb8;
	[tilespmem:$0x16EA0] =	vst v63  }
0xa50: {  	s1 =	simm.s32 $0x16280  }
0xa51: {  	[hbm4b:s5+s3] =	stream.indirect_vreg.scatter [tilespmem:s1], [sflag:$0x2], $0x80, v8, vm10, $0xb8;
	[tilespmem:$0x16EA0] =	vst v63  }
0xa52: {  	s1 =	simm.s32 $0x16A80  }
0xa53: {  	[hbm4b:s16+s3] =	stream.indirect_vreg.scatter [tilespmem:s1], [sflag:$0x2], $0x80, v8, vm11, $0xb8;
	[tilespmem:$0x16EA0] =	vst v63  }
0xa54: {  	_ =	swait.ge [sflag:s22], $0xA800  }
0xa55: {  	s1 =	sld [smem:$0x7F8]  }
0xa56: {  	[sflag:s22] =	ssyncset.done $0x0  }
0xa57: {  	[sflag:s22] =	ssyncadd.s32 $0xFFFF5800  }
0xa58: {  	[tilespmem:s31], [sflag:$0x2] =	stream.linear.gather [hbm4b:s1+s3], $0xA800, $0x38;
	[tilespmem:$0x16EA0] =	vst v63  }
0xa59: {  	_ =	swait.ge [sflag:s26], $0xA800  }
0xa5a: {  	[sflag:s26] =	ssyncset.done $0x0  }
0xa5b: {  	[sflag:s26] =	ssyncadd.s32 $0xFFFF5800  }
0xa5c: {  	v8 =	vld [tilespmem:$0x1100];
	_ =	sdelay $0x4  }
0xa5d: {  	v22 =	vshrl.u32 v8, $0x3  }
0xa5e: {  	v9 =	vmul.u32 $0x18, v22  }
0xa5f: {  	v8 =	vand.u32 $0x7, v8  }
0xa60: {  	v8 =	vor.u32 v8, v9  }
0xa61: {  	v9 =	vperm.xlane v8, v5;
	_ =	sdelay $0x1  }
0xa62: {  	v9 =	vadd.s32 v6, v9;
	_ =	sdelay $0x1  }
0xa63: {  	v8 =	vperm.xlane v8, v7;
	_ =	sdelay $0x1  }
0xa64: {  	v8 =	vadd.s32 v6, v8  }
0xa65: {  	[hbm4b:s5+s3] =	stream.indirect_vreg.scatter [tilespmem:s23], [sflag:$0x1], $0x80, v9, vm10, $0xb8;
	[tilespmem:$0x16EA0] =	vst v63  }
0xa66: {  	s1 =	simm.s32 $0x2680  }
0xa67: {  	[hbm4b:s16+s3] =	stream.indirect_vreg.scatter [tilespmem:s1], [sflag:$0x1], $0x80, v9, vm11, $0xb8;
	[tilespmem:$0x16EA0] =	vst v63  }
0xa68: {  	s1 =	simm.s32 $0x2A80  }
0xa69: {  	[hbm4b:s5+s3] =	stream.indirect_vreg.scatter [tilespmem:s1], [sflag:$0x1], $0x80, v8, vm10, $0xb8;
	[tilespmem:$0x16EA0] =	vst v63  }
0xa6a: {  	s1 =	simm.s32 $0x3280  }
0xa6b: {  	[hbm4b:s16+s3] =	stream.indirect_vreg.scatter [tilespmem:s1], [sflag:$0x1], $0x80, v8, vm11, $0xb8;
	[tilespmem:$0x16EA0] =	vst v63  }
0xa6c: {  	v8 =	vld [tilespmem:$0x1110];
	_ =	sdelay $0x4  }
0xa6d: {  	v23 =	vshrl.u32 v8, $0x3  }
0xa6e: {  	v9 =	vmul.u32 $0x18, v23  }
0xa6f: {  	v8 =	vand.u32 $0x7, v8  }
0xa70: {  	v8 =	vor.u32 v8, v9  }
0xa71: {  	v9 =	vperm.xlane v8, v5;
	_ =	sdelay $0x1  }
0xa72: {  	v9 =	vadd.s32 v6, v9;
	_ =	sdelay $0x1  }
0xa73: {  	v8 =	vperm.xlane v8, v7;
	_ =	sdelay $0x1  }
0xa74: {  	s1 =	simm.s32 $0x3680;
	v8 =	vadd.s32 v6, v8  }
0xa75: {  	[hbm4b:s5+s3] =	stream.indirect_vreg.scatter [tilespmem:s1], [sflag:$0x1], $0x80, v9, vm10, $0xb8;
	[tilespmem:$0x16EA0] =	vst v63  }
0xa76: {  	s1 =	simm.s32 $0x3E80  }
0xa77: {  	[hbm4b:s16+s3] =	stream.indirect_vreg.scatter [tilespmem:s1], [sflag:$0x1], $0x80, v9, vm11, $0xb8;
	[tilespmem:$0x16EA0] =	vst v63  }
0xa78: {  	s1 =	simm.s32 $0x4280  }
0xa79: {  	[hbm4b:s5+s3] =	stream.indirect_vreg.scatter [tilespmem:s1], [sflag:$0x1], $0x80, v8, vm10, $0xb8;
	[tilespmem:$0x16EA0] =	vst v63  }
0xa7a: {  	s1 =	simm.s32 $0x4A80  }
0xa7b: {  	[hbm4b:s16+s3] =	stream.indirect_vreg.scatter [tilespmem:s1], [sflag:$0x1], $0x80, v8, vm11, $0xb8;
	[tilespmem:$0x16EA0] =	vst v63  }
0xa7c: {  	v8 =	vld [tilespmem:$0x1120];
	_ =	sdelay $0x4  }
0xa7d: {  	v24 =	vshrl.u32 v8, $0x3  }
0xa7e: {  	v9 =	vmul.u32 $0x18, v24  }
0xa7f: {  	v8 =	vand.u32 $0x7, v8  }
0xa80: {  	v8 =	vor.u32 v8, v9  }
0xa81: {  	v9 =	vperm.xlane v8, v5;
	_ =	sdelay $0x1  }
0xa82: {  	v9 =	vadd.s32 v6, v9;
	_ =	sdelay $0x1  }
0xa83: {  	v8 =	vperm.xlane v8, v7;
	_ =	sdelay $0x1  }
0xa84: {  	s1 =	simm.s32 $0x4E80;
	v8 =	vadd.s32 v6, v8  }
0xa85: {  	[hbm4b:s5+s3] =	stream.indirect_vreg.scatter [tilespmem:s1], [sflag:$0x1], $0x80, v9, vm10, $0xb8;
	[tilespmem:$0x16EA0] =	vst v63  }
0xa86: {  	s1 =	simm.s32 $0x5680  }
0xa87: {  	[hbm4b:s16+s3] =	stream.indirect_vreg.scatter [tilespmem:s1], [sflag:$0x1], $0x80, v9, vm11, $0xb8;
	[tilespmem:$0x16EA0] =	vst v63  }
0xa88: {  	s25 =	simm.s32 $0x5A80  }
0xa89: {  	[hbm4b:s5+s3] =	stream.indirect_vreg.scatter [tilespmem:s25], [sflag:$0x1], $0x80, v8, vm10, $0xb8;
	[tilespmem:$0x16EA0] =	vst v63  }
0xa8a: {  	s28 =	simm.s32 $0x6280  }
0xa8b: {  	[hbm4b:s16+s3] =	stream.indirect_vreg.scatter [tilespmem:s28], [sflag:$0x1], $0x80, v8, vm11, $0xb8;
	[tilespmem:$0x16EA0] =	vst v63  }
0xa8c: {  	v8 =	vld [tilespmem:$0x1130];
	_ =	sdelay $0x4  }
0xa8d: {  	v25 =	vshrl.u32 v8, $0x3  }
0xa8e: {  	v9 =	vmul.u32 $0x18, v25  }
0xa8f: {  	v8 =	vand.u32 $0x7, v8  }
0xa90: {  	v8 =	vor.u32 v8, v9  }
0xa91: {  	v9 =	vperm.xlane v8, v5;
	_ =	sdelay $0x1  }
0xa92: {  	v9 =	vadd.s32 v6, v9;
	_ =	sdelay $0x1  }
0xa93: {  	v8 =	vperm.xlane v8, v7;
	_ =	sdelay $0x1  }
0xa94: {  	s17 =	simm.s32 $0x6680;
	v8 =	vadd.s32 v6, v8  }
0xa95: {  	[hbm4b:s5+s3] =	stream.indirect_vreg.scatter [tilespmem:s17], [sflag:$0x1], $0x80, v9, vm10, $0xb8;
	[tilespmem:$0x16EA0] =	vst v63  }
0xa96: {  	s21 =	simm.s32 $0x6E80  }
0xa97: {  	[hbm4b:s16+s3] =	stream.indirect_vreg.scatter [tilespmem:s21], [sflag:$0x1], $0x80, v9, vm11, $0xb8;
	[tilespmem:$0x16EA0] =	vst v63  }
0xa98: {  	s24 =	simm.s32 $0x7280  }
0xa99: {  	[hbm4b:s5+s3] =	stream.indirect_vreg.scatter [tilespmem:s24], [sflag:$0x1], $0x80, v8, vm10, $0xb8;
	[tilespmem:$0x16EA0] =	vst v63  }
0xa9a: {  	s1 =	simm.s32 $0x7A80  }
0xa9b: {  	[hbm4b:s16+s3] =	stream.indirect_vreg.scatter [tilespmem:s1], [sflag:$0x1], $0x80, v8, vm11, $0xb8;
	[tilespmem:$0x16EA0] =	vst v63  }
0xa9c: {  	v8 =	vld [tilespmem:$0x1140];
	_ =	sdelay $0x4  }
0xa9d: {  	v26 =	vshrl.u32 v8, $0x3  }
0xa9e: {  	v9 =	vmul.u32 $0x18, v26  }
0xa9f: {  	v8 =	vand.u32 $0x7, v8  }
0xaa0: {  	v8 =	vor.u32 v8, v9  }
0xaa1: {  	v9 =	vperm.xlane v8, v5;
	_ =	sdelay $0x1  }
0xaa2: {  	v9 =	vadd.s32 v6, v9;
	_ =	sdelay $0x1  }
0xaa3: {  	v8 =	vperm.xlane v8, v7;
	_ =	sdelay $0x1  }
0xaa4: {  	s7 =	simm.s32 $0x7E80;
	v8 =	vadd.s32 v6, v8  }
0xaa5: {  	[hbm4b:s5+s3] =	stream.indirect_vreg.scatter [tilespmem:s7], [sflag:$0x1], $0x80, v9, vm10, $0xb8;
	[tilespmem:$0x16EA0] =	vst v63  }
0xaa6: {  	s8 =	simm.s32 $0x8680  }
0xaa7: {  	[hbm4b:s16+s3] =	stream.indirect_vreg.scatter [tilespmem:s8], [sflag:$0x1], $0x80, v9, vm11, $0xb8;
	[tilespmem:$0x16EA0] =	vst v63  }
0xaa8: {  	s9 =	simm.s32 $0x8A80  }
0xaa9: {  	[hbm4b:s5+s3] =	stream.indirect_vreg.scatter [tilespmem:s9], [sflag:$0x1], $0x80, v8, vm10, $0xb8;
	[tilespmem:$0x16EA0] =	vst v63  }
0xaaa: {  	s1 =	simm.s32 $0x9280  }
0xaab: {  	[hbm4b:s16+s3] =	stream.indirect_vreg.scatter [tilespmem:s1], [sflag:$0x1], $0x80, v8, vm11, $0xb8;
	[tilespmem:$0x16EA0] =	vst v63  }
0xaac: {  	v8 =	vld [tilespmem:$0x1150];
	_ =	sdelay $0x4  }
0xaad: {  	v27 =	vshrl.u32 v8, $0x3  }
0xaae: {  	v9 =	vmul.u32 $0x18, v27  }
0xaaf: {  	v8 =	vand.u32 $0x7, v8  }
0xab0: {  	v8 =	vor.u32 v8, v9  }
0xab1: {  	v9 =	vperm.xlane v8, v5;
	_ =	sdelay $0x1  }
0xab2: {  	v9 =	vadd.s32 v6, v9;
	_ =	sdelay $0x1  }
0xab3: {  	v8 =	vperm.xlane v8, v7;
	_ =	sdelay $0x1  }
0xab4: {  	s10 =	simm.s32 $0x9680;
	v8 =	vadd.s32 v6, v8  }
0xab5: {  	[hbm4b:s5+s3] =	stream.indirect_vreg.scatter [tilespmem:s10], [sflag:$0x1], $0x80, v9, vm10, $0xb8;
	[tilespmem:$0x16EA0] =	vst v63  }
0xab6: {  	s11 =	simm.s32 $0x9E80  }
0xab7: {  	[hbm4b:s16+s3] =	stream.indirect_vreg.scatter [tilespmem:s11], [sflag:$0x1], $0x80, v9, vm11, $0xb8;
	[tilespmem:$0x16EA0] =	vst v63  }
0xab8: {  	s12 =	simm.s32 $0xA280  }
0xab9: {  	[hbm4b:s5+s3] =	stream.indirect_vreg.scatter [tilespmem:s12], [sflag:$0x1], $0x80, v8, vm10, $0xb8;
	[tilespmem:$0x16EA0] =	vst v63  }
0xaba: {  	s18 =	simm.s32 $0xAA80  }
0xabb: {  	[hbm4b:s16+s3] =	stream.indirect_vreg.scatter [tilespmem:s18], [sflag:$0x1], $0x80, v8, vm11, $0xb8;
	[tilespmem:$0x16EA0] =	vst v63  }
0xabc: {  	v8 =	vld [tilespmem:$0x1160];
	_ =	sdelay $0x4  }
0xabd: {  	v28 =	vshrl.u32 v8, $0x3  }
0xabe: {  	v9 =	vmul.u32 $0x18, v28  }
0xabf: {  	v8 =	vand.u32 $0x7, v8  }
0xac0: {  	v8 =	vor.u32 v8, v9  }
0xac1: {  	v9 =	vperm.xlane v8, v5;
	_ =	sdelay $0x1  }
0xac2: {  	v9 =	vadd.s32 v6, v9;
	_ =	sdelay $0x1  }
0xac3: {  	v8 =	vperm.xlane v8, v7;
	_ =	sdelay $0x1  }
0xac4: {  	s13 =	simm.s32 $0xAE80;
	v8 =	vadd.s32 v6, v8  }
0xac5: {  	[hbm4b:s5+s3] =	stream.indirect_vreg.scatter [tilespmem:s13], [sflag:$0x1], $0x80, v9, vm10, $0xb8;
	[tilespmem:$0x16EA0] =	vst v63  }
0xac6: {  	s14 =	simm.s32 $0xB680  }
0xac7: {  	[hbm4b:s16+s3] =	stream.indirect_vreg.scatter [tilespmem:s14], [sflag:$0x1], $0x80, v9, vm11, $0xb8;
	[tilespmem:$0x16EA0] =	vst v63  }
0xac8: {  	s15 =	simm.s32 $0xBA80  }
0xac9: {  	[hbm4b:s5+s3] =	stream.indirect_vreg.scatter [tilespmem:s15], [sflag:$0x1], $0x80, v8, vm10, $0xb8;
	[tilespmem:$0x16EA0] =	vst v63  }
0xaca: {  	s19 =	simm.s32 $0xC280  }
0xacb: {  	[hbm4b:s16+s3] =	stream.indirect_vreg.scatter [tilespmem:s19], [sflag:$0x1], $0x80, v8, vm11, $0xb8;
	[tilespmem:$0x16EA0] =	vst v63  }
0xacc: {  	_ =	swait.ge [sflag:s26], $0xA800  }
0xacd: {  	s1 =	sld [smem:$0x7F9]  }
0xace: {  	[sflag:s26] =	ssyncset.done $0x0  }
0xacf: {  	[sflag:s26] =	ssyncadd.s32 $0xFFFF5800  }
0xad0: {  	[tilespmem:s23], [sflag:$0x1] =	stream.linear.gather [hbm4b:s1+s3], $0xA800, $0x38;
	[tilespmem:$0x16EA0] =	vst v63  }
0xad1: {  	_ =	swait.ge [sflag:s22], $0xA800  }
0xad2: {  	[sflag:s22] =	ssyncset.done $0x0  }
0xad3: {  	[sflag:s22] =	ssyncadd.s32 $0xFFFF5800  }
0xad4: {  	v8 =	vld [tilespmem:$0x1180];
	_ =	sdelay $0x4  }
0xad5: {  	v29 =	vshrl.u32 v8, $0x3  }
0xad6: {  	v9 =	vmul.u32 $0x18, v29  }
0xad7: {  	v8 =	vand.u32 $0x7, v8  }
0xad8: {  	v8 =	vor.u32 v8, v9  }
0xad9: {  	v9 =	vperm.xlane v8, v5;
	_ =	sdelay $0x1  }
0xada: {  	v9 =	vadd.s32 v6, v9;
	_ =	sdelay $0x1  }
0xadb: {  	v8 =	vperm.xlane v8, v7;
	_ =	sdelay $0x1  }
0xadc: {  	v8 =	vadd.s32 v6, v8  }
0xadd: {  	[hbm4b:s5+s3] =	stream.indirect_vreg.scatter [tilespmem:s31], [sflag:$0x2], $0x80, v9, vm10, $0xb8;
	[tilespmem:$0x16EA0] =	vst v63  }
0xade: {  	s29 =	simm.s32 $0xCE80  }
0xadf: {  	[hbm4b:s16+s3] =	stream.indirect_vreg.scatter [tilespmem:s29], [sflag:$0x2], $0x80, v9, vm11, $0xb8;
	[tilespmem:$0x16EA0] =	vst v63  }
0xae0: {  	s30 =	simm.s32 $0xD280  }
0xae1: {  	[hbm4b:s5+s3] =	stream.indirect_vreg.scatter [tilespmem:s30], [sflag:$0x2], $0x80, v8, vm10, $0xb8;
	[tilespmem:$0x16EA0] =	vst v63  }
0xae2: {  	s29 =	simm.s32 $0xDA80  }
0xae3: {  	[hbm4b:s16+s3] =	stream.indirect_vreg.scatter [tilespmem:s29], [sflag:$0x2], $0x80, v8, vm11, $0xb8;
	[tilespmem:$0x16EA0] =	vst v63  }
0xae4: {  	v8 =	vld [tilespmem:$0x1190];
	_ =	sdelay $0x4  }
0xae5: {  	v30 =	vshrl.u32 v8, $0x3  }
0xae6: {  	v9 =	vmul.u32 $0x18, v30  }
0xae7: {  	v8 =	vand.u32 $0x7, v8  }
0xae8: {  	v8 =	vor.u32 v8, v9  }
0xae9: {  	v9 =	vperm.xlane v8, v5;
	_ =	sdelay $0x1  }
0xaea: {  	v9 =	vadd.s32 v6, v9;
	_ =	sdelay $0x1  }
0xaeb: {  	v8 =	vperm.xlane v8, v7;
	_ =	sdelay $0x1  }
0xaec: {  	s30 =	simm.s32 $0xDE80;
	v8 =	vadd.s32 v6, v8  }
0xaed: {  	[hbm4b:s5+s3] =	stream.indirect_vreg.scatter [tilespmem:s30], [sflag:$0x2], $0x80, v9, vm10, $0xb8;
	[tilespmem:$0x16EA0] =	vst v63  }
0xaee: {  	s0 =	simm.s32 $0xE680  }
0xaef: {  	[hbm4b:s16+s3] =	stream.indirect_vreg.scatter [tilespmem:s0], [sflag:$0x2], $0x80, v9, vm11, $0xb8;
	[tilespmem:$0x16EA0] =	vst v63  }
0xaf0: {  	s2 =	simm.s32 $0xEA80  }
0xaf1: {  	[hbm4b:s5+s3] =	stream.indirect_vreg.scatter [tilespmem:s2], [sflag:$0x2], $0x80, v8, vm10, $0xb8;
	[tilespmem:$0x16EA0] =	vst v63  }
0xaf2: {  	s29 =	simm.s32 $0xF280  }
0xaf3: {  	[hbm4b:s16+s3] =	stream.indirect_vreg.scatter [tilespmem:s29], [sflag:$0x2], $0x80, v8, vm11, $0xb8;
	[tilespmem:$0x16EA0] =	vst v63  }
0xaf4: {  	v8 =	vld [tilespmem:$0x11A0];
	_ =	sdelay $0x4  }
0xaf5: {  	v31 =	vshrl.u32 v8, $0x3  }
0xaf6: {  	v9 =	vmul.u32 $0x18, v31  }
0xaf7: {  	v8 =	vand.u32 $0x7, v8  }
0xaf8: {  	v8 =	vor.u32 v8, v9  }
0xaf9: {  	v9 =	vperm.xlane v8, v5;
	_ =	sdelay $0x1  }
0xafa: {  	v9 =	vadd.s32 v6, v9;
	_ =	sdelay $0x1  }
0xafb: {  	v8 =	vperm.xlane v8, v7;
	_ =	sdelay $0x1  }
0xafc: {  	s6 =	simm.s32 $0xF680;
	v8 =	vadd.s32 v6, v8  }
0xafd: {  	[hbm4b:s5+s3] =	stream.indirect_vreg.scatter [tilespmem:s6], [sflag:$0x2], $0x80, v9, vm10, $0xb8;
	[tilespmem:$0x16EA0] =	vst v63  }
0xafe: {  	s30 =	simm.s32 $0xFE80  }
0xaff: {  	[hbm4b:s16+s3] =	stream.indirect_vreg.scatter [tilespmem:s30], [sflag:$0x2], $0x80, v9, vm11, $0xb8;
	[tilespmem:$0x16EA0] =	vst v63  }
0xb00: {  	s1 =	simm.s32 $0x10280  }
0xb01: {  	[hbm4b:s5+s3] =	stream.indirect_vreg.scatter [tilespmem:s1], [sflag:$0x2], $0x80, v8, vm10, $0xb8;
	[tilespmem:$0x16EA0] =	vst v63  }
0xb02: {  	s2 =	simm.s32 $0x10A80  }
0xb03: {  	[hbm4b:s16+s3] =	stream.indirect_vreg.scatter [tilespmem:s2], [sflag:$0x2], $0x80, v8, vm11, $0xb8;
	[tilespmem:$0x16EA0] =	vst v63  }
0xb04: {  	v8 =	vld [tilespmem:$0x11B0];
	_ =	sdelay $0x4  }
0xb05: {  	v32 =	vshrl.u32 v8, $0x3  }
0xb06: {  	v9 =	vmul.u32 $0x18, v32  }
0xb07: {  	v8 =	vand.u32 $0x7, v8  }
0xb08: {  	v8 =	vor.u32 v8, v9  }
0xb09: {  	v9 =	vperm.xlane v8, v5;
	_ =	sdelay $0x1  }
0xb0a: {  	v9 =	vadd.s32 v6, v9;
	_ =	sdelay $0x1  }
0xb0b: {  	v8 =	vperm.xlane v8, v7;
	_ =	sdelay $0x1  }
0xb0c: {  	s6 =	simm.s32 $0x10E80;
	v8 =	vadd.s32 v6, v8  }
0xb0d: {  	[hbm4b:s5+s3] =	stream.indirect_vreg.scatter [tilespmem:s6], [sflag:$0x2], $0x80, v9, vm10, $0xb8;
	[tilespmem:$0x16EA0] =	vst v63  }
0xb0e: {  	s1 =	simm.s32 $0x11680  }
0xb0f: {  	[hbm4b:s16+s3] =	stream.indirect_vreg.scatter [tilespmem:s1], [sflag:$0x2], $0x80, v9, vm11, $0xb8;
	[tilespmem:$0x16EA0] =	vst v63  }
0xb10: {  	s2 =	simm.s32 $0x11A80  }
0xb11: {  	[hbm4b:s5+s3] =	stream.indirect_vreg.scatter [tilespmem:s2], [sflag:$0x2], $0x80, v8, vm10, $0xb8;
	[tilespmem:$0x16EA0] =	vst v63  }
0xb12: {  	s6 =	simm.s32 $0x12280  }
0xb13: {  	[hbm4b:s16+s3] =	stream.indirect_vreg.scatter [tilespmem:s6], [sflag:$0x2], $0x80, v8, vm11, $0xb8;
	[tilespmem:$0x16EA0] =	vst v63  }
0xb14: {  	v8 =	vld [tilespmem:$0x11C0];
	_ =	sdelay $0x4  }
0xb15: {  	v33 =	vshrl.u32 v8, $0x3  }
0xb16: {  	v9 =	vmul.u32 $0x18, v33  }
0xb17: {  	v8 =	vand.u32 $0x7, v8  }
0xb18: {  	v8 =	vor.u32 v8, v9  }
0xb19: {  	v9 =	vperm.xlane v8, v5;
	_ =	sdelay $0x1  }
0xb1a: {  	v9 =	vadd.s32 v6, v9;
	_ =	sdelay $0x1  }
0xb1b: {  	v8 =	vperm.xlane v8, v7;
	_ =	sdelay $0x1  }
0xb1c: {  	s1 =	simm.s32 $0x12680;
	v8 =	vadd.s32 v6, v8  }
0xb1d: {  	[hbm4b:s5+s3] =	stream.indirect_vreg.scatter [tilespmem:s1], [sflag:$0x2], $0x80, v9, vm10, $0xb8;
	[tilespmem:$0x16EA0] =	vst v63  }
0xb1e: {  	s2 =	simm.s32 $0x12E80  }
0xb1f: {  	[hbm4b:s16+s3] =	stream.indirect_vreg.scatter [tilespmem:s2], [sflag:$0x2], $0x80, v9, vm11, $0xb8;
	[tilespmem:$0x16EA0] =	vst v63  }
0xb20: {  	s6 =	simm.s32 $0x13280  }
0xb21: {  	[hbm4b:s5+s3] =	stream.indirect_vreg.scatter [tilespmem:s6], [sflag:$0x2], $0x80, v8, vm10, $0xb8;
	[tilespmem:$0x16EA0] =	vst v63  }
0xb22: {  	s1 =	simm.s32 $0x13A80  }
0xb23: {  	[hbm4b:s16+s3] =	stream.indirect_vreg.scatter [tilespmem:s1], [sflag:$0x2], $0x80, v8, vm11, $0xb8;
	[tilespmem:$0x16EA0] =	vst v63  }
0xb24: {  	v8 =	vld [tilespmem:$0x11D0];
	_ =	sdelay $0x4  }
0xb25: {  	v34 =	vshrl.u32 v8, $0x3  }
0xb26: {  	v9 =	vmul.u32 $0x18, v34  }
0xb27: {  	v8 =	vand.u32 $0x7, v8  }
0xb28: {  	v8 =	vor.u32 v8, v9  }
0xb29: {  	v9 =	vperm.xlane v8, v5;
	_ =	sdelay $0x1  }
0xb2a: {  	v9 =	vadd.s32 v6, v9;
	_ =	sdelay $0x1  }
0xb2b: {  	v8 =	vperm.xlane v8, v7;
	_ =	sdelay $0x1  }
0xb2c: {  	s2 =	simm.s32 $0x13E80;
	v8 =	vadd.s32 v6, v8  }
0xb2d: {  	[hbm4b:s5+s3] =	stream.indirect_vreg.scatter [tilespmem:s2], [sflag:$0x2], $0x80, v9, vm10, $0xb8;
	[tilespmem:$0x16EA0] =	vst v63  }
0xb2e: {  	s6 =	simm.s32 $0x14680  }
0xb2f: {  	[hbm4b:s16+s3] =	stream.indirect_vreg.scatter [tilespmem:s6], [sflag:$0x2], $0x80, v9, vm11, $0xb8;
	[tilespmem:$0x16EA0] =	vst v63  }
0xb30: {  	s1 =	simm.s32 $0x14A80  }
0xb31: {  	[hbm4b:s5+s3] =	stream.indirect_vreg.scatter [tilespmem:s1], [sflag:$0x2], $0x80, v8, vm10, $0xb8;
	[tilespmem:$0x16EA0] =	vst v63  }
0xb32: {  	s2 =	simm.s32 $0x15280  }
0xb33: {  	[hbm4b:s16+s3] =	stream.indirect_vreg.scatter [tilespmem:s2], [sflag:$0x2], $0x80, v8, vm11, $0xb8;
	[tilespmem:$0x16EA0] =	vst v63  }
0xb34: {  	v8 =	vld [tilespmem:$0x11E0];
	_ =	sdelay $0x4  }
0xb35: {  	v35 =	vshrl.u32 v8, $0x3  }
0xb36: {  	v9 =	vmul.u32 $0x18, v35  }
0xb37: {  	v8 =	vand.u32 $0x7, v8  }
0xb38: {  	v8 =	vor.u32 v8, v9  }
0xb39: {  	v9 =	vperm.xlane v8, v5;
	_ =	sdelay $0x1  }
0xb3a: {  	v9 =	vadd.s32 v6, v9;
	_ =	sdelay $0x1  }
0xb3b: {  	v8 =	vperm.xlane v8, v7;
	_ =	sdelay $0x1  }
0xb3c: {  	s6 =	simm.s32 $0x15680;
	v8 =	vadd.s32 v6, v8  }
0xb3d: {  	[hbm4b:s5+s3] =	stream.indirect_vreg.scatter [tilespmem:s6], [sflag:$0x2], $0x80, v9, vm10, $0xb8;
	[tilespmem:$0x16EA0] =	vst v63  }
0xb3e: {  	s1 =	simm.s32 $0x15E80  }
0xb3f: {  	[hbm4b:s16+s3] =	stream.indirect_vreg.scatter [tilespmem:s1], [sflag:$0x2], $0x80, v9, vm11, $0xb8;
	[tilespmem:$0x16EA0] =	vst v63  }
0xb40: {  	s2 =	simm.s32 $0x16280  }
0xb41: {  	[hbm4b:s5+s3] =	stream.indirect_vreg.scatter [tilespmem:s2], [sflag:$0x2], $0x80, v8, vm10, $0xb8;
	[tilespmem:$0x16EA0] =	vst v63  }
0xb42: {  	s6 =	simm.s32 $0x16A80  }
0xb43: {  	[hbm4b:s16+s3] =	stream.indirect_vreg.scatter [tilespmem:s6], [sflag:$0x2], $0x80, v8, vm11, $0xb8;
	[tilespmem:$0x16EA0] =	vst v63  }
0xb44: {  	_ =	swait.ge [sflag:s22], $0xA800  }
0xb45: {  	s0 =	sld [smem:$0x7FA]  }
0xb46: {  	[sflag:s22] =	ssyncset.done $0x0  }
0xb47: {  	[sflag:s22] =	ssyncadd.s32 $0xFFFF5800  }
0xb48: {  	[tilespmem:s31], [sflag:$0x2] =	stream.linear.gather [hbm4b:s0+s3], $0xA800, $0x38;
	[tilespmem:$0x16EA0] =	vst v63  }
0xb49: {  	_ =	swait.ge [sflag:s26], $0xA800  }
0xb4a: {  	[sflag:s26] =	ssyncset.done $0x0  }
0xb4b: {  	[sflag:s26] =	ssyncadd.s32 $0xFFFF5800  }
0xb4c: {  	v8 =	vld [tilespmem:$0x1200];
	_ =	sdelay $0x4  }
0xb4d: {  	v36 =	vshrl.u32 v8, $0x3  }
0xb4e: {  	v9 =	vmul.u32 $0x18, v36  }
0xb4f: {  	v8 =	vand.u32 $0x7, v8  }
0xb50: {  	v8 =	vor.u32 v8, v9  }
0xb51: {  	v9 =	vperm.xlane v8, v5;
	_ =	sdelay $0x1  }
0xb52: {  	v9 =	vadd.s32 v6, v9;
	_ =	sdelay $0x1  }
0xb53: {  	v8 =	vperm.xlane v8, v7;
	_ =	sdelay $0x1  }
0xb54: {  	v8 =	vadd.s32 v6, v8  }
0xb55: {  	[hbm4b:s5+s3] =	stream.indirect_vreg.scatter [tilespmem:s23], [sflag:$0x1], $0x80, v9, vm10, $0xb8;
	[tilespmem:$0x16EA0] =	vst v63  }
0xb56: {  	s1 =	simm.s32 $0x2680  }
0xb57: {  	[hbm4b:s16+s3] =	stream.indirect_vreg.scatter [tilespmem:s1], [sflag:$0x1], $0x80, v9, vm11, $0xb8;
	[tilespmem:$0x16EA0] =	vst v63  }
0xb58: {  	s2 =	simm.s32 $0x2A80  }
0xb59: {  	[hbm4b:s5+s3] =	stream.indirect_vreg.scatter [tilespmem:s2], [sflag:$0x1], $0x80, v8, vm10, $0xb8;
	[tilespmem:$0x16EA0] =	vst v63  }
0xb5a: {  	s6 =	simm.s32 $0x3280  }
0xb5b: {  	[hbm4b:s16+s3] =	stream.indirect_vreg.scatter [tilespmem:s6], [sflag:$0x1], $0x80, v8, vm11, $0xb8;
	[tilespmem:$0x16EA0] =	vst v63  }
0xb5c: {  	v8 =	vld [tilespmem:$0x1210];
	_ =	sdelay $0x4  }
0xb5d: {  	v37 =	vshrl.u32 v8, $0x3  }
0xb5e: {  	v9 =	vmul.u32 $0x18, v37  }
0xb5f: {  	v8 =	vand.u32 $0x7, v8  }
0xb60: {  	v8 =	vor.u32 v8, v9  }
0xb61: {  	v9 =	vperm.xlane v8, v5;
	_ =	sdelay $0x1  }
0xb62: {  	v9 =	vadd.s32 v6, v9;
	_ =	sdelay $0x1  }
0xb63: {  	v8 =	vperm.xlane v8, v7;
	_ =	sdelay $0x1  }
0xb64: {  	s1 =	simm.s32 $0x3680;
	v8 =	vadd.s32 v6, v8  }
0xb65: {  	[hbm4b:s5+s3] =	stream.indirect_vreg.scatter [tilespmem:s1], [sflag:$0x1], $0x80, v9, vm10, $0xb8;
	[tilespmem:$0x16EA0] =	vst v63  }
0xb66: {  	s2 =	simm.s32 $0x3E80  }
0xb67: {  	[hbm4b:s16+s3] =	stream.indirect_vreg.scatter [tilespmem:s2], [sflag:$0x1], $0x80, v9, vm11, $0xb8;
	[tilespmem:$0x16EA0] =	vst v63  }
0xb68: {  	s6 =	simm.s32 $0x4280  }
0xb69: {  	[hbm4b:s5+s3] =	stream.indirect_vreg.scatter [tilespmem:s6], [sflag:$0x1], $0x80, v8, vm10, $0xb8;
	[tilespmem:$0x16EA0] =	vst v63  }
0xb6a: {  	s1 =	simm.s32 $0x4A80  }
0xb6b: {  	[hbm4b:s16+s3] =	stream.indirect_vreg.scatter [tilespmem:s1], [sflag:$0x1], $0x80, v8, vm11, $0xb8;
	[tilespmem:$0x16EA0] =	vst v63  }
0xb6c: {  	v8 =	vld [tilespmem:$0x1220];
	_ =	sdelay $0x4  }
0xb6d: {  	v38 =	vshrl.u32 v8, $0x3  }
0xb6e: {  	v9 =	vmul.u32 $0x18, v38  }
0xb6f: {  	v8 =	vand.u32 $0x7, v8  }
0xb70: {  	v8 =	vor.u32 v8, v9  }
0xb71: {  	v9 =	vperm.xlane v8, v5;
	_ =	sdelay $0x1  }
0xb72: {  	v9 =	vadd.s32 v6, v9;
	_ =	sdelay $0x1  }
0xb73: {  	v8 =	vperm.xlane v8, v7;
	_ =	sdelay $0x1  }
0xb74: {  	s2 =	simm.s32 $0x4E80;
	v8 =	vadd.s32 v6, v8  }
0xb75: {  	[hbm4b:s5+s3] =	stream.indirect_vreg.scatter [tilespmem:s2], [sflag:$0x1], $0x80, v9, vm10, $0xb8;
	[tilespmem:$0x16EA0] =	vst v63  }
0xb76: {  	s6 =	simm.s32 $0x5680  }
0xb77: {  	[hbm4b:s16+s3] =	stream.indirect_vreg.scatter [tilespmem:s6], [sflag:$0x1], $0x80, v9, vm11, $0xb8;
	[tilespmem:$0x16EA0] =	vst v63  }
0xb78: {  	s25 =	simm.s32 $0x5A80  }
0xb79: {  	[hbm4b:s5+s3] =	stream.indirect_vreg.scatter [tilespmem:s25], [sflag:$0x1], $0x80, v8, vm10, $0xb8;
	[tilespmem:$0x16EA0] =	vst v63  }
0xb7a: {  	s28 =	simm.s32 $0x6280  }
0xb7b: {  	[hbm4b:s16+s3] =	stream.indirect_vreg.scatter [tilespmem:s28], [sflag:$0x1], $0x80, v8, vm11, $0xb8;
	[tilespmem:$0x16EA0] =	vst v63  }
0xb7c: {  	v8 =	vld [tilespmem:$0x1230];
	_ =	sdelay $0x4  }
0xb7d: {  	v39 =	vshrl.u32 v8, $0x3  }
0xb7e: {  	v9 =	vmul.u32 $0x18, v39  }
0xb7f: {  	v8 =	vand.u32 $0x7, v8  }
0xb80: {  	v8 =	vor.u32 v8, v9  }
0xb81: {  	v9 =	vperm.xlane v8, v5;
	_ =	sdelay $0x1  }
0xb82: {  	v9 =	vadd.s32 v6, v9;
	_ =	sdelay $0x1  }
0xb83: {  	v8 =	vperm.xlane v8, v7;
	_ =	sdelay $0x1  }
0xb84: {  	s17 =	simm.s32 $0x6680;
	v8 =	vadd.s32 v6, v8  }
0xb85: {  	[hbm4b:s5+s3] =	stream.indirect_vreg.scatter [tilespmem:s17], [sflag:$0x1], $0x80, v9, vm10, $0xb8;
	[tilespmem:$0x16EA0] =	vst v63  }
0xb86: {  	s21 =	simm.s32 $0x6E80  }
0xb87: {  	[hbm4b:s16+s3] =	stream.indirect_vreg.scatter [tilespmem:s21], [sflag:$0x1], $0x80, v9, vm11, $0xb8;
	[tilespmem:$0x16EA0] =	vst v63  }
0xb88: {  	s24 =	simm.s32 $0x7280  }
0xb89: {  	[hbm4b:s5+s3] =	stream.indirect_vreg.scatter [tilespmem:s24], [sflag:$0x1], $0x80, v8, vm10, $0xb8;
	[tilespmem:$0x16EA0] =	vst v63  }
0xb8a: {  	s0 =	simm.s32 $0x7A80  }
0xb8b: {  	[hbm4b:s16+s3] =	stream.indirect_vreg.scatter [tilespmem:s0], [sflag:$0x1], $0x80, v8, vm11, $0xb8;
	[tilespmem:$0x16EA0] =	vst v63  }
0xb8c: {  	v8 =	vld [tilespmem:$0x1240];
	_ =	sdelay $0x4  }
0xb8d: {  	v40 =	vshrl.u32 v8, $0x3  }
0xb8e: {  	v9 =	vmul.u32 $0x18, v40  }
0xb8f: {  	v8 =	vand.u32 $0x7, v8  }
0xb90: {  	v8 =	vor.u32 v8, v9  }
0xb91: {  	v9 =	vperm.xlane v8, v5;
	_ =	sdelay $0x1  }
0xb92: {  	v9 =	vadd.s32 v6, v9;
	_ =	sdelay $0x1  }
0xb93: {  	v8 =	vperm.xlane v8, v7;
	_ =	sdelay $0x1  }
0xb94: {  	s7 =	simm.s32 $0x7E80;
	v8 =	vadd.s32 v6, v8  }
0xb95: {  	[hbm4b:s5+s3] =	stream.indirect_vreg.scatter [tilespmem:s7], [sflag:$0x1], $0x80, v9, vm10, $0xb8;
	[tilespmem:$0x16EA0] =	vst v63  }
0xb96: {  	s8 =	simm.s32 $0x8680  }
0xb97: {  	[hbm4b:s16+s3] =	stream.indirect_vreg.scatter [tilespmem:s8], [sflag:$0x1], $0x80, v9, vm11, $0xb8;
	[tilespmem:$0x16EA0] =	vst v63  }
0xb98: {  	s9 =	simm.s32 $0x8A80  }
0xb99: {  	[hbm4b:s5+s3] =	stream.indirect_vreg.scatter [tilespmem:s9], [sflag:$0x1], $0x80, v8, vm10, $0xb8;
	[tilespmem:$0x16EA0] =	vst v63  }
0xb9a: {  	s2 =	simm.s32 $0x9280  }
0xb9b: {  	[hbm4b:s16+s3] =	stream.indirect_vreg.scatter [tilespmem:s2], [sflag:$0x1], $0x80, v8, vm11, $0xb8;
	[tilespmem:$0x16EA0] =	vst v63  }
0xb9c: {  	v8 =	vld [tilespmem:$0x1250];
	_ =	sdelay $0x4  }
0xb9d: {  	v41 =	vshrl.u32 v8, $0x3  }
0xb9e: {  	v9 =	vmul.u32 $0x18, v41  }
0xb9f: {  	v8 =	vand.u32 $0x7, v8  }
0xba0: {  	v8 =	vor.u32 v8, v9  }
0xba1: {  	v9 =	vperm.xlane v8, v5;
	_ =	sdelay $0x1  }
0xba2: {  	v9 =	vadd.s32 v6, v9;
	_ =	sdelay $0x1  }
0xba3: {  	v8 =	vperm.xlane v8, v7;
	_ =	sdelay $0x1  }
0xba4: {  	s10 =	simm.s32 $0x9680;
	v8 =	vadd.s32 v6, v8  }
0xba5: {  	[hbm4b:s5+s3] =	stream.indirect_vreg.scatter [tilespmem:s10], [sflag:$0x1], $0x80, v9, vm10, $0xb8;
	[tilespmem:$0x16EA0] =	vst v63  }
0xba6: {  	s11 =	simm.s32 $0x9E80  }
0xba7: {  	[hbm4b:s16+s3] =	stream.indirect_vreg.scatter [tilespmem:s11], [sflag:$0x1], $0x80, v9, vm11, $0xb8;
	[tilespmem:$0x16EA0] =	vst v63  }
0xba8: {  	s12 =	simm.s32 $0xA280  }
0xba9: {  	[hbm4b:s5+s3] =	stream.indirect_vreg.scatter [tilespmem:s12], [sflag:$0x1], $0x80, v8, vm10, $0xb8;
	[tilespmem:$0x16EA0] =	vst v63  }
0xbaa: {  	s18 =	simm.s32 $0xAA80  }
0xbab: {  	[hbm4b:s16+s3] =	stream.indirect_vreg.scatter [tilespmem:s18], [sflag:$0x1], $0x80, v8, vm11, $0xb8;
	[tilespmem:$0x16EA0] =	vst v63  }
0xbac: {  	v8 =	vld [tilespmem:$0x1260];
	_ =	sdelay $0x4  }
0xbad: {  	v42 =	vshrl.u32 v8, $0x3  }
0xbae: {  	v9 =	vmul.u32 $0x18, v42  }
0xbaf: {  	v8 =	vand.u32 $0x7, v8  }
0xbb0: {  	v8 =	vor.u32 v8, v9  }
0xbb1: {  	v9 =	vperm.xlane v8, v5;
	_ =	sdelay $0x1  }
0xbb2: {  	v9 =	vadd.s32 v6, v9;
	_ =	sdelay $0x1  }
0xbb3: {  	v8 =	vperm.xlane v8, v7;
	_ =	sdelay $0x1  }
0xbb4: {  	s13 =	simm.s32 $0xAE80;
	v8 =	vadd.s32 v6, v8  }
0xbb5: {  	[hbm4b:s5+s3] =	stream.indirect_vreg.scatter [tilespmem:s13], [sflag:$0x1], $0x80, v9, vm10, $0xb8;
	[tilespmem:$0x16EA0] =	vst v63  }
0xbb6: {  	s14 =	simm.s32 $0xB680  }
0xbb7: {  	[hbm4b:s16+s3] =	stream.indirect_vreg.scatter [tilespmem:s14], [sflag:$0x1], $0x80, v9, vm11, $0xb8;
	[tilespmem:$0x16EA0] =	vst v63  }
0xbb8: {  	s15 =	simm.s32 $0xBA80  }
0xbb9: {  	[hbm4b:s5+s3] =	stream.indirect_vreg.scatter [tilespmem:s15], [sflag:$0x1], $0x80, v8, vm10, $0xb8;
	[tilespmem:$0x16EA0] =	vst v63  }
0xbba: {  	s19 =	simm.s32 $0xC280  }
0xbbb: {  	[hbm4b:s16+s3] =	stream.indirect_vreg.scatter [tilespmem:s19], [sflag:$0x1], $0x80, v8, vm11, $0xb8;
	[tilespmem:$0x16EA0] =	vst v63  }
0xbbc: {  	_ =	swait.ge [sflag:s26], $0xA800  }
0xbbd: {  	s6 =	sld [smem:$0x7FB]  }
0xbbe: {  	[sflag:s26] =	ssyncset.done $0x0  }
0xbbf: {  	[sflag:s26] =	ssyncadd.s32 $0xFFFF5800  }
0xbc0: {  	[tilespmem:s23], [sflag:$0x1] =	stream.linear.gather [hbm4b:s6+s3], $0xA800, $0x38;
	[tilespmem:$0x16EA0] =	vst v63  }
0xbc1: {  	_ =	swait.ge [sflag:s22], $0xA800  }
0xbc2: {  	[sflag:s22] =	ssyncset.done $0x0  }
0xbc3: {  	[sflag:s22] =	ssyncadd.s32 $0xFFFF5800  }
0xbc4: {  	v8 =	vld [tilespmem:$0x1280];
	_ =	sdelay $0x4  }
0xbc5: {  	v43 =	vshrl.u32 v8, $0x3  }
0xbc6: {  	v9 =	vmul.u32 $0x18, v43  }
0xbc7: {  	v8 =	vand.u32 $0x7, v8  }
0xbc8: {  	v8 =	vor.u32 v8, v9  }
0xbc9: {  	v9 =	vperm.xlane v8, v5;
	_ =	sdelay $0x1  }
0xbca: {  	v9 =	vadd.s32 v6, v9;
	_ =	sdelay $0x1  }
0xbcb: {  	v8 =	vperm.xlane v8, v7;
	_ =	sdelay $0x1  }
0xbcc: {  	v8 =	vadd.s32 v6, v8  }
0xbcd: {  	[hbm4b:s5+s3] =	stream.indirect_vreg.scatter [tilespmem:s31], [sflag:$0x2], $0x80, v9, vm10, $0xb8;
	[tilespmem:$0x16EA0] =	vst v63  }
0xbce: {  	s7 =	simm.s32 $0xCE80  }
0xbcf: {  	[hbm4b:s16+s3] =	stream.indirect_vreg.scatter [tilespmem:s7], [sflag:$0x2], $0x80, v9, vm11, $0xb8;
	[tilespmem:$0x16EA0] =	vst v63  }
0xbd0: {  	s8 =	simm.s32 $0xD280  }
0xbd1: {  	[hbm4b:s5+s3] =	stream.indirect_vreg.scatter [tilespmem:s8], [sflag:$0x2], $0x80, v8, vm10, $0xb8;
	[tilespmem:$0x16EA0] =	vst v63  }
0xbd2: {  	s9 =	simm.s32 $0xDA80  }
0xbd3: {  	[hbm4b:s16+s3] =	stream.indirect_vreg.scatter [tilespmem:s9], [sflag:$0x2], $0x80, v8, vm11, $0xb8;
	[tilespmem:$0x16EA0] =	vst v63  }
0xbd4: {  	v8 =	vld [tilespmem:$0x1290];
	_ =	sdelay $0x4  }
0xbd5: {  	v44 =	vshrl.u32 v8, $0x3  }
0xbd6: {  	v9 =	vmul.u32 $0x18, v44  }
0xbd7: {  	v8 =	vand.u32 $0x7, v8  }
0xbd8: {  	v8 =	vor.u32 v8, v9  }
0xbd9: {  	v9 =	vperm.xlane v8, v5;
	_ =	sdelay $0x1  }
0xbda: {  	v9 =	vadd.s32 v6, v9;
	_ =	sdelay $0x1  }
0xbdb: {  	v8 =	vperm.xlane v8, v7;
	_ =	sdelay $0x1  }
0xbdc: {  	s10 =	simm.s32 $0xDE80;
	v8 =	vadd.s32 v6, v8  }
0xbdd: {  	[hbm4b:s5+s3] =	stream.indirect_vreg.scatter [tilespmem:s10], [sflag:$0x2], $0x80, v9, vm10, $0xb8;
	[tilespmem:$0x16EA0] =	vst v63  }
0xbde: {  	s11 =	simm.s32 $0xE680  }
0xbdf: {  	[hbm4b:s16+s3] =	stream.indirect_vreg.scatter [tilespmem:s11], [sflag:$0x2], $0x80, v9, vm11, $0xb8;
	[tilespmem:$0x16EA0] =	vst v63  }
0xbe0: {  	s12 =	simm.s32 $0xEA80  }
0xbe1: {  	[hbm4b:s5+s3] =	stream.indirect_vreg.scatter [tilespmem:s12], [sflag:$0x2], $0x80, v8, vm10, $0xb8;
	[tilespmem:$0x16EA0] =	vst v63  }
0xbe2: {  	s29 =	simm.s32 $0xF280  }
0xbe3: {  	[hbm4b:s16+s3] =	stream.indirect_vreg.scatter [tilespmem:s29], [sflag:$0x2], $0x80, v8, vm11, $0xb8;
	[tilespmem:$0x16EA0] =	vst v63  }
0xbe4: {  	v8 =	vld [tilespmem:$0x12A0];
	_ =	sdelay $0x4  }
0xbe5: {  	v45 =	vshrl.u32 v8, $0x3  }
0xbe6: {  	v9 =	vmul.u32 $0x18, v45  }
0xbe7: {  	v8 =	vand.u32 $0x7, v8  }
0xbe8: {  	v8 =	vor.u32 v8, v9  }
0xbe9: {  	v9 =	vperm.xlane v8, v5;
	_ =	sdelay $0x1  }
0xbea: {  	v9 =	vadd.s32 v6, v9;
	_ =	sdelay $0x1  }
0xbeb: {  	v8 =	vperm.xlane v8, v7;
	_ =	sdelay $0x1  }
0xbec: {  	s13 =	simm.s32 $0xF680;
	v8 =	vadd.s32 v6, v8  }
0xbed: {  	[hbm4b:s5+s3] =	stream.indirect_vreg.scatter [tilespmem:s13], [sflag:$0x2], $0x80, v9, vm10, $0xb8;
	[tilespmem:$0x16EA0] =	vst v63  }
0xbee: {  	s14 =	simm.s32 $0xFE80  }
0xbef: {  	[hbm4b:s16+s3] =	stream.indirect_vreg.scatter [tilespmem:s14], [sflag:$0x2], $0x80, v9, vm11, $0xb8;
	[tilespmem:$0x16EA0] =	vst v63  }
0xbf0: {  	s15 =	simm.s32 $0x10280  }
0xbf1: {  	[hbm4b:s5+s3] =	stream.indirect_vreg.scatter [tilespmem:s15], [sflag:$0x2], $0x80, v8, vm10, $0xb8;
	[tilespmem:$0x16EA0] =	vst v63  }
0xbf2: {  	s30 =	simm.s32 $0x10A80  }
0xbf3: {  	[hbm4b:s16+s3] =	stream.indirect_vreg.scatter [tilespmem:s30], [sflag:$0x2], $0x80, v8, vm11, $0xb8;
	[tilespmem:$0x16EA0] =	vst v63  }
0xbf4: {  	v8 =	vld [tilespmem:$0x12B0];
	_ =	sdelay $0x4  }
0xbf5: {  	v46 =	vshrl.u32 v8, $0x3  }
0xbf6: {  	v9 =	vmul.u32 $0x18, v46  }
0xbf7: {  	v8 =	vand.u32 $0x7, v8  }
0xbf8: {  	v8 =	vor.u32 v8, v9  }
0xbf9: {  	v9 =	vperm.xlane v8, v5;
	_ =	sdelay $0x1  }
0xbfa: {  	v9 =	vadd.s32 v6, v9;
	_ =	sdelay $0x1  }
0xbfb: {  	v8 =	vperm.xlane v8, v7;
	_ =	sdelay $0x1  }
0xbfc: {  	s17 =	simm.s32 $0x10E80;
	v8 =	vadd.s32 v6, v8  }
0xbfd: {  	[hbm4b:s5+s3] =	stream.indirect_vreg.scatter [tilespmem:s17], [sflag:$0x2], $0x80, v9, vm10, $0xb8;
	[tilespmem:$0x16EA0] =	vst v63  }
0xbfe: {  	s21 =	simm.s32 $0x11680  }
0xbff: {  	[hbm4b:s16+s3] =	stream.indirect_vreg.scatter [tilespmem:s21], [sflag:$0x2], $0x80, v9, vm11, $0xb8;
	[tilespmem:$0x16EA0] =	vst v63  }
0xc00: {  	s24 =	simm.s32 $0x11A80  }
0xc01: {  	[hbm4b:s5+s3] =	stream.indirect_vreg.scatter [tilespmem:s24], [sflag:$0x2], $0x80, v8, vm10, $0xb8;
	[tilespmem:$0x16EA0] =	vst v63  }
0xc02: {  	s25 =	simm.s32 $0x12280  }
0xc03: {  	[hbm4b:s16+s3] =	stream.indirect_vreg.scatter [tilespmem:s25], [sflag:$0x2], $0x80, v8, vm11, $0xb8;
	[tilespmem:$0x16EA0] =	vst v63  }
0xc04: {  	v8 =	vld [tilespmem:$0x12C0];
	_ =	sdelay $0x4  }
0xc05: {  	v47 =	vshrl.u32 v8, $0x3  }
0xc06: {  	v9 =	vmul.u32 $0x18, v47  }
0xc07: {  	v8 =	vand.u32 $0x7, v8  }
0xc08: {  	v8 =	vor.u32 v8, v9  }
0xc09: {  	v9 =	vperm.xlane v8, v5;
	_ =	sdelay $0x1  }
0xc0a: {  	v9 =	vadd.s32 v6, v9;
	_ =	sdelay $0x1  }
0xc0b: {  	v8 =	vperm.xlane v8, v7;
	_ =	sdelay $0x1  }
0xc0c: {  	s30 =	simm.s32 $0x12680;
	v8 =	vadd.s32 v6, v8  }
0xc0d: {  	[hbm4b:s5+s3] =	stream.indirect_vreg.scatter [tilespmem:s30], [sflag:$0x2], $0x80, v9, vm10, $0xb8;
	[tilespmem:$0x16EA0] =	vst v63  }
0xc0e: {  	s11 =	simm.s32 $0x12E80  }
0xc0f: {  	[hbm4b:s16+s3] =	stream.indirect_vreg.scatter [tilespmem:s11], [sflag:$0x2], $0x80, v9, vm11, $0xb8;
	[tilespmem:$0x16EA0] =	vst v63  }
0xc10: {  	s12 =	simm.s32 $0x13280  }
0xc11: {  	[hbm4b:s5+s3] =	stream.indirect_vreg.scatter [tilespmem:s12], [sflag:$0x2], $0x80, v8, vm10, $0xb8;
	[tilespmem:$0x16EA0] =	vst v63  }
0xc12: {  	s13 =	simm.s32 $0x13A80  }
0xc13: {  	[hbm4b:s16+s3] =	stream.indirect_vreg.scatter [tilespmem:s13], [sflag:$0x2], $0x80, v8, vm11, $0xb8;
	[tilespmem:$0x16EA0] =	vst v63  }
0xc14: {  	v8 =	vld [tilespmem:$0x12D0];
	_ =	sdelay $0x4  }
0xc15: {  	v48 =	vshrl.u32 v8, $0x3  }
0xc16: {  	v9 =	vmul.u32 $0x18, v48  }
0xc17: {  	v8 =	vand.u32 $0x7, v8  }
0xc18: {  	v8 =	vor.u32 v8, v9  }
0xc19: {  	v9 =	vperm.xlane v8, v5;
	_ =	sdelay $0x1  }
0xc1a: {  	v9 =	vadd.s32 v6, v9;
	_ =	sdelay $0x1  }
0xc1b: {  	v8 =	vperm.xlane v8, v7;
	_ =	sdelay $0x1  }
0xc1c: {  	s14 =	simm.s32 $0x13E80;
	v8 =	vadd.s32 v6, v8  }
0xc1d: {  	[hbm4b:s5+s3] =	stream.indirect_vreg.scatter [tilespmem:s14], [sflag:$0x2], $0x80, v9, vm10, $0xb8;
	[tilespmem:$0x16EA0] =	vst v63  }
0xc1e: {  	s15 =	simm.s32 $0x14680  }
0xc1f: {  	[hbm4b:s16+s3] =	stream.indirect_vreg.scatter [tilespmem:s15], [sflag:$0x2], $0x80, v9, vm11, $0xb8;
	[tilespmem:$0x16EA0] =	vst v63  }
0xc20: {  	s17 =	simm.s32 $0x14A80  }
0xc21: {  	[hbm4b:s5+s3] =	stream.indirect_vreg.scatter [tilespmem:s17], [sflag:$0x2], $0x80, v8, vm10, $0xb8;
	[tilespmem:$0x16EA0] =	vst v63  }
0xc22: {  	s30 =	simm.s32 $0x15280  }
0xc23: {  	[hbm4b:s16+s3] =	stream.indirect_vreg.scatter [tilespmem:s30], [sflag:$0x2], $0x80, v8, vm11, $0xb8;
	[tilespmem:$0x16EA0] =	vst v63  }
0xc24: {  	v8 =	vld [tilespmem:$0x12E0];
	_ =	sdelay $0x4  }
0xc25: {  	v49 =	vshrl.u32 v8, $0x3  }
0xc26: {  	v9 =	vmul.u32 $0x18, v49  }
0xc27: {  	v8 =	vand.u32 $0x7, v8  }
0xc28: {  	v8 =	vor.u32 v8, v9  }
0xc29: {  	v9 =	vperm.xlane v8, v5;
	_ =	sdelay $0x1  }
0xc2a: {  	v9 =	vadd.s32 v6, v9;
	_ =	sdelay $0x1  }
0xc2b: {  	v8 =	vperm.xlane v8, v7;
	_ =	sdelay $0x1  }
0xc2c: {  	s14 =	simm.s32 $0x15680;
	v8 =	vadd.s32 v6, v8  }
0xc2d: {  	[hbm4b:s5+s3] =	stream.indirect_vreg.scatter [tilespmem:s14], [sflag:$0x2], $0x80, v9, vm10, $0xb8;
	[tilespmem:$0x16EA0] =	vst v63  }
0xc2e: {  	s15 =	simm.s32 $0x15E80  }
0xc2f: {  	[hbm4b:s16+s3] =	stream.indirect_vreg.scatter [tilespmem:s15], [sflag:$0x2], $0x80, v9, vm11, $0xb8;
	[tilespmem:$0x16EA0] =	vst v63  }
0xc30: {  	s17 =	simm.s32 $0x16280  }
0xc31: {  	[hbm4b:s5+s3] =	stream.indirect_vreg.scatter [tilespmem:s17], [sflag:$0x2], $0x80, v8, vm10, $0xb8;
	[tilespmem:$0x16EA0] =	vst v63  }
0xc32: {  	s1 =	simm.s32 $0x16A80  }
0xc33: {  	[hbm4b:s16+s3] =	stream.indirect_vreg.scatter [tilespmem:s1], [sflag:$0x2], $0x80, v8, vm11, $0xb8;
	[tilespmem:$0x16EA0] =	vst v63  }
0xc34: {  	_ =	swait.ge [sflag:s22], $0xA800  }
0xc35: {  	s1 =	sld [smem:$0x7FC]  }
0xc36: {  	[sflag:s22] =	ssyncset.done $0x0  }
0xc37: {  	[sflag:s22] =	ssyncadd.s32 $0xFFFF5800  }
0xc38: {  	[tilespmem:s31], [sflag:$0x2] =	stream.linear.gather [hbm4b:s1+s3], $0xA800, $0x38;
	[tilespmem:$0x16EA0] =	vst v63  }
0xc39: {  	_ =	swait.ge [sflag:s26], $0xA800  }
0xc3a: {  	[sflag:s26] =	ssyncset.done $0x0  }
0xc3b: {  	[sflag:s26] =	ssyncadd.s32 $0xFFFF5800  }
0xc3c: {  	v8 =	vld [tilespmem:$0x1300];
	_ =	sdelay $0x4  }
0xc3d: {  	v50 =	vshrl.u32 v8, $0x3  }
0xc3e: {  	v9 =	vmul.u32 $0x18, v50  }
0xc3f: {  	v8 =	vand.u32 $0x7, v8  }
0xc40: {  	v8 =	vor.u32 v8, v9  }
0xc41: {  	v9 =	vperm.xlane v8, v5;
	_ =	sdelay $0x1  }
0xc42: {  	v9 =	vadd.s32 v6, v9;
	_ =	sdelay $0x1  }
0xc43: {  	v8 =	vperm.xlane v8, v7;
	_ =	sdelay $0x1  }
0xc44: {  	v8 =	vadd.s32 v6, v8  }
0xc45: {  	[hbm4b:s5+s3] =	stream.indirect_vreg.scatter [tilespmem:s23], [sflag:$0x1], $0x80, v9, vm10, $0xb8;
	[tilespmem:$0x16EA0] =	vst v63  }
0xc46: {  	s1 =	simm.s32 $0x2680  }
0xc47: {  	[hbm4b:s16+s3] =	stream.indirect_vreg.scatter [tilespmem:s1], [sflag:$0x1], $0x80, v9, vm11, $0xb8;
	[tilespmem:$0x16EA0] =	vst v63  }
0xc48: {  	s1 =	simm.s32 $0x2A80  }
0xc49: {  	[hbm4b:s5+s3] =	stream.indirect_vreg.scatter [tilespmem:s1], [sflag:$0x1], $0x80, v8, vm10, $0xb8;
	[tilespmem:$0x16EA0] =	vst v63  }
0xc4a: {  	s1 =	simm.s32 $0x3280  }
0xc4b: {  	[hbm4b:s16+s3] =	stream.indirect_vreg.scatter [tilespmem:s1], [sflag:$0x1], $0x80, v8, vm11, $0xb8;
	[tilespmem:$0x16EA0] =	vst v63  }
0xc4c: {  	v8 =	vld [tilespmem:$0x1310];
	_ =	sdelay $0x4  }
0xc4d: {  	v51 =	vshrl.u32 v8, $0x3  }
0xc4e: {  	v9 =	vmul.u32 $0x18, v51  }
0xc4f: {  	v8 =	vand.u32 $0x7, v8  }
0xc50: {  	v8 =	vor.u32 v8, v9  }
0xc51: {  	v9 =	vperm.xlane v8, v5;
	_ =	sdelay $0x1  }
0xc52: {  	v9 =	vadd.s32 v6, v9;
	_ =	sdelay $0x1  }
0xc53: {  	v8 =	vperm.xlane v8, v7;
	_ =	sdelay $0x1  }
0xc54: {  	s1 =	simm.s32 $0x3680;
	v8 =	vadd.s32 v6, v8  }
0xc55: {  	[hbm4b:s5+s3] =	stream.indirect_vreg.scatter [tilespmem:s1], [sflag:$0x1], $0x80, v9, vm10, $0xb8;
	[tilespmem:$0x16EA0] =	vst v63  }
0xc56: {  	s1 =	simm.s32 $0x3E80  }
0xc57: {  	[hbm4b:s16+s3] =	stream.indirect_vreg.scatter [tilespmem:s1], [sflag:$0x1], $0x80, v9, vm11, $0xb8;
	[tilespmem:$0x16EA0] =	vst v63  }
0xc58: {  	s1 =	simm.s32 $0x4280  }
0xc59: {  	[hbm4b:s5+s3] =	stream.indirect_vreg.scatter [tilespmem:s1], [sflag:$0x1], $0x80, v8, vm10, $0xb8;
	[tilespmem:$0x16EA0] =	vst v63  }
0xc5a: {  	s1 =	simm.s32 $0x4A80  }
0xc5b: {  	[hbm4b:s16+s3] =	stream.indirect_vreg.scatter [tilespmem:s1], [sflag:$0x1], $0x80, v8, vm11, $0xb8;
	[tilespmem:$0x16EA0] =	vst v63  }
0xc5c: {  	v8 =	vld [tilespmem:$0x1320];
	_ =	sdelay $0x4  }
0xc5d: {  	v52 =	vshrl.u32 v8, $0x3  }
0xc5e: {  	v9 =	vmul.u32 $0x18, v52  }
0xc5f: {  	v8 =	vand.u32 $0x7, v8  }
0xc60: {  	v8 =	vor.u32 v8, v9  }
0xc61: {  	v9 =	vperm.xlane v8, v5;
	_ =	sdelay $0x1  }
0xc62: {  	v9 =	vadd.s32 v6, v9;
	_ =	sdelay $0x1  }
0xc63: {  	v8 =	vperm.xlane v8, v7;
	_ =	sdelay $0x1  }
0xc64: {  	s1 =	simm.s32 $0x4E80;
	v8 =	vadd.s32 v6, v8  }
0xc65: {  	[hbm4b:s5+s3] =	stream.indirect_vreg.scatter [tilespmem:s1], [sflag:$0x1], $0x80, v9, vm10, $0xb8;
	[tilespmem:$0x16EA0] =	vst v63  }
0xc66: {  	s1 =	simm.s32 $0x5680  }
0xc67: {  	[hbm4b:s16+s3] =	stream.indirect_vreg.scatter [tilespmem:s1], [sflag:$0x1], $0x80, v9, vm11, $0xb8;
	[tilespmem:$0x16EA0] =	vst v63  }
0xc68: {  	s1 =	simm.s32 $0x5A80  }
0xc69: {  	[hbm4b:s5+s3] =	stream.indirect_vreg.scatter [tilespmem:s1], [sflag:$0x1], $0x80, v8, vm10, $0xb8;
	[tilespmem:$0x16EA0] =	vst v63  }
0xc6a: {  	s1 =	simm.s32 $0x6280  }
0xc6b: {  	[hbm4b:s16+s3] =	stream.indirect_vreg.scatter [tilespmem:s1], [sflag:$0x1], $0x80, v8, vm11, $0xb8;
	[tilespmem:$0x16EA0] =	vst v63  }
0xc6c: {  	v8 =	vld [tilespmem:$0x1330];
	_ =	sdelay $0x4  }
0xc6d: {  	v53 =	vshrl.u32 v8, $0x3  }
0xc6e: {  	v9 =	vmul.u32 $0x18, v53  }
0xc6f: {  	v8 =	vand.u32 $0x7, v8  }
0xc70: {  	v8 =	vor.u32 v8, v9  }
0xc71: {  	v9 =	vperm.xlane v8, v5;
	_ =	sdelay $0x1  }
0xc72: {  	v9 =	vadd.s32 v6, v9;
	_ =	sdelay $0x1  }
0xc73: {  	v8 =	vperm.xlane v8, v7;
	_ =	sdelay $0x1  }
0xc74: {  	s1 =	simm.s32 $0x6680;
	v8 =	vadd.s32 v6, v8  }
0xc75: {  	[hbm4b:s5+s3] =	stream.indirect_vreg.scatter [tilespmem:s1], [sflag:$0x1], $0x80, v9, vm10, $0xb8;
	[tilespmem:$0x16EA0] =	vst v63  }
0xc76: {  	s1 =	simm.s32 $0x6E80  }
0xc77: {  	[hbm4b:s16+s3] =	stream.indirect_vreg.scatter [tilespmem:s1], [sflag:$0x1], $0x80, v9, vm11, $0xb8;
	[tilespmem:$0x16EA0] =	vst v63  }
0xc78: {  	s1 =	simm.s32 $0x7280  }
0xc79: {  	[hbm4b:s5+s3] =	stream.indirect_vreg.scatter [tilespmem:s1], [sflag:$0x1], $0x80, v8, vm10, $0xb8;
	[tilespmem:$0x16EA0] =	vst v63  }
0xc7a: {  	s1 =	simm.s32 $0x7A80  }
0xc7b: {  	[hbm4b:s16+s3] =	stream.indirect_vreg.scatter [tilespmem:s1], [sflag:$0x1], $0x80, v8, vm11, $0xb8;
	[tilespmem:$0x16EA0] =	vst v63  }
0xc7c: {  	v8 =	vld [tilespmem:$0x1340];
	_ =	sdelay $0x4  }
0xc7d: {  	v54 =	vshrl.u32 v8, $0x3  }
0xc7e: {  	v9 =	vmul.u32 $0x18, v54  }
0xc7f: {  	v8 =	vand.u32 $0x7, v8  }
0xc80: {  	v8 =	vor.u32 v8, v9  }
0xc81: {  	v9 =	vperm.xlane v8, v5;
	_ =	sdelay $0x1  }
0xc82: {  	v9 =	vadd.s32 v6, v9;
	_ =	sdelay $0x1  }
0xc83: {  	v8 =	vperm.xlane v8, v7;
	_ =	sdelay $0x1  }
0xc84: {  	s1 =	simm.s32 $0x7E80;
	v8 =	vadd.s32 v6, v8  }
0xc85: {  	[hbm4b:s5+s3] =	stream.indirect_vreg.scatter [tilespmem:s1], [sflag:$0x1], $0x80, v9, vm10, $0xb8;
	[tilespmem:$0x16EA0] =	vst v63  }
0xc86: {  	s1 =	simm.s32 $0x8680  }
0xc87: {  	[hbm4b:s16+s3] =	stream.indirect_vreg.scatter [tilespmem:s1], [sflag:$0x1], $0x80, v9, vm11, $0xb8;
	[tilespmem:$0x16EA0] =	vst v63  }
0xc88: {  	s1 =	simm.s32 $0x8A80  }
0xc89: {  	[hbm4b:s5+s3] =	stream.indirect_vreg.scatter [tilespmem:s1], [sflag:$0x1], $0x80, v8, vm10, $0xb8;
	[tilespmem:$0x16EA0] =	vst v63  }
0xc8a: {  	s1 =	simm.s32 $0x9280  }
0xc8b: {  	[hbm4b:s16+s3] =	stream.indirect_vreg.scatter [tilespmem:s1], [sflag:$0x1], $0x80, v8, vm11, $0xb8;
	[tilespmem:$0x16EA0] =	vst v63  }
0xc8c: {  	v8 =	vld [tilespmem:$0x1350];
	_ =	sdelay $0x4  }
0xc8d: {  	v55 =	vshrl.u32 v8, $0x3  }
0xc8e: {  	v9 =	vmul.u32 $0x18, v55  }
0xc8f: {  	v8 =	vand.u32 $0x7, v8  }
0xc90: {  	v8 =	vor.u32 v8, v9  }
0xc91: {  	v9 =	vperm.xlane v8, v5;
	_ =	sdelay $0x1  }
0xc92: {  	v9 =	vadd.s32 v6, v9;
	_ =	sdelay $0x1  }
0xc93: {  	v8 =	vperm.xlane v8, v7;
	_ =	sdelay $0x1  }
0xc94: {  	s1 =	simm.s32 $0x9680;
	v8 =	vadd.s32 v6, v8  }
0xc95: {  	[hbm4b:s5+s3] =	stream.indirect_vreg.scatter [tilespmem:s1], [sflag:$0x1], $0x80, v9, vm10, $0xb8;
	[tilespmem:$0x16EA0] =	vst v63  }
0xc96: {  	s1 =	simm.s32 $0x9E80  }
0xc97: {  	[hbm4b:s16+s3] =	stream.indirect_vreg.scatter [tilespmem:s1], [sflag:$0x1], $0x80, v9, vm11, $0xb8;
	[tilespmem:$0x16EA0] =	vst v63  }
0xc98: {  	s1 =	simm.s32 $0xA280  }
0xc99: {  	[hbm4b:s5+s3] =	stream.indirect_vreg.scatter [tilespmem:s1], [sflag:$0x1], $0x80, v8, vm10, $0xb8;
	[tilespmem:$0x16EA0] =	vst v63  }
0xc9a: {  	s1 =	simm.s32 $0xAA80  }
0xc9b: {  	[hbm4b:s16+s3] =	stream.indirect_vreg.scatter [tilespmem:s1], [sflag:$0x1], $0x80, v8, vm11, $0xb8;
	[tilespmem:$0x16EA0] =	vst v63  }
0xc9c: {  	v8 =	vld [tilespmem:$0x1360];
	_ =	sdelay $0x4  }
0xc9d: {  	v56 =	vshrl.u32 v8, $0x3  }
0xc9e: {  	v9 =	vmul.u32 $0x18, v56  }
0xc9f: {  	v8 =	vand.u32 $0x7, v8  }
0xca0: {  	v8 =	vor.u32 v8, v9  }
0xca1: {  	v9 =	vperm.xlane v8, v5;
	_ =	sdelay $0x1  }
0xca2: {  	v9 =	vadd.s32 v6, v9;
	_ =	sdelay $0x1  }
0xca3: {  	v8 =	vperm.xlane v8, v7;
	_ =	sdelay $0x1  }
0xca4: {  	s1 =	simm.s32 $0xAE80;
	v8 =	vadd.s32 v6, v8  }
0xca5: {  	[hbm4b:s5+s3] =	stream.indirect_vreg.scatter [tilespmem:s1], [sflag:$0x1], $0x80, v9, vm10, $0xb8;
	[tilespmem:$0x16EA0] =	vst v63  }
0xca6: {  	s1 =	simm.s32 $0xB680  }
0xca7: {  	[hbm4b:s16+s3] =	stream.indirect_vreg.scatter [tilespmem:s1], [sflag:$0x1], $0x80, v9, vm11, $0xb8;
	[tilespmem:$0x16EA0] =	vst v63  }
0xca8: {  	s1 =	simm.s32 $0xBA80  }
0xca9: {  	[hbm4b:s5+s3] =	stream.indirect_vreg.scatter [tilespmem:s1], [sflag:$0x1], $0x80, v8, vm10, $0xb8;
	[tilespmem:$0x16EA0] =	vst v63  }
0xcaa: {  	s1 =	simm.s32 $0xC280  }
0xcab: {  	[hbm4b:s16+s3] =	stream.indirect_vreg.scatter [tilespmem:s1], [sflag:$0x1], $0x80, v8, vm11, $0xb8;
	[tilespmem:$0x16EA0] =	vst v63  }
0xcac: {  	_ =	swait.ge [sflag:s26], $0xA800  }
0xcad: {  	[sflag:s26] =	ssyncset.done $0x0  }
0xcae: {  	[sflag:s26] =	ssyncadd.s32 $0xFFFF5800  }
0xcaf: {  	_ =	swait.ge [sflag:s22], $0xA800  }
0xcb0: {  	[sflag:s22] =	ssyncset.done $0x0  }
0xcb1: {  	[sflag:s22] =	ssyncadd.s32 $0xFFFF5800  }
0xcb2: {  	v8 =	vld [tilespmem:$0x1380];
	_ =	sdelay $0x4  }
0xcb3: {  	v57 =	vshrl.u32 v8, $0x3  }
0xcb4: {  	v9 =	vmul.u32 $0x18, v57  }
0xcb5: {  	v8 =	vand.u32 $0x7, v8  }
0xcb6: {  	v8 =	vor.u32 v8, v9  }
0xcb7: {  	v9 =	vperm.xlane v8, v5;
	_ =	sdelay $0x1  }
0xcb8: {  	v9 =	vadd.s32 v6, v9;
	_ =	sdelay $0x1  }
0xcb9: {  	v8 =	vperm.xlane v8, v7;
	_ =	sdelay $0x1  }
0xcba: {  	v8 =	vadd.s32 v6, v8  }
0xcbb: {  	[hbm4b:s5+s3] =	stream.indirect_vreg.scatter [tilespmem:s31], [sflag:$0x2], $0x80, v9, vm10, $0xb8;
	[tilespmem:$0x16EA0] =	vst v63  }
0xcbc: {  	s18 =	simm.s32 $0xCE80  }
0xcbd: {  	[hbm4b:s16+s3] =	stream.indirect_vreg.scatter [tilespmem:s18], [sflag:$0x2], $0x80, v9, vm11, $0xb8;
	[tilespmem:$0x16EA0] =	vst v63  }
0xcbe: {  	s19 =	simm.s32 $0xD280  }
0xcbf: {  	[hbm4b:s5+s3] =	stream.indirect_vreg.scatter [tilespmem:s19], [sflag:$0x2], $0x80, v8, vm10, $0xb8;
	[tilespmem:$0x16EA0] =	vst v63  }
0xcc0: {  	s19 =	simm.s32 $0xDA80  }
0xcc1: {  	[hbm4b:s16+s3] =	stream.indirect_vreg.scatter [tilespmem:s19], [sflag:$0x2], $0x80, v8, vm11, $0xb8;
	[tilespmem:$0x16EA0] =	vst v63  }
0xcc2: {  	v8 =	vld [tilespmem:$0x1390];
	_ =	sdelay $0x4  }
0xcc3: {  	v58 =	vshrl.u32 v8, $0x3  }
0xcc4: {  	v9 =	vmul.u32 $0x18, v58  }
0xcc5: {  	v8 =	vand.u32 $0x7, v8  }
0xcc6: {  	v8 =	vor.u32 v8, v9  }
0xcc7: {  	v9 =	vperm.xlane v8, v5;
	_ =	sdelay $0x1  }
0xcc8: {  	v9 =	vadd.s32 v6, v9;
	_ =	sdelay $0x1  }
0xcc9: {  	v8 =	vperm.xlane v8, v7;
	_ =	sdelay $0x1  }
0xcca: {  	s0 =	simm.s32 $0xDE80;
	v8 =	vadd.s32 v6, v8  }
0xccb: {  	[hbm4b:s5+s3] =	stream.indirect_vreg.scatter [tilespmem:s0], [sflag:$0x2], $0x80, v9, vm10, $0xb8;
	[tilespmem:$0x16EA0] =	vst v63  }
0xccc: {  	s2 =	simm.s32 $0xE680  }
0xccd: {  	[hbm4b:s16+s3] =	stream.indirect_vreg.scatter [tilespmem:s2], [sflag:$0x2], $0x80, v9, vm11, $0xb8;
	[tilespmem:$0x16EA0] =	vst v63  }
0xcce: {  	s6 =	simm.s32 $0xEA80  }
0xccf: {  	[hbm4b:s5+s3] =	stream.indirect_vreg.scatter [tilespmem:s6], [sflag:$0x2], $0x80, v8, vm10, $0xb8;
	[tilespmem:$0x16EA0] =	vst v63  }
0xcd0: {  	s28 =	simm.s32 $0xF280  }
0xcd1: {  	[hbm4b:s16+s3] =	stream.indirect_vreg.scatter [tilespmem:s28], [sflag:$0x2], $0x80, v8, vm11, $0xb8;
	[tilespmem:$0x16EA0] =	vst v63  }
0xcd2: {  	v8 =	vld [tilespmem:$0x13A0];
	_ =	sdelay $0x4  }
0xcd3: {  	v59 =	vshrl.u32 v8, $0x3  }
0xcd4: {  	v9 =	vmul.u32 $0x18, v59  }
0xcd5: {  	v8 =	vand.u32 $0x7, v8  }
0xcd6: {  	v8 =	vor.u32 v8, v9  }
0xcd7: {  	v9 =	vperm.xlane v8, v5;
	_ =	sdelay $0x1  }
0xcd8: {  	v9 =	vadd.s32 v6, v9;
	_ =	sdelay $0x1  }
0xcd9: {  	v8 =	vperm.xlane v8, v7;
	_ =	sdelay $0x1  }
0xcda: {  	s7 =	simm.s32 $0xF680;
	v8 =	vadd.s32 v6, v8  }
0xcdb: {  	[hbm4b:s5+s3] =	stream.indirect_vreg.scatter [tilespmem:s7], [sflag:$0x2], $0x80, v9, vm10, $0xb8;
	[tilespmem:$0x16EA0] =	vst v63  }
0xcdc: {  	s8 =	simm.s32 $0xFE80  }
0xcdd: {  	[hbm4b:s16+s3] =	stream.indirect_vreg.scatter [tilespmem:s8], [sflag:$0x2], $0x80, v9, vm11, $0xb8;
	[tilespmem:$0x16EA0] =	vst v63  }
0xcde: {  	s9 =	simm.s32 $0x10280  }
0xcdf: {  	[hbm4b:s5+s3] =	stream.indirect_vreg.scatter [tilespmem:s9], [sflag:$0x2], $0x80, v8, vm10, $0xb8;
	[tilespmem:$0x16EA0] =	vst v63  }
0xce0: {  	s29 =	simm.s32 $0x10A80  }
0xce1: {  	[hbm4b:s16+s3] =	stream.indirect_vreg.scatter [tilespmem:s29], [sflag:$0x2], $0x80, v8, vm11, $0xb8;
	[tilespmem:$0x16EA0] =	vst v63  }
0xce2: {  	v8 =	vld [tilespmem:$0x13B0];
	_ =	sdelay $0x4  }
0xce3: {  	v60 =	vshrl.u32 v8, $0x3  }
0xce4: {  	v9 =	vmul.u32 $0x18, v60  }
0xce5: {  	v8 =	vand.u32 $0x7, v8  }
0xce6: {  	v8 =	vor.u32 v8, v9  }
0xce7: {  	v9 =	vperm.xlane v8, v5;
	_ =	sdelay $0x1  }
0xce8: {  	v9 =	vadd.s32 v6, v9;
	_ =	sdelay $0x1  }
0xce9: {  	v8 =	vperm.xlane v8, v7;
	_ =	sdelay $0x1  }
0xcea: {  	s10 =	simm.s32 $0x10E80;
	v8 =	vadd.s32 v6, v8  }
0xceb: {  	[hbm4b:s5+s3] =	stream.indirect_vreg.scatter [tilespmem:s10], [sflag:$0x2], $0x80, v9, vm10, $0xb8;
	[tilespmem:$0x16EA0] =	vst v63  }
0xcec: {  	s21 =	simm.s32 $0x11680  }
0xced: {  	[hbm4b:s16+s3] =	stream.indirect_vreg.scatter [tilespmem:s21], [sflag:$0x2], $0x80, v9, vm11, $0xb8;
	[tilespmem:$0x16EA0] =	vst v63  }
0xcee: {  	s24 =	simm.s32 $0x11A80  }
0xcef: {  	[hbm4b:s5+s3] =	stream.indirect_vreg.scatter [tilespmem:s24], [sflag:$0x2], $0x80, v8, vm10, $0xb8;
	[tilespmem:$0x16EA0] =	vst v63  }
0xcf0: {  	s24 =	simm.s32 $0x12280  }
0xcf1: {  	[hbm4b:s16+s3] =	stream.indirect_vreg.scatter [tilespmem:s24], [sflag:$0x2], $0x80, v8, vm11, $0xb8;
	[tilespmem:$0x16EA0] =	vst v63  }
0xcf2: {  	v8 =	vld [tilespmem:$0x13C0];
	_ =	sdelay $0x4  }
0xcf3: {  	v61 =	vshrl.u32 v8, $0x3  }
0xcf4: {  	v9 =	vmul.u32 $0x18, v61  }
0xcf5: {  	v8 =	vand.u32 $0x7, v8  }
0xcf6: {  	v8 =	vor.u32 v8, v9  }
0xcf7: {  	v9 =	vperm.xlane v8, v5;
	_ =	sdelay $0x1  }
0xcf8: {  	v9 =	vadd.s32 v6, v9;
	_ =	sdelay $0x1  }
0xcf9: {  	v8 =	vperm.xlane v8, v7;
	_ =	sdelay $0x1  }
0xcfa: {  	s25 =	simm.s32 $0x12680;
	v8 =	vadd.s32 v6, v8  }
0xcfb: {  	[hbm4b:s5+s3] =	stream.indirect_vreg.scatter [tilespmem:s25], [sflag:$0x2], $0x80, v9, vm10, $0xb8;
	[tilespmem:$0x16EA0] =	vst v63  }
0xcfc: {  	s25 =	simm.s32 $0x12E80  }
0xcfd: {  	[hbm4b:s16+s3] =	stream.indirect_vreg.scatter [tilespmem:s25], [sflag:$0x2], $0x80, v9, vm11, $0xb8;
	[tilespmem:$0x16EA0] =	vst v63  }
0xcfe: {  	s11 =	simm.s32 $0x13280  }
0xcff: {  	[hbm4b:s5+s3] =	stream.indirect_vreg.scatter [tilespmem:s11], [sflag:$0x2], $0x80, v8, vm10, $0xb8;
	[tilespmem:$0x16EA0] =	vst v63  }
0xd00: {  	s28 =	simm.s32 $0x13A80  }
0xd01: {  	[hbm4b:s16+s3] =	stream.indirect_vreg.scatter [tilespmem:s28], [sflag:$0x2], $0x80, v8, vm11, $0xb8;
	[tilespmem:$0x16EA0] =	vst v63  }
0xd02: {  	v8 =	vld [tilespmem:$0x13D0];
	_ =	sdelay $0x4  }
0xd03: {  	v62 =	vshrl.u32 v8, $0x3  }
0xd04: {  	v9 =	vmul.u32 $0x18, v62  }
0xd05: {  	v8 =	vand.u32 $0x7, v8  }
0xd06: {  	v8 =	vor.u32 v8, v9  }
0xd07: {  	v9 =	vperm.xlane v8, v5;
	_ =	sdelay $0x1  }
0xd08: {  	v9 =	vadd.s32 v6, v9;
	_ =	sdelay $0x1  }
0xd09: {  	v8 =	vperm.xlane v8, v7;
	_ =	sdelay $0x1  }
0xd0a: {  	s29 =	simm.s32 $0x13E80;
	v8 =	vadd.s32 v6, v8  }
0xd0b: {  	[hbm4b:s5+s3] =	stream.indirect_vreg.scatter [tilespmem:s29], [sflag:$0x2], $0x80, v9, vm10, $0xb8;
	[tilespmem:$0x16EA0] =	vst v63  }
0xd0c: {  	s12 =	simm.s32 $0x14680  }
0xd0d: {  	[hbm4b:s16+s3] =	stream.indirect_vreg.scatter [tilespmem:s12], [sflag:$0x2], $0x80, v9, vm11, $0xb8;
	[tilespmem:$0x16EA0] =	vst v63  }
0xd0e: {  	s13 =	simm.s32 $0x14A80  }
0xd0f: {  	[hbm4b:s5+s3] =	stream.indirect_vreg.scatter [tilespmem:s13], [sflag:$0x2], $0x80, v8, vm10, $0xb8;
	[tilespmem:$0x16EA0] =	vst v63  }
0xd10: {  	s30 =	simm.s32 $0x15280  }
0xd11: {  	[hbm4b:s16+s3] =	stream.indirect_vreg.scatter [tilespmem:s30], [sflag:$0x2], $0x80, v8, vm11, $0xb8;
	[tilespmem:$0x16EA0] =	vst v63  }
0xd12: {  	v8 =	vld [tilespmem:$0x13E0];
	_ =	sdelay $0x4  }
0xd13: {  	v63 =	vshrl.u32 v8, $0x3  }
0xd14: {  	v9 =	vmul.u32 $0x18, v63  }
0xd15: {  	v8 =	vand.u32 $0x7, v8  }
0xd16: {  	v8 =	vor.u32 v8, v9  }
0xd17: {  	v9 =	vperm.xlane v8, v5;
	_ =	sdelay $0x1  }
0xd18: {  	v9 =	vadd.s32 v6, v9;
	_ =	sdelay $0x1  }
0xd19: {  	v8 =	vperm.xlane v8, v7;
	_ =	sdelay $0x1  }
0xd1a: {  	s14 =	simm.s32 $0x15680;
	v8 =	vadd.s32 v6, v8  }
0xd1b: {  	[hbm4b:s5+s3] =	stream.indirect_vreg.scatter [tilespmem:s14], [sflag:$0x2], $0x80, v9, vm10, $0xb8;
	[tilespmem:$0x16EA0] =	vst v63  }
0xd1c: {  	s15 =	simm.s32 $0x15E80  }
0xd1d: {  	[hbm4b:s16+s3] =	stream.indirect_vreg.scatter [tilespmem:s15], [sflag:$0x2], $0x80, v9, vm11, $0xb8;
	[tilespmem:$0x16EA0] =	vst v63  }
0xd1e: {  	s17 =	simm.s32 $0x16280  }
0xd1f: {  	[hbm4b:s5+s3] =	stream.indirect_vreg.scatter [tilespmem:s17], [sflag:$0x2], $0x80, v8, vm10, $0xb8;
	[tilespmem:$0x16EA0] =	vst v63  }
.Ltmp7:
0xd20: {  	s30 =	simm.s32 $0x16A80;
	(pc) =	sbr.rel .LBB2_12-.Ltmp7, $4  }
0xd21: {  	[hbm4b:s16+s3] =	stream.indirect_vreg.scatter [tilespmem:s30], [sflag:$0x2], $0x80, v8, vm11, $0xb8;
	[tilespmem:$0x16EA0] =	vst v63  }
0xd22: {  	_ =	swait.ge [sflag:s22], $0xA800  }
0xd23: {  	[sflag:s22] =	ssyncset.done $0x0  }
0xd24: {  	s20 =	simm.s32 $0x3;
	s7 =	simm.s32 $0x1C00;
	[sflag:s22] =	ssyncadd.s32 $0xFFFF5800  }
.LBB2_13:
0xd25: {  	_ =	sfence.sel $0x180000  }
0xd26: {  	[bflag:$0x0] =	sbarrier.arrive $0xFFFF  }
0xd27: {  	_ =	strace $0x9000004A  }
0xd28: {  	s0 =	stileid.u32;
	[bflag:$0x2] =	sbarrier.arrive $0xFFFF  }
0xd29: {  	p0 =	sne.s32 s0, $0x0;
	s0 =	rddreg [dreg:$0x4]  }
0xd2a: {  	s0 =	sadd.s32 @!p0 $0x100000, s0  }
0xd2b: {  	[sflag:s0] =	ssyncadd.tile.s32 @!p0 $0x1;
	_ =	shalt  }
.Lfunc_end2:
_tile_overlayer_lowered:
.L_overlay_start_2:
0xd2c: {  	(tag) =	ssettag $0x2  }
0xd2d: {  	s0 =	rddreg [dreg:$0x0];
	s2 =	stileid.u32  }
0xd2e: {  	s1 =	rddreg [dreg:$0x1];
	p0 =	sne.s32 s2, $0x0  }
0xd2f: {  	s3 =	rddreg [dreg:$0x2];
	[bflag:$0x3] =	sbarrier.arrive $0xFFFF;
	s2 =	simm.s32 @!p0 $0x1C03  }
0xd30: {  	[timem:s3], [sflag:s2] =	dma.local @!p0 [hbm:s0], s1  }
0xd31: {  	s0 =	simm.s32 @!p0 $0x3  }
0xd32: {  	_ =	swait.ge @!p0 [sflag:s0], s1  }
0xd33: {  	s1 =	ssub.s32 @!p0 $0x0, s1;
	[sflag:s0] =	ssyncset.done @!p0 $0x0  }
0xd34: {  	[sflag:s0] =	ssyncadd.s32 @!p0 s1  }
0xd35: {  	[bflag:$0x3] =	sbarrier.arrive $0xFFFF  }
0xd36: {  	_ =	shalt  }

// kernel: sparse-core-data-format-call.1.cloned.1.call-start
scs
called_computation.1_lowered:
.L_overlay_start_0:
0x0: {  	s2 =	sld [smem:$0x3FD9]  }
0x1: {  	s3 =	sld [smem:$0x3FFE];
	_ =	sdelay $0x1  }
0x2: {  	s1 =	srdreg.scid  }
0x3: {  	s0 =	sand.u32 $0x1, s1  }
0x4: {  	s18 =	sshll.u32 s0, $0xA;
	s2 =	sadd.s32 s3, s2  }
0x5: {  	s2 =	sadd.s32 s2, s18  }
0x6: {  	[smem:$0x3FC6] =	sst s2  }
0x7: {  	_ = 	snop  }
0x8: {  	s2 =	sld [smem:$0x3FC8];
	(tm) =	ssettm $0x1  }
0x9: {  	s19 =	sld [smem:$0x3FFB];
	_ =	sdelay $0x3  }
0xa: {  	_ =	strace s19  }
0xb: {  	s3 =	sld [smem:$0x3FFC];
	_ =	sdelay $0x3  }
0xc: {  	_ =	strace s3  }
0xd: {  	s3 =	sld [smem:$0x3FFD];
	_ =	sdelay $0x3  }
0xe: {  	_ =	strace s3  }
0xf: {  	_ =	strace $0x8FFFFFFF  }
0x10: {  	s20 =	sld [smem:$0x3FDB];
	_ =	sdelay $0x1  }
0x11: {  	s4 =	simm.s32 $_scs_section_size  }
0x12: {  	s5 =	simm.s32 $_size__tile_overlayer_lowered;
	s6 =	simm.s32 $_tile_overlayer_lowered  }
0x13: {  	s23 =	simm.s32 $0x1BFF;
	s22 =	sshll.u32 s6, $0x1;
	s3 =	sadd.s32 s4, s20  }
0x14: {  	s7 =	simm.s32 $0x0;
	s21 =	sshll.u32 s5, $0x1;
	s5 =	sadd.s32 s22, s3  }
0x15: {  	[timem:s7], [sflag:s23] =	dma.local [hbm:s5], s21  }
0x16: {  	_ =	swait.ge [sflag:s23], s21  }
0x17: {  	s4 =	ssub.s32 $0x0, s21;
	[sflag:s23] =	ssyncset.done $0x0  }
0x18: {  	[sflag:s23] =	ssyncadd.s32 s4;
	_ =	sdelay $0x1  }
0x19: {  	s24 =	simm.s32 $0x1B8B  }
0x1a: {  	_ =	swait.ge [sflag:s24], $0x1  }
0x1b: {  	[sflag:s24] =	ssyncset.done $0x0  }
0x1c: {  	s26 =	simm.s32 $0x1B8E;
	s25 =	sld [smem:$0x3FFE];
	[sflag:s24] =	ssyncadd.s32 $0xFFFFFFFF  }
0x1d: {  	s27 =	simm.s32 $execute0_lowered;
	[smem:$0x3FD2] =	sst s26  }
0x1e: {  	s5 =	sshll.u32 s27, $0x1;
	_ =	strace $0x80000046;
	[dreg:$0x1] =	wrdreg $0xFFFFFFFF  }
0x1f: {  	s28 =	simm.s32 $_size_execute0_lowered;
	s3 =	sadd.s32 s3, s5;
	[dreg:$0x0] =	wrdreg $0x0  }
0x20: {  	s5 =	sshll.u32 s28, $0x1;
	[dreg:$0x2] =	wrdreg s3  }
0x21: {  	[dreg:$0x3] =	wrdreg s5  }
0x22: {  	[dreg:$0x4] =	wrdreg $0xC0  }
0x23: {  	_ =	task [dreg:s7], $0x5FFFF  }
0x24: {  	[dreg:$0x1] =	wrdreg $0xFFFFFFFF  }
0x25: {  	[dreg:$0x0] =	wrdreg $0x60  }
0x26: {  	[dreg:$0x2] =	wrdreg s2  }
0x27: {  	[dreg:$0x3] =	wrdreg s25  }
0x28: {  	[dreg:$0x4] =	wrdreg $0x9  }
0x29: {  	_ =	task.clear_ibuf [dreg:s7], $0x5FFFF;
	_ =	strace $0x90000046  }
0x2a: {  	s29 =	simm.s32 $0x9;
	_ =	strace $0x80000048  }
0x2b: {  	_ =	swait.ge [sflag:s29], $0x1  }
0x2c: {  	[sflag:s29] =	ssyncadd.s32 $0xFFFFFFFF  }
0x2d: {  	_ =	strace $0x90000048  }
0x2e: {  	_ =	sfence  }
0x2f: {  	s30 =	sld [smem:$0x0];
	_ =	sdelay $0x2  }
0x30: {  	s31 =	sshll.u32 s1, $0xD;
	s1 =	sshrl.u32 s1, $0x2  }
0x31: {  	s3 =	sand.u32 $0x4000, s31;
	s1 =	sadd.s32 s1, s30  }
0x32: {  	s0 =	sor.u32 s3, s0;
	s1 =	sshll.u32 s1, $0x11  }
0x33: {  	s0 =	sor.u32 s1, s0  }
0x34: {  	s0 =	sadd.s32 $0x8F2B, s0  }
0x35: {  	[sflag:s0] =	ssyncadd.remote.s32 $0x1  }
0x36: {  	_ =	sfence.sel $0xFFFF  }
0x37: {  	[dreg:$0x0] =	wrdreg $0xFFFFFFFF;
	(pc) =	sbr.abs _section_cstart, $3  }
0x38: {  	[dreg:$0x1] =	wrdreg $0xFFFFFFFF  }
0x39: {  	_ =	task.clear_ibuf [dreg:s7], $0x2FFFF;
	_ =	strace $0x9FFFFFFF  }
0x3a: {  	(tm) =	ssettm $0x7FFFFFFF  }
0x3b: {  	_ =	shalt  }
tec
execute0_lowered:
.L_overlay_start_1:
0x0: {  	(tag) =	ssettag $0x1  }
0x1: {  	s0 =	srdreg.scid;
	s2 =	rddreg [dreg:$0x0]  }
0x2: {  	s5 =	rddreg [dreg:$0x1];
	s1 =	sshll.u32 s0, $0x4  }
0x3: {  	s31 =	simm.s32 $0x2;
	s0 =	stileid.u32;
	s1 =	sand.u32 $0x10, s1  }
0x4: {  	s13 =	simm.s32 $0x0;
	p0 =	por $0x0, $0x0;
	s1 =	sor.u32 s0, s1  }
0x5: {  	s8 =	simm.s32 $0x61C00;
	s12 =	simm.s32 $0x0;
	s3 =	sshll.u32 s1, $0x7  }
.Ltmp0:
0x6: {  	s10 =	simm.s32 $0x0;
	s4 =	ssub.s32 $0xC300, s3;
	(pc) =	sbr.rel .LBB1_1-.Ltmp0, $4  }
0x7: {  	s11 =	simm.s32 $0x0;
	s1 =	rddreg [dreg:$0x2];
	s6 =	sshrl.u32 s4, $0xC  }
0x8: {  	_ =	strace $0x80000047;
	s4 =	simm.s32 $0x1;
	s7 =	smul.u32 $0x3, s6  }
0x9: {  	s5 =	sadd.s32 $0x1200, s5;
	s9 =	smov.u32 s3;
	[sflag:s4] =	ssyncpa.u1 $0x0  }
0xa: {  	[sflag:s31] =	ssyncpa.u1 $0x0;
	s6 =	sadd.s32 $0x3, s7;
	s7 =	sadd.s32 $0x4, s7  }
.LBB1_5:
0xb: {  	s14 =	sadd.s32 $0x1000, s9  }
0xc: {  	s12 =	simm.s32 $0x1;
	p2 =	sgt.s32 s14, $0xC34F  }
0xd: {  	s12 =	simm.s32 @!p2 $0x0  }
0xe: {  	s16 =	sadd.s32 s12, s10  }
0xf: {  	s14 =	smov.u32 @p2 s3;
	p2 =	sgt.s32 s16, $0x2  }
0x10: {  	s16 =	simm.s32 @p2 $0x0;
	p2 =	sne.s32 s11, s7  }
.Ltmp1:
0x11: {  	p1 =	slt.u32 s11, $0x2;
	(pc) =	sbr.rel @!p2 .LBB1_6-.Ltmp1, $4  }
0x12: {  	s15 =	simm.s32 @!p1 $0x2  }
0x13: {  	s13 =	smov.u32 s9;
	p0 =	por !p0, !p0;
	_ =	swait.ge @!p1 [sflag:s15], $0x4000  }
0x14: {  	[sflag:s15] =	ssyncset.done @!p1 $0x0;
	s12 =	smov.u32 s10;
	s9 =	smov.u32 s14  }
0x15: {  	[sflag:s15] =	ssyncadd.s32 @!p1 $0xFFFFC000;
	s11 =	sadd.s32 $0x1, s11;
	s10 =	smov.u32 s16  }
.LBB1_1:
0x16: {  	p1 =	sge.u32 s11, s6;
	s15 =	smov.u32 s10  }
0x17: {  	s18 =	smov.u32 s9;
	p2 =	sgt.s32 @!p1 s10, $0x2;
	s14 =	sand.u32 @!p1 $0x1FFFFFF, s9  }
0x18: {  	s17 =	sshra.s32 @!p1 s10, $0x1F;
	s19 =	sshra.s32 @!p1 s9, $0x1F;
	p2 =	por !p2, p1  }
0x19: {  	s16 =	smulhi.u32 @!p1 $0x14F8B59, s14;
	s15 =	simm.s32 @p2 $0x2;
	p2 =	sgt.s32 @!p1 s9, $0xC2D0  }
0x1a: {  	s17 =	sand.u32 @!p1 s17, s10;
	s19 =	sand.u32 @!p1 s19, s9;
	p2 =	por !p2, p1  }
0x1b: {  	s15 =	ssub.s32 @!p1 s15, s17;
	s16 =	sshrl.u32 @!p1 s16, $0x8;
	s18 =	simm.s32 @p2 $0xC2D0  }
0x1c: {  	s15 =	sadd.s32 @!p1 $0xFFFFFFFE, s15;
	s16 =	smul.u32 @!p1 $0xC350, s16;
	s17 =	ssub.s32 @!p1 s18, s19  }
0x1d: {  	p2 =	sgt.s32 @!p1 s15, $0x0;
	s15 =	sshll.u32 @!p1 s15, $0x7;
	s18 =	sadd.s32 @!p1 $0xFFFF3D30, s17  }
0x1e: {  	s19 =	smul.u32 @!p1 $0xC3500, s10;
	s17 =	ssub.s32 @!p1 $0xC350, s17;
	p3 =	sgt.s32 @!p1 s18, $0x7F  }
0x1f: {  	s15 =	ssub.s32 @!p1 $0x80, s15;
	p2 =	por !p2, p1;
	p3 =	por !p3, p1  }
0x20: {  	s18 =	sxor.u32 @!p1 $0xFFFFFFFF, s11;
	s15 =	simm.s32 @!p2 $0x0;
	s17 =	simm.s32 @!p3 $0x0  }
0x21: {  	s14 =	ssub.s32 @!p1 s14, s16;
	s16 =	sshll.u32 @!p1 s18, $0xE;
	s15 =	smul.u32 @!p1 s17, s15  }
0x22: {  	s14 =	sshll.u32 @!p1 s14, $0x4;
	s16 =	sand.u32 @!p1 $0x4000, s16;
	s17 =	sadd.s32 @!p1 s2, s19  }
0x23: {  	s14 =	sadd.s32 @!p1 s14, s17;
	s17 =	simm.s32 @!p1 $0x0;
	s15 =	sand.u32 @!p1 $0x3FFFFF80, s15  }
0x24: {  	[tilespmem:s16], [sflag:$0x1] =	stream.linear.gather @!p1 [hbm4b:s14+s17], s15, $0x38;
	[tilespmem:$0x10100] =	vst v63  }
0x25: {  	p1 =	seq.s32 s11, $0x0  }
0x26: {  	p2 =	sge.u32 @!p1 s11, s7  }
0x27: {  	p1 =	por p1, p2  }
.Ltmp2:
0x28: {  	_ = 	snop;
	(pc) =	sbr.rel @p1 .LBB1_5-.Ltmp2, $1  }
0x29: {  	_ =	sdelay $0x3  }
0x2a: {  	p1 =	sgt.s32 s12, $0x2;
	s14 =	smov.u32 s12  }
0x2b: {  	s15 =	sshra.s32 s12, $0x1F;
	s16 =	smov.u32 s13;
	s17 =	sshra.s32 s13, $0x1F  }
0x2c: {  	s14 =	simm.s32 @!p1 $0x2;
	s15 =	sand.u32 s15, s12;
	p1 =	sgt.s32 s13, $0xC2D0  }
0x2d: {  	s27 =	sand.u32 s17, s13;
	s14 =	ssub.s32 s14, s15;
	s16 =	simm.s32 @!p1 $0xC2D0  }
0x2e: {  	s14 =	sadd.s32 $0xFFFFFFFE, s14;
	s15 =	ssub.s32 s16, s27  }
0x2f: {  	p1 =	sgt.s32 s14, $0x0;
	s16 =	sadd.s32 $0xFFFF3D30, s15;
	s14 =	sshll.u32 s14, $0x7  }
0x30: {  	s15 =	ssub.s32 $0xC350, s15;
	p2 =	sgt.s32 s16, $0x7F;
	s14 =	ssub.s32 $0x80, s14  }
0x31: {  	s15 =	simm.s32 @p2 $0x0;
	s14 =	simm.s32 @p1 $0x0  }
0x32: {  	s14 =	smul.u32 s15, s14;
	_ =	sdelay $0x1  }
0x33: {  	s15 =	simm.s32 $0x1;
	s14 =	sand.u32 $0x3FFFFF80, s14  }
0x34: {  	s15 =	simm.s32 @!p0 $0x0;
	_ =	swait.ge [sflag:s4], s14  }
0x35: {  	s28 =	sshll.u32 s15, $0xE;
	s14 =	ssub.s32 $0x0, s14;
	[sflag:s4] =	ssyncset.done $0x0  }
0x36: {  	s29 =	sor.u32 $0x40, s28;
	[sflag:s4] =	ssyncadd.s32 s14  }
0x37: {  	s30 =	smul.u32 $0x10200, s15;
	v0 =	vld [tilespmem:s29+$0x30]  }
0x38: {  	v1 =	vld [tilespmem:s29+$0xFFFFFFD0]  }
0x39: {  	s14 =	sshrl.u32 s30, $0x2;
	v5 =	vld [tilespmem:s29+$0xFFFFFFE0]  }
0x3a: {  	s15 =	sor.u32 $0x8000, s14;
	v6 =	vld [tilespmem:s29+$0xFFFFFFF0]  }
0x3b: {  	s31 =	sand.u32 $0x1, s11;
	v3 =	vld [tilespmem:s29+$0x0];
	s16 =	sadd.s32 $0x0, s15  }
0x3c: {  	s14 =	smul.u32 $0x10200, s31;
	v4 =	vld [tilespmem:s29+$0x10];
	[tilespmem:s16+$0x3870 ss:$0x81] =	vst.msk $0xffff, v0  }
0x3d: {  	v2 =	vld [tilespmem:s29+$0x20];
	[tilespmem:s16+$0x810 ss:$0x81] =	vst.msk $0xffff, v1  }
0x3e: {  	s17 =	sadd.s32 $0x80, s29;
	s14 =	sshrl.u32 s14, $0x2;
	v0 =	vld [tilespmem:s29+$0xFFFFFFC0];
	[tilespmem:s16+$0x1020 ss:$0x81] =	vst.msk $0xffff, v5  }
0x3f: {  	s18 =	simm.s32 $0x4;
	s19 =	simm.s32 $0x8;
	s14 =	sor.u32 $0x8000, s14;
	v1 =	vld [tilespmem:s17+$0x30];
	[tilespmem:s16+$0x1830 ss:$0x81] =	vst.msk $0xffff, v6  }
.LBB1_3:
0x40: {  	p1 =	sne.s32 s19, $0x1FC;
	v5 =	vld [tilespmem:s17+$0xFFFFFFD0];
	[tilespmem:s16+$0x2040 ss:$0x81] =	vst.msk $0xffff, v3  }
0x41: {  	v6 =	vld [tilespmem:s17+$0xFFFFFFE0];
	[tilespmem:s16+$0x2850 ss:$0x81] =	vst.msk $0xffff, v4  }
0x42: {  	s20 =	sshra.s32 s18, $0x2;
	s18 =	smov.u32 s19;
	v7 =	vld [tilespmem:s17+$0xFFFFFFF0];
	[tilespmem:s16+$0x3060 ss:$0x81] =	vst.msk $0xffff, v2  }
.Ltmp3:
0x43: {  	v3 =	vld [tilespmem:s17+$0x0];
	[tilespmem:s16+$0x0 ss:$0x81] =	vst.msk $0xffff, v0;
	s16 =	sadd.s32 s20, s15;
	(pc) =	sbr.rel @p1 .LBB1_3-.Ltmp3, $4  }
0x44: {  	v4 =	vld [tilespmem:s17+$0x10];
	[tilespmem:s16+$0x3870 ss:$0x81] =	vst.msk $0xffff, v1  }
0x45: {  	[tilespmem:s16+$0x810 ss:$0x81] =	vst.msk $0xffff, v5;
	v2 =	vld [tilespmem:s17+$0x20]  }
0x46: {  	v0 =	vld [tilespmem:s17+$0xFFFFFFC0];
	[tilespmem:s16+$0x1020 ss:$0x81] =	vst.msk $0xffff, v6;
	s17 =	sadd.s32 $0x80, s17  }
0x47: {  	s19 =	sadd.s32 $0x4, s19;
	v1 =	vld [tilespmem:s17+$0x30];
	[tilespmem:s16+$0x1830 ss:$0x81] =	vst.msk $0xffff, v7  }
0x48: {  	v5 =	vld [tilespmem:s17+$0xFFFFFFD0];
	[tilespmem:s16+$0x2040 ss:$0x81] =	vst.msk $0xffff, v3;
	s19 =	sshll.u32 s13, $0x3  }
0x49: {  	v58 =	vld [tilespmem:s17+$0xFFFFFFE0];
	s24 =	sand.u32 $0x7F, s13;
	[tilespmem:s16+$0x2850 ss:$0x81] =	vst.msk $0xffff, v4;
	s19 =	sand.u32 $0xFFFFFC00, s19  }
0x4a: {  	s18 =	sshra.s32 s18, $0x2;
	v59 =	vld [tilespmem:s17+$0xFFFFFFF0];
	[tilespmem:s16+$0x3060 ss:$0x81] =	vst.msk $0xffff, v2;
	s13 =	sor.u32 s24, s19;
	s26 =	smulhi.u32 $0xA79C7B17, s19  }
0x4b: {  	v60 =	vld [tilespmem:s17+$0x0];
	s15 =	sadd.s32 s18, s15;
	[tilespmem:s16+$0x0 ss:$0x81] =	vst.msk $0xffff, v0;
	s25 =	smulhi.u32 $0xA79C7B17, s13  }
0x4c: {  	v61 =	vld [tilespmem:s17+$0x10];
	[tilespmem:s15+$0x3870 ss:$0x81] =	vst.msk $0xffff, v1  }
0x4d: {  	v62 =	vld [tilespmem:s17+$0x20];
	s12 =	smul.u32 $0xC3800, s12;
	s27 =	sshrl.u32 s26, $0xF;
	[tilespmem:s15+$0x810 ss:$0x81] =	vst.msk $0xffff, v5;
	s16 =	sshrl.u32 s25, $0xF  }
0x4e: {  	v63 =	vld [tilespmem:s17+$0xFFFFFFC0];
	[tilespmem:s15+$0x1020 ss:$0x81] =	vst.msk $0xffff, v58;
	s17 =	sand.u32 $0x7F, s27;
	s16 =	smul.u32 $0xC380, s16  }
0x4f: {  	[tilespmem:s15+$0x1830 ss:$0x81] =	vst.msk $0xffff, v59;
	s28 =	smul.u32 $0x1870, s17  }
.Ltmp4:
0x50: {  	[tilespmem:s15+$0x2040 ss:$0x81] =	vst.msk $0xffff, v60;
	s13 =	ssub.s32 s13, s16;
	(pc) =	sbr.rel .LBB1_5-.Ltmp4, $4  }
0x51: {  	s12 =	sadd.s32 s5, s12;
	[tilespmem:s15+$0x2850 ss:$0x81] =	vst.msk $0xffff, v61;
	s29 =	sand.u32 $0x7, s13  }
0x52: {  	[tilespmem:s15+$0x3060 ss:$0x81] =	vst.msk $0xffff, v62;
	s12 =	sadd.s32 s28, s12;
	s13 =	sshrl.u32 s13, $0x3;
	s30 =	sshll.u32 s29, $0x12  }
0x53: {  	[tilespmem:s15+$0x0 ss:$0x81] =	vst.msk $0xffff, v63;
	s12 =	sadd.s32 s13, s12;
	s31 =	sor.u32 $0x400, s30  }
0x54: {  	[hbm4b:s12+s31] =	stream.strided.scatter [tilespmem:s14], [sflag:$0x2], $0x4000, s8, s31, $0x20;
	[tilespmem:$0x10100] =	vst v63  }
.LBB1_6:
0x55: {  	_ =	sfence.sel $0x180000  }
0x56: {  	s2 =	simm.s32 $0x1;
	[bflag:$0x0] =	sbarrier.arrive $0xFFFF  }
0x57: {  	s31 =	simm.s32 $0x2;
	[sflag:s2] =	ssyncpa.u1 $0x1  }
0x58: {  	[sflag:s31] =	ssyncpa.u1 $0x1  }
0x59: {  	p0 =	sne.s32 s0, $0x0;
	_ =	strace $0x90000047  }
0x5a: {  	s0 =	sadd.s32 @!p0 $0x100000, s1;
	[bflag:$0x2] =	sbarrier.arrive $0xFFFF  }
0x5b: {  	[sflag:s0] =	ssyncadd.tile.s32 @!p0 $0x1;
	_ =	shalt  }
.Lfunc_end1:
_tile_overlayer_lowered:
.L_overlay_start_2:
0x5c: {  	(tag) =	ssettag $0x2  }
0x5d: {  	s0 =	rddreg [dreg:$0x0];
	s2 =	stileid.u32  }
0x5e: {  	s1 =	rddreg [dreg:$0x1];
	p0 =	sne.s32 s2, $0x0  }
0x5f: {  	s3 =	rddreg [dreg:$0x2];
	[bflag:$0x3] =	sbarrier.arrive $0xFFFF;
	s2 =	simm.s32 @!p0 $0x1C01  }
0x60: {  	[timem:s3], [sflag:s2] =	dma.local @!p0 [hbm:s0], s1  }
0x61: {  	s0 =	simm.s32 @!p0 $0x1  }
0x62: {  	_ =	swait.ge @!p0 [sflag:s0], s1  }
0x63: {  	s1 =	ssub.s32 @!p0 $0x0, s1;
	[sflag:s0] =	ssyncset.done @!p0 $0x0  }
0x64: {  	[sflag:s0] =	ssyncadd.s32 @!p0 s1  }
0x65: {  	[bflag:$0x3] =	sbarrier.arrive $0xFFFF  }
0x66: {  	_ =	shalt  }

// kernel: sparse-core-data-format-call.cloned.1.call-start
scs
called_computation_lowered:
.L_overlay_start_0:
0x0: {  	s2 =	sld [smem:$0x3FD9]  }
0x1: {  	s3 =	sld [smem:$0x3FFE];
	_ =	sdelay $0x1  }
0x2: {  	s1 =	srdreg.scid  }
0x3: {  	s0 =	sand.u32 $0x1, s1  }
0x4: {  	s15 =	sshll.u32 s0, $0xA;
	s2 =	sadd.s32 s3, s2  }
0x5: {  	s2 =	sadd.s32 s2, s15  }
0x6: {  	[smem:$0x3FC6] =	sst s2  }
0x7: {  	_ = 	snop  }
0x8: {  	s2 =	sld [smem:$0x3FD0];
	_ =	sdelay $0x2  }
0x9: {  	s16 =	simm.s32 $0xA;
	s4 =	simm.s32 $0x10  }
0xa: {  	[smem:s4], [sflag:s16] =	dma.local [hbm:s2], $0x1  }
0xb: {  	_ =	swait.eq [sflag:s16], $0x1  }
0xc: {  	[sflag:s16] =	ssyncset.done $0x0  }
0xd: {  	[sflag:s16] =	ssyncadd.s32 $0xFFFFFFFF  }
0xe: {  	s17 =	sld [smem:$0x11];
	(tm) =	ssettm $0x1  }
0xf: {  	s18 =	sld [smem:$0x3FFB];
	_ =	sdelay $0x3  }
0x10: {  	_ =	strace s18  }
0x11: {  	s3 =	sld [smem:$0x3FFC];
	_ =	sdelay $0x3  }
0x12: {  	_ =	strace s3  }
0x13: {  	s3 =	sld [smem:$0x3FFD];
	_ =	sdelay $0x3  }
0x14: {  	_ =	strace s3  }
0x15: {  	_ =	strace $0x8FFFFFFF  }
0x16: {  	s19 =	sld [smem:$0x3FDB];
	_ =	sdelay $0x1  }
0x17: {  	s20 =	simm.s32 $_scs_section_size  }
0x18: {  	s5 =	simm.s32 $_size__tile_overlayer_lowered;
	s6 =	simm.s32 $_tile_overlayer_lowered  }
0x19: {  	s23 =	simm.s32 $0x1BFF;
	s22 =	sshll.u32 s6, $0x1;
	s3 =	sadd.s32 s20, s19  }
0x1a: {  	s7 =	simm.s32 $0x0;
	s21 =	sshll.u32 s5, $0x1;
	s5 =	sadd.s32 s22, s3  }
0x1b: {  	[timem:s7], [sflag:s23] =	dma.local [hbm:s5], s21  }
0x1c: {  	_ =	swait.ge [sflag:s23], s21  }
0x1d: {  	s4 =	ssub.s32 $0x0, s21;
	[sflag:s23] =	ssyncset.done $0x0  }
0x1e: {  	[sflag:s23] =	ssyncadd.s32 s4;
	_ =	sdelay $0x1  }
0x1f: {  	s24 =	simm.s32 $0x1B8B  }
0x20: {  	_ =	swait.ge [sflag:s24], $0x1  }
0x21: {  	[sflag:s24] =	ssyncset.done $0x0  }
0x22: {  	s26 =	simm.s32 $0x1B8E;
	s25 =	sld [smem:$0x3FFE];
	[sflag:s24] =	ssyncadd.s32 $0xFFFFFFFF  }
0x23: {  	s27 =	simm.s32 $execute0_lowered;
	[smem:$0x3FD2] =	sst s26  }
0x24: {  	s5 =	sshll.u32 s27, $0x1;
	_ =	strace $0x8000004C;
	[dreg:$0x1] =	wrdreg $0xFFFFFFFF  }
0x25: {  	s28 =	simm.s32 $_size_execute0_lowered;
	s3 =	sadd.s32 s3, s5;
	[dreg:$0x0] =	wrdreg $0x0  }
0x26: {  	s5 =	sshll.u32 s28, $0x1;
	[dreg:$0x2] =	wrdreg s3  }
0x27: {  	[dreg:$0x3] =	wrdreg s5  }
0x28: {  	[dreg:$0x4] =	wrdreg $0xC0  }
0x29: {  	_ =	task [dreg:s7], $0x5FFFF  }
0x2a: {  	[dreg:$0x1] =	wrdreg $0xFFFFFFFF  }
0x2b: {  	[dreg:$0x0] =	wrdreg $0x60  }
0x2c: {  	[dreg:$0x2] =	wrdreg s25  }
0x2d: {  	[dreg:$0x3] =	wrdreg s17  }
0x2e: {  	[dreg:$0x4] =	wrdreg $0x9  }
0x2f: {  	_ =	task.clear_ibuf [dreg:s7], $0x5FFFF;
	_ =	strace $0x9000004C  }
0x30: {  	s29 =	simm.s32 $0x9;
	_ =	strace $0x8000004E  }
0x31: {  	_ =	swait.ge [sflag:s29], $0x1  }
0x32: {  	[sflag:s29] =	ssyncadd.s32 $0xFFFFFFFF  }
0x33: {  	_ =	strace $0x9000004E  }
0x34: {  	_ =	sfence  }
0x35: {  	s30 =	sld [smem:$0x0];
	_ =	sdelay $0x2  }
0x36: {  	s31 =	sshll.u32 s1, $0xD;
	s1 =	sshrl.u32 s1, $0x2  }
0x37: {  	s3 =	sand.u32 $0x4000, s31;
	s1 =	sadd.s32 s1, s30  }
0x38: {  	s0 =	sor.u32 s3, s0;
	s1 =	sshll.u32 s1, $0x11  }
0x39: {  	s0 =	sor.u32 s1, s0  }
0x3a: {  	s0 =	sadd.s32 $0x8F2B, s0  }
0x3b: {  	[sflag:s0] =	ssyncadd.remote.s32 $0x1  }
0x3c: {  	_ =	sfence.sel $0xFFFF  }
0x3d: {  	[dreg:$0x0] =	wrdreg $0xFFFFFFFF;
	(pc) =	sbr.abs _section_cstart, $3  }
0x3e: {  	[dreg:$0x1] =	wrdreg $0xFFFFFFFF  }
0x3f: {  	_ =	task.clear_ibuf [dreg:s7], $0x2FFFF;
	_ =	strace $0x9FFFFFFF  }
0x40: {  	(tm) =	ssettm $0x7FFFFFFF  }
0x41: {  	_ =	shalt  }
tec
execute0_lowered:
.L_overlay_start_1:
0x0: {  	(tag) =	ssettag $0x1  }
0x1: {  	s0 =	srdreg.scid;
	s5 =	rddreg [dreg:$0x0]  }
0x2: {  	s2 =	rddreg [dreg:$0x1];
	s4 =	simm.s32 $0x1;
	s7 =	simm.s32 $0x2  }
0x3: {  	s16 =	simm.s32 $0x0;
	p0 =	por $0x0, $0x0;
	s1 =	sshll.u32 s0, $0x4  }
0x4: {  	s15 =	simm.s32 $0x0;
	s0 =	stileid.u32;
	s1 =	sand.u32 $0x10, s1  }
0x5: {  	s17 =	simm.s32 $0x0;
	s9 =	simm.s32 $0x0;
	s1 =	sor.u32 s0, s1  }
0x6: {  	s10 =	simm.s32 $0x0;
	s12 =	simm.s32 $0x0;
	s3 =	sshll.u32 s1, $0x7  }
.Ltmp0:
0x7: {  	s13 =	simm.s32 $0x0;
	s6 =	ssub.s32 $0xC300, s3;
	(pc) =	sbr.rel .LBB1_1-.Ltmp0, $4  }
0x8: {  	s1 =	rddreg [dreg:$0x2];
	_ =	strace $0x8000004D;
	s6 =	sshrl.u32 s6, $0xC  }
0x9: {  	s14 =	simm.s32 $0x0;
	[sflag:s4] =	ssyncpa.u1 $0x0;
	s8 =	smul.u32 $0x3, s6  }
0xa: {  	s5 =	sadd.s32 $0x24B200, s5;
	s11 =	smov.u32 s3;
	[sflag:s7] =	ssyncpa.u1 $0x0  }
0xb: {  	s6 =	sadd.s32 $0x3, s8;
	s7 =	sadd.s32 $0x4, s8;
	s8 =	simm.s32 $0x0  }
.LBB1_5:
0xc: {  	p1 =	slt.u32 s14, $0x2  }
0xd: {  	p2 =	sgt.s32 @!p1 s17, $0x2  }
0xe: {  	s18 =	smov.u32 s17;
	s19 =	sshra.s32 @!p1 s17, $0x1F;
	p2 =	por !p2, p1  }
0xf: {  	s17 =	sand.u32 @!p1 s19, s17;
	s18 =	simm.s32 @p2 $0x2  }
0x10: {  	p2 =	sgt.s32 @!p1 s16, $0xC2D0;
	s17 =	ssub.s32 @!p1 s18, s17  }
0x11: {  	s19 =	sshra.s32 @!p1 s16, $0x1F;
	p2 =	por !p2, p1;
	s18 =	sadd.s32 @!p1 $0xFFFFFFFE, s17  }
0x12: {  	s17 =	ssub.s32 @!p1 $0x3, s17;
	p3 =	sgt.s32 @!p1 s18, $0x0;
	s18 =	smov.u32 s16  }
0x13: {  	s16 =	sand.u32 @!p1 s19, s16;
	s19 =	ssub.s32 @!p1 $0x0, s15;
	s18 =	simm.s32 @p2 $0xC2D0  }
0x14: {  	p2 =	por !p3, p1;
	s15 =	smin.u32 @!p1 s15, s19;
	s19 =	smov.u32 s12  }
0x15: {  	s17 =	simm.s32 @!p2 $0x0;
	s16 =	ssub.s32 @!p1 s18, s16;
	p2 =	sgt.s32 @!p1 s15, $0x7F  }
0x16: {  	s15 =	ssub.s32 @!p1 $0x80, s15;
	s18 =	sadd.s32 @!p1 $0xFFFF3D30, s16;
	p2 =	por !p2, p1  }
0x17: {  	s16 =	ssub.s32 @!p1 $0xC350, s16;
	s15 =	simm.s32 @!p2 $0x0;
	p2 =	sgt.s32 @!p1 s18, $0x7F  }
0x18: {  	s18 =	sadd.s32 $0x1000, s11;
	p2 =	por !p2, p1;
	s15 =	smul.u32 @!p1 s17, s15  }
0x19: {  	s17 =	sadd.s32 $0x80, s12;
	s16 =	simm.s32 @!p2 $0x0;
	p2 =	sgt.s32 s18, $0xC34F  }
0x1a: {  	s15 =	smul.u32 @!p1 s16, s15;
	s19 =	smov.u32 @p2 s17  }
0x1b: {  	s18 =	smov.u32 @p2 s3;
	s16 =	simm.s32 $0x1;
	p2 =	sgt.s32 s19, $0x7F  }
0x1c: {  	s16 =	simm.s32 @!p2 $0x0  }
0x1d: {  	p0 =	por !p0, !p0;
	s22 =	sadd.s32 s16, s13  }
0x1e: {  	s20 =	simm.s32 @!p1 $0x2;
	s19 =	simm.s32 @p2 $0x0;
	p2 =	sgt.s32 s22, $0x2  }
0x1f: {  	s17 =	smov.u32 s10;
	s22 =	simm.s32 @p2 $0x0;
	p2 =	sne.s32 s14, s7  }
.Ltmp1:
0x20: {  	s10 =	smov.u32 s13;
	s15 =	sand.u32 @!p1 $0x3FFFFFFF, s15;
	(pc) =	sbr.rel @!p2 .LBB1_6-.Ltmp1, $4  }
0x21: {  	_ =	swait.ge @!p1 [sflag:s20], s15;
	s21 =	ssub.s32 @!p1 $0x0, s15;
	s16 =	smov.u32 s8  }
0x22: {  	s15 =	smov.u32 s9;
	s8 =	smov.u32 s11;
	s9 =	smov.u32 s12  }
0x23: {  	s11 =	smov.u32 s18;
	s12 =	smov.u32 s19;
	[sflag:s20] =	ssyncset.done @!p1 $0x0  }
0x24: {  	s14 =	sadd.s32 $0x1, s14;
	[sflag:s20] =	ssyncadd.s32 @!p1 s21;
	s13 =	smov.u32 s22  }
.LBB1_1:
0x25: {  	p1 =	sge.u32 s14, s6  }
0x26: {  	s18 =	sshrl.u32 @!p1 s12, $0x3  }
0x27: {  	s19 =	sshll.u32 @!p1 s11, $0x3;
	s18 =	smul.u32 @!p1 $0x61C00, s18  }
0x28: {  	s20 =	sshll.u32 @!p1 s12, $0x7;
	s19 =	sand.u32 @!p1 $0xFFFFFC00, s19  }
0x29: {  	s18 =	sadd.s32 @!p1 s18, s19;
	s19 =	sand.u32 @!p1 $0x380, s20  }
0x2a: {  	s20 =	sand.u32 @!p1 $0x7F, s11;
	s18 =	sor.u32 @!p1 s19, s18  }
0x2b: {  	s19 =	sor.u32 @!p1 s20, s18  }
0x2c: {  	s20 =	smulhi.u32 @!p1 $0xA79C7B17, s19  }
0x2d: {  	s18 =	smulhi.u32 @!p1 $0xA79C7B17, s18  }
0x2e: {  	s20 =	sshrl.u32 @!p1 s20, $0xF  }
0x2f: {  	s18 =	sshrl.u32 @!p1 s18, $0xF;
	s20 =	smul.u32 @!p1 $0xC380, s20  }
0x30: {  	s21 =	sxor.u32 @!p1 $0xFFFFFFFF, s14;
	s22 =	smul.u32 @!p1 $0xC3800, s13;
	s18 =	sand.u32 @!p1 $0x7F, s18  }
0x31: {  	s21 =	sshll.u32 @!p1 s21, $0xE;
	s18 =	smul.u32 @!p1 $0x1870, s18;
	s19 =	ssub.s32 @!p1 s19, s20  }
0x32: {  	s20 =	sand.u32 @!p1 $0x4000, s21;
	s21 =	sadd.s32 @!p1 s5, s22;
	s22 =	sand.u32 @!p1 $0x7, s19  }
0x33: {  	s19 =	sshrl.u32 @!p1 s19, $0x3;
	s18 =	sadd.s32 @!p1 s18, s21;
	s21 =	sshll.u32 @!p1 s22, $0x12  }
0x34: {  	s18 =	sadd.s32 @!p1 s19, s18;
	s19 =	sor.u32 @!p1 $0x400, s21;
	s21 =	simm.s32 @!p1 $0x61C00  }
0x35: {  	[tilespmem:s20], [sflag:$0x1] =	stream.strided.gather @!p1 [hbm4b:s18+s19], $0x4000, s21, s19, $0x38;
	[tilespmem:$0x10100] =	vst v63  }
0x36: {  	p1 =	seq.s32 s14, $0x0  }
0x37: {  	p2 =	sge.u32 @!p1 s14, s7  }
0x38: {  	p1 =	por p1, p2  }
.Ltmp2:
0x39: {  	_ = 	snop;
	(pc) =	sbr.rel @p1 .LBB1_5-.Ltmp2, $1  }
0x3a: {  	_ =	sdelay $0x3  }
0x3b: {  	s18 =	simm.s32 $0x1  }
0x3c: {  	_ =	swait.ge [sflag:s4], $0x4000;
	s18 =	simm.s32 @!p0 $0x0  }
0x3d: {  	[sflag:s4] =	ssyncset.done $0x0;
	s19 =	sshll.u32 s18, $0xE  }
0x3e: {  	[sflag:s4] =	ssyncadd.s32 $0xFFFFC000;
	s19 =	sor.u32 $0x40, s19  }
0x3f: {  	s18 =	smul.u32 $0x10200, s18;
	v0 =	vld [tilespmem:s19+$0x30]  }
0x40: {  	v1 =	vld [tilespmem:s19+$0xFFFFFFD0]  }
0x41: {  	s18 =	sshrl.u32 s18, $0x2;
	v5 =	vld [tilespmem:s19+$0xFFFFFFE0]  }
0x42: {  	v6 =	vld [tilespmem:s19+$0xFFFFFFF0];
	s21 =	sor.u32 $0x8000, s18  }
0x43: {  	s31 =	sand.u32 $0x1, s14;
	v4 =	vld [tilespmem:s19+$0x0];
	s20 =	sadd.s32 $0x0, s21  }
0x44: {  	v3 =	vld [tilespmem:s19+$0x10];
	s18 =	smul.u32 $0x10200, s31;
	[tilespmem:s20+$0x3870 ss:$0x81] =	vst.msk $0xffff, v0  }
0x45: {  	v2 =	vld [tilespmem:s19+$0x20];
	[tilespmem:s20+$0x810 ss:$0x81] =	vst.msk $0xffff, v1  }
0x46: {  	s18 =	sshrl.u32 s18, $0x2;
	v0 =	vld [tilespmem:s19+$0xFFFFFFC0];
	[tilespmem:s20+$0x1020 ss:$0x81] =	vst.msk $0xffff, v5;
	s19 =	sadd.s32 $0x80, s19  }
0x47: {  	s22 =	simm.s32 $0x4;
	s23 =	simm.s32 $0x8;
	s18 =	sor.u32 $0x8000, s18;
	[tilespmem:s20+$0x1830 ss:$0x81] =	vst.msk $0xffff, v6;
	v1 =	vld [tilespmem:s19+$0x30]  }
.LBB1_3:
0x48: {  	p1 =	sne.s32 s23, $0x1FC;
	v5 =	vld [tilespmem:s19+$0xFFFFFFD0];
	[tilespmem:s20+$0x2040 ss:$0x81] =	vst.msk $0xffff, v4  }
0x49: {  	v6 =	vld [tilespmem:s19+$0xFFFFFFE0];
	[tilespmem:s20+$0x2850 ss:$0x81] =	vst.msk $0xffff, v3  }
0x4a: {  	s24 =	sshra.s32 s22, $0x2;
	s22 =	smov.u32 s23;
	v7 =	vld [tilespmem:s19+$0xFFFFFFF0];
	[tilespmem:s20+$0x3060 ss:$0x81] =	vst.msk $0xffff, v2  }
.Ltmp3:
0x4b: {  	v4 =	vld [tilespmem:s19+$0x0];
	[tilespmem:s20+$0x0 ss:$0x81] =	vst.msk $0xffff, v0;
	s20 =	sadd.s32 s24, s21;
	(pc) =	sbr.rel @p1 .LBB1_3-.Ltmp3, $4  }
0x4c: {  	v3 =	vld [tilespmem:s19+$0x10];
	[tilespmem:s20+$0x3870 ss:$0x81] =	vst.msk $0xffff, v1  }
0x4d: {  	[tilespmem:s20+$0x810 ss:$0x81] =	vst.msk $0xffff, v5;
	v2 =	vld [tilespmem:s19+$0x20]  }
0x4e: {  	v0 =	vld [tilespmem:s19+$0xFFFFFFC0];
	[tilespmem:s20+$0x1020 ss:$0x81] =	vst.msk $0xffff, v6;
	s19 =	sadd.s32 $0x80, s19  }
0x4f: {  	s23 =	sadd.s32 $0x4, s23;
	v1 =	vld [tilespmem:s19+$0x30];
	[tilespmem:s20+$0x1830 ss:$0x81] =	vst.msk $0xffff, v7  }
0x50: {  	s23 =	sshll.u32 s8, $0x7;
	s24 =	sshll.u32 s9, $0x3  }
0x51: {  	p1 =	sgt.s32 s10, $0x2;
	s26 =	sshra.s32 s10, $0x1F;
	s22 =	sshra.s32 s22, $0x2  }
0x52: {  	s29 =	ssub.s32 $0x0, s9;
	s25 =	sand.u32 $0xFFFFFC00, s23;
	s24 =	sand.u32 $0xFFFFFC00, s24  }
0x53: {  	[tilespmem:s20+$0x2040 ss:$0x81] =	vst.msk $0xffff, v4;
	s30 =	sshra.s32 s8, $0x1F;
	s23 =	sand.u32 $0x380, s23;
	s24 =	sadd.s32 s24, s25  }
0x54: {  	s21 =	sadd.s32 s22, s21;
	[tilespmem:s20+$0x2850 ss:$0x81] =	vst.msk $0xffff, v3;
	s23 =	sor.u32 s23, s24;
	s24 =	smov.u32 s10  }
0x55: {  	s25 =	sand.u32 s26, s10;
	[tilespmem:s20+$0x3060 ss:$0x81] =	vst.msk $0xffff, v2;
	s23 =	sshrl.u32 s23, $0x7;
	s24 =	simm.s32 @!p1 $0x2  }
0x56: {  	v5 =	vld [tilespmem:s19+$0xFFFFFFD0];
	[tilespmem:s20+$0x0 ss:$0x81] =	vst.msk $0xffff, v0;
	s20 =	sand.u32 s30, s8;
	s26 =	smulhi.u32 $0x14F8B59, s23;
	s24 =	ssub.s32 s24, s25  }
0x57: {  	v58 =	vld [tilespmem:s19+$0xFFFFFFE0];
	s27 =	sadd.s32 $0xFFFFFFFE, s24;
	s22 =	ssub.s32 $0x3, s24;
	s24 =	smov.u32 s8  }
0x58: {  	v59 =	vld [tilespmem:s19+$0xFFFFFFF0];
	s28 =	sshrl.u32 s26, $0x8;
	p1 =	sgt.s32 s27, $0x0;
	s26 =	smin.u32 s9, s29  }
0x59: {  	v60 =	vld [tilespmem:s19+$0x0];
	s27 =	smul.u32 $0xC3500, s10;
	s22 =	simm.s32 @p1 $0x0;
	p1 =	sgt.s32 s8, $0xC2D0  }
0x5a: {  	v61 =	vld [tilespmem:s19+$0x10];
	[tilespmem:s21+$0x3870 ss:$0x81] =	vst.msk $0xffff, v1;
	s24 =	simm.s32 @!p1 $0xC2D0;
	p1 =	sgt.s32 s26, $0x7F;
	s26 =	ssub.s32 $0x80, s26  }
0x5b: {  	v62 =	vld [tilespmem:s19+$0x20];
	[tilespmem:s21+$0x810 ss:$0x81] =	vst.msk $0xffff, v5;
	s31 =	smul.u32 $0xC350, s28;
	s20 =	ssub.s32 s24, s20;
	s26 =	simm.s32 @p1 $0x0  }
0x5c: {  	v63 =	vld [tilespmem:s19+$0xFFFFFFC0];
	[tilespmem:s21+$0x1020 ss:$0x81] =	vst.msk $0xffff, v58;
	s25 =	smul.u32 s22, s26;
	s26 =	sadd.s32 $0xFFFF3D30, s20  }
0x5d: {  	[tilespmem:s21+$0x1830 ss:$0x81] =	vst.msk $0xffff, v59;
	s28 =	sshrl.u32 s9, $0x3;
	s20 =	ssub.s32 $0xC350, s20;
	p1 =	sgt.s32 s26, $0x7F  }
.Ltmp4:
0x5e: {  	[tilespmem:s21+$0x2040 ss:$0x81] =	vst.msk $0xffff, v60;
	s29 =	sand.u32 $0xF, s28;
	s20 =	simm.s32 @p1 $0x0;
	(pc) =	sbr.rel .LBB1_5-.Ltmp4, $4  }
0x5f: {  	[tilespmem:s21+$0x2850 ss:$0x81] =	vst.msk $0xffff, v61;
	s23 =	ssub.s32 s23, s31;
	s22 =	sadd.s32 s2, s27;
	s19 =	smul.u32 s20, s25  }
0x60: {  	[tilespmem:s21+$0x3060 ss:$0x81] =	vst.msk $0xffff, v62;
	s30 =	sshll.u32 s23, $0x4;
	s20 =	sadd.s32 s29, s22  }
0x61: {  	[tilespmem:s21+$0x0 ss:$0x81] =	vst.msk $0xffff, v63;
	s31 =	sand.u32 $0x7, s9;
	s20 =	sadd.s32 s30, s20;
	s19 =	sand.u32 $0x3FFFFFFF, s19  }
0x62: {  	[hbm4b:s20+s31] =	stream.linear.scatter [tilespmem:s18], [sflag:$0x2], s19, $0x20;
	[tilespmem:$0x10100] =	vst v63  }
.LBB1_6:
0x63: {  	_ =	sfence.sel $0x180000  }
0x64: {  	s2 =	simm.s32 $0x1;
	[bflag:$0x0] =	sbarrier.arrive $0xFFFF  }
0x65: {  	s31 =	simm.s32 $0x2;
	[sflag:s2] =	ssyncpa.u1 $0x1  }
0x66: {  	[sflag:s31] =	ssyncpa.u1 $0x1  }
0x67: {  	p0 =	sne.s32 s0, $0x0;
	_ =	strace $0x9000004D  }
0x68: {  	s0 =	sadd.s32 @!p0 $0x100000, s1;
	[bflag:$0x2] =	sbarrier.arrive $0xFFFF  }
0x69: {  	[sflag:s0] =	ssyncadd.tile.s32 @!p0 $0x1;
	_ =	shalt  }
.Lfunc_end1:
_tile_overlayer_lowered:
.L_overlay_start_2:
0x6a: {  	(tag) =	ssettag $0x2  }
0x6b: {  	s0 =	rddreg [dreg:$0x0];
	s2 =	stileid.u32  }
0x6c: {  	s1 =	rddreg [dreg:$0x1];
	p0 =	sne.s32 s2, $0x0  }
0x6d: {  	s3 =	rddreg [dreg:$0x2];
	[bflag:$0x3] =	sbarrier.arrive $0xFFFF;
	s2 =	simm.s32 @!p0 $0x1C01  }
0x6e: {  	[timem:s3], [sflag:s2] =	dma.local @!p0 [hbm:s0], s1  }
0x6f: {  	s0 =	simm.s32 @!p0 $0x1  }
0x70: {  	_ =	swait.ge @!p0 [sflag:s0], s1  }
0x71: {  	s1 =	ssub.s32 @!p0 $0x0, s1;
	[sflag:s0] =	ssyncset.done @!p0 $0x0  }
0x72: {  	[sflag:s0] =	ssyncadd.s32 @!p0 s1  }
0x73: {  	[bflag:$0x3] =	sbarrier.arrive $0xFFFF  }
0x74: {  	_ =	shalt  }

</sc_bundles>
